<compile_context>
chip_gen: v7x
topology: tpu7x:2x2x1
jax: 0.10.2.dev20260603
libtpu: 0.0.44.dev20260713+nightly
codegen_flags: <defaults>
</compile_context>

<pallas_src>
import functools

import jax
import jax.numpy as jnp
from jax import lax
from jax.experimental import pallas as pl
from jax.experimental.pallas import tpu as pltpu
from jax.experimental.pallas import tpu_sc as plsc

_BATCH = 16384
_K = 64
_NUM_WORKERS = 32
_BPW = _BATCH // _NUM_WORKERS
_CHUNK = 256
_NCHUNKS = _BPW // _CHUNK


def _nmf_body(u_hbm, i_hbm, p_hbm, q_hbm, out_hbm,
              idx_u, idx_i, rows_u, rows_i, out_v, sem_u, sem_i):
    cid = lax.axis_index("c")
    sid = lax.axis_index("s")
    wid = sid * 2 + cid
    base = pl.multiple_of(wid * _BPW, _BPW)

    pltpu.sync_copy(u_hbm.at[pl.ds(base, _BPW)], idx_u)
    pltpu.sync_copy(i_hbm.at[pl.ds(base, _BPW)], idx_i)

    lanes = lax.iota(jnp.int32, 16)

    for chunk in range(_NCHUNKS):
        off = chunk * _CHUNK

        def fire(g, carry, _off=off):
            s = pl.multiple_of(_off + g * 16, 16)
            vu = idx_u[pl.ds(s, 16)]
            vi = idx_i[pl.ds(s, 16)]
            for j in range(16):
                ru = jnp.sum(jnp.where(lanes == j, vu, 0))
                ri = jnp.sum(jnp.where(lanes == j, vi, 0))
                b = g * 16 + j
                pltpu.make_async_copy(
                    p_hbm.at[ru], rows_u.at[b], sem_u).start()
                pltpu.make_async_copy(
                    q_hbm.at[ri], rows_i.at[b], sem_i).start()
            return carry

        lax.fori_loop(0, _CHUNK // 16, fire, 0)

        def drain(b, carry):
            pltpu.make_async_copy(
                p_hbm.at[0], rows_u.at[0], sem_u).wait()
            pltpu.make_async_copy(
                q_hbm.at[0], rows_i.at[0], sem_i).wait()
            return carry

        lax.fori_loop(0, _CHUNK, drain, 0)

        def grp(g, carry, _off=off):
            row = g * 16 + lanes
            acc = jnp.zeros((16,), jnp.float32)
            for k in range(_K):
                col = (lanes + k) & (_K - 1)
                acc = acc + (plsc.load_gather(rows_u, [row, col])
                             * plsc.load_gather(rows_i, [row, col]))
            out_v[pl.ds(pl.multiple_of(_off + g * 16, 16), 16)] = acc
            return carry

        lax.fori_loop(0, _CHUNK // 16, grp, 0)

    pltpu.sync_copy(out_v, out_hbm.at[pl.ds(base, _BPW)])


_nmf_sc = functools.partial(
    pl.kernel,
    out_type=jax.ShapeDtypeStruct((_BATCH,), jnp.float32),
    mesh=plsc.VectorSubcoreMesh(core_axis_name="c", subcore_axis_name="s"),
    compiler_params=pltpu.CompilerParams(needs_layout_passes=False),
    scratch_types=[
        pltpu.VMEM((_BPW,), jnp.int32),
        pltpu.VMEM((_BPW,), jnp.int32),
        pltpu.VMEM((_CHUNK, _K), jnp.float32),
        pltpu.VMEM((_CHUNK, _K), jnp.float32),
        pltpu.VMEM((_BPW,), jnp.float32),
        pltpu.SemaphoreType.DMA,
        pltpu.SemaphoreType.DMA,
    ],
)(_nmf_body)


def kernel(train_x, P, Q):
    user_id = train_x[:, 0].astype(jnp.int32)
    item_id = train_x[:, 1].astype(jnp.int32)
    return _nmf_sc(user_id, item_id, P, Q)

# --- scband reference (transcript-rebuilt; emitter-appended) ---
"""Pipeline reference for scband-nmf-57432302682280 (READ-ONLY COPY).

The authoritative reference and input builder live on the scoring server;
editing this copy changes nothing except your own understanding.
"""

import jax, jax.numpy as jnp
import numpy as np

N_USER = 100000
N_ITEM = 100000
K = 64
BATCH = 16384

def setup_inputs(seed: int = 0) -> dict:
    key = jax.random.key(seed)
    k1, k2, k3 = jax.random.split(key, 3)
    train_x = jax.random.randint(k1, (BATCH, 2), 0, N_USER, dtype=jnp.int64) if jax.config.jax_enable_x64 else jax.random.randint(k1, (BATCH, 2), 0, N_USER, dtype=jnp.int32)
    # torch.rand -> uniform [0, 1)
    P = jax.random.uniform(k2, (N_USER, K), dtype=jnp.float32)
    Q = jax.random.uniform(k3, (N_ITEM, K), dtype=jnp.float32)
    return {"train_x": train_x, "P": P, "Q": Q}

def reference(train_x, P, Q):
    user_id = train_x[:, 0]
    item_id = train_x[:, 1]
    # torch.index_select(Q, 0, item_id) -> gather rows
    vector_Q = jnp.take(Q, item_id, axis=0)
    vector_P = jnp.take(P, user_id, axis=0)
    ui_interaction = jnp.sum(vector_P * vector_Q, axis=1)
    return ui_interaction

if __name__ == "__main__":
    import jax
    _d = setup_inputs()
    print(jax.jit(kernel)(*tuple(_d.values())))

</pallas_src>

<mosaic_0001>
#map = affine_map<(d0, d1) -> (0)>
#map1 = affine_map<(d0, d1) -> (0, 0)>
module attributes {stable_mosaic.version = 14 : i64} {
  func.func @_nmf_body(%arg0: i32, %arg1: i32, %arg2: memref<16384xi32, #tpu.memory_space<hbm>>, %arg3: memref<16384xi32, #tpu.memory_space<hbm>>, %arg4: memref<100000x64xf32, #tpu.memory_space<hbm>>, %arg5: memref<100000x64xf32, #tpu.memory_space<hbm>>, %arg6: memref<16384xf32, #tpu.memory_space<hbm>>, %arg7: memref<512xi32, #tpu.memory_space<vmem>>, %arg8: memref<512xi32, #tpu.memory_space<vmem>>, %arg9: memref<256x64xf32, #tpu.memory_space<vmem>>, %arg10: memref<256x64xf32, #tpu.memory_space<vmem>>, %arg11: memref<512xf32, #tpu.memory_space<vmem>>, %arg12: memref<!tpu.dma_semaphore, #tpu.memory_space<semaphore_mem>>, %arg13: memref<!tpu.dma_semaphore, #tpu.memory_space<semaphore_mem>>) attributes {dimension_semantics = [#tpu.dimension_semantics<core_parallel>, #tpu.dimension_semantics<subcore_parallel>], iteration_bounds = array<i64: 2, 16>, scalar_prefetch = 0 : i64, scratch_operands = 7 : i64, tpu.core_type = #tpu.core_type<sc_vector_subcore>, window_params = [{transform_indices = #map}, {transform_indices = #map}, {transform_indices = #map1}, {transform_indices = #map1}, {transform_indices = #map}]} {
    %mul3A = arith.constant 2 : i32
    %mul3A_0 = arith.muli %arg1, %mul3A : i32
    %add3A = arith.addi %mul3A_0, %arg0 : i32
    %mul3A_1 = arith.constant 512 : i32
    %mul3A_2 = arith.muli %add3A, %mul3A_1 : i32
    %multiple_of3A = tpu.assume_multiple %mul3A_2, 512 : i32
    "tpu.region"() ({
      %run_scoped3A = tpu.sem_alloc : memref<!tpu.dma_semaphore, #tpu.memory_space<semaphore_mem>>
      %dma_start3A = tpu.memref_slice %arg2[%multiple_of3A] : memref<16384xi32, #tpu.memory_space<hbm>> -> memref<512xi32, #tpu.memory_space<hbm>>
      %dma_start3A_38 = tpu.memref_slice %arg2[%multiple_of3A] : memref<16384xi32, #tpu.memory_space<hbm>> -> memref<512xi32, #tpu.memory_space<hbm>>
      tpu.enqueue_dma source(%dma_start3A_38 : memref<512xi32, #tpu.memory_space<hbm>>) target(%arg7 : memref<512xi32, #tpu.memory_space<vmem>>) target_semaphore(%run_scoped3A : memref<!tpu.dma_semaphore, #tpu.memory_space<semaphore_mem>>)
      %dma_wait3A = tpu.memref_slice %arg2[%multiple_of3A] : memref<16384xi32, #tpu.memory_space<hbm>> -> memref<512xi32, #tpu.memory_space<hbm>>
      %dma_wait3A_39 = tpu.memref_slice %arg2[%multiple_of3A] : memref<16384xi32, #tpu.memory_space<hbm>> -> memref<512xi32, #tpu.memory_space<hbm>>
      tpu.wait_dma2 semaphore(%run_scoped3A : memref<!tpu.dma_semaphore, #tpu.memory_space<semaphore_mem>>) src(%dma_wait3A_39 : memref<512xi32, #tpu.memory_space<hbm>>) dst(%arg7 : memref<512xi32, #tpu.memory_space<vmem>>)
      tpu.yield
    }) : () -> ()
    "tpu.region"() ({
      %run_scoped3A = tpu.sem_alloc : memref<!tpu.dma_semaphore, #tpu.memory_space<semaphore_mem>>
      %dma_start3A = tpu.memref_slice %arg3[%multiple_of3A] : memref<16384xi32, #tpu.memory_space<hbm>> -> memref<512xi32, #tpu.memory_space<hbm>>
      %dma_start3A_38 = tpu.memref_slice %arg3[%multiple_of3A] : memref<16384xi32, #tpu.memory_space<hbm>> -> memref<512xi32, #tpu.memory_space<hbm>>
      tpu.enqueue_dma source(%dma_start3A_38 : memref<512xi32, #tpu.memory_space<hbm>>) target(%arg8 : memref<512xi32, #tpu.memory_space<vmem>>) target_semaphore(%run_scoped3A : memref<!tpu.dma_semaphore, #tpu.memory_space<semaphore_mem>>)
      %dma_wait3A = tpu.memref_slice %arg3[%multiple_of3A] : memref<16384xi32, #tpu.memory_space<hbm>> -> memref<512xi32, #tpu.memory_space<hbm>>
      %dma_wait3A_39 = tpu.memref_slice %arg3[%multiple_of3A] : memref<16384xi32, #tpu.memory_space<hbm>> -> memref<512xi32, #tpu.memory_space<hbm>>
      tpu.wait_dma2 semaphore(%run_scoped3A : memref<!tpu.dma_semaphore, #tpu.memory_space<semaphore_mem>>) src(%dma_wait3A_39 : memref<512xi32, #tpu.memory_space<hbm>>) dst(%arg8 : memref<512xi32, #tpu.memory_space<vmem>>)
      tpu.yield
    }) : () -> ()
    %iota3A = tpu.iota {dimensions = array<i32: 0>} : vector<16xi32>
    %scan3A = arith.constant 0 : i32
    %scan3A_3 = arith.constant 0 : i32
    %scan3A_4 = arith.constant 16 : i32
    %scan3A_5 = arith.addi %scan3A_3, %scan3A_4 : i32
    %scan3A_6 = arith.constant 1 : i32
    scf.for %scan3A_38 = %scan3A_3 to %scan3A_5 step %scan3A_6  : i32 {
      %mul3A_39 = arith.constant 16 : i32
      %mul3A_40 = arith.muli %scan3A_38, %mul3A_39 : i32
      %add3A_41 = arith.constant 0 : i32
      %add3A_42 = arith.addi %add3A_41, %mul3A_40 : i32
      %multiple_of3A_43 = tpu.assume_multiple %add3A_42, 16 : i32
      %get3A = arith.index_cast %multiple_of3A_43 : i32 to index
      %get3A_44 = tpu.vector_load %arg7[%get3A] {strides = array<i32>} : memref<512xi32, #tpu.memory_space<vmem>>, vector<16xi32>,
      %get3A_45 = arith.index_cast %multiple_of3A_43 : i32 to index
      %get3A_46 = tpu.vector_load %arg8[%get3A_45] {strides = array<i32>} : memref<512xi32, #tpu.memory_space<vmem>>, vector<16xi32>,
      %eq3A = arith.constant 0 : i32
      %eq3A_47 = vector.broadcast %eq3A : i32 to vector<16xi32>
      %eq3A_48 = arith.cmpi eq, %iota3A, %eq3A_47 : vector<16xi32>
      %jit3A = arith.constant 0 : i32
      %broadcast_in_dim3A = vector.broadcast %jit3A : i32 to vector<16xi32>
      %select_n3A = arith.select %eq3A_48, %get3A_44, %broadcast_in_dim3A : vector<16xi1>, vector<16xi32>
      %reduce_sum3A = arith.constant true
      %reduce_sum3A_49 = vector.broadcast %reduce_sum3A : i1 to vector<16xi1>
      %reduce_sum3A_50 = tpu.scan <sum>, %select_n3A masked %reduce_sum3A_49 : vector<16xi32>, vector<16xi1> -> vector<16xi32>
      %reduce_sum3A_51 = vector.extract %reduce_sum3A_50[15] : i32 from vector<16xi32>
      %eq3A_52 = arith.constant 0 : i32
      %eq3A_53 = vector.broadcast %eq3A_52 : i32 to vector<16xi32>
      %eq3A_54 = arith.cmpi eq, %iota3A, %eq3A_53 : vector<16xi32>
      %jit3A_55 = arith.constant 0 : i32
      %broadcast_in_dim3A_56 = vector.broadcast %jit3A_55 : i32 to vector<16xi32>
      %select_n3A_57 = arith.select %eq3A_54, %get3A_46, %broadcast_in_dim3A_56 : vector<16xi1>, vector<16xi32>
      %reduce_sum3A_58 = arith.constant true
      %reduce_sum3A_59 = vector.broadcast %reduce_sum3A_58 : i1 to vector<16xi1>
      %reduce_sum3A_60 = tpu.scan <sum>, %select_n3A_57 masked %reduce_sum3A_59 : vector<16xi32>, vector<16xi1> -> vector<16xi32>
      %reduce_sum3A_61 = vector.extract %reduce_sum3A_60[15] : i32 from vector<16xi32>
      %mul3A_62 = arith.constant 16 : i32
      %mul3A_63 = arith.muli %scan3A_38, %mul3A_62 : i32
      %add3A_64 = arith.constant 0 : i32
      %add3A_65 = arith.addi %mul3A_63, %add3A_64 : i32
      %dma_start3A = arith.constant 0 : i32
      %dma_start3A_66 = tpu.memref_slice %arg9[%add3A_65, %dma_start3A] : memref<256x64xf32, #tpu.memory_space<vmem>> -> memref<1x64xf32, #tpu.memory_space<vmem>>
      %dma_start3A_67 = tpu.memref_squeeze %dma_start3A_66 : memref<1x64xf32, #tpu.memory_space<vmem>> -> memref<64xf32, #tpu.memory_space<vmem>>
      %dma_start3A_68 = arith.constant 0 : i32
      %dma_start3A_69 = tpu.memref_slice %arg4[%reduce_sum3A_51, %dma_start3A_68] : memref<100000x64xf32, #tpu.memory_space<hbm>> -> memref<1x64xf32, #tpu.memory_space<hbm>>
      %dma_start3A_70 = tpu.memref_squeeze %dma_start3A_69 : memref<1x64xf32, #tpu.memory_space<hbm>> -> memref<64xf32, #tpu.memory_space<hbm>>
      %dma_start3A_71 = arith.constant 0 : i32
      %dma_start3A_72 = tpu.memref_slice %arg9[%add3A_65, %dma_start3A_71] : memref<256x64xf32, #tpu.memory_space<vmem>> -> memref<1x64xf32, #tpu.memory_space<vmem>>
      %dma_start3A_73 = tpu.memref_squeeze %dma_start3A_72 : memref<1x64xf32, #tpu.memory_space<vmem>> -> memref<64xf32, #tpu.memory_space<vmem>>
      %dma_start3A_74 = arith.constant 0 : i32
      %dma_start3A_75 = tpu.memref_slice %arg4[%reduce_sum3A_51, %dma_start3A_74] : memref<100000x64xf32, #tpu.memory_space<hbm>> -> memref<1x64xf32, #tpu.memory_space<hbm>>
      %dma_start3A_76 = tpu.memref_squeeze %dma_start3A_75 : memref<1x64xf32, #tpu.memory_space<hbm>> -> memref<64xf32, #tpu.memory_space<hbm>>
      tpu.enqueue_dma source(%dma_start3A_76 : memref<64xf32, #tpu.memory_space<hbm>>) target(%dma_start3A_73 : memref<64xf32, #tpu.memory_space<vmem>>) target_semaphore(%arg12 : memref<!tpu.dma_semaphore, #tpu.memory_space<semaphore_mem>>)
      %dma_start3A_77 = arith.constant 0 : i32
      %dma_start3A_78 = tpu.memref_slice %arg10[%add3A_65, %dma_start3A_77] : memref<256x64xf32, #tpu.memory_space<vmem>> -> memref<1x64xf32, #tpu.memory_space<vmem>>
      %dma_start3A_79 = tpu.memref_squeeze %dma_start3A_78 : memref<1x64xf32, #tpu.memory_space<vmem>> -> memref<64xf32, #tpu.memory_space<vmem>>
      %dma_start3A_80 = arith.constant 0 : i32
      %dma_start3A_81 = tpu.memref_slice %arg5[%reduce_sum3A_61, %dma_start3A_80] : memref<100000x64xf32, #tpu.memory_space<hbm>> -> memref<1x64xf32, #tpu.memory_space<hbm>>
      %dma_start3A_82 = tpu.memref_squeeze %dma_start3A_81 : memref<1x64xf32, #tpu.memory_space<hbm>> -> memref<64xf32, #tpu.memory_space<hbm>>
      %dma_start3A_83 = arith.constant 0 : i32
      %dma_start3A_84 = tpu.memref_slice %arg10[%add3A_65, %dma_start3A_83] : memref<256x64xf32, #tpu.memory_space<vmem>> -> memref<1x64xf32, #tpu.memory_space<vmem>>
      %dma_start3A_85 = tpu.memref_squeeze %dma_start3A_84 : memref<1x64xf32, #tpu.memory_space<vmem>> -> memref<64xf32, #tpu.memory_space<vmem>>
      %dma_start3A_86 = arith.constant 0 : i32
      %dma_start3A_87 = tpu.memref_slice %arg5[%reduce_sum3A_61, %dma_start3A_86] : memref<100000x64xf32, #tpu.memory_space<hbm>> -> memref<1x64xf32, #tpu.memory_space<hbm>>
      %dma_start3A_88 = tpu.memref_squeeze %dma_start3A_87 : memref<1x64xf32, #tpu.memory_space<hbm>> -> memref<64xf32, #tpu.memory_space<hbm>>
      tpu.enqueue_dma source(%dma_start3A_88 : memref<64xf32, #tpu.memory_space<hbm>>) target(%dma_start3A_85 : memref<64xf32, #tpu.memory_space<vmem>>) target_semaphore(%arg13 : memref<!tpu.dma_semaphore, #tpu.memory_space<semaphore_mem>>)
      %eq3A_89 = arith.constant 1 : i32
      %eq3A_90 = vector.broadcast %eq3A_89 : i32 to vector<16xi32>
      %eq3A_91 = arith.cmpi eq, %iota3A, %eq3A_90 : vector<16xi32>
      %jit3A_92 = arith.constant 0 : i32
      %broadcast_in_dim3A_93 = vector.broadcast %jit3A_92 : i32 to vector<16xi32>
      %select_n3A_94 = arith.select %eq3A_91, %get3A_44, %broadcast_in_dim3A_93 : vector<16xi1>, vector<16xi32>
      %reduce_sum3A_95 = arith.constant true
      %reduce_sum3A_96 = vector.broadcast %reduce_sum3A_95 : i1 to vector<16xi1>
      %reduce_sum3A_97 = tpu.scan <sum>, %select_n3A_94 masked %reduce_sum3A_96 : vector<16xi32>, vector<16xi1> -> vector<16xi32>
      %reduce_sum3A_98 = vector.extract %reduce_sum3A_97[15] : i32 from vector<16xi32>
      %eq3A_99 = arith.constant 1 : i32
      %eq3A_100 = vector.broadcast %eq3A_99 : i32 to vector<16xi32>
      %eq3A_101 = arith.cmpi eq, %iota3A, %eq3A_100 : vector<16xi32>
      %jit3A_102 = arith.constant 0 : i32
      %broadcast_in_dim3A_103 = vector.broadcast %jit3A_102 : i32 to vector<16xi32>
      %select_n3A_104 = arith.select %eq3A_101, %get3A_46, %broadcast_in_dim3A_103 : vector<16xi1>, vector<16xi32>
      %reduce_sum3A_105 = arith.constant true
      %reduce_sum3A_106 = vector.broadcast %reduce_sum3A_105 : i1 to vector<16xi1>
      %reduce_sum3A_107 = tpu.scan <sum>, %select_n3A_104 masked %reduce_sum3A_106 : vector<16xi32>, vector<16xi1> -> vector<16xi32>
      %reduce_sum3A_108 = vector.extract %reduce_sum3A_107[15] : i32 from vector<16xi32>
      %mul3A_109 = arith.constant 16 : i32
      %mul3A_110 = arith.muli %scan3A_38, %mul3A_109 : i32
      %add3A_111 = arith.constant 1 : i32
      %add3A_112 = arith.addi %mul3A_110, %add3A_111 : i32
      %dma_start3A_113 = arith.constant 0 : i32
      %dma_start3A_114 = tpu.memref_slice %arg9[%add3A_112, %dma_start3A_113] : memref<256x64xf32, #tpu.memory_space<vmem>> -> memref<1x64xf32, #tpu.memory_space<vmem>>
      %dma_start3A_115 = tpu.memref_squeeze %dma_start3A_114 : memref<1x64xf32, #tpu.memory_space<vmem>> -> memref<64xf32, #tpu.memory_space<vmem>>
      %dma_start3A_116 = arith.constant 0 : i32
      %dma_start3A_117 = tpu.memref_slice %arg4[%reduce_sum3A_98, %dma_start3A_116] : memref<100000x64xf32, #tpu.memory_space<hbm>> -> memref<1x64xf32, #tpu.memory_space<hbm>>
      %dma_start3A_118 = tpu.memref_squeeze %dma_start3A_117 : memref<1x64xf32, #tpu.memory_space<hbm>> -> memref<64xf32, #tpu.memory_space<hbm>>
      %dma_start3A_119 = arith.constant 0 : i32
      %dma_start3A_120 = tpu.memref_slice %arg9[%add3A_112, %dma_start3A_119] : memref<256x64xf32, #tpu.memory_space<vmem>> -> memref<1x64xf32, #tpu.memory_space<vmem>>
      %dma_start3A_121 = tpu.memref_squeeze %dma_start3A_120 : memref<1x64xf32, #tpu.memory_space<vmem>> -> memref<64xf32, #tpu.memory_space<vmem>>
      %dma_start3A_122 = arith.constant 0 : i32
      %dma_start3A_123 = tpu.memref_slice %arg4[%reduce_sum3A_98, %dma_start3A_122] : memref<100000x64xf32, #tpu.memory_space<hbm>> -> memref<1x64xf32, #tpu.memory_space<hbm>>
      %dma_start3A_124 = tpu.memref_squeeze %dma_start3A_123 : memref<1x64xf32, #tpu.memory_space<hbm>> -> memref<64xf32, #tpu.memory_space<hbm>>
      tpu.enqueue_dma source(%dma_start3A_124 : memref<64xf32, #tpu.memory_space<hbm>>) target(%dma_start3A_121 : memref<64xf32, #tpu.memory_space<vmem>>) target_semaphore(%arg12 : memref<!tpu.dma_semaphore, #tpu.memory_space<semaphore_mem>>)
      %dma_start3A_125 = arith.constant 0 : i32
      %dma_start3A_126 = tpu.memref_slice %arg10[%add3A_112, %dma_start3A_125] : memref<256x64xf32, #tpu.memory_space<vmem>> -> memref<1x64xf32, #tpu.memory_space<vmem>>
      %dma_start3A_127 = tpu.memref_squeeze %dma_start3A_126 : memref<1x64xf32, #tpu.memory_space<vmem>> -> memref<64xf32, #tpu.memory_space<vmem>>
      %dma_start3A_128 = arith.constant 0 : i32
      %dma_start3A_129 = tpu.memref_slice %arg5[%reduce_sum3A_108, %dma_start3A_128] : memref<100000x64xf32, #tpu.memory_space<hbm>> -> memref<1x64xf32, #tpu.memory_space<hbm>>
      %dma_start3A_130 = tpu.memref_squeeze %dma_start3A_129 : memref<1x64xf32, #tpu.memory_space<hbm>> -> memref<64xf32, #tpu.memory_space<hbm>>
      %dma_start3A_131 = arith.constant 0 : i32
      %dma_start3A_132 = tpu.memref_slice %arg10[%add3A_112, %dma_start3A_131] : memref<256x64xf32, #tpu.memory_space<vmem>> -> memref<1x64xf32, #tpu.memory_space<vmem>>
      %dma_start3A_133 = tpu.memref_squeeze %dma_start3A_132 : memref<1x64xf32, #tpu.memory_space<vmem>> -> memref<64xf32, #tpu.memory_space<vmem>>
      %dma_start3A_134 = arith.constant 0 : i32
      %dma_start3A_135 = tpu.memref_slice %arg5[%reduce_sum3A_108, %dma_start3A_134] : memref<100000x64xf32, #tpu.memory_space<hbm>> -> memref<1x64xf32, #tpu.memory_space<hbm>>
      %dma_start3A_136 = tpu.memref_squeeze %dma_start3A_135 : memref<1x64xf32, #tpu.memory_space<hbm>> -> memref<64xf32, #tpu.memory_space<hbm>>
      tpu.enqueue_dma source(%dma_start3A_136 : memref<64xf32, #tpu.memory_space<hbm>>) target(%dma_start3A_133 : memref<64xf32, #tpu.memory_space<vmem>>) target_semaphore(%arg13 : memref<!tpu.dma_semaphore, #tpu.memory_space<semaphore_mem>>)
      %eq3A_137 = arith.constant 2 : i32
      %eq3A_138 = vector.broadcast %eq3A_137 : i32 to vector<16xi32>
      %eq3A_139 = arith.cmpi eq, %iota3A, %eq3A_138 : vector<16xi32>
      %jit3A_140 = arith.constant 0 : i32
      %broadcast_in_dim3A_141 = vector.broadcast %jit3A_140 : i32 to vector<16xi32>
      %select_n3A_142 = arith.select %eq3A_139, %get3A_44, %broadcast_in_dim3A_141 : vector<16xi1>, vector<16xi32>
      %reduce_sum3A_143 = arith.constant true
      %reduce_sum3A_144 = vector.broadcast %reduce_sum3A_143 : i1 to vector<16xi1>
      %reduce_sum3A_145 = tpu.scan <sum>, %select_n3A_142 masked %reduce_sum3A_144 : vector<16xi32>, vector<16xi1> -> vector<16xi32>
      %reduce_sum3A_146 = vector.extract %reduce_sum3A_145[15] : i32 from vector<16xi32>
      %eq3A_147 = arith.constant 2 : i32
      %eq3A_148 = vector.broadcast %eq3A_147 : i32 to vector<16xi32>
      %eq3A_149 = arith.cmpi eq, %iota3A, %eq3A_148 : vector<16xi32>
      %jit3A_150 = arith.constant 0 : i32
      %broadcast_in_dim3A_151 = vector.broadcast %jit3A_150 : i32 to vector<16xi32>
      %select_n3A_152 = arith.select %eq3A_149, %get3A_46, %broadcast_in_dim3A_151 : vector<16xi1>, vector<16xi32>
      %reduce_sum3A_153 = arith.constant true
      %reduce_sum3A_154 = vector.broadcast %reduce_sum3A_153 : i1 to vector<16xi1>
      %reduce_sum3A_155 = tpu.scan <sum>, %select_n3A_152 masked %reduce_sum3A_154 : vector<16xi32>, vector<16xi1> -> vector<16xi32>
      %reduce_sum3A_156 = vector.extract %reduce_sum3A_155[15] : i32 from vector<16xi32>
      %mul3A_157 = arith.constant 16 : i32
      %mul3A_158 = arith.muli %scan3A_38, %mul3A_157 : i32
      %add3A_159 = arith.constant 2 : i32
      %add3A_160 = arith.addi %mul3A_158, %add3A_159 : i32
      %dma_start3A_161 = arith.constant 0 : i32
      %dma_start3A_162 = tpu.memref_slice %arg9[%add3A_160, %dma_start3A_161] : memref<256x64xf32, #tpu.memory_space<vmem>> -> memref<1x64xf32, #tpu.memory_space<vmem>>
      %dma_start3A_163 = tpu.memref_squeeze %dma_start3A_162 : memref<1x64xf32, #tpu.memory_space<vmem>> -> memref<64xf32, #tpu.memory_space<vmem>>
      %dma_start3A_164 = arith.constant 0 : i32
      %dma_start3A_165 = tpu.memref_slice %arg4[%reduce_sum3A_146, %dma_start3A_164] : memref<100000x64xf32, #tpu.memory_space<hbm>> -> memref<1x64xf32, #tpu.memory_space<hbm>>
      %dma_start3A_166 = tpu.memref_squeeze %dma_start3A_165 : memref<1x64xf32, #tpu.memory_space<hbm>> -> memref<64xf32, #tpu.memory_space<hbm>>
      %dma_start3A_167 = arith.constant 0 : i32
      %dma_start3A_168 = tpu.memref_slice %arg9[%add3A_160, %dma_start3A_167] : memref<256x64xf32, #tpu.memory_space<vmem>> -> memref<1x64xf32, #tpu.memory_space<vmem>>
      %dma_start3A_169 = tpu.memref_squeeze %dma_start3A_168 : memref<1x64xf32, #tpu.memory_space<vmem>> -> memref<64xf32, #tpu.memory_space<vmem>>
      %dma_start3A_170 = arith.constant 0 : i32
      %dma_start3A_171 = tpu.memref_slice %arg4[%reduce_sum3A_146, %dma_start3A_170] : memref<100000x64xf32, #tpu.memory_space<hbm>> -> memref<1x64xf32, #tpu.memory_space<hbm>>
      %dma_start3A_172 = tpu.memref_squeeze %dma_start3A_171 : memref<1x64xf32, #tpu.memory_space<hbm>> -> memref<64xf32, #tpu.memory_space<hbm>>
      tpu.enqueue_dma source(%dma_start3A_172 : memref<64xf32, #tpu.memory_space<hbm>>) target(%dma_start3A_169 : memref<64xf32, #tpu.memory_space<vmem>>) target_semaphore(%arg12 : memref<!tpu.dma_semaphore, #tpu.memory_space<semaphore_mem>>)
      %dma_start3A_173 = arith.constant 0 : i32
      %dma_start3A_174 = tpu.memref_slice %arg10[%add3A_160, %dma_start3A_173] : memref<256x64xf32, #tpu.memory_space<vmem>> -> memref<1x64xf32, #tpu.memory_space<vmem>>
      %dma_start3A_175 = tpu.memref_squeeze %dma_start3A_174 : memref<1x64xf32, #tpu.memory_space<vmem>> -> memref<64xf32, #tpu.memory_space<vmem>>
      %dma_start3A_176 = arith.constant 0 : i32
      %dma_start3A_177 = tpu.memref_slice %arg5[%reduce_sum3A_156, %dma_start3A_176] : memref<100000x64xf32, #tpu.memory_space<hbm>> -> memref<1x64xf32, #tpu.memory_space<hbm>>
      %dma_start3A_178 = tpu.memref_squeeze %dma_start3A_177 : memref<1x64xf32, #tpu.memory_space<hbm>> -> memref<64xf32, #tpu.memory_space<hbm>>
      %dma_start3A_179 = arith.constant 0 : i32
      %dma_start3A_180 = tpu.memref_slice %arg10[%add3A_160, %dma_start3A_179] : memref<256x64xf32, #tpu.memory_space<vmem>> -> memref<1x64xf32, #tpu.memory_space<vmem>>
      %dma_start3A_181 = tpu.memref_squeeze %dma_start3A_180 : memref<1x64xf32, #tpu.memory_space<vmem>> -> memref<64xf32, #tpu.memory_space<vmem>>
      %dma_start3A_182 = arith.constant 0 : i32
      %dma_start3A_183 = tpu.memref_slice %arg5[%reduce_sum3A_156, %dma_start3A_182] : memref<100000x64xf32, #tpu.memory_space<hbm>> -> memref<1x64xf32, #tpu.memory_space<hbm>>
      %dma_start3A_184 = tpu.memref_squeeze %dma_start3A_183 : memref<1x64xf32, #tpu.memory_space<hbm>> -> memref<64xf32, #tpu.memory_space<hbm>>
      tpu.enqueue_dma source(%dma_start3A_184 : memref<64xf32, #tpu.memory_space<hbm>>) target(%dma_start3A_181 : memref<64xf32, #tpu.memory_space<vmem>>) target_semaphore(%arg13 : memref<!tpu.dma_semaphore, #tpu.memory_space<semaphore_mem>>)
      %eq3A_185 = arith.constant 3 : i32
      %eq3A_186 = vector.broadcast %eq3A_185 : i32 to vector<16xi32>
      %eq3A_187 = arith.cmpi eq, %iota3A, %eq3A_186 : vector<16xi32>
      %jit3A_188 = arith.constant 0 : i32
      %broadcast_in_dim3A_189 = vector.broadcast %jit3A_188 : i32 to vector<16xi32>
      %select_n3A_190 = arith.select %eq3A_187, %get3A_44, %broadcast_in_dim3A_189 : vector<16xi1>, vector<16xi32>
      %reduce_sum3A_191 = arith.constant true
      %reduce_sum3A_192 = vector.broadcast %reduce_sum3A_191 : i1 to vector<16xi1>
      %reduce_sum3A_193 = tpu.scan <sum>, %select_n3A_190 masked %reduce_sum3A_192 : vector<16xi32>, vector<16xi1> -> vector<16xi32>
      %reduce_sum3A_194 = vector.extract %reduce_sum3A_193[15] : i32 from vector<16xi32>
      %eq3A_195 = arith.constant 3 : i32
      %eq3A_196 = vector.broadcast %eq3A_195 : i32 to vector<16xi32>
      %eq3A_197 = arith.cmpi eq, %iota3A, %eq3A_196 : vector<16xi32>
      %jit3A_198 = arith.constant 0 : i32
      %broadcast_in_dim3A_199 = vector.broadcast %jit3A_198 : i32 to vector<16xi32>
      %select_n3A_200 = arith.select %eq3A_197, %get3A_46, %broadcast_in_dim3A_199 : vector<16xi1>, vector<16xi32>
      %reduce_sum3A_201 = arith.constant true
      %reduce_sum3A_202 = vector.broadcast %reduce_sum3A_201 : i1 to vector<16xi1>
      %reduce_sum3A_203 = tpu.scan <sum>, %select_n3A_200 masked %reduce_sum3A_202 : vector<16xi32>, vector<16xi1> -> vector<16xi32>
      %reduce_sum3A_204 = vector.extract %reduce_sum3A_203[15] : i32 from vector<16xi32>
      %mul3A_205 = arith.constant 16 : i32
      %mul3A_206 = arith.muli %scan3A_38, %mul3A_205 : i32
      %add3A_207 = arith.constant 3 : i32
      %add3A_208 = arith.addi %mul3A_206, %add3A_207 : i32
      %dma_start3A_209 = arith.constant 0 : i32
      %dma_start3A_210 = tpu.memref_slice %arg9[%add3A_208, %dma_start3A_209] : memref<256x64xf32, #tpu.memory_space<vmem>> -> memref<1x64xf32, #tpu.memory_space<vmem>>
      %dma_start3A_211 = tpu.memref_squeeze %dma_start3A_210 : memref<1x64xf32, #tpu.memory_space<vmem>> -> memref<64xf32, #tpu.memory_space<vmem>>
      %dma_start3A_212 = arith.constant 0 : i32
      %dma_start3A_213 = tpu.memref_slice %arg4[%reduce_sum3A_194, %dma_start3A_212] : memref<100000x64xf32, #tpu.memory_space<hbm>> -> memref<1x64xf32, #tpu.memory_space<hbm>>
      %dma_start3A_214 = tpu.memref_squeeze %dma_start3A_213 : memref<1x64xf32, #tpu.memory_space<hbm>> -> memref<64xf32, #tpu.memory_space<hbm>>
      %dma_start3A_215 = arith.constant 0 : i32
      %dma_start3A_216 = tpu.memref_slice %arg9[%add3A_208, %dma_start3A_215] : memref<256x64xf32, #tpu.memory_space<vmem>> -> memref<1x64xf32, #tpu.memory_space<vmem>>
      %dma_start3A_217 = tpu.memref_squeeze %dma_start3A_216 : memref<1x64xf32, #tpu.memory_space<vmem>> -> memref<64xf32, #tpu.memory_space<vmem>>
      %dma_start3A_218 = arith.constant 0 : i32
      %dma_start3A_219 = tpu.memref_slice %arg4[%reduce_sum3A_194, %dma_start3A_218] : memref<100000x64xf32, #tpu.memory_space<hbm>> -> memref<1x64xf32, #tpu.memory_space<hbm>>
      %dma_start3A_220 = tpu.memref_squeeze %dma_start3A_219 : memref<1x64xf32, #tpu.memory_space<hbm>> -> memref<64xf32, #tpu.memory_space<hbm>>
      tpu.enqueue_dma source(%dma_start3A_220 : memref<64xf32, #tpu.memory_space<hbm>>) target(%dma_start3A_217 : memref<64xf32, #tpu.memory_space<vmem>>) target_semaphore(%arg12 : memref<!tpu.dma_semaphore, #tpu.memory_space<semaphore_mem>>)
      %dma_start3A_221 = arith.constant 0 : i32
      %dma_start3A_222 = tpu.memref_slice %arg10[%add3A_208, %dma_start3A_221] : memref<256x64xf32, #tpu.memory_space<vmem>> -> memref<1x64xf32, #tpu.memory_space<vmem>>
      %dma_start3A_223 = tpu.memref_squeeze %dma_start3A_222 : memref<1x64xf32, #tpu.memory_space<vmem>> -> memref<64xf32, #tpu.memory_space<vmem>>
      %dma_start3A_224 = arith.constant 0 : i32
      %dma_start3A_225 = tpu.memref_slice %arg5[%reduce_sum3A_204, %dma_start3A_224] : memref<100000x64xf32, #tpu.memory_space<hbm>> -> memref<1x64xf32, #tpu.memory_space<hbm>>
      %dma_start3A_226 = tpu.memref_squeeze %dma_start3A_225 : memref<1x64xf32, #tpu.memory_space<hbm>> -> memref<64xf32, #tpu.memory_space<hbm>>
      %dma_start3A_227 = arith.constant 0 : i32
      %dma_start3A_228 = tpu.memref_slice %arg10[%add3A_208, %dma_start3A_227] : memref<256x64xf32, #tpu.memory_space<vmem>> -> memref<1x64xf32, #tpu.memory_space<vmem>>
      %dma_start3A_229 = tpu.memref_squeeze %dma_start3A_228 : memref<1x64xf32, #tpu.memory_space<vmem>> -> memref<64xf32, #tpu.memory_space<vmem>>
      %dma_start3A_230 = arith.constant 0 : i32
      %dma_start3A_231 = tpu.memref_slice %arg5[%reduce_sum3A_204, %dma_start3A_230] : memref<100000x64xf32, #tpu.memory_space<hbm>> -> memref<1x64xf32, #tpu.memory_space<hbm>>
      %dma_start3A_232 = tpu.memref_squeeze %dma_start3A_231 : memref<1x64xf32, #tpu.memory_space<hbm>> -> memref<64xf32, #tpu.memory_space<hbm>>
      tpu.enqueue_dma source(%dma_start3A_232 : memref<64xf32, #tpu.memory_space<hbm>>) target(%dma_start3A_229 : memref<64xf32, #tpu.memory_space<vmem>>) target_semaphore(%arg13 : memref<!tpu.dma_semaphore, #tpu.memory_space<semaphore_mem>>)
      %eq3A_233 = arith.constant 4 : i32
      %eq3A_234 = vector.broadcast %eq3A_233 : i32 to vector<16xi32>
      %eq3A_235 = arith.cmpi eq, %iota3A, %eq3A_234 : vector<16xi32>
      %jit3A_236 = arith.constant 0 : i32
      %broadcast_in_dim3A_237 = vector.broadcast %jit3A_236 : i32 to vector<16xi32>
      %select_n3A_238 = arith.select %eq3A_235, %get3A_44, %broadcast_in_dim3A_237 : vector<16xi1>, vector<16xi32>
      %reduce_sum3A_239 = arith.constant true
      %reduce_sum3A_240 = vector.broadcast %reduce_sum3A_239 : i1 to vector<16xi1>
      %reduce_sum3A_241 = tpu.scan <sum>, %select_n3A_238 masked %reduce_sum3A_240 : vector<16xi32>, vector<16xi1> -> vector<16xi32>
      %reduce_sum3A_242 = vector.extract %reduce_sum3A_241[15] : i32 from vector<16xi32>
      %eq3A_243 = arith.constant 4 : i32
      %eq3A_244 = vector.broadcast %eq3A_243 : i32 to vector<16xi32>
      %eq3A_245 = arith.cmpi eq, %iota3A, %eq3A_244 : vector<16xi32>
      %jit3A_246 = arith.constant 0 : i32
      %broadcast_in_dim3A_247 = vector.broadcast %jit3A_246 : i32 to vector<16xi32>
      %select_n3A_248 = arith.select %eq3A_245, %get3A_46, %broadcast_in_dim3A_247 : vector<16xi1>, vector<16xi32>
      %reduce_sum3A_249 = arith.constant true
      %reduce_sum3A_250 = vector.broadcast %reduce_sum3A_249 : i1 to vector<16xi1>
      %reduce_sum3A_251 = tpu.scan <sum>, %select_n3A_248 masked %reduce_sum3A_250 : vector<16xi32>, vector<16xi1> -> vector<16xi32>
      %reduce_sum3A_252 = vector.extract %reduce_sum3A_251[15] : i32 from vector<16xi32>
      %mul3A_253 = arith.constant 16 : i32
      %mul3A_254 = arith.muli %scan3A_38, %mul3A_253 : i32
      %add3A_255 = arith.constant 4 : i32
      %add3A_256 = arith.addi %mul3A_254, %add3A_255 : i32
      %dma_start3A_257 = arith.constant 0 : i32
      %dma_start3A_258 = tpu.memref_slice %arg9[%add3A_256, %dma_start3A_257] : memref<256x64xf32, #tpu.memory_space<vmem>> -> memref<1x64xf32, #tpu.memory_space<vmem>>
      %dma_start3A_259 = tpu.memref_squeeze %dma_start3A_258 : memref<1x64xf32, #tpu.memory_space<vmem>> -> memref<64xf32, #tpu.memory_space<vmem>>
      %dma_start3A_260 = arith.constant 0 : i32
      %dma_start3A_261 = tpu.memref_slice %arg4[%reduce_sum3A_242, %dma_start3A_260] : memref<100000x64xf32, #tpu.memory_space<hbm>> -> memref<1x64xf32, #tpu.memory_space<hbm>>
      %dma_start3A_262 = tpu.memref_squeeze %dma_start3A_261 : memref<1x64xf32, #tpu.memory_space<hbm>> -> memref<64xf32, #tpu.memory_space<hbm>>
      %dma_start3A_263 = arith.constant 0 : i32
      %dma_start3A_264 = tpu.memref_slice %arg9[%add3A_256, %dma_start3A_263] : memref<256x64xf32, #tpu.memory_space<vmem>> -> memref<1x64xf32, #tpu.memory_space<vmem>>
      %dma_start3A_265 = tpu.memref_squeeze %dma_start3A_264 : memref<1x64xf32, #tpu.memory_space<vmem>> -> memref<64xf32, #tpu.memory_space<vmem>>
      %dma_start3A_266 = arith.constant 0 : i32
      %dma_start3A_267 = tpu.memref_slice %arg4[%reduce_sum3A_242, %dma_start3A_266] : memref<100000x64xf32, #tpu.memory_space<hbm>> -> memref<1x64xf32, #tpu.memory_space<hbm>>
      %dma_start3A_268 = tpu.memref_squeeze %dma_start3A_267 : memref<1x64xf32, #tpu.memory_space<hbm>> -> memref<64xf32, #tpu.memory_space<hbm>>
      tpu.enqueue_dma source(%dma_start3A_268 : memref<64xf32, #tpu.memory_space<hbm>>) target(%dma_start3A_265 : memref<64xf32, #tpu.memory_space<vmem>>) target_semaphore(%arg12 : memref<!tpu.dma_semaphore, #tpu.memory_space<semaphore_mem>>)
      %dma_start3A_269 = arith.constant 0 : i32
      %dma_start3A_270 = tpu.memref_slice %arg10[%add3A_256, %dma_start3A_269] : memref<256x64xf32, #tpu.memory_space<vmem>> -> memref<1x64xf32, #tpu.memory_space<vmem>>
      %dma_start3A_271 = tpu.memref_squeeze %dma_start3A_270 : memref<1x64xf32, #tpu.memory_space<vmem>> -> memref<64xf32, #tpu.memory_space<vmem>>
      %dma_start3A_272 = arith.constant 0 : i32
      %dma_start3A_273 = tpu.memref_slice %arg5[%reduce_sum3A_252, %dma_start3A_272] : memref<100000x64xf32, #tpu.memory_space<hbm>> -> memref<1x64xf32, #tpu.memory_space<hbm>>
      %dma_start3A_274 = tpu.memref_squeeze %dma_start3A_273 : memref<1x64xf32, #tpu.memory_space<hbm>> -> memref<64xf32, #tpu.memory_space<hbm>>
      %dma_start3A_275 = arith.constant 0 : i32
      %dma_start3A_276 = tpu.memref_slice %arg10[%add3A_256, %dma_start3A_275] : memref<256x64xf32, #tpu.memory_space<vmem>> -> memref<1x64xf32, #tpu.memory_space<vmem>>
      %dma_start3A_277 = tpu.memref_squeeze %dma_start3A_276 : memref<1x64xf32, #tpu.memory_space<vmem>> -> memref<64xf32, #tpu.memory_space<vmem>>
      %dma_start3A_278 = arith.constant 0 : i32
      %dma_start3A_279 = tpu.memref_slice %arg5[%reduce_sum3A_252, %dma_start3A_278] : memref<100000x64xf32, #tpu.memory_space<hbm>> -> memref<1x64xf32, #tpu.memory_space<hbm>>
      %dma_start3A_280 = tpu.memref_squeeze %dma_start3A_279 : memref<1x64xf32, #tpu.memory_space<hbm>> -> memref<64xf32, #tpu.memory_space<hbm>>
      tpu.enqueue_dma source(%dma_start3A_280 : memref<64xf32, #tpu.memory_space<hbm>>) target(%dma_start3A_277 : memref<64xf32, #tpu.memory_space<vmem>>) target_semaphore(%arg13 : memref<!tpu.dma_semaphore, #tpu.memory_space<semaphore_mem>>)
      %eq3A_281 = arith.constant 5 : i32
      %eq3A_282 = vector.broadcast %eq3A_281 : i32 to vector<16xi32>
      %eq3A_283 = arith.cmpi eq, %iota3A, %eq3A_282 : vector<16xi32>
      %jit3A_284 = arith.constant 0 : i32
      %broadcast_in_dim3A_285 = vector.broadcast %jit3A_284 : i32 to vector<16xi32>
      %select_n3A_286 = arith.select %eq3A_283, %get3A_44, %broadcast_in_dim3A_285 : vector<16xi1>, vector<16xi32>
      %reduce_sum3A_287 = arith.constant true
      %reduce_sum3A_288 = vector.broadcast %reduce_sum3A_287 : i1 to vector<16xi1>
      %reduce_sum3A_289 = tpu.scan <sum>, %select_n3A_286 masked %reduce_sum3A_288 : vector<16xi32>, vector<16xi1> -> vector<16xi32>
      %reduce_sum3A_290 = vector.extract %reduce_sum3A_289[15] : i32 from vector<16xi32>
      %eq3A_291 = arith.constant 5 : i32
      %eq3A_292 = vector.broadcast %eq3A_291 : i32 to vector<16xi32>
      %eq3A_293 = arith.cmpi eq, %iota3A, %eq3A_292 : vector<16xi32>
      %jit3A_294 = arith.constant 0 : i32
      %broadcast_in_dim3A_295 = vector.broadcast %jit3A_294 : i32 to vector<16xi32>
      %select_n3A_296 = arith.select %eq3A_293, %get3A_46, %broadcast_in_dim3A_295 : vector<16xi1>, vector<16xi32>
      %reduce_sum3A_297 = arith.constant true
      %reduce_sum3A_298 = vector.broadcast %reduce_sum3A_297 : i1 to vector<16xi1>
      %reduce_sum3A_299 = tpu.scan <sum>, %select_n3A_296 masked %reduce_sum3A_298 : vector<16xi32>, vector<16xi1> -> vector<16xi32>
      %reduce_sum3A_300 = vector.extract %reduce_sum3A_299[15] : i32 from vector<16xi32>
      %mul3A_301 = arith.constant 16 : i32
      %mul3A_302 = arith.muli %scan3A_38, %mul3A_301 : i32
      %add3A_303 = arith.constant 5 : i32
      %add3A_304 = arith.addi %mul3A_302, %add3A_303 : i32
      %dma_start3A_305 = arith.constant 0 : i32
      %dma_start3A_306 = tpu.memref_slice %arg9[%add3A_304, %dma_start3A_305] : memref<256x64xf32, #tpu.memory_space<vmem>> -> memref<1x64xf32, #tpu.memory_space<vmem>>
      %dma_start3A_307 = tpu.memref_squeeze %dma_start3A_306 : memref<1x64xf32, #tpu.memory_space<vmem>> -> memref<64xf32, #tpu.memory_space<vmem>>
      %dma_start3A_308 = arith.constant 0 : i32
      %dma_start3A_309 = tpu.memref_slice %arg4[%reduce_sum3A_290, %dma_start3A_308] : memref<100000x64xf32, #tpu.memory_space<hbm>> -> memref<1x64xf32, #tpu.memory_space<hbm>>
      %dma_start3A_310 = tpu.memref_squeeze %dma_start3A_309 : memref<1x64xf32, #tpu.memory_space<hbm>> -> memref<64xf32, #tpu.memory_space<hbm>>
      %dma_start3A_311 = arith.constant 0 : i32
      %dma_start3A_312 = tpu.memref_slice %arg9[%add3A_304, %dma_start3A_311] : memref<256x64xf32, #tpu.memory_space<vmem>> -> memref<1x64xf32, #tpu.memory_space<vmem>>
      %dma_start3A_313 = tpu.memref_squeeze %dma_start3A_312 : memref<1x64xf32, #tpu.memory_space<vmem>> -> memref<64xf32, #tpu.memory_space<vmem>>
      %dma_start3A_314 = arith.constant 0 : i32
      %dma_start3A_315 = tpu.memref_slice %arg4[%reduce_sum3A_290, %dma_start3A_314] : memref<100000x64xf32, #tpu.memory_space<hbm>> -> memref<1x64xf32, #tpu.memory_space<hbm>>
      %dma_start3A_316 = tpu.memref_squeeze %dma_start3A_315 : memref<1x64xf32, #tpu.memory_space<hbm>> -> memref<64xf32, #tpu.memory_space<hbm>>
      tpu.enqueue_dma source(%dma_start3A_316 : memref<64xf32, #tpu.memory_space<hbm>>) target(%dma_start3A_313 : memref<64xf32, #tpu.memory_space<vmem>>) target_semaphore(%arg12 : memref<!tpu.dma_semaphore, #tpu.memory_space<semaphore_mem>>)
      %dma_start3A_317 = arith.constant 0 : i32
      %dma_start3A_318 = tpu.memref_slice %arg10[%add3A_304, %dma_start3A_317] : memref<256x64xf32, #tpu.memory_space<vmem>> -> memref<1x64xf32, #tpu.memory_space<vmem>>
      %dma_start3A_319 = tpu.memref_squeeze %dma_start3A_318 : memref<1x64xf32, #tpu.memory_space<vmem>> -> memref<64xf32, #tpu.memory_space<vmem>>
      %dma_start3A_320 = arith.constant 0 : i32
      %dma_start3A_321 = tpu.memref_slice %arg5[%reduce_sum3A_300, %dma_start3A_320] : memref<100000x64xf32, #tpu.memory_space<hbm>> -> memref<1x64xf32, #tpu.memory_space<hbm>>
      %dma_start3A_322 = tpu.memref_squeeze %dma_start3A_321 : memref<1x64xf32, #tpu.memory_space<hbm>> -> memref<64xf32, #tpu.memory_space<hbm>>
      %dma_start3A_323 = arith.constant 0 : i32
      %dma_start3A_324 = tpu.memref_slice %arg10[%add3A_304, %dma_start3A_323] : memref<256x64xf32, #tpu.memory_space<vmem>> -> memref<1x64xf32, #tpu.memory_space<vmem>>
      %dma_start3A_325 = tpu.memref_squeeze %dma_start3A_324 : memref<1x64xf32, #tpu.memory_space<vmem>> -> memref<64xf32, #tpu.memory_space<vmem>>
      %dma_start3A_326 = arith.constant 0 : i32
      %dma_start3A_327 = tpu.memref_slice %arg5[%reduce_sum3A_300, %dma_start3A_326] : memref<100000x64xf32, #tpu.memory_space<hbm>> -> memref<1x64xf32, #tpu.memory_space<hbm>>
      %dma_start3A_328 = tpu.memref_squeeze %dma_start3A_327 : memref<1x64xf32, #tpu.memory_space<hbm>> -> memref<64xf32, #tpu.memory_space<hbm>>
      tpu.enqueue_dma source(%dma_start3A_328 : memref<64xf32, #tpu.memory_space<hbm>>) target(%dma_start3A_325 : memref<64xf32, #tpu.memory_space<vmem>>) target_semaphore(%arg13 : memref<!tpu.dma_semaphore, #tpu.memory_space<semaphore_mem>>)
      %eq3A_329 = arith.constant 6 : i32
      %eq3A_330 = vector.broadcast %eq3A_329 : i32 to vector<16xi32>
      %eq3A_331 = arith.cmpi eq, %iota3A, %eq3A_330 : vector<16xi32>
      %jit3A_332 = arith.constant 0 : i32
      %broadcast_in_dim3A_333 = vector.broadcast %jit3A_332 : i32 to vector<16xi32>
      %select_n3A_334 = arith.select %eq3A_331, %get3A_44, %broadcast_in_dim3A_333 : vector<16xi1>, vector<16xi32>
      %reduce_sum3A_335 = arith.constant true
      %reduce_sum3A_336 = vector.broadcast %reduce_sum3A_335 : i1 to vector<16xi1>
      %reduce_sum3A_337 = tpu.scan <sum>, %select_n3A_334 masked %reduce_sum3A_336 : vector<16xi32>, vector<16xi1> -> vector<16xi32>
      %reduce_sum3A_338 = vector.extract %reduce_sum3A_337[15] : i32 from vector<16xi32>
      %eq3A_339 = arith.constant 6 : i32
      %eq3A_340 = vector.broadcast %eq3A_339 : i32 to vector<16xi32>
      %eq3A_341 = arith.cmpi eq, %iota3A, %eq3A_340 : vector<16xi32>
      %jit3A_342 = arith.constant 0 : i32
      %broadcast_in_dim3A_343 = vector.broadcast %jit3A_342 : i32 to vector<16xi32>
      %select_n3A_344 = arith.select %eq3A_341, %get3A_46, %broadcast_in_dim3A_343 : vector<16xi1>, vector<16xi32>
      %reduce_sum3A_345 = arith.constant true
      %reduce_sum3A_346 = vector.broadcast %reduce_sum3A_345 : i1 to vector<16xi1>
      %reduce_sum3A_347 = tpu.scan <sum>, %select_n3A_344 masked %reduce_sum3A_346 : vector<16xi32>, vector<16xi1> -> vector<16xi32>
      %reduce_sum3A_348 = vector.extract %reduce_sum3A_347[15] : i32 from vector<16xi32>
      %mul3A_349 = arith.constant 16 : i32
      %mul3A_350 = arith.muli %scan3A_38, %mul3A_349 : i32
      %add3A_351 = arith.constant 6 : i32
      %add3A_352 = arith.addi %mul3A_350, %add3A_351 : i32
      %dma_start3A_353 = arith.constant 0 : i32
      %dma_start3A_354 = tpu.memref_slice %arg9[%add3A_352, %dma_start3A_353] : memref<256x64xf32, #tpu.memory_space<vmem>> -> memref<1x64xf32, #tpu.memory_space<vmem>>
      %dma_start3A_355 = tpu.memref_squeeze %dma_start3A_354 : memref<1x64xf32, #tpu.memory_space<vmem>> -> memref<64xf32, #tpu.memory_space<vmem>>
      %dma_start3A_356 = arith.constant 0 : i32
      %dma_start3A_357 = tpu.memref_slice %arg4[%reduce_sum3A_338, %dma_start3A_356] : memref<100000x64xf32, #tpu.memory_space<hbm>> -> memref<1x64xf32, #tpu.memory_space<hbm>>
      %dma_start3A_358 = tpu.memref_squeeze %dma_start3A_357 : memref<1x64xf32, #tpu.memory_space<hbm>> -> memref<64xf32, #tpu.memory_space<hbm>>
      %dma_start3A_359 = arith.constant 0 : i32
      %dma_start3A_360 = tpu.memref_slice %arg9[%add3A_352, %dma_start3A_359] : memref<256x64xf32, #tpu.memory_space<vmem>> -> memref<1x64xf32, #tpu.memory_space<vmem>>
      %dma_start3A_361 = tpu.memref_squeeze %dma_start3A_360 : memref<1x64xf32, #tpu.memory_space<vmem>> -> memref<64xf32, #tpu.memory_space<vmem>>
      %dma_start3A_362 = arith.constant 0 : i32
      %dma_start3A_363 = tpu.memref_slice %arg4[%reduce_sum3A_338, %dma_start3A_362] : memref<100000x64xf32, #tpu.memory_space<hbm>> -> memref<1x64xf32, #tpu.memory_space<hbm>>
      %dma_start3A_364 = tpu.memref_squeeze %dma_start3A_363 : memref<1x64xf32, #tpu.memory_space<hbm>> -> memref<64xf32, #tpu.memory_space<hbm>>
      tpu.enqueue_dma source(%dma_start3A_364 : memref<64xf32, #tpu.memory_space<hbm>>) target(%dma_start3A_361 : memref<64xf32, #tpu.memory_space<vmem>>) target_semaphore(%arg12 : memref<!tpu.dma_semaphore, #tpu.memory_space<semaphore_mem>>)
      %dma_start3A_365 = arith.constant 0 : i32
      %dma_start3A_366 = tpu.memref_slice %arg10[%add3A_352, %dma_start3A_365] : memref<256x64xf32, #tpu.memory_space<vmem>> -> memref<1x64xf32, #tpu.memory_space<vmem>>
      %dma_start3A_367 = tpu.memref_squeeze %dma_start3A_366 : memref<1x64xf32, #tpu.memory_space<vmem>> -> memref<64xf32, #tpu.memory_space<vmem>>
      %dma_start3A_368 = arith.constant 0 : i32
      %dma_start3A_369 = tpu.memref_slice %arg5[%reduce_sum3A_348, %dma_start3A_368] : memref<100000x64xf32, #tpu.memory_space<hbm>> -> memref<1x64xf32, #tpu.memory_space<hbm>>
      %dma_start3A_370 = tpu.memref_squeeze %dma_start3A_369 : memref<1x64xf32, #tpu.memory_space<hbm>> -> memref<64xf32, #tpu.memory_space<hbm>>
      %dma_start3A_371 = arith.constant 0 : i32
      %dma_start3A_372 = tpu.memref_slice %arg10[%add3A_352, %dma_start3A_371] : memref<256x64xf32, #tpu.memory_space<vmem>> -> memref<1x64xf32, #tpu.memory_space<vmem>>
      %dma_start3A_373 = tpu.memref_squeeze %dma_start3A_372 : memref<1x64xf32, #tpu.memory_space<vmem>> -> memref<64xf32, #tpu.memory_space<vmem>>
      %dma_start3A_374 = arith.constant 0 : i32
      %dma_start3A_375 = tpu.memref_slice %arg5[%reduce_sum3A_348, %dma_start3A_374] : memref<100000x64xf32, #tpu.memory_space<hbm>> -> memref<1x64xf32, #tpu.memory_space<hbm>>
      %dma_start3A_376 = tpu.memref_squeeze %dma_start3A_375 : memref<1x64xf32, #tpu.memory_space<hbm>> -> memref<64xf32, #tpu.memory_space<hbm>>
      tpu.enqueue_dma source(%dma_start3A_376 : memref<64xf32, #tpu.memory_space<hbm>>) target(%dma_start3A_373 : memref<64xf32, #tpu.memory_space<vmem>>) target_semaphore(%arg13 : memref<!tpu.dma_semaphore, #tpu.memory_space<semaphore_mem>>)
      %eq3A_377 = arith.constant 7 : i32
      %eq3A_378 = vector.broadcast %eq3A_377 : i32 to vector<16xi32>
      %eq3A_379 = arith.cmpi eq, %iota3A, %eq3A_378 : vector<16xi32>
      %jit3A_380 = arith.constant 0 : i32
      %broadcast_in_dim3A_381 = vector.broadcast %jit3A_380 : i32 to vector<16xi32>
      %select_n3A_382 = arith.select %eq3A_379, %get3A_44, %broadcast_in_dim3A_381 : vector<16xi1>, vector<16xi32>
      %reduce_sum3A_383 = arith.constant true
      %reduce_sum3A_384 = vector.broadcast %reduce_sum3A_383 : i1 to vector<16xi1>
      %reduce_sum3A_385 = tpu.scan <sum>, %select_n3A_382 masked %reduce_sum3A_384 : vector<16xi32>, vector<16xi1> -> vector<16xi32>
      %reduce_sum3A_386 = vector.extract %reduce_sum3A_385[15] : i32 from vector<16xi32>
      %eq3A_387 = arith.constant 7 : i32
      %eq3A_388 = vector.broadcast %eq3A_387 : i32 to vector<16xi32>
      %eq3A_389 = arith.cmpi eq, %iota3A, %eq3A_388 : vector<16xi32>
      %jit3A_390 = arith.constant 0 : i32
      %broadcast_in_dim3A_391 = vector.broadcast %jit3A_390 : i32 to vector<16xi32>
      %select_n3A_392 = arith.select %eq3A_389, %get3A_46, %broadcast_in_dim3A_391 : vector<16xi1>, vector<16xi32>
      %reduce_sum3A_393 = arith.constant true
      %reduce_sum3A_394 = vector.broadcast %reduce_sum3A_393 : i1 to vector<16xi1>
      %reduce_sum3A_395 = tpu.scan <sum>, %select_n3A_392 masked %reduce_sum3A_394 : vector<16xi32>, vector<16xi1> -> vector<16xi32>
      %reduce_sum3A_396 = vector.extract %reduce_sum3A_395[15] : i32 from vector<16xi32>
      %mul3A_397 = arith.constant 16 : i32
      %mul3A_398 = arith.muli %scan3A_38, %mul3A_397 : i32
      %add3A_399 = arith.constant 7 : i32
      %add3A_400 = arith.addi %mul3A_398, %add3A_399 : i32
      %dma_start3A_401 = arith.constant 0 : i32
      %dma_start3A_402 = tpu.memref_slice %arg9[%add3A_400, %dma_start3A_401] : memref<256x64xf32, #tpu.memory_space<vmem>> -> memref<1x64xf32, #tpu.memory_space<vmem>>
      %dma_start3A_403 = tpu.memref_squeeze %dma_start3A_402 : memref<1x64xf32, #tpu.memory_space<vmem>> -> memref<64xf32, #tpu.memory_space<vmem>>
      %dma_start3A_404 = arith.constant 0 : i32
      %dma_start3A_405 = tpu.memref_slice %arg4[%reduce_sum3A_386, %dma_start3A_404] : memref<100000x64xf32, #tpu.memory_space<hbm>> -> memref<1x64xf32, #tpu.memory_space<hbm>>
      %dma_start3A_406 = tpu.memref_squeeze %dma_start3A_405 : memref<1x64xf32, #tpu.memory_space<hbm>> -> memref<64xf32, #tpu.memory_space<hbm>>
      %dma_start3A_407 = arith.constant 0 : i32
      %dma_start3A_408 = tpu.memref_slice %arg9[%add3A_400, %dma_start3A_407] : memref<256x64xf32, #tpu.memory_space<vmem>> -> memref<1x64xf32, #tpu.memory_space<vmem>>
      %dma_start3A_409 = tpu.memref_squeeze %dma_start3A_408 : memref<1x64xf32, #tpu.memory_space<vmem>> -> memref<64xf32, #tpu.memory_space<vmem>>
      %dma_start3A_410 = arith.constant 0 : i32
      %dma_start3A_411 = tpu.memref_slice %arg4[%reduce_sum3A_386, %dma_start3A_410] : memref<100000x64xf32, #tpu.memory_space<hbm>> -> memref<1x64xf32, #tpu.memory_space<hbm>>
      %dma_start3A_412 = tpu.memref_squeeze %dma_start3A_411 : memref<1x64xf32, #tpu.memory_space<hbm>> -> memref<64xf32, #tpu.memory_space<hbm>>
      tpu.enqueue_dma source(%dma_start3A_412 : memref<64xf32, #tpu.memory_space<hbm>>) target(%dma_start3A_409 : memref<64xf32, #tpu.memory_space<vmem>>) target_semaphore(%arg12 : memref<!tpu.dma_semaphore, #tpu.memory_space<semaphore_mem>>)
      %dma_start3A_413 = arith.constant 0 : i32
      %dma_start3A_414 = tpu.memref_slice %arg10[%add3A_400, %dma_start3A_413] : memref<256x64xf32, #tpu.memory_space<vmem>> -> memref<1x64xf32, #tpu.memory_space<vmem>>
      %dma_start3A_415 = tpu.memref_squeeze %dma_start3A_414 : memref<1x64xf32, #tpu.memory_space<vmem>> -> memref<64xf32, #tpu.memory_space<vmem>>
      %dma_start3A_416 = arith.constant 0 : i32
      %dma_start3A_417 = tpu.memref_slice %arg5[%reduce_sum3A_396, %dma_start3A_416] : memref<100000x64xf32, #tpu.memory_space<hbm>> -> memref<1x64xf32, #tpu.memory_space<hbm>>
      %dma_start3A_418 = tpu.memref_squeeze %dma_start3A_417 : memref<1x64xf32, #tpu.memory_space<hbm>> -> memref<64xf32, #tpu.memory_space<hbm>>
      %dma_start3A_419 = arith.constant 0 : i32
      %dma_start3A_420 = tpu.memref_slice %arg10[%add3A_400, %dma_start3A_419] : memref<256x64xf32, #tpu.memory_space<vmem>> -> memref<1x64xf32, #tpu.memory_space<vmem>>
      %dma_start3A_421 = tpu.memref_squeeze %dma_start3A_420 : memref<1x64xf32, #tpu.memory_space<vmem>> -> memref<64xf32, #tpu.memory_space<vmem>>
      %dma_start3A_422 = arith.constant 0 : i32
      %dma_start3A_423 = tpu.memref_slice %arg5[%reduce_sum3A_396, %dma_start3A_422] : memref<100000x64xf32, #tpu.memory_space<hbm>> -> memref<1x64xf32, #tpu.memory_space<hbm>>
      %dma_start3A_424 = tpu.memref_squeeze %dma_start3A_423 : memref<1x64xf32, #tpu.memory_space<hbm>> -> memref<64xf32, #tpu.memory_space<hbm>>
      tpu.enqueue_dma source(%dma_start3A_424 : memref<64xf32, #tpu.memory_space<hbm>>) target(%dma_start3A_421 : memref<64xf32, #tpu.memory_space<vmem>>) target_semaphore(%arg13 : memref<!tpu.dma_semaphore, #tpu.memory_space<semaphore_mem>>)
      %eq3A_425 = arith.constant 8 : i32
      %eq3A_426 = vector.broadcast %eq3A_425 : i32 to vector<16xi32>
      %eq3A_427 = arith.cmpi eq, %iota3A, %eq3A_426 : vector<16xi32>
      %jit3A_428 = arith.constant 0 : i32
      %broadcast_in_dim3A_429 = vector.broadcast %jit3A_428 : i32 to vector<16xi32>
      %select_n3A_430 = arith.select %eq3A_427, %get3A_44, %broadcast_in_dim3A_429 : vector<16xi1>, vector<16xi32>
      %reduce_sum3A_431 = arith.constant true
      %reduce_sum3A_432 = vector.broadcast %reduce_sum3A_431 : i1 to vector<16xi1>
      %reduce_sum3A_433 = tpu.scan <sum>, %select_n3A_430 masked %reduce_sum3A_432 : vector<16xi32>, vector<16xi1> -> vector<16xi32>
      %reduce_sum3A_434 = vector.extract %reduce_sum3A_433[15] : i32 from vector<16xi32>
      %eq3A_435 = arith.constant 8 : i32
      %eq3A_436 = vector.broadcast %eq3A_435 : i32 to vector<16xi32>
      %eq3A_437 = arith.cmpi eq, %iota3A, %eq3A_436 : vector<16xi32>
      %jit3A_438 = arith.constant 0 : i32
      %broadcast_in_dim3A_439 = vector.broadcast %jit3A_438 : i32 to vector<16xi32>
      %select_n3A_440 = arith.select %eq3A_437, %get3A_46, %broadcast_in_dim3A_439 : vector<16xi1>, vector<16xi32>
      %reduce_sum3A_441 = arith.constant true
      %reduce_sum3A_442 = vector.broadcast %reduce_sum3A_441 : i1 to vector<16xi1>
      %reduce_sum3A_443 = tpu.scan <sum>, %select_n3A_440 masked %reduce_sum3A_442 : vector<16xi32>, vector<16xi1> -> vector<16xi32>
      %reduce_sum3A_444 = vector.extract %reduce_sum3A_443[15] : i32 from vector<16xi32>
      %mul3A_445 = arith.constant 16 : i32
      %mul3A_446 = arith.muli %scan3A_38, %mul3A_445 : i32
      %add3A_447 = arith.constant 8 : i32
      %add3A_448 = arith.addi %mul3A_446, %add3A_447 : i32
      %dma_start3A_449 = arith.constant 0 : i32
      %dma_start3A_450 = tpu.memref_slice %arg9[%add3A_448, %dma_start3A_449] : memref<256x64xf32, #tpu.memory_space<vmem>> -> memref<1x64xf32, #tpu.memory_space<vmem>>
      %dma_start3A_451 = tpu.memref_squeeze %dma_start3A_450 : memref<1x64xf32, #tpu.memory_space<vmem>> -> memref<64xf32, #tpu.memory_space<vmem>>
      %dma_start3A_452 = arith.constant 0 : i32
      %dma_start3A_453 = tpu.memref_slice %arg4[%reduce_sum3A_434, %dma_start3A_452] : memref<100000x64xf32, #tpu.memory_space<hbm>> -> memref<1x64xf32, #tpu.memory_space<hbm>>
      %dma_start3A_454 = tpu.memref_squeeze %dma_start3A_453 : memref<1x64xf32, #tpu.memory_space<hbm>> -> memref<64xf32, #tpu.memory_space<hbm>>
      %dma_start3A_455 = arith.constant 0 : i32
      %dma_start3A_456 = tpu.memref_slice %arg9[%add3A_448, %dma_start3A_455] : memref<256x64xf32, #tpu.memory_space<vmem>> -> memref<1x64xf32, #tpu.memory_space<vmem>>
      %dma_start3A_457 = tpu.memref_squeeze %dma_start3A_456 : memref<1x64xf32, #tpu.memory_space<vmem>> -> memref<64xf32, #tpu.memory_space<vmem>>
      %dma_start3A_458 = arith.constant 0 : i32
      %dma_start3A_459 = tpu.memref_slice %arg4[%reduce_sum3A_434, %dma_start3A_458] : memref<100000x64xf32, #tpu.memory_space<hbm>> -> memref<1x64xf32, #tpu.memory_space<hbm>>
      %dma_start3A_460 = tpu.memref_squeeze %dma_start3A_459 : memref<1x64xf32, #tpu.memory_space<hbm>> -> memref<64xf32, #tpu.memory_space<hbm>>
      tpu.enqueue_dma source(%dma_start3A_460 : memref<64xf32, #tpu.memory_space<hbm>>) target(%dma_start3A_457 : memref<64xf32, #tpu.memory_space<vmem>>) target_semaphore(%arg12 : memref<!tpu.dma_semaphore, #tpu.memory_space<semaphore_mem>>)
      %dma_start3A_461 = arith.constant 0 : i32
      %dma_start3A_462 = tpu.memref_slice %arg10[%add3A_448, %dma_start3A_461] : memref<256x64xf32, #tpu.memory_space<vmem>> -> memref<1x64xf32, #tpu.memory_space<vmem>>
      %dma_start3A_463 = tpu.memref_squeeze %dma_start3A_462 : memref<1x64xf32, #tpu.memory_space<vmem>> -> memref<64xf32, #tpu.memory_space<vmem>>
      %dma_start3A_464 = arith.constant 0 : i32
      %dma_start3A_465 = tpu.memref_slice %arg5[%reduce_sum3A_444, %dma_start3A_464] : memref<100000x64xf32, #tpu.memory_space<hbm>> -> memref<1x64xf32, #tpu.memory_space<hbm>>
      %dma_start3A_466 = tpu.memref_squeeze %dma_start3A_465 : memref<1x64xf32, #tpu.memory_space<hbm>> -> memref<64xf32, #tpu.memory_space<hbm>>
      %dma_start3A_467 = arith.constant 0 : i32
      %dma_start3A_468 = tpu.memref_slice %arg10[%add3A_448, %dma_start3A_467] : memref<256x64xf32, #tpu.memory_space<vmem>> -> memref<1x64xf32, #tpu.memory_space<vmem>>
      %dma_start3A_469 = tpu.memref_squeeze %dma_start3A_468 : memref<1x64xf32, #tpu.memory_space<vmem>> -> memref<64xf32, #tpu.memory_space<vmem>>
      %dma_start3A_470 = arith.constant 0 : i32
      %dma_start3A_471 = tpu.memref_slice %arg5[%reduce_sum3A_444, %dma_start3A_470] : memref<100000x64xf32, #tpu.memory_space<hbm>> -> memref<1x64xf32, #tpu.memory_space<hbm>>
      %dma_start3A_472 = tpu.memref_squeeze %dma_start3A_471 : memref<1x64xf32, #tpu.memory_space<hbm>> -> memref<64xf32, #tpu.memory_space<hbm>>
      tpu.enqueue_dma source(%dma_start3A_472 : memref<64xf32, #tpu.memory_space<hbm>>) target(%dma_start3A_469 : memref<64xf32, #tpu.memory_space<vmem>>) target_semaphore(%arg13 : memref<!tpu.dma_semaphore, #tpu.memory_space<semaphore_mem>>)
      %eq3A_473 = arith.constant 9 : i32
      %eq3A_474 = vector.broadcast %eq3A_473 : i32 to vector<16xi32>
      %eq3A_475 = arith.cmpi eq, %iota3A, %eq3A_474 : vector<16xi32>
      %jit3A_476 = arith.constant 0 : i32
      %broadcast_in_dim3A_477 = vector.broadcast %jit3A_476 : i32 to vector<16xi32>
      %select_n3A_478 = arith.select %eq3A_475, %get3A_44, %broadcast_in_dim3A_477 : vector<16xi1>, vector<16xi32>
      %reduce_sum3A_479 = arith.constant true
      %reduce_sum3A_480 = vector.broadcast %reduce_sum3A_479 : i1 to vector<16xi1>
      %reduce_sum3A_481 = tpu.scan <sum>, %select_n3A_478 masked %reduce_sum3A_480 : vector<16xi32>, vector<16xi1> -> vector<16xi32>
      %reduce_sum3A_482 = vector.extract %reduce_sum3A_481[15] : i32 from vector<16xi32>
      %eq3A_483 = arith.constant 9 : i32
      %eq3A_484 = vector.broadcast %eq3A_483 : i32 to vector<16xi32>
      %eq3A_485 = arith.cmpi eq, %iota3A, %eq3A_484 : vector<16xi32>
      %jit3A_486 = arith.constant 0 : i32
      %broadcast_in_dim3A_487 = vector.broadcast %jit3A_486 : i32 to vector<16xi32>
      %select_n3A_488 = arith.select %eq3A_485, %get3A_46, %broadcast_in_dim3A_487 : vector<16xi1>, vector<16xi32>
      %reduce_sum3A_489 = arith.constant true
      %reduce_sum3A_490 = vector.broadcast %reduce_sum3A_489 : i1 to vector<16xi1>
      %reduce_sum3A_491 = tpu.scan <sum>, %select_n3A_488 masked %reduce_sum3A_490 : vector<16xi32>, vector<16xi1> -> vector<16xi32>
      %reduce_sum3A_492 = vector.extract %reduce_sum3A_491[15] : i32 from vector<16xi32>
      %mul3A_493 = arith.constant 16 : i32
      %mul3A_494 = arith.muli %scan3A_38, %mul3A_493 : i32
      %add3A_495 = arith.constant 9 : i32
      %add3A_496 = arith.addi %mul3A_494, %add3A_495 : i32
      %dma_start3A_497 = arith.constant 0 : i32
      %dma_start3A_498 = tpu.memref_slice %arg9[%add3A_496, %dma_start3A_497] : memref<256x64xf32, #tpu.memory_space<vmem>> -> memref<1x64xf32, #tpu.memory_space<vmem>>
      %dma_start3A_499 = tpu.memref_squeeze %dma_start3A_498 : memref<1x64xf32, #tpu.memory_space<vmem>> -> memref<64xf32, #tpu.memory_space<vmem>>
      %dma_start3A_500 = arith.constant 0 : i32
      %dma_start3A_501 = tpu.memref_slice %arg4[%reduce_sum3A_482, %dma_start3A_500] : memref<100000x64xf32, #tpu.memory_space<hbm>> -> memref<1x64xf32, #tpu.memory_space<hbm>>
      %dma_start3A_502 = tpu.memref_squeeze %dma_start3A_501 : memref<1x64xf32, #tpu.memory_space<hbm>> -> memref<64xf32, #tpu.memory_space<hbm>>
      %dma_start3A_503 = arith.constant 0 : i32
      %dma_start3A_504 = tpu.memref_slice %arg9[%add3A_496, %dma_start3A_503] : memref<256x64xf32, #tpu.memory_space<vmem>> -> memref<1x64xf32, #tpu.memory_space<vmem>>
      %dma_start3A_505 = tpu.memref_squeeze %dma_start3A_504 : memref<1x64xf32, #tpu.memory_space<vmem>> -> memref<64xf32, #tpu.memory_space<vmem>>
      %dma_start3A_506 = arith.constant 0 : i32
      %dma_start3A_507 = tpu.memref_slice %arg4[%reduce_sum3A_482, %dma_start3A_506] : memref<100000x64xf32, #tpu.memory_space<hbm>> -> memref<1x64xf32, #tpu.memory_space<hbm>>
      %dma_start3A_508 = tpu.memref_squeeze %dma_start3A_507 : memref<1x64xf32, #tpu.memory_space<hbm>> -> memref<64xf32, #tpu.memory_space<hbm>>
      tpu.enqueue_dma source(%dma_start3A_508 : memref<64xf32, #tpu.memory_space<hbm>>) target(%dma_start3A_505 : memref<64xf32, #tpu.memory_space<vmem>>) target_semaphore(%arg12 : memref<!tpu.dma_semaphore, #tpu.memory_space<semaphore_mem>>)
      %dma_start3A_509 = arith.constant 0 : i32
      %dma_start3A_510 = tpu.memref_slice %arg10[%add3A_496, %dma_start3A_509] : memref<256x64xf32, #tpu.memory_space<vmem>> -> memref<1x64xf32, #tpu.memory_space<vmem>>
      %dma_start3A_511 = tpu.memref_squeeze %dma_start3A_510 : memref<1x64xf32, #tpu.memory_space<vmem>> -> memref<64xf32, #tpu.memory_space<vmem>>
      %dma_start3A_512 = arith.constant 0 : i32
      %dma_start3A_513 = tpu.memref_slice %arg5[%reduce_sum3A_492, %dma_start3A_512] : memref<100000x64xf32, #tpu.memory_space<hbm>> -> memref<1x64xf32, #tpu.memory_space<hbm>>
      %dma_start3A_514 = tpu.memref_squeeze %dma_start3A_513 : memref<1x64xf32, #tpu.memory_space<hbm>> -> memref<64xf32, #tpu.memory_space<hbm>>
      %dma_start3A_515 = arith.constant 0 : i32
      %dma_start3A_516 = tpu.memref_slice %arg10[%add3A_496, %dma_start3A_515] : memref<256x64xf32, #tpu.memory_space<vmem>> -> memref<1x64xf32, #tpu.memory_space<vmem>>
      %dma_start3A_517 = tpu.memref_squeeze %dma_start3A_516 : memref<1x64xf32, #tpu.memory_space<vmem>> -> memref<64xf32, #tpu.memory_space<vmem>>
      %dma_start3A_518 = arith.constant 0 : i32
      %dma_start3A_519 = tpu.memref_slice %arg5[%reduce_sum3A_492, %dma_start3A_518] : memref<100000x64xf32, #tpu.memory_space<hbm>> -> memref<1x64xf32, #tpu.memory_space<hbm>>
      %dma_start3A_520 = tpu.memref_squeeze %dma_start3A_519 : memref<1x64xf32, #tpu.memory_space<hbm>> -> memref<64xf32, #tpu.memory_space<hbm>>
      tpu.enqueue_dma source(%dma_start3A_520 : memref<64xf32, #tpu.memory_space<hbm>>) target(%dma_start3A_517 : memref<64xf32, #tpu.memory_space<vmem>>) target_semaphore(%arg13 : memref<!tpu.dma_semaphore, #tpu.memory_space<semaphore_mem>>)
      %eq3A_521 = arith.constant 10 : i32
      %eq3A_522 = vector.broadcast %eq3A_521 : i32 to vector<16xi32>
      %eq3A_523 = arith.cmpi eq, %iota3A, %eq3A_522 : vector<16xi32>
      %jit3A_524 = arith.constant 0 : i32
      %broadcast_in_dim3A_525 = vector.broadcast %jit3A_524 : i32 to vector<16xi32>
      %select_n3A_526 = arith.select %eq3A_523, %get3A_44, %broadcast_in_dim3A_525 : vector<16xi1>, vector<16xi32>
      %reduce_sum3A_527 = arith.constant true
      %reduce_sum3A_528 = vector.broadcast %reduce_sum3A_527 : i1 to vector<16xi1>
      %reduce_sum3A_529 = tpu.scan <sum>, %select_n3A_526 masked %reduce_sum3A_528 : vector<16xi32>, vector<16xi1> -> vector<16xi32>
      %reduce_sum3A_530 = vector.extract %reduce_sum3A_529[15] : i32 from vector<16xi32>
      %eq3A_531 = arith.constant 10 : i32
      %eq3A_532 = vector.broadcast %eq3A_531 : i32 to vector<16xi32>
      %eq3A_533 = arith.cmpi eq, %iota3A, %eq3A_532 : vector<16xi32>
      %jit3A_534 = arith.constant 0 : i32
      %broadcast_in_dim3A_535 = vector.broadcast %jit3A_534 : i32 to vector<16xi32>
      %select_n3A_536 = arith.select %eq3A_533, %get3A_46, %broadcast_in_dim3A_535 : vector<16xi1>, vector<16xi32>
      %reduce_sum3A_537 = arith.constant true
      %reduce_sum3A_538 = vector.broadcast %reduce_sum3A_537 : i1 to vector<16xi1>
      %reduce_sum3A_539 = tpu.scan <sum>, %select_n3A_536 masked %reduce_sum3A_538 : vector<16xi32>, vector<16xi1> -> vector<16xi32>
      %reduce_sum3A_540 = vector.extract %reduce_sum3A_539[15] : i32 from vector<16xi32>
      %mul3A_541 = arith.constant 16 : i32
      %mul3A_542 = arith.muli %scan3A_38, %mul3A_541 : i32
      %add3A_543 = arith.constant 10 : i32
      %add3A_544 = arith.addi %mul3A_542, %add3A_543 : i32
      %dma_start3A_545 = arith.constant 0 : i32
      %dma_start3A_546 = tpu.memref_slice %arg9[%add3A_544, %dma_start3A_545] : memref<256x64xf32, #tpu.memory_space<vmem>> -> memref<1x64xf32, #tpu.memory_space<vmem>>
      %dma_start3A_547 = tpu.memref_squeeze %dma_start3A_546 : memref<1x64xf32, #tpu.memory_space<vmem>> -> memref<64xf32, #tpu.memory_space<vmem>>
      %dma_start3A_548 = arith.constant 0 : i32
      %dma_start3A_549 = tpu.memref_slice %arg4[%reduce_sum3A_530, %dma_start3A_548] : memref<100000x64xf32, #tpu.memory_space<hbm>> -> memref<1x64xf32, #tpu.memory_space<hbm>>
      %dma_start3A_550 = tpu.memref_squeeze %dma_start3A_549 : memref<1x64xf32, #tpu.memory_space<hbm>> -> memref<64xf32, #tpu.memory_space<hbm>>
      %dma_start3A_551 = arith.constant 0 : i32
      %dma_start3A_552 = tpu.memref_slice %arg9[%add3A_544, %dma_start3A_551] : memref<256x64xf32, #tpu.memory_space<vmem>> -> memref<1x64xf32, #tpu.memory_space<vmem>>
      %dma_start3A_553 = tpu.memref_squeeze %dma_start3A_552 : memref<1x64xf32, #tpu.memory_space<vmem>> -> memref<64xf32, #tpu.memory_space<vmem>>
      %dma_start3A_554 = arith.constant 0 : i32
      %dma_start3A_555 = tpu.memref_slice %arg4[%reduce_sum3A_530, %dma_start3A_554] : memref<100000x64xf32, #tpu.memory_space<hbm>> -> memref<1x64xf32, #tpu.memory_space<hbm>>
      %dma_start3A_556 = tpu.memref_squeeze %dma_start3A_555 : memref<1x64xf32, #tpu.memory_space<hbm>> -> memref<64xf32, #tpu.memory_space<hbm>>
      tpu.enqueue_dma source(%dma_start3A_556 : memref<64xf32, #tpu.memory_space<hbm>>) target(%dma_start3A_553 : memref<64xf32, #tpu.memory_space<vmem>>) target_semaphore(%arg12 : memref<!tpu.dma_semaphore, #tpu.memory_space<semaphore_mem>>)
      %dma_start3A_557 = arith.constant 0 : i32
      %dma_start3A_558 = tpu.memref_slice %arg10[%add3A_544, %dma_start3A_557] : memref<256x64xf32, #tpu.memory_space<vmem>> -> memref<1x64xf32, #tpu.memory_space<vmem>>
      %dma_start3A_559 = tpu.memref_squeeze %dma_start3A_558 : memref<1x64xf32, #tpu.memory_space<vmem>> -> memref<64xf32, #tpu.memory_space<vmem>>
      %dma_start3A_560 = arith.constant 0 : i32
      %dma_start3A_561 = tpu.memref_slice %arg5[%reduce_sum3A_540, %dma_start3A_560] : memref<100000x64xf32, #tpu.memory_space<hbm>> -> memref<1x64xf32, #tpu.memory_space<hbm>>
      %dma_start3A_562 = tpu.memref_squeeze %dma_start3A_561 : memref<1x64xf32, #tpu.memory_space<hbm>> -> memref<64xf32, #tpu.memory_space<hbm>>
      %dma_start3A_563 = arith.constant 0 : i32
      %dma_start3A_564 = tpu.memref_slice %arg10[%add3A_544, %dma_start3A_563] : memref<256x64xf32, #tpu.memory_space<vmem>> -> memref<1x64xf32, #tpu.memory_space<vmem>>
      %dma_start3A_565 = tpu.memref_squeeze %dma_start3A_564 : memref<1x64xf32, #tpu.memory_space<vmem>> -> memref<64xf32, #tpu.memory_space<vmem>>
      %dma_start3A_566 = arith.constant 0 : i32
      %dma_start3A_567 = tpu.memref_slice %arg5[%reduce_sum3A_540, %dma_start3A_566] : memref<100000x64xf32, #tpu.memory_space<hbm>> -> memref<1x64xf32, #tpu.memory_space<hbm>>
      %dma_start3A_568 = tpu.memref_squeeze %dma_start3A_567 : memref<1x64xf32, #tpu.memory_space<hbm>> -> memref<64xf32, #tpu.memory_space<hbm>>
      tpu.enqueue_dma source(%dma_start3A_568 : memref<64xf32, #tpu.memory_space<hbm>>) target(%dma_start3A_565 : memref<64xf32, #tpu.memory_space<vmem>>) target_semaphore(%arg13 : memref<!tpu.dma_semaphore, #tpu.memory_space<semaphore_mem>>)
      %eq3A_569 = arith.constant 11 : i32
      %eq3A_570 = vector.broadcast %eq3A_569 : i32 to vector<16xi32>
      %eq3A_571 = arith.cmpi eq, %iota3A, %eq3A_570 : vector<16xi32>
      %jit3A_572 = arith.constant 0 : i32
      %broadcast_in_dim3A_573 = vector.broadcast %jit3A_572 : i32 to vector<16xi32>
      %select_n3A_574 = arith.select %eq3A_571, %get3A_44, %broadcast_in_dim3A_573 : vector<16xi1>, vector<16xi32>
      %reduce_sum3A_575 = arith.constant true
      %reduce_sum3A_576 = vector.broadcast %reduce_sum3A_575 : i1 to vector<16xi1>
      %reduce_sum3A_577 = tpu.scan <sum>, %select_n3A_574 masked %reduce_sum3A_576 : vector<16xi32>, vector<16xi1> -> vector<16xi32>
      %reduce_sum3A_578 = vector.extract %reduce_sum3A_577[15] : i32 from vector<16xi32>
      %eq3A_579 = arith.constant 11 : i32
      %eq3A_580 = vector.broadcast %eq3A_579 : i32 to vector<16xi32>
      %eq3A_581 = arith.cmpi eq, %iota3A, %eq3A_580 : vector<16xi32>
      %jit3A_582 = arith.constant 0 : i32
      %broadcast_in_dim3A_583 = vector.broadcast %jit3A_582 : i32 to vector<16xi32>
      %select_n3A_584 = arith.select %eq3A_581, %get3A_46, %broadcast_in_dim3A_583 : vector<16xi1>, vector<16xi32>
      %reduce_sum3A_585 = arith.constant true
      %reduce_sum3A_586 = vector.broadcast %reduce_sum3A_585 : i1 to vector<16xi1>
      %reduce_sum3A_587 = tpu.scan <sum>, %select_n3A_584 masked %reduce_sum3A_586 : vector<16xi32>, vector<16xi1> -> vector<16xi32>
      %reduce_sum3A_588 = vector.extract %reduce_sum3A_587[15] : i32 from vector<16xi32>
      %mul3A_589 = arith.constant 16 : i32
      %mul3A_590 = arith.muli %scan3A_38, %mul3A_589 : i32
      %add3A_591 = arith.constant 11 : i32
      %add3A_592 = arith.addi %mul3A_590, %add3A_591 : i32
      %dma_start3A_593 = arith.constant 0 : i32
      %dma_start3A_594 = tpu.memref_slice %arg9[%add3A_592, %dma_start3A_593] : memref<256x64xf32, #tpu.memory_space<vmem>> -> memref<1x64xf32, #tpu.memory_space<vmem>>
      %dma_start3A_595 = tpu.memref_squeeze %dma_start3A_594 : memref<1x64xf32, #tpu.memory_space<vmem>> -> memref<64xf32, #tpu.memory_space<vmem>>
      %dma_start3A_596 = arith.constant 0 : i32
      %dma_start3A_597 = tpu.memref_slice %arg4[%reduce_sum3A_578, %dma_start3A_596] : memref<100000x64xf32, #tpu.memory_space<hbm>> -> memref<1x64xf32, #tpu.memory_space<hbm>>
      %dma_start3A_598 = tpu.memref_squeeze %dma_start3A_597 : memref<1x64xf32, #tpu.memory_space<hbm>> -> memref<64xf32, #tpu.memory_space<hbm>>
      %dma_start3A_599 = arith.constant 0 : i32
      %dma_start3A_600 = tpu.memref_slice %arg9[%add3A_592, %dma_start3A_599] : memref<256x64xf32, #tpu.memory_space<vmem>> -> memref<1x64xf32, #tpu.memory_space<vmem>>
      %dma_start3A_601 = tpu.memref_squeeze %dma_start3A_600 : memref<1x64xf32, #tpu.memory_space<vmem>> -> memref<64xf32, #tpu.memory_space<vmem>>
      %dma_start3A_602 = arith.constant 0 : i32
      %dma_start3A_603 = tpu.memref_slice %arg4[%reduce_sum3A_578, %dma_start3A_602] : memref<100000x64xf32, #tpu.memory_space<hbm>> -> memref<1x64xf32, #tpu.memory_space<hbm>>
      %dma_start3A_604 = tpu.memref_squeeze %dma_start3A_603 : memref<1x64xf32, #tpu.memory_space<hbm>> -> memref<64xf32, #tpu.memory_space<hbm>>
      tpu.enqueue_dma source(%dma_start3A_604 : memref<64xf32, #tpu.memory_space<hbm>>) target(%dma_start3A_601 : memref<64xf32, #tpu.memory_space<vmem>>) target_semaphore(%arg12 : memref<!tpu.dma_semaphore, #tpu.memory_space<semaphore_mem>>)
      %dma_start3A_605 = arith.constant 0 : i32
      %dma_start3A_606 = tpu.memref_slice %arg10[%add3A_592, %dma_start3A_605] : memref<256x64xf32, #tpu.memory_space<vmem>> -> memref<1x64xf32, #tpu.memory_space<vmem>>
      %dma_start3A_607 = tpu.memref_squeeze %dma_start3A_606 : memref<1x64xf32, #tpu.memory_space<vmem>> -> memref<64xf32, #tpu.memory_space<vmem>>
      %dma_start3A_608 = arith.constant 0 : i32
      %dma_start3A_609 = tpu.memref_slice %arg5[%reduce_sum3A_588, %dma_start3A_608] : memref<100000x64xf32, #tpu.memory_space<hbm>> -> memref<1x64xf32, #tpu.memory_space<hbm>>
      %dma_start3A_610 = tpu.memref_squeeze %dma_start3A_609 : memref<1x64xf32, #tpu.memory_space<hbm>> -> memref<64xf32, #tpu.memory_space<hbm>>
      %dma_start3A_611 = arith.constant 0 : i32
      %dma_start3A_612 = tpu.memref_slice %arg10[%add3A_592, %dma_start3A_611] : memref<256x64xf32, #tpu.memory_space<vmem>> -> memref<1x64xf32, #tpu.memory_space<vmem>>
      %dma_start3A_613 = tpu.memref_squeeze %dma_start3A_612 : memref<1x64xf32, #tpu.memory_space<vmem>> -> memref<64xf32, #tpu.memory_space<vmem>>
      %dma_start3A_614 = arith.constant 0 : i32
      %dma_start3A_615 = tpu.memref_slice %arg5[%reduce_sum3A_588, %dma_start3A_614] : memref<100000x64xf32, #tpu.memory_space<hbm>> -> memref<1x64xf32, #tpu.memory_space<hbm>>
      %dma_start3A_616 = tpu.memref_squeeze %dma_start3A_615 : memref<1x64xf32, #tpu.memory_space<hbm>> -> memref<64xf32, #tpu.memory_space<hbm>>
      tpu.enqueue_dma source(%dma_start3A_616 : memref<64xf32, #tpu.memory_space<hbm>>) target(%dma_start3A_613 : memref<64xf32, #tpu.memory_space<vmem>>) target_semaphore(%arg13 : memref<!tpu.dma_semaphore, #tpu.memory_space<semaphore_mem>>)
      %eq3A_617 = arith.constant 12 : i32
      %eq3A_618 = vector.broadcast %eq3A_617 : i32 to vector<16xi32>
      %eq3A_619 = arith.cmpi eq, %iota3A, %eq3A_618 : vector<16xi32>
      %jit3A_620 = arith.constant 0 : i32
      %broadcast_in_dim3A_621 = vector.broadcast %jit3A_620 : i32 to vector<16xi32>
      %select_n3A_622 = arith.select %eq3A_619, %get3A_44, %broadcast_in_dim3A_621 : vector<16xi1>, vector<16xi32>
      %reduce_sum3A_623 = arith.constant true
      %reduce_sum3A_624 = vector.broadcast %reduce_sum3A_623 : i1 to vector<16xi1>
      %reduce_sum3A_625 = tpu.scan <sum>, %select_n3A_622 masked %reduce_sum3A_624 : vector<16xi32>, vector<16xi1> -> vector<16xi32>
      %reduce_sum3A_626 = vector.extract %reduce_sum3A_625[15] : i32 from vector<16xi32>
      %eq3A_627 = arith.constant 12 : i32
      %eq3A_628 = vector.broadcast %eq3A_627 : i32 to vector<16xi32>
      %eq3A_629 = arith.cmpi eq, %iota3A, %eq3A_628 : vector<16xi32>
      %jit3A_630 = arith.constant 0 : i32
      %broadcast_in_dim3A_631 = vector.broadcast %jit3A_630 : i32 to vector<16xi32>
      %select_n3A_632 = arith.select %eq3A_629, %get3A_46, %broadcast_in_dim3A_631 : vector<16xi1>, vector<16xi32>
      %reduce_sum3A_633 = arith.constant true
      %reduce_sum3A_634 = vector.broadcast %reduce_sum3A_633 : i1 to vector<16xi1>
      %reduce_sum3A_635 = tpu.scan <sum>, %select_n3A_632 masked %reduce_sum3A_634 : vector<16xi32>, vector<16xi1> -> vector<16xi32>
      %reduce_sum3A_636 = vector.extract %reduce_sum3A_635[15] : i32 from vector<16xi32>
      %mul3A_637 = arith.constant 16 : i32
      %mul3A_638 = arith.muli %scan3A_38, %mul3A_637 : i32
      %add3A_639 = arith.constant 12 : i32
      %add3A_640 = arith.addi %mul3A_638, %add3A_639 : i32
      %dma_start3A_641 = arith.constant 0 : i32
      %dma_start3A_642 = tpu.memref_slice %arg9[%add3A_640, %dma_start3A_641] : memref<256x64xf32, #tpu.memory_space<vmem>> -> memref<1x64xf32, #tpu.memory_space<vmem>>
      %dma_start3A_643 = tpu.memref_squeeze %dma_start3A_642 : memref<1x64xf32, #tpu.memory_space<vmem>> -> memref<64xf32, #tpu.memory_space<vmem>>
      %dma_start3A_644 = arith.constant 0 : i32
      %dma_start3A_645 = tpu.memref_slice %arg4[%reduce_sum3A_626, %dma_start3A_644] : memref<100000x64xf32, #tpu.memory_space<hbm>> -> memref<1x64xf32, #tpu.memory_space<hbm>>
      %dma_start3A_646 = tpu.memref_squeeze %dma_start3A_645 : memref<1x64xf32, #tpu.memory_space<hbm>> -> memref<64xf32, #tpu.memory_space<hbm>>
      %dma_start3A_647 = arith.constant 0 : i32
      %dma_start3A_648 = tpu.memref_slice %arg9[%add3A_640, %dma_start3A_647] : memref<256x64xf32, #tpu.memory_space<vmem>> -> memref<1x64xf32, #tpu.memory_space<vmem>>
      %dma_start3A_649 = tpu.memref_squeeze %dma_start3A_648 : memref<1x64xf32, #tpu.memory_space<vmem>> -> memref<64xf32, #tpu.memory_space<vmem>>
      %dma_start3A_650 = arith.constant 0 : i32
      %dma_start3A_651 = tpu.memref_slice %arg4[%reduce_sum3A_626, %dma_start3A_650] : memref<100000x64xf32, #tpu.memory_space<hbm>> -> memref<1x64xf32, #tpu.memory_space<hbm>>
      %dma_start3A_652 = tpu.memref_squeeze %dma_start3A_651 : memref<1x64xf32, #tpu.memory_space<hbm>> -> memref<64xf32, #tpu.memory_space<hbm>>
      tpu.enqueue_dma source(%dma_start3A_652 : memref<64xf32, #tpu.memory_space<hbm>>) target(%dma_start3A_649 : memref<64xf32, #tpu.memory_space<vmem>>) target_semaphore(%arg12 : memref<!tpu.dma_semaphore, #tpu.memory_space<semaphore_mem>>)
      %dma_start3A_653 = arith.constant 0 : i32
      %dma_start3A_654 = tpu.memref_slice %arg10[%add3A_640, %dma_start3A_653] : memref<256x64xf32, #tpu.memory_space<vmem>> -> memref<1x64xf32, #tpu.memory_space<vmem>>
      %dma_start3A_655 = tpu.memref_squeeze %dma_start3A_654 : memref<1x64xf32, #tpu.memory_space<vmem>> -> memref<64xf32, #tpu.memory_space<vmem>>
      %dma_start3A_656 = arith.constant 0 : i32
      %dma_start3A_657 = tpu.memref_slice %arg5[%reduce_sum3A_636, %dma_start3A_656] : memref<100000x64xf32, #tpu.memory_space<hbm>> -> memref<1x64xf32, #tpu.memory_space<hbm>>
      %dma_start3A_658 = tpu.memref_squeeze %dma_start3A_657 : memref<1x64xf32, #tpu.memory_space<hbm>> -> memref<64xf32, #tpu.memory_space<hbm>>
      %dma_start3A_659 = arith.constant 0 : i32
      %dma_start3A_660 = tpu.memref_slice %arg10[%add3A_640, %dma_start3A_659] : memref<256x64xf32, #tpu.memory_space<vmem>> -> memref<1x64xf32, #tpu.memory_space<vmem>>
      %dma_start3A_661 = tpu.memref_squeeze %dma_start3A_660 : memref<1x64xf32, #tpu.memory_space<vmem>> -> memref<64xf32, #tpu.memory_space<vmem>>
      %dma_start3A_662 = arith.constant 0 : i32
      %dma_start3A_663 = tpu.memref_slice %arg5[%reduce_sum3A_636, %dma_start3A_662] : memref<100000x64xf32, #tpu.memory_space<hbm>> -> memref<1x64xf32, #tpu.memory_space<hbm>>
      %dma_start3A_664 = tpu.memref_squeeze %dma_start3A_663 : memref<1x64xf32, #tpu.memory_space<hbm>> -> memref<64xf32, #tpu.memory_space<hbm>>
      tpu.enqueue_dma source(%dma_start3A_664 : memref<64xf32, #tpu.memory_space<hbm>>) target(%dma_start3A_661 : memref<64xf32, #tpu.memory_space<vmem>>) target_semaphore(%arg13 : memref<!tpu.dma_semaphore, #tpu.memory_space<semaphore_mem>>)
      %eq3A_665 = arith.constant 13 : i32
      %eq3A_666 = vector.broadcast %eq3A_665 : i32 to vector<16xi32>
      %eq3A_667 = arith.cmpi eq, %iota3A, %eq3A_666 : vector<16xi32>
      %jit3A_668 = arith.constant 0 : i32
      %broadcast_in_dim3A_669 = vector.broadcast %jit3A_668 : i32 to vector<16xi32>
      %select_n3A_670 = arith.select %eq3A_667, %get3A_44, %broadcast_in_dim3A_669 : vector<16xi1>, vector<16xi32>
      %reduce_sum3A_671 = arith.constant true
      %reduce_sum3A_672 = vector.broadcast %reduce_sum3A_671 : i1 to vector<16xi1>
      %reduce_sum3A_673 = tpu.scan <sum>, %select_n3A_670 masked %reduce_sum3A_672 : vector<16xi32>, vector<16xi1> -> vector<16xi32>
      %reduce_sum3A_674 = vector.extract %reduce_sum3A_673[15] : i32 from vector<16xi32>
      %eq3A_675 = arith.constant 13 : i32
      %eq3A_676 = vector.broadcast %eq3A_675 : i32 to vector<16xi32>
      %eq3A_677 = arith.cmpi eq, %iota3A, %eq3A_676 : vector<16xi32>
      %jit3A_678 = arith.constant 0 : i32
      %broadcast_in_dim3A_679 = vector.broadcast %jit3A_678 : i32 to vector<16xi32>
      %select_n3A_680 = arith.select %eq3A_677, %get3A_46, %broadcast_in_dim3A_679 : vector<16xi1>, vector<16xi32>
      %reduce_sum3A_681 = arith.constant true
      %reduce_sum3A_682 = vector.broadcast %reduce_sum3A_681 : i1 to vector<16xi1>
      %reduce_sum3A_683 = tpu.scan <sum>, %select_n3A_680 masked %reduce_sum3A_682 : vector<16xi32>, vector<16xi1> -> vector<16xi32>
      %reduce_sum3A_684 = vector.extract %reduce_sum3A_683[15] : i32 from vector<16xi32>
      %mul3A_685 = arith.constant 16 : i32
      %mul3A_686 = arith.muli %scan3A_38, %mul3A_685 : i32
      %add3A_687 = arith.constant 13 : i32
      %add3A_688 = arith.addi %mul3A_686, %add3A_687 : i32
      %dma_start3A_689 = arith.constant 0 : i32
      %dma_start3A_690 = tpu.memref_slice %arg9[%add3A_688, %dma_start3A_689] : memref<256x64xf32, #tpu.memory_space<vmem>> -> memref<1x64xf32, #tpu.memory_space<vmem>>
      %dma_start3A_691 = tpu.memref_squeeze %dma_start3A_690 : memref<1x64xf32, #tpu.memory_space<vmem>> -> memref<64xf32, #tpu.memory_space<vmem>>
      %dma_start3A_692 = arith.constant 0 : i32
      %dma_start3A_693 = tpu.memref_slice %arg4[%reduce_sum3A_674, %dma_start3A_692] : memref<100000x64xf32, #tpu.memory_space<hbm>> -> memref<1x64xf32, #tpu.memory_space<hbm>>
      %dma_start3A_694 = tpu.memref_squeeze %dma_start3A_693 : memref<1x64xf32, #tpu.memory_space<hbm>> -> memref<64xf32, #tpu.memory_space<hbm>>
      %dma_start3A_695 = arith.constant 0 : i32
      %dma_start3A_696 = tpu.memref_slice %arg9[%add3A_688, %dma_start3A_695] : memref<256x64xf32, #tpu.memory_space<vmem>> -> memref<1x64xf32, #tpu.memory_space<vmem>>
      %dma_start3A_697 = tpu.memref_squeeze %dma_start3A_696 : memref<1x64xf32, #tpu.memory_space<vmem>> -> memref<64xf32, #tpu.memory_space<vmem>>
      %dma_start3A_698 = arith.constant 0 : i32
      %dma_start3A_699 = tpu.memref_slice %arg4[%reduce_sum3A_674, %dma_start3A_698] : memref<100000x64xf32, #tpu.memory_space<hbm>> -> memref<1x64xf32, #tpu.memory_space<hbm>>
      %dma_start3A_700 = tpu.memref_squeeze %dma_start3A_699 : memref<1x64xf32, #tpu.memory_space<hbm>> -> memref<64xf32, #tpu.memory_space<hbm>>
      tpu.enqueue_dma source(%dma_start3A_700 : memref<64xf32, #tpu.memory_space<hbm>>) target(%dma_start3A_697 : memref<64xf32, #tpu.memory_space<vmem>>) target_semaphore(%arg12 : memref<!tpu.dma_semaphore, #tpu.memory_space<semaphore_mem>>)
      %dma_start3A_701 = arith.constant 0 : i32
      %dma_start3A_702 = tpu.memref_slice %arg10[%add3A_688, %dma_start3A_701] : memref<256x64xf32, #tpu.memory_space<vmem>> -> memref<1x64xf32, #tpu.memory_space<vmem>>
      %dma_start3A_703 = tpu.memref_squeeze %dma_start3A_702 : memref<1x64xf32, #tpu.memory_space<vmem>> -> memref<64xf32, #tpu.memory_space<vmem>>
      %dma_start3A_704 = arith.constant 0 : i32
      %dma_start3A_705 = tpu.memref_slice %arg5[%reduce_sum3A_684, %dma_start3A_704] : memref<100000x64xf32, #tpu.memory_space<hbm>> -> memref<1x64xf32, #tpu.memory_space<hbm>>
      %dma_start3A_706 = tpu.memref_squeeze %dma_start3A_705 : memref<1x64xf32, #tpu.memory_space<hbm>> -> memref<64xf32, #tpu.memory_space<hbm>>
      %dma_start3A_707 = arith.constant 0 : i32
      %dma_start3A_708 = tpu.memref_slice %arg10[%add3A_688, %dma_start3A_707] : memref<256x64xf32, #tpu.memory_space<vmem>> -> memref<1x64xf32, #tpu.memory_space<vmem>>
      %dma_start3A_709 = tpu.memref_squeeze %dma_start3A_708 : memref<1x64xf32, #tpu.memory_space<vmem>> -> memref<64xf32, #tpu.memory_space<vmem>>
      %dma_start3A_710 = arith.constant 0 : i32
      %dma_start3A_711 = tpu.memref_slice %arg5[%reduce_sum3A_684, %dma_start3A_710] : memref<100000x64xf32, #tpu.memory_space<hbm>> -> memref<1x64xf32, #tpu.memory_space<hbm>>
      %dma_start3A_712 = tpu.memref_squeeze %dma_start3A_711 : memref<1x64xf32, #tpu.memory_space<hbm>> -> memref<64xf32, #tpu.memory_space<hbm>>
      tpu.enqueue_dma source(%dma_start3A_712 : memref<64xf32, #tpu.memory_space<hbm>>) target(%dma_start3A_709 : memref<64xf32, #tpu.memory_space<vmem>>) target_semaphore(%arg13 : memref<!tpu.dma_semaphore, #tpu.memory_space<semaphore_mem>>)
      %eq3A_713 = arith.constant 14 : i32
      %eq3A_714 = vector.broadcast %eq3A_713 : i32 to vector<16xi32>
      %eq3A_715 = arith.cmpi eq, %iota3A, %eq3A_714 : vector<16xi32>
      %jit3A_716 = arith.constant 0 : i32
      %broadcast_in_dim3A_717 = vector.broadcast %jit3A_716 : i32 to vector<16xi32>
      %select_n3A_718 = arith.select %eq3A_715, %get3A_44, %broadcast_in_dim3A_717 : vector<16xi1>, vector<16xi32>
      %reduce_sum3A_719 = arith.constant true
      %reduce_sum3A_720 = vector.broadcast %reduce_sum3A_719 : i1 to vector<16xi1>
      %reduce_sum3A_721 = tpu.scan <sum>, %select_n3A_718 masked %reduce_sum3A_720 : vector<16xi32>, vector<16xi1> -> vector<16xi32>
      %reduce_sum3A_722 = vector.extract %reduce_sum3A_721[15] : i32 from vector<16xi32>
      %eq3A_723 = arith.constant 14 : i32
      %eq3A_724 = vector.broadcast %eq3A_723 : i32 to vector<16xi32>
      %eq3A_725 = arith.cmpi eq, %iota3A, %eq3A_724 : vector<16xi32>
      %jit3A_726 = arith.constant 0 : i32
      %broadcast_in_dim3A_727 = vector.broadcast %jit3A_726 : i32 to vector<16xi32>
      %select_n3A_728 = arith.select %eq3A_725, %get3A_46, %broadcast_in_dim3A_727 : vector<16xi1>, vector<16xi32>
      %reduce_sum3A_729 = arith.constant true
      %reduce_sum3A_730 = vector.broadcast %reduce_sum3A_729 : i1 to vector<16xi1>
      %reduce_sum3A_731 = tpu.scan <sum>, %select_n3A_728 masked %reduce_sum3A_730 : vector<16xi32>, vector<16xi1> -> vector<16xi32>
      %reduce_sum3A_732 = vector.extract %reduce_sum3A_731[15] : i32 from vector<16xi32>
      %mul3A_733 = arith.constant 16 : i32
      %mul3A_734 = arith.muli %scan3A_38, %mul3A_733 : i32
      %add3A_735 = arith.constant 14 : i32
      %add3A_736 = arith.addi %mul3A_734, %add3A_735 : i32
      %dma_start3A_737 = arith.constant 0 : i32
      %dma_start3A_738 = tpu.memref_slice %arg9[%add3A_736, %dma_start3A_737] : memref<256x64xf32, #tpu.memory_space<vmem>> -> memref<1x64xf32, #tpu.memory_space<vmem>>
      %dma_start3A_739 = tpu.memref_squeeze %dma_start3A_738 : memref<1x64xf32, #tpu.memory_space<vmem>> -> memref<64xf32, #tpu.memory_space<vmem>>
      %dma_start3A_740 = arith.constant 0 : i32
      %dma_start3A_741 = tpu.memref_slice %arg4[%reduce_sum3A_722, %dma_start3A_740] : memref<100000x64xf32, #tpu.memory_space<hbm>> -> memref<1x64xf32, #tpu.memory_space<hbm>>
      %dma_start3A_742 = tpu.memref_squeeze %dma_start3A_741 : memref<1x64xf32, #tpu.memory_space<hbm>> -> memref<64xf32, #tpu.memory_space<hbm>>
      %dma_start3A_743 = arith.constant 0 : i32
      %dma_start3A_744 = tpu.memref_slice %arg9[%add3A_736, %dma_start3A_743] : memref<256x64xf32, #tpu.memory_space<vmem>> -> memref<1x64xf32, #tpu.memory_space<vmem>>
      %dma_start3A_745 = tpu.memref_squeeze %dma_start3A_744 : memref<1x64xf32, #tpu.memory_space<vmem>> -> memref<64xf32, #tpu.memory_space<vmem>>
      %dma_start3A_746 = arith.constant 0 : i32
      %dma_start3A_747 = tpu.memref_slice %arg4[%reduce_sum3A_722, %dma_start3A_746] : memref<100000x64xf32, #tpu.memory_space<hbm>> -> memref<1x64xf32, #tpu.memory_space<hbm>>
      %dma_start3A_748 = tpu.memref_squeeze %dma_start3A_747 : memref<1x64xf32, #tpu.memory_space<hbm>> -> memref<64xf32, #tpu.memory_space<hbm>>
      tpu.enqueue_dma source(%dma_start3A_748 : memref<64xf32, #tpu.memory_space<hbm>>) target(%dma_start3A_745 : memref<64xf32, #tpu.memory_space<vmem>>) target_semaphore(%arg12 : memref<!tpu.dma_semaphore, #tpu.memory_space<semaphore_mem>>)
      %dma_start3A_749 = arith.constant 0 : i32
      %dma_start3A_750 = tpu.memref_slice %arg10[%add3A_736, %dma_start3A_749] : memref<256x64xf32, #tpu.memory_space<vmem>> -> memref<1x64xf32, #tpu.memory_space<vmem>>
      %dma_start3A_751 = tpu.memref_squeeze %dma_start3A_750 : memref<1x64xf32, #tpu.memory_space<vmem>> -> memref<64xf32, #tpu.memory_space<vmem>>
      %dma_start3A_752 = arith.constant 0 : i32
      %dma_start3A_753 = tpu.memref_slice %arg5[%reduce_sum3A_732, %dma_start3A_752] : memref<100000x64xf32, #tpu.memory_space<hbm>> -> memref<1x64xf32, #tpu.memory_space<hbm>>
      %dma_start3A_754 = tpu.memref_squeeze %dma_start3A_753 : memref<1x64xf32, #tpu.memory_space<hbm>> -> memref<64xf32, #tpu.memory_space<hbm>>
      %dma_start3A_755 = arith.constant 0 : i32
      %dma_start3A_756 = tpu.memref_slice %arg10[%add3A_736, %dma_start3A_755] : memref<256x64xf32, #tpu.memory_space<vmem>> -> memref<1x64xf32, #tpu.memory_space<vmem>>
      %dma_start3A_757 = tpu.memref_squeeze %dma_start3A_756 : memref<1x64xf32, #tpu.memory_space<vmem>> -> memref<64xf32, #tpu.memory_space<vmem>>
      %dma_start3A_758 = arith.constant 0 : i32
      %dma_start3A_759 = tpu.memref_slice %arg5[%reduce_sum3A_732, %dma_start3A_758] : memref<100000x64xf32, #tpu.memory_space<hbm>> -> memref<1x64xf32, #tpu.memory_space<hbm>>
      %dma_start3A_760 = tpu.memref_squeeze %dma_start3A_759 : memref<1x64xf32, #tpu.memory_space<hbm>> -> memref<64xf32, #tpu.memory_space<hbm>>
      tpu.enqueue_dma source(%dma_start3A_760 : memref<64xf32, #tpu.memory_space<hbm>>) target(%dma_start3A_757 : memref<64xf32, #tpu.memory_space<vmem>>) target_semaphore(%arg13 : memref<!tpu.dma_semaphore, #tpu.memory_space<semaphore_mem>>)
      %eq3A_761 = arith.constant 15 : i32
      %eq3A_762 = vector.broadcast %eq3A_761 : i32 to vector<16xi32>
      %eq3A_763 = arith.cmpi eq, %iota3A, %eq3A_762 : vector<16xi32>
      %jit3A_764 = arith.constant 0 : i32
      %broadcast_in_dim3A_765 = vector.broadcast %jit3A_764 : i32 to vector<16xi32>
      %select_n3A_766 = arith.select %eq3A_763, %get3A_44, %broadcast_in_dim3A_765 : vector<16xi1>, vector<16xi32>
      %reduce_sum3A_767 = arith.constant true
      %reduce_sum3A_768 = vector.broadcast %reduce_sum3A_767 : i1 to vector<16xi1>
      %reduce_sum3A_769 = tpu.scan <sum>, %select_n3A_766 masked %reduce_sum3A_768 : vector<16xi32>, vector<16xi1> -> vector<16xi32>
      %reduce_sum3A_770 = vector.extract %reduce_sum3A_769[15] : i32 from vector<16xi32>
      %eq3A_771 = arith.constant 15 : i32
      %eq3A_772 = vector.broadcast %eq3A_771 : i32 to vector<16xi32>
      %eq3A_773 = arith.cmpi eq, %iota3A, %eq3A_772 : vector<16xi32>
      %jit3A_774 = arith.constant 0 : i32
      %broadcast_in_dim3A_775 = vector.broadcast %jit3A_774 : i32 to vector<16xi32>
      %select_n3A_776 = arith.select %eq3A_773, %get3A_46, %broadcast_in_dim3A_775 : vector<16xi1>, vector<16xi32>
      %reduce_sum3A_777 = arith.constant true
      %reduce_sum3A_778 = vector.broadcast %reduce_sum3A_777 : i1 to vector<16xi1>
      %reduce_sum3A_779 = tpu.scan <sum>, %select_n3A_776 masked %reduce_sum3A_778 : vector<16xi32>, vector<16xi1> -> vector<16xi32>
      %reduce_sum3A_780 = vector.extract %reduce_sum3A_779[15] : i32 from vector<16xi32>
      %mul3A_781 = arith.constant 16 : i32
      %mul3A_782 = arith.muli %scan3A_38, %mul3A_781 : i32
      %add3A_783 = arith.constant 15 : i32
      %add3A_784 = arith.addi %mul3A_782, %add3A_783 : i32
      %dma_start3A_785 = arith.constant 0 : i32
      %dma_start3A_786 = tpu.memref_slice %arg9[%add3A_784, %dma_start3A_785] : memref<256x64xf32, #tpu.memory_space<vmem>> -> memref<1x64xf32, #tpu.memory_space<vmem>>
      %dma_start3A_787 = tpu.memref_squeeze %dma_start3A_786 : memref<1x64xf32, #tpu.memory_space<vmem>> -> memref<64xf32, #tpu.memory_space<vmem>>
      %dma_start3A_788 = arith.constant 0 : i32
      %dma_start3A_789 = tpu.memref_slice %arg4[%reduce_sum3A_770, %dma_start3A_788] : memref<100000x64xf32, #tpu.memory_space<hbm>> -> memref<1x64xf32, #tpu.memory_space<hbm>>
      %dma_start3A_790 = tpu.memref_squeeze %dma_start3A_789 : memref<1x64xf32, #tpu.memory_space<hbm>> -> memref<64xf32, #tpu.memory_space<hbm>>
      %dma_start3A_791 = arith.constant 0 : i32
      %dma_start3A_792 = tpu.memref_slice %arg9[%add3A_784, %dma_start3A_791] : memref<256x64xf32, #tpu.memory_space<vmem>> -> memref<1x64xf32, #tpu.memory_space<vmem>>
      %dma_start3A_793 = tpu.memref_squeeze %dma_start3A_792 : memref<1x64xf32, #tpu.memory_space<vmem>> -> memref<64xf32, #tpu.memory_space<vmem>>
      %dma_start3A_794 = arith.constant 0 : i32
      %dma_start3A_795 = tpu.memref_slice %arg4[%reduce_sum3A_770, %dma_start3A_794] : memref<100000x64xf32, #tpu.memory_space<hbm>> -> memref<1x64xf32, #tpu.memory_space<hbm>>
      %dma_start3A_796 = tpu.memref_squeeze %dma_start3A_795 : memref<1x64xf32, #tpu.memory_space<hbm>> -> memref<64xf32, #tpu.memory_space<hbm>>
      tpu.enqueue_dma source(%dma_start3A_796 : memref<64xf32, #tpu.memory_space<hbm>>) target(%dma_start3A_793 : memref<64xf32, #tpu.memory_space<vmem>>) target_semaphore(%arg12 : memref<!tpu.dma_semaphore, #tpu.memory_space<semaphore_mem>>)
      %dma_start3A_797 = arith.constant 0 : i32
      %dma_start3A_798 = tpu.memref_slice %arg10[%add3A_784, %dma_start3A_797] : memref<256x64xf32, #tpu.memory_space<vmem>> -> memref<1x64xf32, #tpu.memory_space<vmem>>
      %dma_start3A_799 = tpu.memref_squeeze %dma_start3A_798 : memref<1x64xf32, #tpu.memory_space<vmem>> -> memref<64xf32, #tpu.memory_space<vmem>>
      %dma_start3A_800 = arith.constant 0 : i32
      %dma_start3A_801 = tpu.memref_slice %arg5[%reduce_sum3A_780, %dma_start3A_800] : memref<100000x64xf32, #tpu.memory_space<hbm>> -> memref<1x64xf32, #tpu.memory_space<hbm>>
      %dma_start3A_802 = tpu.memref_squeeze %dma_start3A_801 : memref<1x64xf32, #tpu.memory_space<hbm>> -> memref<64xf32, #tpu.memory_space<hbm>>
      %dma_start3A_803 = arith.constant 0 : i32
      %dma_start3A_804 = tpu.memref_slice %arg10[%add3A_784, %dma_start3A_803] : memref<256x64xf32, #tpu.memory_space<vmem>> -> memref<1x64xf32, #tpu.memory_space<vmem>>
      %dma_start3A_805 = tpu.memref_squeeze %dma_start3A_804 : memref<1x64xf32, #tpu.memory_space<vmem>> -> memref<64xf32, #tpu.memory_space<vmem>>
      %dma_start3A_806 = arith.constant 0 : i32
      %dma_start3A_807 = tpu.memref_slice %arg5[%reduce_sum3A_780, %dma_start3A_806] : memref<100000x64xf32, #tpu.memory_space<hbm>> -> memref<1x64xf32, #tpu.memory_space<hbm>>
      %dma_start3A_808 = tpu.memref_squeeze %dma_start3A_807 : memref<1x64xf32, #tpu.memory_space<hbm>> -> memref<64xf32, #tpu.memory_space<hbm>>
      tpu.enqueue_dma source(%dma_start3A_808 : memref<64xf32, #tpu.memory_space<hbm>>) target(%dma_start3A_805 : memref<64xf32, #tpu.memory_space<vmem>>) target_semaphore(%arg13 : memref<!tpu.dma_semaphore, #tpu.memory_space<semaphore_mem>>)
    }
    %scan3A_7 = arith.constant 16 : i32
    %scan3A_8 = arith.constant 0 : i32
    %scan3A_9 = arith.constant 0 : i32
    %scan3A_10 = arith.constant 256 : i32
    %scan3A_11 = arith.addi %scan3A_9, %scan3A_10 : i32
    %scan3A_12 = arith.constant 1 : i32
    scf.for %scan3A_38 = %scan3A_9 to %scan3A_11 step %scan3A_12  : i32 {
      %dma_wait3A = arith.constant 0 : i32
      %dma_wait3A_39 = arith.constant 0 : i32
      %dma_wait3A_40 = arith.constant 0 : i32
      %dma_wait3A_41 = tpu.memref_slice %arg9[%dma_wait3A_39, %dma_wait3A_40] : memref<256x64xf32, #tpu.memory_space<vmem>> -> memref<1x64xf32, #tpu.memory_space<vmem>>
      %dma_wait3A_42 = tpu.memref_squeeze %dma_wait3A_41 : memref<1x64xf32, #tpu.memory_space<vmem>> -> memref<64xf32, #tpu.memory_space<vmem>>
      %dma_wait3A_43 = arith.constant 0 : i32
      %dma_wait3A_44 = tpu.memref_slice %arg4[%dma_wait3A, %dma_wait3A_43] : memref<100000x64xf32, #tpu.memory_space<hbm>> -> memref<1x64xf32, #tpu.memory_space<hbm>>
      %dma_wait3A_45 = tpu.memref_squeeze %dma_wait3A_44 : memref<1x64xf32, #tpu.memory_space<hbm>> -> memref<64xf32, #tpu.memory_space<hbm>>
      %dma_wait3A_46 = arith.constant 0 : i32
      %dma_wait3A_47 = tpu.memref_slice %arg9[%dma_wait3A_39, %dma_wait3A_46] : memref<256x64xf32, #tpu.memory_space<vmem>> -> memref<1x64xf32, #tpu.memory_space<vmem>>
      %dma_wait3A_48 = tpu.memref_squeeze %dma_wait3A_47 : memref<1x64xf32, #tpu.memory_space<vmem>> -> memref<64xf32, #tpu.memory_space<vmem>>
      %dma_wait3A_49 = arith.constant 0 : i32
      %dma_wait3A_50 = tpu.memref_slice %arg4[%dma_wait3A, %dma_wait3A_49] : memref<100000x64xf32, #tpu.memory_space<hbm>> -> memref<1x64xf32, #tpu.memory_space<hbm>>
      %dma_wait3A_51 = tpu.memref_squeeze %dma_wait3A_50 : memref<1x64xf32, #tpu.memory_space<hbm>> -> memref<64xf32, #tpu.memory_space<hbm>>
      tpu.wait_dma2 semaphore(%arg12 : memref<!tpu.dma_semaphore, #tpu.memory_space<semaphore_mem>>) src(%dma_wait3A_51 : memref<64xf32, #tpu.memory_space<hbm>>) dst(%dma_wait3A_48 : memref<64xf32, #tpu.memory_space<vmem>>)
      %dma_wait3A_52 = arith.constant 0 : i32
      %dma_wait3A_53 = arith.constant 0 : i32
      %dma_wait3A_54 = arith.constant 0 : i32
      %dma_wait3A_55 = tpu.memref_slice %arg10[%dma_wait3A_53, %dma_wait3A_54] : memref<256x64xf32, #tpu.memory_space<vmem>> -> memref<1x64xf32, #tpu.memory_space<vmem>>
      %dma_wait3A_56 = tpu.memref_squeeze %dma_wait3A_55 : memref<1x64xf32, #tpu.memory_space<vmem>> -> memref<64xf32, #tpu.memory_space<vmem>>
      %dma_wait3A_57 = arith.constant 0 : i32
      %dma_wait3A_58 = tpu.memref_slice %arg5[%dma_wait3A_52, %dma_wait3A_57] : memref<100000x64xf32, #tpu.memory_space<hbm>> -> memref<1x64xf32, #tpu.memory_space<hbm>>
      %dma_wait3A_59 = tpu.memref_squeeze %dma_wait3A_58 : memref<1x64xf32, #tpu.memory_space<hbm>> -> memref<64xf32, #tpu.memory_space<hbm>>
      %dma_wait3A_60 = arith.constant 0 : i32
      %dma_wait3A_61 = tpu.memref_slice %arg10[%dma_wait3A_53, %dma_wait3A_60] : memref<256x64xf32, #tpu.memory_space<vmem>> -> memref<1x64xf32, #tpu.memory_space<vmem>>
      %dma_wait3A_62 = tpu.memref_squeeze %dma_wait3A_61 : memref<1x64xf32, #tpu.memory_space<vmem>> -> memref<64xf32, #tpu.memory_space<vmem>>
      %dma_wait3A_63 = arith.constant 0 : i32
      %dma_wait3A_64 = tpu.memref_slice %arg5[%dma_wait3A_52, %dma_wait3A_63] : memref<100000x64xf32, #tpu.memory_space<hbm>> -> memref<1x64xf32, #tpu.memory_space<hbm>>
      %dma_wait3A_65 = tpu.memref_squeeze %dma_wait3A_64 : memref<1x64xf32, #tpu.memory_space<hbm>> -> memref<64xf32, #tpu.memory_space<hbm>>
      tpu.wait_dma2 semaphore(%arg13 : memref<!tpu.dma_semaphore, #tpu.memory_space<semaphore_mem>>) src(%dma_wait3A_65 : memref<64xf32, #tpu.memory_space<hbm>>) dst(%dma_wait3A_62 : memref<64xf32, #tpu.memory_space<vmem>>)
    }
    %scan3A_13 = arith.constant 256 : i32
    %scan3A_14 = arith.constant 0 : i32
    %scan3A_15 = arith.constant 0 : i32
    %scan3A_16 = arith.constant 16 : i32
    %scan3A_17 = arith.addi %scan3A_15, %scan3A_16 : i32
    %scan3A_18 = arith.constant 1 : i32
    scf.for %scan3A_38 = %scan3A_15 to %scan3A_17 step %scan3A_18  : i32 {
      %mul3A_39 = arith.constant 16 : i32
      %mul3A_40 = arith.muli %scan3A_38, %mul3A_39 : i32
      %add3A_41 = vector.broadcast %mul3A_40 : i32 to vector<16xi32>
      %add3A_42 = arith.addi %add3A_41, %iota3A : vector<16xi32>
      %broadcast_in_dim3A = arith.constant 0.000000e+00 : f32
      %broadcast_in_dim3A_43 = vector.broadcast %broadcast_in_dim3A : f32 to vector<16xf32>
      %add3A_44 = arith.constant 0 : i32
      %add3A_45 = vector.broadcast %add3A_44 : i32 to vector<16xi32>
      %add3A_46 = arith.addi %iota3A, %add3A_45 : vector<16xi32>
      %and3A = arith.constant 63 : i32
      %and3A_47 = vector.broadcast %and3A : i32 to vector<16xi32>
      %and3A_48 = arith.andi %add3A_46, %and3A_47 : vector<16xi32>
      %gather3A = tpu.vector_load_idx %arg9[%add3A_42, %and3A_48] : memref<256x64xf32, #tpu.memory_space<vmem>>[vector<16xi32>, vector<16xi32>], vector<16xf32>,
      %gather3A_49 = tpu.vector_load_idx %arg10[%add3A_42, %and3A_48] : memref<256x64xf32, #tpu.memory_space<vmem>>[vector<16xi32>, vector<16xi32>], vector<16xf32>,
      %mul3A_50 = arith.mulf %gather3A, %gather3A_49 : vector<16xf32>
      %add3A_51 = arith.addf %broadcast_in_dim3A_43, %mul3A_50 : vector<16xf32>
      %add3A_52 = arith.constant 1 : i32
      %add3A_53 = vector.broadcast %add3A_52 : i32 to vector<16xi32>
      %add3A_54 = arith.addi %iota3A, %add3A_53 : vector<16xi32>
      %and3A_55 = arith.constant 63 : i32
      %and3A_56 = vector.broadcast %and3A_55 : i32 to vector<16xi32>
      %and3A_57 = arith.andi %add3A_54, %and3A_56 : vector<16xi32>
      %gather3A_58 = tpu.vector_load_idx %arg9[%add3A_42, %and3A_57] : memref<256x64xf32, #tpu.memory_space<vmem>>[vector<16xi32>, vector<16xi32>], vector<16xf32>,
      %gather3A_59 = tpu.vector_load_idx %arg10[%add3A_42, %and3A_57] : memref<256x64xf32, #tpu.memory_space<vmem>>[vector<16xi32>, vector<16xi32>], vector<16xf32>,
      %mul3A_60 = arith.mulf %gather3A_58, %gather3A_59 : vector<16xf32>
      %add3A_61 = arith.addf %add3A_51, %mul3A_60 : vector<16xf32>
      %add3A_62 = arith.constant 2 : i32
      %add3A_63 = vector.broadcast %add3A_62 : i32 to vector<16xi32>
      %add3A_64 = arith.addi %iota3A, %add3A_63 : vector<16xi32>
      %and3A_65 = arith.constant 63 : i32
      %and3A_66 = vector.broadcast %and3A_65 : i32 to vector<16xi32>
      %and3A_67 = arith.andi %add3A_64, %and3A_66 : vector<16xi32>
      %gather3A_68 = tpu.vector_load_idx %arg9[%add3A_42, %and3A_67] : memref<256x64xf32, #tpu.memory_space<vmem>>[vector<16xi32>, vector<16xi32>], vector<16xf32>,
      %gather3A_69 = tpu.vector_load_idx %arg10[%add3A_42, %and3A_67] : memref<256x64xf32, #tpu.memory_space<vmem>>[vector<16xi32>, vector<16xi32>], vector<16xf32>,
      %mul3A_70 = arith.mulf %gather3A_68, %gather3A_69 : vector<16xf32>
      %add3A_71 = arith.addf %add3A_61, %mul3A_70 : vector<16xf32>
      %add3A_72 = arith.constant 3 : i32
      %add3A_73 = vector.broadcast %add3A_72 : i32 to vector<16xi32>
      %add3A_74 = arith.addi %iota3A, %add3A_73 : vector<16xi32>
      %and3A_75 = arith.constant 63 : i32
      %and3A_76 = vector.broadcast %and3A_75 : i32 to vector<16xi32>
      %and3A_77 = arith.andi %add3A_74, %and3A_76 : vector<16xi32>
      %gather3A_78 = tpu.vector_load_idx %arg9[%add3A_42, %and3A_77] : memref<256x64xf32, #tpu.memory_space<vmem>>[vector<16xi32>, vector<16xi32>], vector<16xf32>,
      %gather3A_79 = tpu.vector_load_idx %arg10[%add3A_42, %and3A_77] : memref<256x64xf32, #tpu.memory_space<vmem>>[vector<16xi32>, vector<16xi32>], vector<16xf32>,
      %mul3A_80 = arith.mulf %gather3A_78, %gather3A_79 : vector<16xf32>
      %add3A_81 = arith.addf %add3A_71, %mul3A_80 : vector<16xf32>
      %add3A_82 = arith.constant 4 : i32
      %add3A_83 = vector.broadcast %add3A_82 : i32 to vector<16xi32>
      %add3A_84 = arith.addi %iota3A, %add3A_83 : vector<16xi32>
      %and3A_85 = arith.constant 63 : i32
      %and3A_86 = vector.broadcast %and3A_85 : i32 to vector<16xi32>
      %and3A_87 = arith.andi %add3A_84, %and3A_86 : vector<16xi32>
      %gather3A_88 = tpu.vector_load_idx %arg9[%add3A_42, %and3A_87] : memref<256x64xf32, #tpu.memory_space<vmem>>[vector<16xi32>, vector<16xi32>], vector<16xf32>,
      %gather3A_89 = tpu.vector_load_idx %arg10[%add3A_42, %and3A_87] : memref<256x64xf32, #tpu.memory_space<vmem>>[vector<16xi32>, vector<16xi32>], vector<16xf32>,
      %mul3A_90 = arith.mulf %gather3A_88, %gather3A_89 : vector<16xf32>
      %add3A_91 = arith.addf %add3A_81, %mul3A_90 : vector<16xf32>
      %add3A_92 = arith.constant 5 : i32
      %add3A_93 = vector.broadcast %add3A_92 : i32 to vector<16xi32>
      %add3A_94 = arith.addi %iota3A, %add3A_93 : vector<16xi32>
      %and3A_95 = arith.constant 63 : i32
      %and3A_96 = vector.broadcast %and3A_95 : i32 to vector<16xi32>
      %and3A_97 = arith.andi %add3A_94, %and3A_96 : vector<16xi32>
      %gather3A_98 = tpu.vector_load_idx %arg9[%add3A_42, %and3A_97] : memref<256x64xf32, #tpu.memory_space<vmem>>[vector<16xi32>, vector<16xi32>], vector<16xf32>,
      %gather3A_99 = tpu.vector_load_idx %arg10[%add3A_42, %and3A_97] : memref<256x64xf32, #tpu.memory_space<vmem>>[vector<16xi32>, vector<16xi32>], vector<16xf32>,
      %mul3A_100 = arith.mulf %gather3A_98, %gather3A_99 : vector<16xf32>
      %add3A_101 = arith.addf %add3A_91, %mul3A_100 : vector<16xf32>
      %add3A_102 = arith.constant 6 : i32
      %add3A_103 = vector.broadcast %add3A_102 : i32 to vector<16xi32>
      %add3A_104 = arith.addi %iota3A, %add3A_103 : vector<16xi32>
      %and3A_105 = arith.constant 63 : i32
      %and3A_106 = vector.broadcast %and3A_105 : i32 to vector<16xi32>
      %and3A_107 = arith.andi %add3A_104, %and3A_106 : vector<16xi32>
      %gather3A_108 = tpu.vector_load_idx %arg9[%add3A_42, %and3A_107] : memref<256x64xf32, #tpu.memory_space<vmem>>[vector<16xi32>, vector<16xi32>], vector<16xf32>,
      %gather3A_109 = tpu.vector_load_idx %arg10[%add3A_42, %and3A_107] : memref<256x64xf32, #tpu.memory_space<vmem>>[vector<16xi32>, vector<16xi32>], vector<16xf32>,
      %mul3A_110 = arith.mulf %gather3A_108, %gather3A_109 : vector<16xf32>
      %add3A_111 = arith.addf %add3A_101, %mul3A_110 : vector<16xf32>
      %add3A_112 = arith.constant 7 : i32
      %add3A_113 = vector.broadcast %add3A_112 : i32 to vector<16xi32>
      %add3A_114 = arith.addi %iota3A, %add3A_113 : vector<16xi32>
      %and3A_115 = arith.constant 63 : i32
      %and3A_116 = vector.broadcast %and3A_115 : i32 to vector<16xi32>
      %and3A_117 = arith.andi %add3A_114, %and3A_116 : vector<16xi32>
      %gather3A_118 = tpu.vector_load_idx %arg9[%add3A_42, %and3A_117] : memref<256x64xf32, #tpu.memory_space<vmem>>[vector<16xi32>, vector<16xi32>], vector<16xf32>,
      %gather3A_119 = tpu.vector_load_idx %arg10[%add3A_42, %and3A_117] : memref<256x64xf32, #tpu.memory_space<vmem>>[vector<16xi32>, vector<16xi32>], vector<16xf32>,
      %mul3A_120 = arith.mulf %gather3A_118, %gather3A_119 : vector<16xf32>
      %add3A_121 = arith.addf %add3A_111, %mul3A_120 : vector<16xf32>
      %add3A_122 = arith.constant 8 : i32
      %add3A_123 = vector.broadcast %add3A_122 : i32 to vector<16xi32>
      %add3A_124 = arith.addi %iota3A, %add3A_123 : vector<16xi32>
      %and3A_125 = arith.constant 63 : i32
      %and3A_126 = vector.broadcast %and3A_125 : i32 to vector<16xi32>
      %and3A_127 = arith.andi %add3A_124, %and3A_126 : vector<16xi32>
      %gather3A_128 = tpu.vector_load_idx %arg9[%add3A_42, %and3A_127] : memref<256x64xf32, #tpu.memory_space<vmem>>[vector<16xi32>, vector<16xi32>], vector<16xf32>,
      %gather3A_129 = tpu.vector_load_idx %arg10[%add3A_42, %and3A_127] : memref<256x64xf32, #tpu.memory_space<vmem>>[vector<16xi32>, vector<16xi32>], vector<16xf32>,
      %mul3A_130 = arith.mulf %gather3A_128, %gather3A_129 : vector<16xf32>
      %add3A_131 = arith.addf %add3A_121, %mul3A_130 : vector<16xf32>
      %add3A_132 = arith.constant 9 : i32
      %add3A_133 = vector.broadcast %add3A_132 : i32 to vector<16xi32>
      %add3A_134 = arith.addi %iota3A, %add3A_133 : vector<16xi32>
      %and3A_135 = arith.constant 63 : i32
      %and3A_136 = vector.broadcast %and3A_135 : i32 to vector<16xi32>
      %and3A_137 = arith.andi %add3A_134, %and3A_136 : vector<16xi32>
      %gather3A_138 = tpu.vector_load_idx %arg9[%add3A_42, %and3A_137] : memref<256x64xf32, #tpu.memory_space<vmem>>[vector<16xi32>, vector<16xi32>], vector<16xf32>,
      %gather3A_139 = tpu.vector_load_idx %arg10[%add3A_42, %and3A_137] : memref<256x64xf32, #tpu.memory_space<vmem>>[vector<16xi32>, vector<16xi32>], vector<16xf32>,
      %mul3A_140 = arith.mulf %gather3A_138, %gather3A_139 : vector<16xf32>
      %add3A_141 = arith.addf %add3A_131, %mul3A_140 : vector<16xf32>
      %add3A_142 = arith.constant 10 : i32
      %add3A_143 = vector.broadcast %add3A_142 : i32 to vector<16xi32>
      %add3A_144 = arith.addi %iota3A, %add3A_143 : vector<16xi32>
      %and3A_145 = arith.constant 63 : i32
      %and3A_146 = vector.broadcast %and3A_145 : i32 to vector<16xi32>
      %and3A_147 = arith.andi %add3A_144, %and3A_146 : vector<16xi32>
      %gather3A_148 = tpu.vector_load_idx %arg9[%add3A_42, %and3A_147] : memref<256x64xf32, #tpu.memory_space<vmem>>[vector<16xi32>, vector<16xi32>], vector<16xf32>,
      %gather3A_149 = tpu.vector_load_idx %arg10[%add3A_42, %and3A_147] : memref<256x64xf32, #tpu.memory_space<vmem>>[vector<16xi32>, vector<16xi32>], vector<16xf32>,
      %mul3A_150 = arith.mulf %gather3A_148, %gather3A_149 : vector<16xf32>
      %add3A_151 = arith.addf %add3A_141, %mul3A_150 : vector<16xf32>
      %add3A_152 = arith.constant 11 : i32
      %add3A_153 = vector.broadcast %add3A_152 : i32 to vector<16xi32>
      %add3A_154 = arith.addi %iota3A, %add3A_153 : vector<16xi32>
      %and3A_155 = arith.constant 63 : i32
      %and3A_156 = vector.broadcast %and3A_155 : i32 to vector<16xi32>
      %and3A_157 = arith.andi %add3A_154, %and3A_156 : vector<16xi32>
      %gather3A_158 = tpu.vector_load_idx %arg9[%add3A_42, %and3A_157] : memref<256x64xf32, #tpu.memory_space<vmem>>[vector<16xi32>, vector<16xi32>], vector<16xf32>,
      %gather3A_159 = tpu.vector_load_idx %arg10[%add3A_42, %and3A_157] : memref<256x64xf32, #tpu.memory_space<vmem>>[vector<16xi32>, vector<16xi32>], vector<16xf32>,
      %mul3A_160 = arith.mulf %gather3A_158, %gather3A_159 : vector<16xf32>
      %add3A_161 = arith.addf %add3A_151, %mul3A_160 : vector<16xf32>
      %add3A_162 = arith.constant 12 : i32
      %add3A_163 = vector.broadcast %add3A_162 : i32 to vector<16xi32>
      %add3A_164 = arith.addi %iota3A, %add3A_163 : vector<16xi32>
      %and3A_165 = arith.constant 63 : i32
      %and3A_166 = vector.broadcast %and3A_165 : i32 to vector<16xi32>
      %and3A_167 = arith.andi %add3A_164, %and3A_166 : vector<16xi32>
      %gather3A_168 = tpu.vector_load_idx %arg9[%add3A_42, %and3A_167] : memref<256x64xf32, #tpu.memory_space<vmem>>[vector<16xi32>, vector<16xi32>], vector<16xf32>,
      %gather3A_169 = tpu.vector_load_idx %arg10[%add3A_42, %and3A_167] : memref<256x64xf32, #tpu.memory_space<vmem>>[vector<16xi32>, vector<16xi32>], vector<16xf32>,
      %mul3A_170 = arith.mulf %gather3A_168, %gather3A_169 : vector<16xf32>
      %add3A_171 = arith.addf %add3A_161, %mul3A_170 : vector<16xf32>
      %add3A_172 = arith.constant 13 : i32
      %add3A_173 = vector.broadcast %add3A_172 : i32 to vector<16xi32>
      %add3A_174 = arith.addi %iota3A, %add3A_173 : vector<16xi32>
      %and3A_175 = arith.constant 63 : i32
      %and3A_176 = vector.broadcast %and3A_175 : i32 to vector<16xi32>
      %and3A_177 = arith.andi %add3A_174, %and3A_176 : vector<16xi32>
      %gather3A_178 = tpu.vector_load_idx %arg9[%add3A_42, %and3A_177] : memref<256x64xf32, #tpu.memory_space<vmem>>[vector<16xi32>, vector<16xi32>], vector<16xf32>,
      %gather3A_179 = tpu.vector_load_idx %arg10[%add3A_42, %and3A_177] : memref<256x64xf32, #tpu.memory_space<vmem>>[vector<16xi32>, vector<16xi32>], vector<16xf32>,
      %mul3A_180 = arith.mulf %gather3A_178, %gather3A_179 : vector<16xf32>
      %add3A_181 = arith.addf %add3A_171, %mul3A_180 : vector<16xf32>
      %add3A_182 = arith.constant 14 : i32
      %add3A_183 = vector.broadcast %add3A_182 : i32 to vector<16xi32>
      %add3A_184 = arith.addi %iota3A, %add3A_183 : vector<16xi32>
      %and3A_185 = arith.constant 63 : i32
      %and3A_186 = vector.broadcast %and3A_185 : i32 to vector<16xi32>
      %and3A_187 = arith.andi %add3A_184, %and3A_186 : vector<16xi32>
      %gather3A_188 = tpu.vector_load_idx %arg9[%add3A_42, %and3A_187] : memref<256x64xf32, #tpu.memory_space<vmem>>[vector<16xi32>, vector<16xi32>], vector<16xf32>,
      %gather3A_189 = tpu.vector_load_idx %arg10[%add3A_42, %and3A_187] : memref<256x64xf32, #tpu.memory_space<vmem>>[vector<16xi32>, vector<16xi32>], vector<16xf32>,
      %mul3A_190 = arith.mulf %gather3A_188, %gather3A_189 : vector<16xf32>
      %add3A_191 = arith.addf %add3A_181, %mul3A_190 : vector<16xf32>
      %add3A_192 = arith.constant 15 : i32
      %add3A_193 = vector.broadcast %add3A_192 : i32 to vector<16xi32>
      %add3A_194 = arith.addi %iota3A, %add3A_193 : vector<16xi32>
      %and3A_195 = arith.constant 63 : i32
      %and3A_196 = vector.broadcast %and3A_195 : i32 to vector<16xi32>
      %and3A_197 = arith.andi %add3A_194, %and3A_196 : vector<16xi32>
      %gather3A_198 = tpu.vector_load_idx %arg9[%add3A_42, %and3A_197] : memref<256x64xf32, #tpu.memory_space<vmem>>[vector<16xi32>, vector<16xi32>], vector<16xf32>,
      %gather3A_199 = tpu.vector_load_idx %arg10[%add3A_42, %and3A_197] : memref<256x64xf32, #tpu.memory_space<vmem>>[vector<16xi32>, vector<16xi32>], vector<16xf32>,
      %mul3A_200 = arith.mulf %gather3A_198, %gather3A_199 : vector<16xf32>
      %add3A_201 = arith.addf %add3A_191, %mul3A_200 : vector<16xf32>
      %add3A_202 = arith.constant 16 : i32
      %add3A_203 = vector.broadcast %add3A_202 : i32 to vector<16xi32>
      %add3A_204 = arith.addi %iota3A, %add3A_203 : vector<16xi32>
      %and3A_205 = arith.constant 63 : i32
      %and3A_206 = vector.broadcast %and3A_205 : i32 to vector<16xi32>
      %and3A_207 = arith.andi %add3A_204, %and3A_206 : vector<16xi32>
      %gather3A_208 = tpu.vector_load_idx %arg9[%add3A_42, %and3A_207] : memref<256x64xf32, #tpu.memory_space<vmem>>[vector<16xi32>, vector<16xi32>], vector<16xf32>,
      %gather3A_209 = tpu.vector_load_idx %arg10[%add3A_42, %and3A_207] : memref<256x64xf32, #tpu.memory_space<vmem>>[vector<16xi32>, vector<16xi32>], vector<16xf32>,
      %mul3A_210 = arith.mulf %gather3A_208, %gather3A_209 : vector<16xf32>
      %add3A_211 = arith.addf %add3A_201, %mul3A_210 : vector<16xf32>
      %add3A_212 = arith.constant 17 : i32
      %add3A_213 = vector.broadcast %add3A_212 : i32 to vector<16xi32>
      %add3A_214 = arith.addi %iota3A, %add3A_213 : vector<16xi32>
      %and3A_215 = arith.constant 63 : i32
      %and3A_216 = vector.broadcast %and3A_215 : i32 to vector<16xi32>
      %and3A_217 = arith.andi %add3A_214, %and3A_216 : vector<16xi32>
      %gather3A_218 = tpu.vector_load_idx %arg9[%add3A_42, %and3A_217] : memref<256x64xf32, #tpu.memory_space<vmem>>[vector<16xi32>, vector<16xi32>], vector<16xf32>,
      %gather3A_219 = tpu.vector_load_idx %arg10[%add3A_42, %and3A_217] : memref<256x64xf32, #tpu.memory_space<vmem>>[vector<16xi32>, vector<16xi32>], vector<16xf32>,
      %mul3A_220 = arith.mulf %gather3A_218, %gather3A_219 : vector<16xf32>
      %add3A_221 = arith.addf %add3A_211, %mul3A_220 : vector<16xf32>
      %add3A_222 = arith.constant 18 : i32
      %add3A_223 = vector.broadcast %add3A_222 : i32 to vector<16xi32>
      %add3A_224 = arith.addi %iota3A, %add3A_223 : vector<16xi32>
      %and3A_225 = arith.constant 63 : i32
      %and3A_226 = vector.broadcast %and3A_225 : i32 to vector<16xi32>
      %and3A_227 = arith.andi %add3A_224, %and3A_226 : vector<16xi32>
      %gather3A_228 = tpu.vector_load_idx %arg9[%add3A_42, %and3A_227] : memref<256x64xf32, #tpu.memory_space<vmem>>[vector<16xi32>, vector<16xi32>], vector<16xf32>,
      %gather3A_229 = tpu.vector_load_idx %arg10[%add3A_42, %and3A_227] : memref<256x64xf32, #tpu.memory_space<vmem>>[vector<16xi32>, vector<16xi32>], vector<16xf32>,
      %mul3A_230 = arith.mulf %gather3A_228, %gather3A_229 : vector<16xf32>
      %add3A_231 = arith.addf %add3A_221, %mul3A_230 : vector<16xf32>
      %add3A_232 = arith.constant 19 : i32
      %add3A_233 = vector.broadcast %add3A_232 : i32 to vector<16xi32>
      %add3A_234 = arith.addi %iota3A, %add3A_233 : vector<16xi32>
      %and3A_235 = arith.constant 63 : i32
      %and3A_236 = vector.broadcast %and3A_235 : i32 to vector<16xi32>
      %and3A_237 = arith.andi %add3A_234, %and3A_236 : vector<16xi32>
      %gather3A_238 = tpu.vector_load_idx %arg9[%add3A_42, %and3A_237] : memref<256x64xf32, #tpu.memory_space<vmem>>[vector<16xi32>, vector<16xi32>], vector<16xf32>,
      %gather3A_239 = tpu.vector_load_idx %arg10[%add3A_42, %and3A_237] : memref<256x64xf32, #tpu.memory_space<vmem>>[vector<16xi32>, vector<16xi32>], vector<16xf32>,
      %mul3A_240 = arith.mulf %gather3A_238, %gather3A_239 : vector<16xf32>
      %add3A_241 = arith.addf %add3A_231, %mul3A_240 : vector<16xf32>
      %add3A_242 = arith.constant 20 : i32
      %add3A_243 = vector.broadcast %add3A_242 : i32 to vector<16xi32>
      %add3A_244 = arith.addi %iota3A, %add3A_243 : vector<16xi32>
      %and3A_245 = arith.constant 63 : i32
      %and3A_246 = vector.broadcast %and3A_245 : i32 to vector<16xi32>
      %and3A_247 = arith.andi %add3A_244, %and3A_246 : vector<16xi32>
      %gather3A_248 = tpu.vector_load_idx %arg9[%add3A_42, %and3A_247] : memref<256x64xf32, #tpu.memory_space<vmem>>[vector<16xi32>, vector<16xi32>], vector<16xf32>,
      %gather3A_249 = tpu.vector_load_idx %arg10[%add3A_42, %and3A_247] : memref<256x64xf32, #tpu.memory_space<vmem>>[vector<16xi32>, vector<16xi32>], vector<16xf32>,
      %mul3A_250 = arith.mulf %gather3A_248, %gather3A_249 : vector<16xf32>
      %add3A_251 = arith.addf %add3A_241, %mul3A_250 : vector<16xf32>
      %add3A_252 = arith.constant 21 : i32
      %add3A_253 = vector.broadcast %add3A_252 : i32 to vector<16xi32>
      %add3A_254 = arith.addi %iota3A, %add3A_253 : vector<16xi32>
      %and3A_255 = arith.constant 63 : i32
      %and3A_256 = vector.broadcast %and3A_255 : i32 to vector<16xi32>
      %and3A_257 = arith.andi %add3A_254, %and3A_256 : vector<16xi32>
      %gather3A_258 = tpu.vector_load_idx %arg9[%add3A_42, %and3A_257] : memref<256x64xf32, #tpu.memory_space<vmem>>[vector<16xi32>, vector<16xi32>], vector<16xf32>,
      %gather3A_259 = tpu.vector_load_idx %arg10[%add3A_42, %and3A_257] : memref<256x64xf32, #tpu.memory_space<vmem>>[vector<16xi32>, vector<16xi32>], vector<16xf32>,
      %mul3A_260 = arith.mulf %gather3A_258, %gather3A_259 : vector<16xf32>
      %add3A_261 = arith.addf %add3A_251, %mul3A_260 : vector<16xf32>
      %add3A_262 = arith.constant 22 : i32
      %add3A_263 = vector.broadcast %add3A_262 : i32 to vector<16xi32>
      %add3A_264 = arith.addi %iota3A, %add3A_263 : vector<16xi32>
      %and3A_265 = arith.constant 63 : i32
      %and3A_266 = vector.broadcast %and3A_265 : i32 to vector<16xi32>
      %and3A_267 = arith.andi %add3A_264, %and3A_266 : vector<16xi32>
      %gather3A_268 = tpu.vector_load_idx %arg9[%add3A_42, %and3A_267] : memref<256x64xf32, #tpu.memory_space<vmem>>[vector<16xi32>, vector<16xi32>], vector<16xf32>,
      %gather3A_269 = tpu.vector_load_idx %arg10[%add3A_42, %and3A_267] : memref<256x64xf32, #tpu.memory_space<vmem>>[vector<16xi32>, vector<16xi32>], vector<16xf32>,
      %mul3A_270 = arith.mulf %gather3A_268, %gather3A_269 : vector<16xf32>
      %add3A_271 = arith.addf %add3A_261, %mul3A_270 : vector<16xf32>
      %add3A_272 = arith.constant 23 : i32
      %add3A_273 = vector.broadcast %add3A_272 : i32 to vector<16xi32>
      %add3A_274 = arith.addi %iota3A, %add3A_273 : vector<16xi32>
      %and3A_275 = arith.constant 63 : i32
      %and3A_276 = vector.broadcast %and3A_275 : i32 to vector<16xi32>
      %and3A_277 = arith.andi %add3A_274, %and3A_276 : vector<16xi32>
      %gather3A_278 = tpu.vector_load_idx %arg9[%add3A_42, %and3A_277] : memref<256x64xf32, #tpu.memory_space<vmem>>[vector<16xi32>, vector<16xi32>], vector<16xf32>,
      %gather3A_279 = tpu.vector_load_idx %arg10[%add3A_42, %and3A_277] : memref<256x64xf32, #tpu.memory_space<vmem>>[vector<16xi32>, vector<16xi32>], vector<16xf32>,
      %mul3A_280 = arith.mulf %gather3A_278, %gather3A_279 : vector<16xf32>
      %add3A_281 = arith.addf %add3A_271, %mul3A_280 : vector<16xf32>
      %add3A_282 = arith.constant 24 : i32
      %add3A_283 = vector.broadcast %add3A_282 : i32 to vector<16xi32>
      %add3A_284 = arith.addi %iota3A, %add3A_283 : vector<16xi32>
      %and3A_285 = arith.constant 63 : i32
      %and3A_286 = vector.broadcast %and3A_285 : i32 to vector<16xi32>
      %and3A_287 = arith.andi %add3A_284, %and3A_286 : vector<16xi32>
      %gather3A_288 = tpu.vector_load_idx %arg9[%add3A_42, %and3A_287] : memref<256x64xf32, #tpu.memory_space<vmem>>[vector<16xi32>, vector<16xi32>], vector<16xf32>,
      %gather3A_289 = tpu.vector_load_idx %arg10[%add3A_42, %and3A_287] : memref<256x64xf32, #tpu.memory_space<vmem>>[vector<16xi32>, vector<16xi32>], vector<16xf32>,
      %mul3A_290 = arith.mulf %gather3A_288, %gather3A_289 : vector<16xf32>
      %add3A_291 = arith.addf %add3A_281, %mul3A_290 : vector<16xf32>
      %add3A_292 = arith.constant 25 : i32
      %add3A_293 = vector.broadcast %add3A_292 : i32 to vector<16xi32>
      %add3A_294 = arith.addi %iota3A, %add3A_293 : vector<16xi32>
      %and3A_295 = arith.constant 63 : i32
      %and3A_296 = vector.broadcast %and3A_295 : i32 to vector<16xi32>
      %and3A_297 = arith.andi %add3A_294, %and3A_296 : vector<16xi32>
      %gather3A_298 = tpu.vector_load_idx %arg9[%add3A_42, %and3A_297] : memref<256x64xf32, #tpu.memory_space<vmem>>[vector<16xi32>, vector<16xi32>], vector<16xf32>,
      %gather3A_299 = tpu.vector_load_idx %arg10[%add3A_42, %and3A_297] : memref<256x64xf32, #tpu.memory_space<vmem>>[vector<16xi32>, vector<16xi32>], vector<16xf32>,
      %mul3A_300 = arith.mulf %gather3A_298, %gather3A_299 : vector<16xf32>
      %add3A_301 = arith.addf %add3A_291, %mul3A_300 : vector<16xf32>
      %add3A_302 = arith.constant 26 : i32
      %add3A_303 = vector.broadcast %add3A_302 : i32 to vector<16xi32>
      %add3A_304 = arith.addi %iota3A, %add3A_303 : vector<16xi32>
      %and3A_305 = arith.constant 63 : i32
      %and3A_306 = vector.broadcast %and3A_305 : i32 to vector<16xi32>
      %and3A_307 = arith.andi %add3A_304, %and3A_306 : vector<16xi32>
      %gather3A_308 = tpu.vector_load_idx %arg9[%add3A_42, %and3A_307] : memref<256x64xf32, #tpu.memory_space<vmem>>[vector<16xi32>, vector<16xi32>], vector<16xf32>,
      %gather3A_309 = tpu.vector_load_idx %arg10[%add3A_42, %and3A_307] : memref<256x64xf32, #tpu.memory_space<vmem>>[vector<16xi32>, vector<16xi32>], vector<16xf32>,
      %mul3A_310 = arith.mulf %gather3A_308, %gather3A_309 : vector<16xf32>
      %add3A_311 = arith.addf %add3A_301, %mul3A_310 : vector<16xf32>
      %add3A_312 = arith.constant 27 : i32
      %add3A_313 = vector.broadcast %add3A_312 : i32 to vector<16xi32>
      %add3A_314 = arith.addi %iota3A, %add3A_313 : vector<16xi32>
      %and3A_315 = arith.constant 63 : i32
      %and3A_316 = vector.broadcast %and3A_315 : i32 to vector<16xi32>
      %and3A_317 = arith.andi %add3A_314, %and3A_316 : vector<16xi32>
      %gather3A_318 = tpu.vector_load_idx %arg9[%add3A_42, %and3A_317] : memref<256x64xf32, #tpu.memory_space<vmem>>[vector<16xi32>, vector<16xi32>], vector<16xf32>,
      %gather3A_319 = tpu.vector_load_idx %arg10[%add3A_42, %and3A_317] : memref<256x64xf32, #tpu.memory_space<vmem>>[vector<16xi32>, vector<16xi32>], vector<16xf32>,
      %mul3A_320 = arith.mulf %gather3A_318, %gather3A_319 : vector<16xf32>
      %add3A_321 = arith.addf %add3A_311, %mul3A_320 : vector<16xf32>
      %add3A_322 = arith.constant 28 : i32
      %add3A_323 = vector.broadcast %add3A_322 : i32 to vector<16xi32>
      %add3A_324 = arith.addi %iota3A, %add3A_323 : vector<16xi32>
      %and3A_325 = arith.constant 63 : i32
      %and3A_326 = vector.broadcast %and3A_325 : i32 to vector<16xi32>
      %and3A_327 = arith.andi %add3A_324, %and3A_326 : vector<16xi32>
      %gather3A_328 = tpu.vector_load_idx %arg9[%add3A_42, %and3A_327] : memref<256x64xf32, #tpu.memory_space<vmem>>[vector<16xi32>, vector<16xi32>], vector<16xf32>,
      %gather3A_329 = tpu.vector_load_idx %arg10[%add3A_42, %and3A_327] : memref<256x64xf32, #tpu.memory_space<vmem>>[vector<16xi32>, vector<16xi32>], vector<16xf32>,
      %mul3A_330 = arith.mulf %gather3A_328, %gather3A_329 : vector<16xf32>
      %add3A_331 = arith.addf %add3A_321, %mul3A_330 : vector<16xf32>
      %add3A_332 = arith.constant 29 : i32
      %add3A_333 = vector.broadcast %add3A_332 : i32 to vector<16xi32>
      %add3A_334 = arith.addi %iota3A, %add3A_333 : vector<16xi32>
      %and3A_335 = arith.constant 63 : i32
      %and3A_336 = vector.broadcast %and3A_335 : i32 to vector<16xi32>
      %and3A_337 = arith.andi %add3A_334, %and3A_336 : vector<16xi32>
      %gather3A_338 = tpu.vector_load_idx %arg9[%add3A_42, %and3A_337] : memref<256x64xf32, #tpu.memory_space<vmem>>[vector<16xi32>, vector<16xi32>], vector<16xf32>,
      %gather3A_339 = tpu.vector_load_idx %arg10[%add3A_42, %and3A_337] : memref<256x64xf32, #tpu.memory_space<vmem>>[vector<16xi32>, vector<16xi32>], vector<16xf32>,
      %mul3A_340 = arith.mulf %gather3A_338, %gather3A_339 : vector<16xf32>
      %add3A_341 = arith.addf %add3A_331, %mul3A_340 : vector<16xf32>
      %add3A_342 = arith.constant 30 : i32
      %add3A_343 = vector.broadcast %add3A_342 : i32 to vector<16xi32>
      %add3A_344 = arith.addi %iota3A, %add3A_343 : vector<16xi32>
      %and3A_345 = arith.constant 63 : i32
      %and3A_346 = vector.broadcast %and3A_345 : i32 to vector<16xi32>
      %and3A_347 = arith.andi %add3A_344, %and3A_346 : vector<16xi32>
      %gather3A_348 = tpu.vector_load_idx %arg9[%add3A_42, %and3A_347] : memref<256x64xf32, #tpu.memory_space<vmem>>[vector<16xi32>, vector<16xi32>], vector<16xf32>,
      %gather3A_349 = tpu.vector_load_idx %arg10[%add3A_42, %and3A_347] : memref<256x64xf32, #tpu.memory_space<vmem>>[vector<16xi32>, vector<16xi32>], vector<16xf32>,
      %mul3A_350 = arith.mulf %gather3A_348, %gather3A_349 : vector<16xf32>
      %add3A_351 = arith.addf %add3A_341, %mul3A_350 : vector<16xf32>
      %add3A_352 = arith.constant 31 : i32
      %add3A_353 = vector.broadcast %add3A_352 : i32 to vector<16xi32>
      %add3A_354 = arith.addi %iota3A, %add3A_353 : vector<16xi32>
      %and3A_355 = arith.constant 63 : i32
      %and3A_356 = vector.broadcast %and3A_355 : i32 to vector<16xi32>
      %and3A_357 = arith.andi %add3A_354, %and3A_356 : vector<16xi32>
      %gather3A_358 = tpu.vector_load_idx %arg9[%add3A_42, %and3A_357] : memref<256x64xf32, #tpu.memory_space<vmem>>[vector<16xi32>, vector<16xi32>], vector<16xf32>,
      %gather3A_359 = tpu.vector_load_idx %arg10[%add3A_42, %and3A_357] : memref<256x64xf32, #tpu.memory_space<vmem>>[vector<16xi32>, vector<16xi32>], vector<16xf32>,
      %mul3A_360 = arith.mulf %gather3A_358, %gather3A_359 : vector<16xf32>
      %add3A_361 = arith.addf %add3A_351, %mul3A_360 : vector<16xf32>
      %add3A_362 = arith.constant 32 : i32
      %add3A_363 = vector.broadcast %add3A_362 : i32 to vector<16xi32>
      %add3A_364 = arith.addi %iota3A, %add3A_363 : vector<16xi32>
      %and3A_365 = arith.constant 63 : i32
      %and3A_366 = vector.broadcast %and3A_365 : i32 to vector<16xi32>
      %and3A_367 = arith.andi %add3A_364, %and3A_366 : vector<16xi32>
      %gather3A_368 = tpu.vector_load_idx %arg9[%add3A_42, %and3A_367] : memref<256x64xf32, #tpu.memory_space<vmem>>[vector<16xi32>, vector<16xi32>], vector<16xf32>,
      %gather3A_369 = tpu.vector_load_idx %arg10[%add3A_42, %and3A_367] : memref<256x64xf32, #tpu.memory_space<vmem>>[vector<16xi32>, vector<16xi32>], vector<16xf32>,
      %mul3A_370 = arith.mulf %gather3A_368, %gather3A_369 : vector<16xf32>
      %add3A_371 = arith.addf %add3A_361, %mul3A_370 : vector<16xf32>
      %add3A_372 = arith.constant 33 : i32
      %add3A_373 = vector.broadcast %add3A_372 : i32 to vector<16xi32>
      %add3A_374 = arith.addi %iota3A, %add3A_373 : vector<16xi32>
      %and3A_375 = arith.constant 63 : i32
      %and3A_376 = vector.broadcast %and3A_375 : i32 to vector<16xi32>
      %and3A_377 = arith.andi %add3A_374, %and3A_376 : vector<16xi32>
      %gather3A_378 = tpu.vector_load_idx %arg9[%add3A_42, %and3A_377] : memref<256x64xf32, #tpu.memory_space<vmem>>[vector<16xi32>, vector<16xi32>], vector<16xf32>,
      %gather3A_379 = tpu.vector_load_idx %arg10[%add3A_42, %and3A_377] : memref<256x64xf32, #tpu.memory_space<vmem>>[vector<16xi32>, vector<16xi32>], vector<16xf32>,
      %mul3A_380 = arith.mulf %gather3A_378, %gather3A_379 : vector<16xf32>
      %add3A_381 = arith.addf %add3A_371, %mul3A_380 : vector<16xf32>
      %add3A_382 = arith.constant 34 : i32
      %add3A_383 = vector.broadcast %add3A_382 : i32 to vector<16xi32>
      %add3A_384 = arith.addi %iota3A, %add3A_383 : vector<16xi32>
      %and3A_385 = arith.constant 63 : i32
      %and3A_386 = vector.broadcast %and3A_385 : i32 to vector<16xi32>
      %and3A_387 = arith.andi %add3A_384, %and3A_386 : vector<16xi32>
      %gather3A_388 = tpu.vector_load_idx %arg9[%add3A_42, %and3A_387] : memref<256x64xf32, #tpu.memory_space<vmem>>[vector<16xi32>, vector<16xi32>], vector<16xf32>,
      %gather3A_389 = tpu.vector_load_idx %arg10[%add3A_42, %and3A_387] : memref<256x64xf32, #tpu.memory_space<vmem>>[vector<16xi32>, vector<16xi32>], vector<16xf32>,
      %mul3A_390 = arith.mulf %gather3A_388, %gather3A_389 : vector<16xf32>
      %add3A_391 = arith.addf %add3A_381, %mul3A_390 : vector<16xf32>
      %add3A_392 = arith.constant 35 : i32
      %add3A_393 = vector.broadcast %add3A_392 : i32 to vector<16xi32>
      %add3A_394 = arith.addi %iota3A, %add3A_393 : vector<16xi32>
      %and3A_395 = arith.constant 63 : i32
      %and3A_396 = vector.broadcast %and3A_395 : i32 to vector<16xi32>
      %and3A_397 = arith.andi %add3A_394, %and3A_396 : vector<16xi32>
      %gather3A_398 = tpu.vector_load_idx %arg9[%add3A_42, %and3A_397] : memref<256x64xf32, #tpu.memory_space<vmem>>[vector<16xi32>, vector<16xi32>], vector<16xf32>,
      %gather3A_399 = tpu.vector_load_idx %arg10[%add3A_42, %and3A_397] : memref<256x64xf32, #tpu.memory_space<vmem>>[vector<16xi32>, vector<16xi32>], vector<16xf32>,
      %mul3A_400 = arith.mulf %gather3A_398, %gather3A_399 : vector<16xf32>
      %add3A_401 = arith.addf %add3A_391, %mul3A_400 : vector<16xf32>
      %add3A_402 = arith.constant 36 : i32
      %add3A_403 = vector.broadcast %add3A_402 : i32 to vector<16xi32>
      %add3A_404 = arith.addi %iota3A, %add3A_403 : vector<16xi32>
      %and3A_405 = arith.constant 63 : i32
      %and3A_406 = vector.broadcast %and3A_405 : i32 to vector<16xi32>
      %and3A_407 = arith.andi %add3A_404, %and3A_406 : vector<16xi32>
      %gather3A_408 = tpu.vector_load_idx %arg9[%add3A_42, %and3A_407] : memref<256x64xf32, #tpu.memory_space<vmem>>[vector<16xi32>, vector<16xi32>], vector<16xf32>,
      %gather3A_409 = tpu.vector_load_idx %arg10[%add3A_42, %and3A_407] : memref<256x64xf32, #tpu.memory_space<vmem>>[vector<16xi32>, vector<16xi32>], vector<16xf32>,
      %mul3A_410 = arith.mulf %gather3A_408, %gather3A_409 : vector<16xf32>
      %add3A_411 = arith.addf %add3A_401, %mul3A_410 : vector<16xf32>
      %add3A_412 = arith.constant 37 : i32
      %add3A_413 = vector.broadcast %add3A_412 : i32 to vector<16xi32>
      %add3A_414 = arith.addi %iota3A, %add3A_413 : vector<16xi32>
      %and3A_415 = arith.constant 63 : i32
      %and3A_416 = vector.broadcast %and3A_415 : i32 to vector<16xi32>
      %and3A_417 = arith.andi %add3A_414, %and3A_416 : vector<16xi32>
      %gather3A_418 = tpu.vector_load_idx %arg9[%add3A_42, %and3A_417] : memref<256x64xf32, #tpu.memory_space<vmem>>[vector<16xi32>, vector<16xi32>], vector<16xf32>,
      %gather3A_419 = tpu.vector_load_idx %arg10[%add3A_42, %and3A_417] : memref<256x64xf32, #tpu.memory_space<vmem>>[vector<16xi32>, vector<16xi32>], vector<16xf32>,
      %mul3A_420 = arith.mulf %gather3A_418, %gather3A_419 : vector<16xf32>
      %add3A_421 = arith.addf %add3A_411, %mul3A_420 : vector<16xf32>
      %add3A_422 = arith.constant 38 : i32
      %add3A_423 = vector.broadcast %add3A_422 : i32 to vector<16xi32>
      %add3A_424 = arith.addi %iota3A, %add3A_423 : vector<16xi32>
      %and3A_425 = arith.constant 63 : i32
      %and3A_426 = vector.broadcast %and3A_425 : i32 to vector<16xi32>
      %and3A_427 = arith.andi %add3A_424, %and3A_426 : vector<16xi32>
      %gather3A_428 = tpu.vector_load_idx %arg9[%add3A_42, %and3A_427] : memref<256x64xf32, #tpu.memory_space<vmem>>[vector<16xi32>, vector<16xi32>], vector<16xf32>,
      %gather3A_429 = tpu.vector_load_idx %arg10[%add3A_42, %and3A_427] : memref<256x64xf32, #tpu.memory_space<vmem>>[vector<16xi32>, vector<16xi32>], vector<16xf32>,
      %mul3A_430 = arith.mulf %gather3A_428, %gather3A_429 : vector<16xf32>
      %add3A_431 = arith.addf %add3A_421, %mul3A_430 : vector<16xf32>
      %add3A_432 = arith.constant 39 : i32
      %add3A_433 = vector.broadcast %add3A_432 : i32 to vector<16xi32>
      %add3A_434 = arith.addi %iota3A, %add3A_433 : vector<16xi32>
      %and3A_435 = arith.constant 63 : i32
      %and3A_436 = vector.broadcast %and3A_435 : i32 to vector<16xi32>
      %and3A_437 = arith.andi %add3A_434, %and3A_436 : vector<16xi32>
      %gather3A_438 = tpu.vector_load_idx %arg9[%add3A_42, %and3A_437] : memref<256x64xf32, #tpu.memory_space<vmem>>[vector<16xi32>, vector<16xi32>], vector<16xf32>,
      %gather3A_439 = tpu.vector_load_idx %arg10[%add3A_42, %and3A_437] : memref<256x64xf32, #tpu.memory_space<vmem>>[vector<16xi32>, vector<16xi32>], vector<16xf32>,
      %mul3A_440 = arith.mulf %gather3A_438, %gather3A_439 : vector<16xf32>
      %add3A_441 = arith.addf %add3A_431, %mul3A_440 : vector<16xf32>
      %add3A_442 = arith.constant 40 : i32
      %add3A_443 = vector.broadcast %add3A_442 : i32 to vector<16xi32>
      %add3A_444 = arith.addi %iota3A, %add3A_443 : vector<16xi32>
      %and3A_445 = arith.constant 63 : i32
      %and3A_446 = vector.broadcast %and3A_445 : i32 to vector<16xi32>
      %and3A_447 = arith.andi %add3A_444, %and3A_446 : vector<16xi32>
      %gather3A_448 = tpu.vector_load_idx %arg9[%add3A_42, %and3A_447] : memref<256x64xf32, #tpu.memory_space<vmem>>[vector<16xi32>, vector<16xi32>], vector<16xf32>,
      %gather3A_449 = tpu.vector_load_idx %arg10[%add3A_42, %and3A_447] : memref<256x64xf32, #tpu.memory_space<vmem>>[vector<16xi32>, vector<16xi32>], vector<16xf32>,
      %mul3A_450 = arith.mulf %gather3A_448, %gather3A_449 : vector<16xf32>
      %add3A_451 = arith.addf %add3A_441, %mul3A_450 : vector<16xf32>
      %add3A_452 = arith.constant 41 : i32
      %add3A_453 = vector.broadcast %add3A_452 : i32 to vector<16xi32>
      %add3A_454 = arith.addi %iota3A, %add3A_453 : vector<16xi32>
      %and3A_455 = arith.constant 63 : i32
      %and3A_456 = vector.broadcast %and3A_455 : i32 to vector<16xi32>
      %and3A_457 = arith.andi %add3A_454, %and3A_456 : vector<16xi32>
      %gather3A_458 = tpu.vector_load_idx %arg9[%add3A_42, %and3A_457] : memref<256x64xf32, #tpu.memory_space<vmem>>[vector<16xi32>, vector<16xi32>], vector<16xf32>,
      %gather3A_459 = tpu.vector_load_idx %arg10[%add3A_42, %and3A_457] : memref<256x64xf32, #tpu.memory_space<vmem>>[vector<16xi32>, vector<16xi32>], vector<16xf32>,
      %mul3A_460 = arith.mulf %gather3A_458, %gather3A_459 : vector<16xf32>
      %add3A_461 = arith.addf %add3A_451, %mul3A_460 : vector<16xf32>
      %add3A_462 = arith.constant 42 : i32
      %add3A_463 = vector.broadcast %add3A_462 : i32 to vector<16xi32>
      %add3A_464 = arith.addi %iota3A, %add3A_463 : vector<16xi32>
      %and3A_465 = arith.constant 63 : i32
      %and3A_466 = vector.broadcast %and3A_465 : i32 to vector<16xi32>
      %and3A_467 = arith.andi %add3A_464, %and3A_466 : vector<16xi32>
      %gather3A_468 = tpu.vector_load_idx %arg9[%add3A_42, %and3A_467] : memref<256x64xf32, #tpu.memory_space<vmem>>[vector<16xi32>, vector<16xi32>], vector<16xf32>,
      %gather3A_469 = tpu.vector_load_idx %arg10[%add3A_42, %and3A_467] : memref<256x64xf32, #tpu.memory_space<vmem>>[vector<16xi32>, vector<16xi32>], vector<16xf32>,
      %mul3A_470 = arith.mulf %gather3A_468, %gather3A_469 : vector<16xf32>
      %add3A_471 = arith.addf %add3A_461, %mul3A_470 : vector<16xf32>
      %add3A_472 = arith.constant 43 : i32
      %add3A_473 = vector.broadcast %add3A_472 : i32 to vector<16xi32>
      %add3A_474 = arith.addi %iota3A, %add3A_473 : vector<16xi32>
      %and3A_475 = arith.constant 63 : i32
      %and3A_476 = vector.broadcast %and3A_475 : i32 to vector<16xi32>
      %and3A_477 = arith.andi %add3A_474, %and3A_476 : vector<16xi32>
      %gather3A_478 = tpu.vector_load_idx %arg9[%add3A_42, %and3A_477] : memref<256x64xf32, #tpu.memory_space<vmem>>[vector<16xi32>, vector<16xi32>], vector<16xf32>,
      %gather3A_479 = tpu.vector_load_idx %arg10[%add3A_42, %and3A_477] : memref<256x64xf32, #tpu.memory_space<vmem>>[vector<16xi32>, vector<16xi32>], vector<16xf32>,
      %mul3A_480 = arith.mulf %gather3A_478, %gather3A_479 : vector<16xf32>
      %add3A_481 = arith.addf %add3A_471, %mul3A_480 : vector<16xf32>
      %add3A_482 = arith.constant 44 : i32
      %add3A_483 = vector.broadcast %add3A_482 : i32 to vector<16xi32>
      %add3A_484 = arith.addi %iota3A, %add3A_483 : vector<16xi32>
      %and3A_485 = arith.constant 63 : i32
      %and3A_486 = vector.broadcast %and3A_485 : i32 to vector<16xi32>
      %and3A_487 = arith.andi %add3A_484, %and3A_486 : vector<16xi32>
      %gather3A_488 = tpu.vector_load_idx %arg9[%add3A_42, %and3A_487] : memref<256x64xf32, #tpu.memory_space<vmem>>[vector<16xi32>, vector<16xi32>], vector<16xf32>,
      %gather3A_489 = tpu.vector_load_idx %arg10[%add3A_42, %and3A_487] : memref<256x64xf32, #tpu.memory_space<vmem>>[vector<16xi32>, vector<16xi32>], vector<16xf32>,
      %mul3A_490 = arith.mulf %gather3A_488, %gather3A_489 : vector<16xf32>
      %add3A_491 = arith.addf %add3A_481, %mul3A_490 : vector<16xf32>
      %add3A_492 = arith.constant 45 : i32
      %add3A_493 = vector.broadcast %add3A_492 : i32 to vector<16xi32>
      %add3A_494 = arith.addi %iota3A, %add3A_493 : vector<16xi32>
      %and3A_495 = arith.constant 63 : i32
      %and3A_496 = vector.broadcast %and3A_495 : i32 to vector<16xi32>
      %and3A_497 = arith.andi %add3A_494, %and3A_496 : vector<16xi32>
      %gather3A_498 = tpu.vector_load_idx %arg9[%add3A_42, %and3A_497] : memref<256x64xf32, #tpu.memory_space<vmem>>[vector<16xi32>, vector<16xi32>], vector<16xf32>,
      %gather3A_499 = tpu.vector_load_idx %arg10[%add3A_42, %and3A_497] : memref<256x64xf32, #tpu.memory_space<vmem>>[vector<16xi32>, vector<16xi32>], vector<16xf32>,
      %mul3A_500 = arith.mulf %gather3A_498, %gather3A_499 : vector<16xf32>
      %add3A_501 = arith.addf %add3A_491, %mul3A_500 : vector<16xf32>
      %add3A_502 = arith.constant 46 : i32
      %add3A_503 = vector.broadcast %add3A_502 : i32 to vector<16xi32>
      %add3A_504 = arith.addi %iota3A, %add3A_503 : vector<16xi32>
      %and3A_505 = arith.constant 63 : i32
      %and3A_506 = vector.broadcast %and3A_505 : i32 to vector<16xi32>
      %and3A_507 = arith.andi %add3A_504, %and3A_506 : vector<16xi32>
      %gather3A_508 = tpu.vector_load_idx %arg9[%add3A_42, %and3A_507] : memref<256x64xf32, #tpu.memory_space<vmem>>[vector<16xi32>, vector<16xi32>], vector<16xf32>,
      %gather3A_509 = tpu.vector_load_idx %arg10[%add3A_42, %and3A_507] : memref<256x64xf32, #tpu.memory_space<vmem>>[vector<16xi32>, vector<16xi32>], vector<16xf32>,
      %mul3A_510 = arith.mulf %gather3A_508, %gather3A_509 : vector<16xf32>
      %add3A_511 = arith.addf %add3A_501, %mul3A_510 : vector<16xf32>
      %add3A_512 = arith.constant 47 : i32
      %add3A_513 = vector.broadcast %add3A_512 : i32 to vector<16xi32>
      %add3A_514 = arith.addi %iota3A, %add3A_513 : vector<16xi32>
      %and3A_515 = arith.constant 63 : i32
      %and3A_516 = vector.broadcast %and3A_515 : i32 to vector<16xi32>
      %and3A_517 = arith.andi %add3A_514, %and3A_516 : vector<16xi32>
      %gather3A_518 = tpu.vector_load_idx %arg9[%add3A_42, %and3A_517] : memref<256x64xf32, #tpu.memory_space<vmem>>[vector<16xi32>, vector<16xi32>], vector<16xf32>,
      %gather3A_519 = tpu.vector_load_idx %arg10[%add3A_42, %and3A_517] : memref<256x64xf32, #tpu.memory_space<vmem>>[vector<16xi32>, vector<16xi32>], vector<16xf32>,
      %mul3A_520 = arith.mulf %gather3A_518, %gather3A_519 : vector<16xf32>
      %add3A_521 = arith.addf %add3A_511, %mul3A_520 : vector<16xf32>
      %add3A_522 = arith.constant 48 : i32
      %add3A_523 = vector.broadcast %add3A_522 : i32 to vector<16xi32>
      %add3A_524 = arith.addi %iota3A, %add3A_523 : vector<16xi32>
      %and3A_525 = arith.constant 63 : i32
      %and3A_526 = vector.broadcast %and3A_525 : i32 to vector<16xi32>
      %and3A_527 = arith.andi %add3A_524, %and3A_526 : vector<16xi32>
      %gather3A_528 = tpu.vector_load_idx %arg9[%add3A_42, %and3A_527] : memref<256x64xf32, #tpu.memory_space<vmem>>[vector<16xi32>, vector<16xi32>], vector<16xf32>,
      %gather3A_529 = tpu.vector_load_idx %arg10[%add3A_42, %and3A_527] : memref<256x64xf32, #tpu.memory_space<vmem>>[vector<16xi32>, vector<16xi32>], vector<16xf32>,
      %mul3A_530 = arith.mulf %gather3A_528, %gather3A_529 : vector<16xf32>
      %add3A_531 = arith.addf %add3A_521, %mul3A_530 : vector<16xf32>
      %add3A_532 = arith.constant 49 : i32
      %add3A_533 = vector.broadcast %add3A_532 : i32 to vector<16xi32>
      %add3A_534 = arith.addi %iota3A, %add3A_533 : vector<16xi32>
      %and3A_535 = arith.constant 63 : i32
      %and3A_536 = vector.broadcast %and3A_535 : i32 to vector<16xi32>
      %and3A_537 = arith.andi %add3A_534, %and3A_536 : vector<16xi32>
      %gather3A_538 = tpu.vector_load_idx %arg9[%add3A_42, %and3A_537] : memref<256x64xf32, #tpu.memory_space<vmem>>[vector<16xi32>, vector<16xi32>], vector<16xf32>,
      %gather3A_539 = tpu.vector_load_idx %arg10[%add3A_42, %and3A_537] : memref<256x64xf32, #tpu.memory_space<vmem>>[vector<16xi32>, vector<16xi32>], vector<16xf32>,
      %mul3A_540 = arith.mulf %gather3A_538, %gather3A_539 : vector<16xf32>
      %add3A_541 = arith.addf %add3A_531, %mul3A_540 : vector<16xf32>
      %add3A_542 = arith.constant 50 : i32
      %add3A_543 = vector.broadcast %add3A_542 : i32 to vector<16xi32>
      %add3A_544 = arith.addi %iota3A, %add3A_543 : vector<16xi32>
      %and3A_545 = arith.constant 63 : i32
      %and3A_546 = vector.broadcast %and3A_545 : i32 to vector<16xi32>
      %and3A_547 = arith.andi %add3A_544, %and3A_546 : vector<16xi32>
      %gather3A_548 = tpu.vector_load_idx %arg9[%add3A_42, %and3A_547] : memref<256x64xf32, #tpu.memory_space<vmem>>[vector<16xi32>, vector<16xi32>], vector<16xf32>,
      %gather3A_549 = tpu.vector_load_idx %arg10[%add3A_42, %and3A_547] : memref<256x64xf32, #tpu.memory_space<vmem>>[vector<16xi32>, vector<16xi32>], vector<16xf32>,
      %mul3A_550 = arith.mulf %gather3A_548, %gather3A_549 : vector<16xf32>
      %add3A_551 = arith.addf %add3A_541, %mul3A_550 : vector<16xf32>
      %add3A_552 = arith.constant 51 : i32
      %add3A_553 = vector.broadcast %add3A_552 : i32 to vector<16xi32>
      %add3A_554 = arith.addi %iota3A, %add3A_553 : vector<16xi32>
      %and3A_555 = arith.constant 63 : i32
      %and3A_556 = vector.broadcast %and3A_555 : i32 to vector<16xi32>
      %and3A_557 = arith.andi %add3A_554, %and3A_556 : vector<16xi32>
      %gather3A_558 = tpu.vector_load_idx %arg9[%add3A_42, %and3A_557] : memref<256x64xf32, #tpu.memory_space<vmem>>[vector<16xi32>, vector<16xi32>], vector<16xf32>,
      %gather3A_559 = tpu.vector_load_idx %arg10[%add3A_42, %and3A_557] : memref<256x64xf32, #tpu.memory_space<vmem>>[vector<16xi32>, vector<16xi32>], vector<16xf32>,
      %mul3A_560 = arith.mulf %gather3A_558, %gather3A_559 : vector<16xf32>
      %add3A_561 = arith.addf %add3A_551, %mul3A_560 : vector<16xf32>
      %add3A_562 = arith.constant 52 : i32
      %add3A_563 = vector.broadcast %add3A_562 : i32 to vector<16xi32>
      %add3A_564 = arith.addi %iota3A, %add3A_563 : vector<16xi32>
      %and3A_565 = arith.constant 63 : i32
      %and3A_566 = vector.broadcast %and3A_565 : i32 to vector<16xi32>
      %and3A_567 = arith.andi %add3A_564, %and3A_566 : vector<16xi32>
      %gather3A_568 = tpu.vector_load_idx %arg9[%add3A_42, %and3A_567] : memref<256x64xf32, #tpu.memory_space<vmem>>[vector<16xi32>, vector<16xi32>], vector<16xf32>,
      %gather3A_569 = tpu.vector_load_idx %arg10[%add3A_42, %and3A_567] : memref<256x64xf32, #tpu.memory_space<vmem>>[vector<16xi32>, vector<16xi32>], vector<16xf32>,
      %mul3A_570 = arith.mulf %gather3A_568, %gather3A_569 : vector<16xf32>
      %add3A_571 = arith.addf %add3A_561, %mul3A_570 : vector<16xf32>
      %add3A_572 = arith.constant 53 : i32
      %add3A_573 = vector.broadcast %add3A_572 : i32 to vector<16xi32>
      %add3A_574 = arith.addi %iota3A, %add3A_573 : vector<16xi32>
      %and3A_575 = arith.constant 63 : i32
      %and3A_576 = vector.broadcast %and3A_575 : i32 to vector<16xi32>
      %and3A_577 = arith.andi %add3A_574, %and3A_576 : vector<16xi32>
      %gather3A_578 = tpu.vector_load_idx %arg9[%add3A_42, %and3A_577] : memref<256x64xf32, #tpu.memory_space<vmem>>[vector<16xi32>, vector<16xi32>], vector<16xf32>,
      %gather3A_579 = tpu.vector_load_idx %arg10[%add3A_42, %and3A_577] : memref<256x64xf32, #tpu.memory_space<vmem>>[vector<16xi32>, vector<16xi32>], vector<16xf32>,
      %mul3A_580 = arith.mulf %gather3A_578, %gather3A_579 : vector<16xf32>
      %add3A_581 = arith.addf %add3A_571, %mul3A_580 : vector<16xf32>
      %add3A_582 = arith.constant 54 : i32
      %add3A_583 = vector.broadcast %add3A_582 : i32 to vector<16xi32>
      %add3A_584 = arith.addi %iota3A, %add3A_583 : vector<16xi32>
      %and3A_585 = arith.constant 63 : i32
      %and3A_586 = vector.broadcast %and3A_585 : i32 to vector<16xi32>
      %and3A_587 = arith.andi %add3A_584, %and3A_586 : vector<16xi32>
      %gather3A_588 = tpu.vector_load_idx %arg9[%add3A_42, %and3A_587] : memref<256x64xf32, #tpu.memory_space<vmem>>[vector<16xi32>, vector<16xi32>], vector<16xf32>,
      %gather3A_589 = tpu.vector_load_idx %arg10[%add3A_42, %and3A_587] : memref<256x64xf32, #tpu.memory_space<vmem>>[vector<16xi32>, vector<16xi32>], vector<16xf32>,
      %mul3A_590 = arith.mulf %gather3A_588, %gather3A_589 : vector<16xf32>
      %add3A_591 = arith.addf %add3A_581, %mul3A_590 : vector<16xf32>
      %add3A_592 = arith.constant 55 : i32
      %add3A_593 = vector.broadcast %add3A_592 : i32 to vector<16xi32>
      %add3A_594 = arith.addi %iota3A, %add3A_593 : vector<16xi32>
      %and3A_595 = arith.constant 63 : i32
      %and3A_596 = vector.broadcast %and3A_595 : i32 to vector<16xi32>
      %and3A_597 = arith.andi %add3A_594, %and3A_596 : vector<16xi32>
      %gather3A_598 = tpu.vector_load_idx %arg9[%add3A_42, %and3A_597] : memref<256x64xf32, #tpu.memory_space<vmem>>[vector<16xi32>, vector<16xi32>], vector<16xf32>,
      %gather3A_599 = tpu.vector_load_idx %arg10[%add3A_42, %and3A_597] : memref<256x64xf32, #tpu.memory_space<vmem>>[vector<16xi32>, vector<16xi32>], vector<16xf32>,
      %mul3A_600 = arith.mulf %gather3A_598, %gather3A_599 : vector<16xf32>
      %add3A_601 = arith.addf %add3A_591, %mul3A_600 : vector<16xf32>
      %add3A_602 = arith.constant 56 : i32
      %add3A_603 = vector.broadcast %add3A_602 : i32 to vector<16xi32>
      %add3A_604 = arith.addi %iota3A, %add3A_603 : vector<16xi32>
      %and3A_605 = arith.constant 63 : i32
      %and3A_606 = vector.broadcast %and3A_605 : i32 to vector<16xi32>
      %and3A_607 = arith.andi %add3A_604, %and3A_606 : vector<16xi32>
      %gather3A_608 = tpu.vector_load_idx %arg9[%add3A_42, %and3A_607] : memref<256x64xf32, #tpu.memory_space<vmem>>[vector<16xi32>, vector<16xi32>], vector<16xf32>,
      %gather3A_609 = tpu.vector_load_idx %arg10[%add3A_42, %and3A_607] : memref<256x64xf32, #tpu.memory_space<vmem>>[vector<16xi32>, vector<16xi32>], vector<16xf32>,
      %mul3A_610 = arith.mulf %gather3A_608, %gather3A_609 : vector<16xf32>
      %add3A_611 = arith.addf %add3A_601, %mul3A_610 : vector<16xf32>
      %add3A_612 = arith.constant 57 : i32
      %add3A_613 = vector.broadcast %add3A_612 : i32 to vector<16xi32>
      %add3A_614 = arith.addi %iota3A, %add3A_613 : vector<16xi32>
      %and3A_615 = arith.constant 63 : i32
      %and3A_616 = vector.broadcast %and3A_615 : i32 to vector<16xi32>
      %and3A_617 = arith.andi %add3A_614, %and3A_616 : vector<16xi32>
      %gather3A_618 = tpu.vector_load_idx %arg9[%add3A_42, %and3A_617] : memref<256x64xf32, #tpu.memory_space<vmem>>[vector<16xi32>, vector<16xi32>], vector<16xf32>,
      %gather3A_619 = tpu.vector_load_idx %arg10[%add3A_42, %and3A_617] : memref<256x64xf32, #tpu.memory_space<vmem>>[vector<16xi32>, vector<16xi32>], vector<16xf32>,
      %mul3A_620 = arith.mulf %gather3A_618, %gather3A_619 : vector<16xf32>
      %add3A_621 = arith.addf %add3A_611, %mul3A_620 : vector<16xf32>
      %add3A_622 = arith.constant 58 : i32
      %add3A_623 = vector.broadcast %add3A_622 : i32 to vector<16xi32>
      %add3A_624 = arith.addi %iota3A, %add3A_623 : vector<16xi32>
      %and3A_625 = arith.constant 63 : i32
      %and3A_626 = vector.broadcast %and3A_625 : i32 to vector<16xi32>
      %and3A_627 = arith.andi %add3A_624, %and3A_626 : vector<16xi32>
      %gather3A_628 = tpu.vector_load_idx %arg9[%add3A_42, %and3A_627] : memref<256x64xf32, #tpu.memory_space<vmem>>[vector<16xi32>, vector<16xi32>], vector<16xf32>,
      %gather3A_629 = tpu.vector_load_idx %arg10[%add3A_42, %and3A_627] : memref<256x64xf32, #tpu.memory_space<vmem>>[vector<16xi32>, vector<16xi32>], vector<16xf32>,
      %mul3A_630 = arith.mulf %gather3A_628, %gather3A_629 : vector<16xf32>
      %add3A_631 = arith.addf %add3A_621, %mul3A_630 : vector<16xf32>
      %add3A_632 = arith.constant 59 : i32
      %add3A_633 = vector.broadcast %add3A_632 : i32 to vector<16xi32>
      %add3A_634 = arith.addi %iota3A, %add3A_633 : vector<16xi32>
      %and3A_635 = arith.constant 63 : i32
      %and3A_636 = vector.broadcast %and3A_635 : i32 to vector<16xi32>
      %and3A_637 = arith.andi %add3A_634, %and3A_636 : vector<16xi32>
      %gather3A_638 = tpu.vector_load_idx %arg9[%add3A_42, %and3A_637] : memref<256x64xf32, #tpu.memory_space<vmem>>[vector<16xi32>, vector<16xi32>], vector<16xf32>,
      %gather3A_639 = tpu.vector_load_idx %arg10[%add3A_42, %and3A_637] : memref<256x64xf32, #tpu.memory_space<vmem>>[vector<16xi32>, vector<16xi32>], vector<16xf32>,
      %mul3A_640 = arith.mulf %gather3A_638, %gather3A_639 : vector<16xf32>
      %add3A_641 = arith.addf %add3A_631, %mul3A_640 : vector<16xf32>
      %add3A_642 = arith.constant 60 : i32
      %add3A_643 = vector.broadcast %add3A_642 : i32 to vector<16xi32>
      %add3A_644 = arith.addi %iota3A, %add3A_643 : vector<16xi32>
      %and3A_645 = arith.constant 63 : i32
      %and3A_646 = vector.broadcast %and3A_645 : i32 to vector<16xi32>
      %and3A_647 = arith.andi %add3A_644, %and3A_646 : vector<16xi32>
      %gather3A_648 = tpu.vector_load_idx %arg9[%add3A_42, %and3A_647] : memref<256x64xf32, #tpu.memory_space<vmem>>[vector<16xi32>, vector<16xi32>], vector<16xf32>,
      %gather3A_649 = tpu.vector_load_idx %arg10[%add3A_42, %and3A_647] : memref<256x64xf32, #tpu.memory_space<vmem>>[vector<16xi32>, vector<16xi32>], vector<16xf32>,
      %mul3A_650 = arith.mulf %gather3A_648, %gather3A_649 : vector<16xf32>
      %add3A_651 = arith.addf %add3A_641, %mul3A_650 : vector<16xf32>
      %add3A_652 = arith.constant 61 : i32
      %add3A_653 = vector.broadcast %add3A_652 : i32 to vector<16xi32>
      %add3A_654 = arith.addi %iota3A, %add3A_653 : vector<16xi32>
      %and3A_655 = arith.constant 63 : i32
      %and3A_656 = vector.broadcast %and3A_655 : i32 to vector<16xi32>
      %and3A_657 = arith.andi %add3A_654, %and3A_656 : vector<16xi32>
      %gather3A_658 = tpu.vector_load_idx %arg9[%add3A_42, %and3A_657] : memref<256x64xf32, #tpu.memory_space<vmem>>[vector<16xi32>, vector<16xi32>], vector<16xf32>,
      %gather3A_659 = tpu.vector_load_idx %arg10[%add3A_42, %and3A_657] : memref<256x64xf32, #tpu.memory_space<vmem>>[vector<16xi32>, vector<16xi32>], vector<16xf32>,
      %mul3A_660 = arith.mulf %gather3A_658, %gather3A_659 : vector<16xf32>
      %add3A_661 = arith.addf %add3A_651, %mul3A_660 : vector<16xf32>
      %add3A_662 = arith.constant 62 : i32
      %add3A_663 = vector.broadcast %add3A_662 : i32 to vector<16xi32>
      %add3A_664 = arith.addi %iota3A, %add3A_663 : vector<16xi32>
      %and3A_665 = arith.constant 63 : i32
      %and3A_666 = vector.broadcast %and3A_665 : i32 to vector<16xi32>
      %and3A_667 = arith.andi %add3A_664, %and3A_666 : vector<16xi32>
      %gather3A_668 = tpu.vector_load_idx %arg9[%add3A_42, %and3A_667] : memref<256x64xf32, #tpu.memory_space<vmem>>[vector<16xi32>, vector<16xi32>], vector<16xf32>,
      %gather3A_669 = tpu.vector_load_idx %arg10[%add3A_42, %and3A_667] : memref<256x64xf32, #tpu.memory_space<vmem>>[vector<16xi32>, vector<16xi32>], vector<16xf32>,
      %mul3A_670 = arith.mulf %gather3A_668, %gather3A_669 : vector<16xf32>
      %add3A_671 = arith.addf %add3A_661, %mul3A_670 : vector<16xf32>
      %add3A_672 = arith.constant 63 : i32
      %add3A_673 = vector.broadcast %add3A_672 : i32 to vector<16xi32>
      %add3A_674 = arith.addi %iota3A, %add3A_673 : vector<16xi32>
      %and3A_675 = arith.constant 63 : i32
      %and3A_676 = vector.broadcast %and3A_675 : i32 to vector<16xi32>
      %and3A_677 = arith.andi %add3A_674, %and3A_676 : vector<16xi32>
      %gather3A_678 = tpu.vector_load_idx %arg9[%add3A_42, %and3A_677] : memref<256x64xf32, #tpu.memory_space<vmem>>[vector<16xi32>, vector<16xi32>], vector<16xf32>,
      %gather3A_679 = tpu.vector_load_idx %arg10[%add3A_42, %and3A_677] : memref<256x64xf32, #tpu.memory_space<vmem>>[vector<16xi32>, vector<16xi32>], vector<16xf32>,
      %mul3A_680 = arith.mulf %gather3A_678, %gather3A_679 : vector<16xf32>
      %add3A_681 = arith.addf %add3A_671, %mul3A_680 : vector<16xf32>
      %mul3A_682 = arith.constant 16 : i32
      %mul3A_683 = arith.muli %scan3A_38, %mul3A_682 : i32
      %add3A_684 = arith.constant 0 : i32
      %add3A_685 = arith.addi %add3A_684, %mul3A_683 : i32
      %multiple_of3A_686 = tpu.assume_multiple %add3A_685, 16 : i32
      %swap3A = arith.index_cast %multiple_of3A_686 : i32 to index
      %swap3A_687 = tpu.vector_load %arg11[%swap3A] {strides = array<i32>} : memref<512xf32, #tpu.memory_space<vmem>>, vector<16xf32>,
      tpu.vector_store %arg11[%swap3A], %add3A_681 {strides = array<i32>} : memref<512xf32, #tpu.memory_space<vmem>>, vector<16xf32>,
    }
    %scan3A_19 = arith.constant 16 : i32
    %scan3A_20 = arith.constant 0 : i32
    %scan3A_21 = arith.constant 0 : i32
    %scan3A_22 = arith.constant 16 : i32
    %scan3A_23 = arith.addi %scan3A_21, %scan3A_22 : i32
    %scan3A_24 = arith.constant 1 : i32
    scf.for %scan3A_38 = %scan3A_21 to %scan3A_23 step %scan3A_24  : i32 {
      %mul3A_39 = arith.constant 16 : i32
      %mul3A_40 = arith.muli %scan3A_38, %mul3A_39 : i32
      %add3A_41 = arith.constant 256 : i32
      %add3A_42 = arith.addi %add3A_41, %mul3A_40 : i32
      %multiple_of3A_43 = tpu.assume_multiple %add3A_42, 16 : i32
      %get3A = arith.index_cast %multiple_of3A_43 : i32 to index
      %get3A_44 = tpu.vector_load %arg7[%get3A] {strides = array<i32>} : memref<512xi32, #tpu.memory_space<vmem>>, vector<16xi32>,
      %get3A_45 = arith.index_cast %multiple_of3A_43 : i32 to index
      %get3A_46 = tpu.vector_load %arg8[%get3A_45] {strides = array<i32>} : memref<512xi32, #tpu.memory_space<vmem>>, vector<16xi32>,
      %eq3A = arith.constant 0 : i32
      %eq3A_47 = vector.broadcast %eq3A : i32 to vector<16xi32>
      %eq3A_48 = arith.cmpi eq, %iota3A, %eq3A_47 : vector<16xi32>
      %jit3A = arith.constant 0 : i32
      %broadcast_in_dim3A = vector.broadcast %jit3A : i32 to vector<16xi32>
      %select_n3A = arith.select %eq3A_48, %get3A_44, %broadcast_in_dim3A : vector<16xi1>, vector<16xi32>
      %reduce_sum3A = arith.constant true
      %reduce_sum3A_49 = vector.broadcast %reduce_sum3A : i1 to vector<16xi1>
      %reduce_sum3A_50 = tpu.scan <sum>, %select_n3A masked %reduce_sum3A_49 : vector<16xi32>, vector<16xi1> -> vector<16xi32>
      %reduce_sum3A_51 = vector.extract %reduce_sum3A_50[15] : i32 from vector<16xi32>
      %eq3A_52 = arith.constant 0 : i32
      %eq3A_53 = vector.broadcast %eq3A_52 : i32 to vector<16xi32>
      %eq3A_54 = arith.cmpi eq, %iota3A, %eq3A_53 : vector<16xi32>
      %jit3A_55 = arith.constant 0 : i32
      %broadcast_in_dim3A_56 = vector.broadcast %jit3A_55 : i32 to vector<16xi32>
      %select_n3A_57 = arith.select %eq3A_54, %get3A_46, %broadcast_in_dim3A_56 : vector<16xi1>, vector<16xi32>
      %reduce_sum3A_58 = arith.constant true
      %reduce_sum3A_59 = vector.broadcast %reduce_sum3A_58 : i1 to vector<16xi1>
      %reduce_sum3A_60 = tpu.scan <sum>, %select_n3A_57 masked %reduce_sum3A_59 : vector<16xi32>, vector<16xi1> -> vector<16xi32>
      %reduce_sum3A_61 = vector.extract %reduce_sum3A_60[15] : i32 from vector<16xi32>
      %mul3A_62 = arith.constant 16 : i32
      %mul3A_63 = arith.muli %scan3A_38, %mul3A_62 : i32
      %add3A_64 = arith.constant 0 : i32
      %add3A_65 = arith.addi %mul3A_63, %add3A_64 : i32
      %dma_start3A = arith.constant 0 : i32
      %dma_start3A_66 = tpu.memref_slice %arg9[%add3A_65, %dma_start3A] : memref<256x64xf32, #tpu.memory_space<vmem>> -> memref<1x64xf32, #tpu.memory_space<vmem>>
      %dma_start3A_67 = tpu.memref_squeeze %dma_start3A_66 : memref<1x64xf32, #tpu.memory_space<vmem>> -> memref<64xf32, #tpu.memory_space<vmem>>
      %dma_start3A_68 = arith.constant 0 : i32
      %dma_start3A_69 = tpu.memref_slice %arg4[%reduce_sum3A_51, %dma_start3A_68] : memref<100000x64xf32, #tpu.memory_space<hbm>> -> memref<1x64xf32, #tpu.memory_space<hbm>>
      %dma_start3A_70 = tpu.memref_squeeze %dma_start3A_69 : memref<1x64xf32, #tpu.memory_space<hbm>> -> memref<64xf32, #tpu.memory_space<hbm>>
      %dma_start3A_71 = arith.constant 0 : i32
      %dma_start3A_72 = tpu.memref_slice %arg9[%add3A_65, %dma_start3A_71] : memref<256x64xf32, #tpu.memory_space<vmem>> -> memref<1x64xf32, #tpu.memory_space<vmem>>
      %dma_start3A_73 = tpu.memref_squeeze %dma_start3A_72 : memref<1x64xf32, #tpu.memory_space<vmem>> -> memref<64xf32, #tpu.memory_space<vmem>>
      %dma_start3A_74 = arith.constant 0 : i32
      %dma_start3A_75 = tpu.memref_slice %arg4[%reduce_sum3A_51, %dma_start3A_74] : memref<100000x64xf32, #tpu.memory_space<hbm>> -> memref<1x64xf32, #tpu.memory_space<hbm>>
      %dma_start3A_76 = tpu.memref_squeeze %dma_start3A_75 : memref<1x64xf32, #tpu.memory_space<hbm>> -> memref<64xf32, #tpu.memory_space<hbm>>
      tpu.enqueue_dma source(%dma_start3A_76 : memref<64xf32, #tpu.memory_space<hbm>>) target(%dma_start3A_73 : memref<64xf32, #tpu.memory_space<vmem>>) target_semaphore(%arg12 : memref<!tpu.dma_semaphore, #tpu.memory_space<semaphore_mem>>)
      %dma_start3A_77 = arith.constant 0 : i32
      %dma_start3A_78 = tpu.memref_slice %arg10[%add3A_65, %dma_start3A_77] : memref<256x64xf32, #tpu.memory_space<vmem>> -> memref<1x64xf32, #tpu.memory_space<vmem>>
      %dma_start3A_79 = tpu.memref_squeeze %dma_start3A_78 : memref<1x64xf32, #tpu.memory_space<vmem>> -> memref<64xf32, #tpu.memory_space<vmem>>
      %dma_start3A_80 = arith.constant 0 : i32
      %dma_start3A_81 = tpu.memref_slice %arg5[%reduce_sum3A_61, %dma_start3A_80] : memref<100000x64xf32, #tpu.memory_space<hbm>> -> memref<1x64xf32, #tpu.memory_space<hbm>>
      %dma_start3A_82 = tpu.memref_squeeze %dma_start3A_81 : memref<1x64xf32, #tpu.memory_space<hbm>> -> memref<64xf32, #tpu.memory_space<hbm>>
      %dma_start3A_83 = arith.constant 0 : i32
      %dma_start3A_84 = tpu.memref_slice %arg10[%add3A_65, %dma_start3A_83] : memref<256x64xf32, #tpu.memory_space<vmem>> -> memref<1x64xf32, #tpu.memory_space<vmem>>
      %dma_start3A_85 = tpu.memref_squeeze %dma_start3A_84 : memref<1x64xf32, #tpu.memory_space<vmem>> -> memref<64xf32, #tpu.memory_space<vmem>>
      %dma_start3A_86 = arith.constant 0 : i32
      %dma_start3A_87 = tpu.memref_slice %arg5[%reduce_sum3A_61, %dma_start3A_86] : memref<100000x64xf32, #tpu.memory_space<hbm>> -> memref<1x64xf32, #tpu.memory_space<hbm>>
      %dma_start3A_88 = tpu.memref_squeeze %dma_start3A_87 : memref<1x64xf32, #tpu.memory_space<hbm>> -> memref<64xf32, #tpu.memory_space<hbm>>
      tpu.enqueue_dma source(%dma_start3A_88 : memref<64xf32, #tpu.memory_space<hbm>>) target(%dma_start3A_85 : memref<64xf32, #tpu.memory_space<vmem>>) target_semaphore(%arg13 : memref<!tpu.dma_semaphore, #tpu.memory_space<semaphore_mem>>)
      %eq3A_89 = arith.constant 1 : i32
      %eq3A_90 = vector.broadcast %eq3A_89 : i32 to vector<16xi32>
      %eq3A_91 = arith.cmpi eq, %iota3A, %eq3A_90 : vector<16xi32>
      %jit3A_92 = arith.constant 0 : i32
      %broadcast_in_dim3A_93 = vector.broadcast %jit3A_92 : i32 to vector<16xi32>
      %select_n3A_94 = arith.select %eq3A_91, %get3A_44, %broadcast_in_dim3A_93 : vector<16xi1>, vector<16xi32>
      %reduce_sum3A_95 = arith.constant true
      %reduce_sum3A_96 = vector.broadcast %reduce_sum3A_95 : i1 to vector<16xi1>
      %reduce_sum3A_97 = tpu.scan <sum>, %select_n3A_94 masked %reduce_sum3A_96 : vector<16xi32>, vector<16xi1> -> vector<16xi32>
      %reduce_sum3A_98 = vector.extract %reduce_sum3A_97[15] : i32 from vector<16xi32>
      %eq3A_99 = arith.constant 1 : i32
      %eq3A_100 = vector.broadcast %eq3A_99 : i32 to vector<16xi32>
      %eq3A_101 = arith.cmpi eq, %iota3A, %eq3A_100 : vector<16xi32>
      %jit3A_102 = arith.constant 0 : i32
      %broadcast_in_dim3A_103 = vector.broadcast %jit3A_102 : i32 to vector<16xi32>
      %select_n3A_104 = arith.select %eq3A_101, %get3A_46, %broadcast_in_dim3A_103 : vector<16xi1>, vector<16xi32>
      %reduce_sum3A_105 = arith.constant true
      %reduce_sum3A_106 = vector.broadcast %reduce_sum3A_105 : i1 to vector<16xi1>
      %reduce_sum3A_107 = tpu.scan <sum>, %select_n3A_104 masked %reduce_sum3A_106 : vector<16xi32>, vector<16xi1> -> vector<16xi32>
      %reduce_sum3A_108 = vector.extract %reduce_sum3A_107[15] : i32 from vector<16xi32>
      %mul3A_109 = arith.constant 16 : i32
      %mul3A_110 = arith.muli %scan3A_38, %mul3A_109 : i32
      %add3A_111 = arith.constant 1 : i32
      %add3A_112 = arith.addi %mul3A_110, %add3A_111 : i32
      %dma_start3A_113 = arith.constant 0 : i32
      %dma_start3A_114 = tpu.memref_slice %arg9[%add3A_112, %dma_start3A_113] : memref<256x64xf32, #tpu.memory_space<vmem>> -> memref<1x64xf32, #tpu.memory_space<vmem>>
      %dma_start3A_115 = tpu.memref_squeeze %dma_start3A_114 : memref<1x64xf32, #tpu.memory_space<vmem>> -> memref<64xf32, #tpu.memory_space<vmem>>
      %dma_start3A_116 = arith.constant 0 : i32
      %dma_start3A_117 = tpu.memref_slice %arg4[%reduce_sum3A_98, %dma_start3A_116] : memref<100000x64xf32, #tpu.memory_space<hbm>> -> memref<1x64xf32, #tpu.memory_space<hbm>>
      %dma_start3A_118 = tpu.memref_squeeze %dma_start3A_117 : memref<1x64xf32, #tpu.memory_space<hbm>> -> memref<64xf32, #tpu.memory_space<hbm>>
      %dma_start3A_119 = arith.constant 0 : i32
      %dma_start3A_120 = tpu.memref_slice %arg9[%add3A_112, %dma_start3A_119] : memref<256x64xf32, #tpu.memory_space<vmem>> -> memref<1x64xf32, #tpu.memory_space<vmem>>
      %dma_start3A_121 = tpu.memref_squeeze %dma_start3A_120 : memref<1x64xf32, #tpu.memory_space<vmem>> -> memref<64xf32, #tpu.memory_space<vmem>>
      %dma_start3A_122 = arith.constant 0 : i32
      %dma_start3A_123 = tpu.memref_slice %arg4[%reduce_sum3A_98, %dma_start3A_122] : memref<100000x64xf32, #tpu.memory_space<hbm>> -> memref<1x64xf32, #tpu.memory_space<hbm>>
      %dma_start3A_124 = tpu.memref_squeeze %dma_start3A_123 : memref<1x64xf32, #tpu.memory_space<hbm>> -> memref<64xf32, #tpu.memory_space<hbm>>
      tpu.enqueue_dma source(%dma_start3A_124 : memref<64xf32, #tpu.memory_space<hbm>>) target(%dma_start3A_121 : memref<64xf32, #tpu.memory_space<vmem>>) target_semaphore(%arg12 : memref<!tpu.dma_semaphore, #tpu.memory_space<semaphore_mem>>)
      %dma_start3A_125 = arith.constant 0 : i32
      %dma_start3A_126 = tpu.memref_slice %arg10[%add3A_112, %dma_start3A_125] : memref<256x64xf32, #tpu.memory_space<vmem>> -> memref<1x64xf32, #tpu.memory_space<vmem>>
      %dma_start3A_127 = tpu.memref_squeeze %dma_start3A_126 : memref<1x64xf32, #tpu.memory_space<vmem>> -> memref<64xf32, #tpu.memory_space<vmem>>
      %dma_start3A_128 = arith.constant 0 : i32
      %dma_start3A_129 = tpu.memref_slice %arg5[%reduce_sum3A_108, %dma_start3A_128] : memref<100000x64xf32, #tpu.memory_space<hbm>> -> memref<1x64xf32, #tpu.memory_space<hbm>>
      %dma_start3A_130 = tpu.memref_squeeze %dma_start3A_129 : memref<1x64xf32, #tpu.memory_space<hbm>> -> memref<64xf32, #tpu.memory_space<hbm>>
      %dma_start3A_131 = arith.constant 0 : i32
      %dma_start3A_132 = tpu.memref_slice %arg10[%add3A_112, %dma_start3A_131] : memref<256x64xf32, #tpu.memory_space<vmem>> -> memref<1x64xf32, #tpu.memory_space<vmem>>
      %dma_start3A_133 = tpu.memref_squeeze %dma_start3A_132 : memref<1x64xf32, #tpu.memory_space<vmem>> -> memref<64xf32, #tpu.memory_space<vmem>>
      %dma_start3A_134 = arith.constant 0 : i32
      %dma_start3A_135 = tpu.memref_slice %arg5[%reduce_sum3A_108, %dma_start3A_134] : memref<100000x64xf32, #tpu.memory_space<hbm>> -> memref<1x64xf32, #tpu.memory_space<hbm>>
      %dma_start3A_136 = tpu.memref_squeeze %dma_start3A_135 : memref<1x64xf32, #tpu.memory_space<hbm>> -> memref<64xf32, #tpu.memory_space<hbm>>
      tpu.enqueue_dma source(%dma_start3A_136 : memref<64xf32, #tpu.memory_space<hbm>>) target(%dma_start3A_133 : memref<64xf32, #tpu.memory_space<vmem>>) target_semaphore(%arg13 : memref<!tpu.dma_semaphore, #tpu.memory_space<semaphore_mem>>)
      %eq3A_137 = arith.constant 2 : i32
      %eq3A_138 = vector.broadcast %eq3A_137 : i32 to vector<16xi32>
      %eq3A_139 = arith.cmpi eq, %iota3A, %eq3A_138 : vector<16xi32>
      %jit3A_140 = arith.constant 0 : i32
      %broadcast_in_dim3A_141 = vector.broadcast %jit3A_140 : i32 to vector<16xi32>
      %select_n3A_142 = arith.select %eq3A_139, %get3A_44, %broadcast_in_dim3A_141 : vector<16xi1>, vector<16xi32>
      %reduce_sum3A_143 = arith.constant true
      %reduce_sum3A_144 = vector.broadcast %reduce_sum3A_143 : i1 to vector<16xi1>
      %reduce_sum3A_145 = tpu.scan <sum>, %select_n3A_142 masked %reduce_sum3A_144 : vector<16xi32>, vector<16xi1> -> vector<16xi32>
      %reduce_sum3A_146 = vector.extract %reduce_sum3A_145[15] : i32 from vector<16xi32>
      %eq3A_147 = arith.constant 2 : i32
      %eq3A_148 = vector.broadcast %eq3A_147 : i32 to vector<16xi32>
      %eq3A_149 = arith.cmpi eq, %iota3A, %eq3A_148 : vector<16xi32>
      %jit3A_150 = arith.constant 0 : i32
      %broadcast_in_dim3A_151 = vector.broadcast %jit3A_150 : i32 to vector<16xi32>
      %select_n3A_152 = arith.select %eq3A_149, %get3A_46, %broadcast_in_dim3A_151 : vector<16xi1>, vector<16xi32>
      %reduce_sum3A_153 = arith.constant true
      %reduce_sum3A_154 = vector.broadcast %reduce_sum3A_153 : i1 to vector<16xi1>
      %reduce_sum3A_155 = tpu.scan <sum>, %select_n3A_152 masked %reduce_sum3A_154 : vector<16xi32>, vector<16xi1> -> vector<16xi32>
      %reduce_sum3A_156 = vector.extract %reduce_sum3A_155[15] : i32 from vector<16xi32>
      %mul3A_157 = arith.constant 16 : i32
      %mul3A_158 = arith.muli %scan3A_38, %mul3A_157 : i32
      %add3A_159 = arith.constant 2 : i32
      %add3A_160 = arith.addi %mul3A_158, %add3A_159 : i32
      %dma_start3A_161 = arith.constant 0 : i32
      %dma_start3A_162 = tpu.memref_slice %arg9[%add3A_160, %dma_start3A_161] : memref<256x64xf32, #tpu.memory_space<vmem>> -> memref<1x64xf32, #tpu.memory_space<vmem>>
      %dma_start3A_163 = tpu.memref_squeeze %dma_start3A_162 : memref<1x64xf32, #tpu.memory_space<vmem>> -> memref<64xf32, #tpu.memory_space<vmem>>
      %dma_start3A_164 = arith.constant 0 : i32
      %dma_start3A_165 = tpu.memref_slice %arg4[%reduce_sum3A_146, %dma_start3A_164] : memref<100000x64xf32, #tpu.memory_space<hbm>> -> memref<1x64xf32, #tpu.memory_space<hbm>>
      %dma_start3A_166 = tpu.memref_squeeze %dma_start3A_165 : memref<1x64xf32, #tpu.memory_space<hbm>> -> memref<64xf32, #tpu.memory_space<hbm>>
      %dma_start3A_167 = arith.constant 0 : i32
      %dma_start3A_168 = tpu.memref_slice %arg9[%add3A_160, %dma_start3A_167] : memref<256x64xf32, #tpu.memory_space<vmem>> -> memref<1x64xf32, #tpu.memory_space<vmem>>
      %dma_start3A_169 = tpu.memref_squeeze %dma_start3A_168 : memref<1x64xf32, #tpu.memory_space<vmem>> -> memref<64xf32, #tpu.memory_space<vmem>>
      %dma_start3A_170 = arith.constant 0 : i32
      %dma_start3A_171 = tpu.memref_slice %arg4[%reduce_sum3A_146, %dma_start3A_170] : memref<100000x64xf32, #tpu.memory_space<hbm>> -> memref<1x64xf32, #tpu.memory_space<hbm>>
      %dma_start3A_172 = tpu.memref_squeeze %dma_start3A_171 : memref<1x64xf32, #tpu.memory_space<hbm>> -> memref<64xf32, #tpu.memory_space<hbm>>
      tpu.enqueue_dma source(%dma_start3A_172 : memref<64xf32, #tpu.memory_space<hbm>>) target(%dma_start3A_169 : memref<64xf32, #tpu.memory_space<vmem>>) target_semaphore(%arg12 : memref<!tpu.dma_semaphore, #tpu.memory_space<semaphore_mem>>)
      %dma_start3A_173 = arith.constant 0 : i32
      %dma_start3A_174 = tpu.memref_slice %arg10[%add3A_160, %dma_start3A_173] : memref<256x64xf32, #tpu.memory_space<vmem>> -> memref<1x64xf32, #tpu.memory_space<vmem>>
      %dma_start3A_175 = tpu.memref_squeeze %dma_start3A_174 : memref<1x64xf32, #tpu.memory_space<vmem>> -> memref<64xf32, #tpu.memory_space<vmem>>
      %dma_start3A_176 = arith.constant 0 : i32
      %dma_start3A_177 = tpu.memref_slice %arg5[%reduce_sum3A_156, %dma_start3A_176] : memref<100000x64xf32, #tpu.memory_space<hbm>> -> memref<1x64xf32, #tpu.memory_space<hbm>>
      %dma_start3A_178 = tpu.memref_squeeze %dma_start3A_177 : memref<1x64xf32, #tpu.memory_space<hbm>> -> memref<64xf32, #tpu.memory_space<hbm>>
      %dma_start3A_179 = arith.constant 0 : i32
      %dma_start3A_180 = tpu.memref_slice %arg10[%add3A_160, %dma_start3A_179] : memref<256x64xf32, #tpu.memory_space<vmem>> -> memref<1x64xf32, #tpu.memory_space<vmem>>
      %dma_start3A_181 = tpu.memref_squeeze %dma_start3A_180 : memref<1x64xf32, #tpu.memory_space<vmem>> -> memref<64xf32, #tpu.memory_space<vmem>>
      %dma_start3A_182 = arith.constant 0 : i32
      %dma_start3A_183 = tpu.memref_slice %arg5[%reduce_sum3A_156, %dma_start3A_182] : memref<100000x64xf32, #tpu.memory_space<hbm>> -> memref<1x64xf32, #tpu.memory_space<hbm>>
      %dma_start3A_184 = tpu.memref_squeeze %dma_start3A_183 : memref<1x64xf32, #tpu.memory_space<hbm>> -> memref<64xf32, #tpu.memory_space<hbm>>
      tpu.enqueue_dma source(%dma_start3A_184 : memref<64xf32, #tpu.memory_space<hbm>>) target(%dma_start3A_181 : memref<64xf32, #tpu.memory_space<vmem>>) target_semaphore(%arg13 : memref<!tpu.dma_semaphore, #tpu.memory_space<semaphore_mem>>)
      %eq3A_185 = arith.constant 3 : i32
      %eq3A_186 = vector.broadcast %eq3A_185 : i32 to vector<16xi32>
      %eq3A_187 = arith.cmpi eq, %iota3A, %eq3A_186 : vector<16xi32>
      %jit3A_188 = arith.constant 0 : i32
      %broadcast_in_dim3A_189 = vector.broadcast %jit3A_188 : i32 to vector<16xi32>
      %select_n3A_190 = arith.select %eq3A_187, %get3A_44, %broadcast_in_dim3A_189 : vector<16xi1>, vector<16xi32>
      %reduce_sum3A_191 = arith.constant true
      %reduce_sum3A_192 = vector.broadcast %reduce_sum3A_191 : i1 to vector<16xi1>
      %reduce_sum3A_193 = tpu.scan <sum>, %select_n3A_190 masked %reduce_sum3A_192 : vector<16xi32>, vector<16xi1> -> vector<16xi32>
      %reduce_sum3A_194 = vector.extract %reduce_sum3A_193[15] : i32 from vector<16xi32>
      %eq3A_195 = arith.constant 3 : i32
      %eq3A_196 = vector.broadcast %eq3A_195 : i32 to vector<16xi32>
      %eq3A_197 = arith.cmpi eq, %iota3A, %eq3A_196 : vector<16xi32>
      %jit3A_198 = arith.constant 0 : i32
      %broadcast_in_dim3A_199 = vector.broadcast %jit3A_198 : i32 to vector<16xi32>
      %select_n3A_200 = arith.select %eq3A_197, %get3A_46, %broadcast_in_dim3A_199 : vector<16xi1>, vector<16xi32>
      %reduce_sum3A_201 = arith.constant true
      %reduce_sum3A_202 = vector.broadcast %reduce_sum3A_201 : i1 to vector<16xi1>
      %reduce_sum3A_203 = tpu.scan <sum>, %select_n3A_200 masked %reduce_sum3A_202 : vector<16xi32>, vector<16xi1> -> vector<16xi32>
      %reduce_sum3A_204 = vector.extract %reduce_sum3A_203[15] : i32 from vector<16xi32>
      %mul3A_205 = arith.constant 16 : i32
      %mul3A_206 = arith.muli %scan3A_38, %mul3A_205 : i32
      %add3A_207 = arith.constant 3 : i32
      %add3A_208 = arith.addi %mul3A_206, %add3A_207 : i32
      %dma_start3A_209 = arith.constant 0 : i32
      %dma_start3A_210 = tpu.memref_slice %arg9[%add3A_208, %dma_start3A_209] : memref<256x64xf32, #tpu.memory_space<vmem>> -> memref<1x64xf32, #tpu.memory_space<vmem>>
      %dma_start3A_211 = tpu.memref_squeeze %dma_start3A_210 : memref<1x64xf32, #tpu.memory_space<vmem>> -> memref<64xf32, #tpu.memory_space<vmem>>
      %dma_start3A_212 = arith.constant 0 : i32
      %dma_start3A_213 = tpu.memref_slice %arg4[%reduce_sum3A_194, %dma_start3A_212] : memref<100000x64xf32, #tpu.memory_space<hbm>> -> memref<1x64xf32, #tpu.memory_space<hbm>>
      %dma_start3A_214 = tpu.memref_squeeze %dma_start3A_213 : memref<1x64xf32, #tpu.memory_space<hbm>> -> memref<64xf32, #tpu.memory_space<hbm>>
      %dma_start3A_215 = arith.constant 0 : i32
      %dma_start3A_216 = tpu.memref_slice %arg9[%add3A_208, %dma_start3A_215] : memref<256x64xf32, #tpu.memory_space<vmem>> -> memref<1x64xf32, #tpu.memory_space<vmem>>
      %dma_start3A_217 = tpu.memref_squeeze %dma_start3A_216 : memref<1x64xf32, #tpu.memory_space<vmem>> -> memref<64xf32, #tpu.memory_space<vmem>>
      %dma_start3A_218 = arith.constant 0 : i32
      %dma_start3A_219 = tpu.memref_slice %arg4[%reduce_sum3A_194, %dma_start3A_218] : memref<100000x64xf32, #tpu.memory_space<hbm>> -> memref<1x64xf32, #tpu.memory_space<hbm>>
      %dma_start3A_220 = tpu.memref_squeeze %dma_start3A_219 : memref<1x64xf32, #tpu.memory_space<hbm>> -> memref<64xf32, #tpu.memory_space<hbm>>
      tpu.enqueue_dma source(%dma_start3A_220 : memref<64xf32, #tpu.memory_space<hbm>>) target(%dma_start3A_217 : memref<64xf32, #tpu.memory_space<vmem>>) target_semaphore(%arg12 : memref<!tpu.dma_semaphore, #tpu.memory_space<semaphore_mem>>)
      %dma_start3A_221 = arith.constant 0 : i32
      %dma_start3A_222 = tpu.memref_slice %arg10[%add3A_208, %dma_start3A_221] : memref<256x64xf32, #tpu.memory_space<vmem>> -> memref<1x64xf32, #tpu.memory_space<vmem>>
      %dma_start3A_223 = tpu.memref_squeeze %dma_start3A_222 : memref<1x64xf32, #tpu.memory_space<vmem>> -> memref<64xf32, #tpu.memory_space<vmem>>
      %dma_start3A_224 = arith.constant 0 : i32
      %dma_start3A_225 = tpu.memref_slice %arg5[%reduce_sum3A_204, %dma_start3A_224] : memref<100000x64xf32, #tpu.memory_space<hbm>> -> memref<1x64xf32, #tpu.memory_space<hbm>>
      %dma_start3A_226 = tpu.memref_squeeze %dma_start3A_225 : memref<1x64xf32, #tpu.memory_space<hbm>> -> memref<64xf32, #tpu.memory_space<hbm>>
      %dma_start3A_227 = arith.constant 0 : i32
      %dma_start3A_228 = tpu.memref_slice %arg10[%add3A_208, %dma_start3A_227] : memref<256x64xf32, #tpu.memory_space<vmem>> -> memref<1x64xf32, #tpu.memory_space<vmem>>
      %dma_start3A_229 = tpu.memref_squeeze %dma_start3A_228 : memref<1x64xf32, #tpu.memory_space<vmem>> -> memref<64xf32, #tpu.memory_space<vmem>>
      %dma_start3A_230 = arith.constant 0 : i32
      %dma_start3A_231 = tpu.memref_slice %arg5[%reduce_sum3A_204, %dma_start3A_230] : memref<100000x64xf32, #tpu.memory_space<hbm>> -> memref<1x64xf32, #tpu.memory_space<hbm>>
      %dma_start3A_232 = tpu.memref_squeeze %dma_start3A_231 : memref<1x64xf32, #tpu.memory_space<hbm>> -> memref<64xf32, #tpu.memory_space<hbm>>
      tpu.enqueue_dma source(%dma_start3A_232 : memref<64xf32, #tpu.memory_space<hbm>>) target(%dma_start3A_229 : memref<64xf32, #tpu.memory_space<vmem>>) target_semaphore(%arg13 : memref<!tpu.dma_semaphore, #tpu.memory_space<semaphore_mem>>)
      %eq3A_233 = arith.constant 4 : i32
      %eq3A_234 = vector.broadcast %eq3A_233 : i32 to vector<16xi32>
      %eq3A_235 = arith.cmpi eq, %iota3A, %eq3A_234 : vector<16xi32>
      %jit3A_236 = arith.constant 0 : i32
      %broadcast_in_dim3A_237 = vector.broadcast %jit3A_236 : i32 to vector<16xi32>
      %select_n3A_238 = arith.select %eq3A_235, %get3A_44, %broadcast_in_dim3A_237 : vector<16xi1>, vector<16xi32>
      %reduce_sum3A_239 = arith.constant true
      %reduce_sum3A_240 = vector.broadcast %reduce_sum3A_239 : i1 to vector<16xi1>
      %reduce_sum3A_241 = tpu.scan <sum>, %select_n3A_238 masked %reduce_sum3A_240 : vector<16xi32>, vector<16xi1> -> vector<16xi32>
      %reduce_sum3A_242 = vector.extract %reduce_sum3A_241[15] : i32 from vector<16xi32>
      %eq3A_243 = arith.constant 4 : i32
      %eq3A_244 = vector.broadcast %eq3A_243 : i32 to vector<16xi32>
      %eq3A_245 = arith.cmpi eq, %iota3A, %eq3A_244 : vector<16xi32>
      %jit3A_246 = arith.constant 0 : i32
      %broadcast_in_dim3A_247 = vector.broadcast %jit3A_246 : i32 to vector<16xi32>
      %select_n3A_248 = arith.select %eq3A_245, %get3A_46, %broadcast_in_dim3A_247 : vector<16xi1>, vector<16xi32>
      %reduce_sum3A_249 = arith.constant true
      %reduce_sum3A_250 = vector.broadcast %reduce_sum3A_249 : i1 to vector<16xi1>
      %reduce_sum3A_251 = tpu.scan <sum>, %select_n3A_248 masked %reduce_sum3A_250 : vector<16xi32>, vector<16xi1> -> vector<16xi32>
      %reduce_sum3A_252 = vector.extract %reduce_sum3A_251[15] : i32 from vector<16xi32>
      %mul3A_253 = arith.constant 16 : i32
      %mul3A_254 = arith.muli %scan3A_38, %mul3A_253 : i32
      %add3A_255 = arith.constant 4 : i32
      %add3A_256 = arith.addi %mul3A_254, %add3A_255 : i32
      %dma_start3A_257 = arith.constant 0 : i32
      %dma_start3A_258 = tpu.memref_slice %arg9[%add3A_256, %dma_start3A_257] : memref<256x64xf32, #tpu.memory_space<vmem>> -> memref<1x64xf32, #tpu.memory_space<vmem>>
      %dma_start3A_259 = tpu.memref_squeeze %dma_start3A_258 : memref<1x64xf32, #tpu.memory_space<vmem>> -> memref<64xf32, #tpu.memory_space<vmem>>
      %dma_start3A_260 = arith.constant 0 : i32
      %dma_start3A_261 = tpu.memref_slice %arg4[%reduce_sum3A_242, %dma_start3A_260] : memref<100000x64xf32, #tpu.memory_space<hbm>> -> memref<1x64xf32, #tpu.memory_space<hbm>>
      %dma_start3A_262 = tpu.memref_squeeze %dma_start3A_261 : memref<1x64xf32, #tpu.memory_space<hbm>> -> memref<64xf32, #tpu.memory_space<hbm>>
      %dma_start3A_263 = arith.constant 0 : i32
      %dma_start3A_264 = tpu.memref_slice %arg9[%add3A_256, %dma_start3A_263] : memref<256x64xf32, #tpu.memory_space<vmem>> -> memref<1x64xf32, #tpu.memory_space<vmem>>
      %dma_start3A_265 = tpu.memref_squeeze %dma_start3A_264 : memref<1x64xf32, #tpu.memory_space<vmem>> -> memref<64xf32, #tpu.memory_space<vmem>>
      %dma_start3A_266 = arith.constant 0 : i32
      %dma_start3A_267 = tpu.memref_slice %arg4[%reduce_sum3A_242, %dma_start3A_266] : memref<100000x64xf32, #tpu.memory_space<hbm>> -> memref<1x64xf32, #tpu.memory_space<hbm>>
      %dma_start3A_268 = tpu.memref_squeeze %dma_start3A_267 : memref<1x64xf32, #tpu.memory_space<hbm>> -> memref<64xf32, #tpu.memory_space<hbm>>
      tpu.enqueue_dma source(%dma_start3A_268 : memref<64xf32, #tpu.memory_space<hbm>>) target(%dma_start3A_265 : memref<64xf32, #tpu.memory_space<vmem>>) target_semaphore(%arg12 : memref<!tpu.dma_semaphore, #tpu.memory_space<semaphore_mem>>)
      %dma_start3A_269 = arith.constant 0 : i32
      %dma_start3A_270 = tpu.memref_slice %arg10[%add3A_256, %dma_start3A_269] : memref<256x64xf32, #tpu.memory_space<vmem>> -> memref<1x64xf32, #tpu.memory_space<vmem>>
      %dma_start3A_271 = tpu.memref_squeeze %dma_start3A_270 : memref<1x64xf32, #tpu.memory_space<vmem>> -> memref<64xf32, #tpu.memory_space<vmem>>
      %dma_start3A_272 = arith.constant 0 : i32
      %dma_start3A_273 = tpu.memref_slice %arg5[%reduce_sum3A_252, %dma_start3A_272] : memref<100000x64xf32, #tpu.memory_space<hbm>> -> memref<1x64xf32, #tpu.memory_space<hbm>>
      %dma_start3A_274 = tpu.memref_squeeze %dma_start3A_273 : memref<1x64xf32, #tpu.memory_space<hbm>> -> memref<64xf32, #tpu.memory_space<hbm>>
      %dma_start3A_275 = arith.constant 0 : i32
      %dma_start3A_276 = tpu.memref_slice %arg10[%add3A_256, %dma_start3A_275] : memref<256x64xf32, #tpu.memory_space<vmem>> -> memref<1x64xf32, #tpu.memory_space<vmem>>
      %dma_start3A_277 = tpu.memref_squeeze %dma_start3A_276 : memref<1x64xf32, #tpu.memory_space<vmem>> -> memref<64xf32, #tpu.memory_space<vmem>>
      %dma_start3A_278 = arith.constant 0 : i32
      %dma_start3A_279 = tpu.memref_slice %arg5[%reduce_sum3A_252, %dma_start3A_278] : memref<100000x64xf32, #tpu.memory_space<hbm>> -> memref<1x64xf32, #tpu.memory_space<hbm>>
      %dma_start3A_280 = tpu.memref_squeeze %dma_start3A_279 : memref<1x64xf32, #tpu.memory_space<hbm>> -> memref<64xf32, #tpu.memory_space<hbm>>
      tpu.enqueue_dma source(%dma_start3A_280 : memref<64xf32, #tpu.memory_space<hbm>>) target(%dma_start3A_277 : memref<64xf32, #tpu.memory_space<vmem>>) target_semaphore(%arg13 : memref<!tpu.dma_semaphore, #tpu.memory_space<semaphore_mem>>)
      %eq3A_281 = arith.constant 5 : i32
      %eq3A_282 = vector.broadcast %eq3A_281 : i32 to vector<16xi32>
      %eq3A_283 = arith.cmpi eq, %iota3A, %eq3A_282 : vector<16xi32>
      %jit3A_284 = arith.constant 0 : i32
      %broadcast_in_dim3A_285 = vector.broadcast %jit3A_284 : i32 to vector<16xi32>
      %select_n3A_286 = arith.select %eq3A_283, %get3A_44, %broadcast_in_dim3A_285 : vector<16xi1>, vector<16xi32>
      %reduce_sum3A_287 = arith.constant true
      %reduce_sum3A_288 = vector.broadcast %reduce_sum3A_287 : i1 to vector<16xi1>
      %reduce_sum3A_289 = tpu.scan <sum>, %select_n3A_286 masked %reduce_sum3A_288 : vector<16xi32>, vector<16xi1> -> vector<16xi32>
      %reduce_sum3A_290 = vector.extract %reduce_sum3A_289[15] : i32 from vector<16xi32>
      %eq3A_291 = arith.constant 5 : i32
      %eq3A_292 = vector.broadcast %eq3A_291 : i32 to vector<16xi32>
      %eq3A_293 = arith.cmpi eq, %iota3A, %eq3A_292 : vector<16xi32>
      %jit3A_294 = arith.constant 0 : i32
      %broadcast_in_dim3A_295 = vector.broadcast %jit3A_294 : i32 to vector<16xi32>
      %select_n3A_296 = arith.select %eq3A_293, %get3A_46, %broadcast_in_dim3A_295 : vector<16xi1>, vector<16xi32>
      %reduce_sum3A_297 = arith.constant true
      %reduce_sum3A_298 = vector.broadcast %reduce_sum3A_297 : i1 to vector<16xi1>
      %reduce_sum3A_299 = tpu.scan <sum>, %select_n3A_296 masked %reduce_sum3A_298 : vector<16xi32>, vector<16xi1> -> vector<16xi32>
      %reduce_sum3A_300 = vector.extract %reduce_sum3A_299[15] : i32 from vector<16xi32>
      %mul3A_301 = arith.constant 16 : i32
      %mul3A_302 = arith.muli %scan3A_38, %mul3A_301 : i32
      %add3A_303 = arith.constant 5 : i32
      %add3A_304 = arith.addi %mul3A_302, %add3A_303 : i32
      %dma_start3A_305 = arith.constant 0 : i32
      %dma_start3A_306 = tpu.memref_slice %arg9[%add3A_304, %dma_start3A_305] : memref<256x64xf32, #tpu.memory_space<vmem>> -> memref<1x64xf32, #tpu.memory_space<vmem>>
      %dma_start3A_307 = tpu.memref_squeeze %dma_start3A_306 : memref<1x64xf32, #tpu.memory_space<vmem>> -> memref<64xf32, #tpu.memory_space<vmem>>
      %dma_start3A_308 = arith.constant 0 : i32
      %dma_start3A_309 = tpu.memref_slice %arg4[%reduce_sum3A_290, %dma_start3A_308] : memref<100000x64xf32, #tpu.memory_space<hbm>> -> memref<1x64xf32, #tpu.memory_space<hbm>>
      %dma_start3A_310 = tpu.memref_squeeze %dma_start3A_309 : memref<1x64xf32, #tpu.memory_space<hbm>> -> memref<64xf32, #tpu.memory_space<hbm>>
      %dma_start3A_311 = arith.constant 0 : i32
      %dma_start3A_312 = tpu.memref_slice %arg9[%add3A_304, %dma_start3A_311] : memref<256x64xf32, #tpu.memory_space<vmem>> -> memref<1x64xf32, #tpu.memory_space<vmem>>
      %dma_start3A_313 = tpu.memref_squeeze %dma_start3A_312 : memref<1x64xf32, #tpu.memory_space<vmem>> -> memref<64xf32, #tpu.memory_space<vmem>>
      %dma_start3A_314 = arith.constant 0 : i32
      %dma_start3A_315 = tpu.memref_slice %arg4[%reduce_sum3A_290, %dma_start3A_314] : memref<100000x64xf32, #tpu.memory_space<hbm>> -> memref<1x64xf32, #tpu.memory_space<hbm>>
      %dma_start3A_316 = tpu.memref_squeeze %dma_start3A_315 : memref<1x64xf32, #tpu.memory_space<hbm>> -> memref<64xf32, #tpu.memory_space<hbm>>
      tpu.enqueue_dma source(%dma_start3A_316 : memref<64xf32, #tpu.memory_space<hbm>>) target(%dma_start3A_313 : memref<64xf32, #tpu.memory_space<vmem>>) target_semaphore(%arg12 : memref<!tpu.dma_semaphore, #tpu.memory_space<semaphore_mem>>)
      %dma_start3A_317 = arith.constant 0 : i32
      %dma_start3A_318 = tpu.memref_slice %arg10[%add3A_304, %dma_start3A_317] : memref<256x64xf32, #tpu.memory_space<vmem>> -> memref<1x64xf32, #tpu.memory_space<vmem>>
      %dma_start3A_319 = tpu.memref_squeeze %dma_start3A_318 : memref<1x64xf32, #tpu.memory_space<vmem>> -> memref<64xf32, #tpu.memory_space<vmem>>
      %dma_start3A_320 = arith.constant 0 : i32
      %dma_start3A_321 = tpu.memref_slice %arg5[%reduce_sum3A_300, %dma_start3A_320] : memref<100000x64xf32, #tpu.memory_space<hbm>> -> memref<1x64xf32, #tpu.memory_space<hbm>>
      %dma_start3A_322 = tpu.memref_squeeze %dma_start3A_321 : memref<1x64xf32, #tpu.memory_space<hbm>> -> memref<64xf32, #tpu.memory_space<hbm>>
      %dma_start3A_323 = arith.constant 0 : i32
      %dma_start3A_324 = tpu.memref_slice %arg10[%add3A_304, %dma_start3A_323] : memref<256x64xf32, #tpu.memory_space<vmem>> -> memref<1x64xf32, #tpu.memory_space<vmem>>
      %dma_start3A_325 = tpu.memref_squeeze %dma_start3A_324 : memref<1x64xf32, #tpu.memory_space<vmem>> -> memref<64xf32, #tpu.memory_space<vmem>>
      %dma_start3A_326 = arith.constant 0 : i32
      %dma_start3A_327 = tpu.memref_slice %arg5[%reduce_sum3A_300, %dma_start3A_326] : memref<100000x64xf32, #tpu.memory_space<hbm>> -> memref<1x64xf32, #tpu.memory_space<hbm>>
      %dma_start3A_328 = tpu.memref_squeeze %dma_start3A_327 : memref<1x64xf32, #tpu.memory_space<hbm>> -> memref<64xf32, #tpu.memory_space<hbm>>
      tpu.enqueue_dma source(%dma_start3A_328 : memref<64xf32, #tpu.memory_space<hbm>>) target(%dma_start3A_325 : memref<64xf32, #tpu.memory_space<vmem>>) target_semaphore(%arg13 : memref<!tpu.dma_semaphore, #tpu.memory_space<semaphore_mem>>)
      %eq3A_329 = arith.constant 6 : i32
      %eq3A_330 = vector.broadcast %eq3A_329 : i32 to vector<16xi32>
      %eq3A_331 = arith.cmpi eq, %iota3A, %eq3A_330 : vector<16xi32>
      %jit3A_332 = arith.constant 0 : i32
      %broadcast_in_dim3A_333 = vector.broadcast %jit3A_332 : i32 to vector<16xi32>
      %select_n3A_334 = arith.select %eq3A_331, %get3A_44, %broadcast_in_dim3A_333 : vector<16xi1>, vector<16xi32>
      %reduce_sum3A_335 = arith.constant true
      %reduce_sum3A_336 = vector.broadcast %reduce_sum3A_335 : i1 to vector<16xi1>
      %reduce_sum3A_337 = tpu.scan <sum>, %select_n3A_334 masked %reduce_sum3A_336 : vector<16xi32>, vector<16xi1> -> vector<16xi32>
      %reduce_sum3A_338 = vector.extract %reduce_sum3A_337[15] : i32 from vector<16xi32>
      %eq3A_339 = arith.constant 6 : i32
      %eq3A_340 = vector.broadcast %eq3A_339 : i32 to vector<16xi32>
      %eq3A_341 = arith.cmpi eq, %iota3A, %eq3A_340 : vector<16xi32>
      %jit3A_342 = arith.constant 0 : i32
      %broadcast_in_dim3A_343 = vector.broadcast %jit3A_342 : i32 to vector<16xi32>
      %select_n3A_344 = arith.select %eq3A_341, %get3A_46, %broadcast_in_dim3A_343 : vector<16xi1>, vector<16xi32>
      %reduce_sum3A_345 = arith.constant true
      %reduce_sum3A_346 = vector.broadcast %reduce_sum3A_345 : i1 to vector<16xi1>
      %reduce_sum3A_347 = tpu.scan <sum>, %select_n3A_344 masked %reduce_sum3A_346 : vector<16xi32>, vector<16xi1> -> vector<16xi32>
      %reduce_sum3A_348 = vector.extract %reduce_sum3A_347[15] : i32 from vector<16xi32>
      %mul3A_349 = arith.constant 16 : i32
      %mul3A_350 = arith.muli %scan3A_38, %mul3A_349 : i32
      %add3A_351 = arith.constant 6 : i32
      %add3A_352 = arith.addi %mul3A_350, %add3A_351 : i32
      %dma_start3A_353 = arith.constant 0 : i32
      %dma_start3A_354 = tpu.memref_slice %arg9[%add3A_352, %dma_start3A_353] : memref<256x64xf32, #tpu.memory_space<vmem>> -> memref<1x64xf32, #tpu.memory_space<vmem>>
      %dma_start3A_355 = tpu.memref_squeeze %dma_start3A_354 : memref<1x64xf32, #tpu.memory_space<vmem>> -> memref<64xf32, #tpu.memory_space<vmem>>
      %dma_start3A_356 = arith.constant 0 : i32
      %dma_start3A_357 = tpu.memref_slice %arg4[%reduce_sum3A_338, %dma_start3A_356] : memref<100000x64xf32, #tpu.memory_space<hbm>> -> memref<1x64xf32, #tpu.memory_space<hbm>>
      %dma_start3A_358 = tpu.memref_squeeze %dma_start3A_357 : memref<1x64xf32, #tpu.memory_space<hbm>> -> memref<64xf32, #tpu.memory_space<hbm>>
      %dma_start3A_359 = arith.constant 0 : i32
      %dma_start3A_360 = tpu.memref_slice %arg9[%add3A_352, %dma_start3A_359] : memref<256x64xf32, #tpu.memory_space<vmem>> -> memref<1x64xf32, #tpu.memory_space<vmem>>
      %dma_start3A_361 = tpu.memref_squeeze %dma_start3A_360 : memref<1x64xf32, #tpu.memory_space<vmem>> -> memref<64xf32, #tpu.memory_space<vmem>>
      %dma_start3A_362 = arith.constant 0 : i32
      %dma_start3A_363 = tpu.memref_slice %arg4[%reduce_sum3A_338, %dma_start3A_362] : memref<100000x64xf32, #tpu.memory_space<hbm>> -> memref<1x64xf32, #tpu.memory_space<hbm>>
      %dma_start3A_364 = tpu.memref_squeeze %dma_start3A_363 : memref<1x64xf32, #tpu.memory_space<hbm>> -> memref<64xf32, #tpu.memory_space<hbm>>
      tpu.enqueue_dma source(%dma_start3A_364 : memref<64xf32, #tpu.memory_space<hbm>>) target(%dma_start3A_361 : memref<64xf32, #tpu.memory_space<vmem>>) target_semaphore(%arg12 : memref<!tpu.dma_semaphore, #tpu.memory_space<semaphore_mem>>)
      %dma_start3A_365 = arith.constant 0 : i32
      %dma_start3A_366 = tpu.memref_slice %arg10[%add3A_352, %dma_start3A_365] : memref<256x64xf32, #tpu.memory_space<vmem>> -> memref<1x64xf32, #tpu.memory_space<vmem>>
      %dma_start3A_367 = tpu.memref_squeeze %dma_start3A_366 : memref<1x64xf32, #tpu.memory_space<vmem>> -> memref<64xf32, #tpu.memory_space<vmem>>
      %dma_start3A_368 = arith.constant 0 : i32
      %dma_start3A_369 = tpu.memref_slice %arg5[%reduce_sum3A_348, %dma_start3A_368] : memref<100000x64xf32, #tpu.memory_space<hbm>> -> memref<1x64xf32, #tpu.memory_space<hbm>>
      %dma_start3A_370 = tpu.memref_squeeze %dma_start3A_369 : memref<1x64xf32, #tpu.memory_space<hbm>> -> memref<64xf32, #tpu.memory_space<hbm>>
      %dma_start3A_371 = arith.constant 0 : i32
      %dma_start3A_372 = tpu.memref_slice %arg10[%add3A_352, %dma_start3A_371] : memref<256x64xf32, #tpu.memory_space<vmem>> -> memref<1x64xf32, #tpu.memory_space<vmem>>
      %dma_start3A_373 = tpu.memref_squeeze %dma_start3A_372 : memref<1x64xf32, #tpu.memory_space<vmem>> -> memref<64xf32, #tpu.memory_space<vmem>>
      %dma_start3A_374 = arith.constant 0 : i32
      %dma_start3A_375 = tpu.memref_slice %arg5[%reduce_sum3A_348, %dma_start3A_374] : memref<100000x64xf32, #tpu.memory_space<hbm>> -> memref<1x64xf32, #tpu.memory_space<hbm>>
      %dma_start3A_376 = tpu.memref_squeeze %dma_start3A_375 : memref<1x64xf32, #tpu.memory_space<hbm>> -> memref<64xf32, #tpu.memory_space<hbm>>
      tpu.enqueue_dma source(%dma_start3A_376 : memref<64xf32, #tpu.memory_space<hbm>>) target(%dma_start3A_373 : memref<64xf32, #tpu.memory_space<vmem>>) target_semaphore(%arg13 : memref<!tpu.dma_semaphore, #tpu.memory_space<semaphore_mem>>)
      %eq3A_377 = arith.constant 7 : i32
      %eq3A_378 = vector.broadcast %eq3A_377 : i32 to vector<16xi32>
      %eq3A_379 = arith.cmpi eq, %iota3A, %eq3A_378 : vector<16xi32>
      %jit3A_380 = arith.constant 0 : i32
      %broadcast_in_dim3A_381 = vector.broadcast %jit3A_380 : i32 to vector<16xi32>
      %select_n3A_382 = arith.select %eq3A_379, %get3A_44, %broadcast_in_dim3A_381 : vector<16xi1>, vector<16xi32>
      %reduce_sum3A_383 = arith.constant true
      %reduce_sum3A_384 = vector.broadcast %reduce_sum3A_383 : i1 to vector<16xi1>
      %reduce_sum3A_385 = tpu.scan <sum>, %select_n3A_382 masked %reduce_sum3A_384 : vector<16xi32>, vector<16xi1> -> vector<16xi32>
      %reduce_sum3A_386 = vector.extract %reduce_sum3A_385[15] : i32 from vector<16xi32>
      %eq3A_387 = arith.constant 7 : i32
      %eq3A_388 = vector.broadcast %eq3A_387 : i32 to vector<16xi32>
      %eq3A_389 = arith.cmpi eq, %iota3A, %eq3A_388 : vector<16xi32>
      %jit3A_390 = arith.constant 0 : i32
      %broadcast_in_dim3A_391 = vector.broadcast %jit3A_390 : i32 to vector<16xi32>
      %select_n3A_392 = arith.select %eq3A_389, %get3A_46, %broadcast_in_dim3A_391 : vector<16xi1>, vector<16xi32>
      %reduce_sum3A_393 = arith.constant true
      %reduce_sum3A_394 = vector.broadcast %reduce_sum3A_393 : i1 to vector<16xi1>
      %reduce_sum3A_395 = tpu.scan <sum>, %select_n3A_392 masked %reduce_sum3A_394 : vector<16xi32>, vector<16xi1> -> vector<16xi32>
      %reduce_sum3A_396 = vector.extract %reduce_sum3A_395[15] : i32 from vector<16xi32>
      %mul3A_397 = arith.constant 16 : i32
      %mul3A_398 = arith.muli %scan3A_38, %mul3A_397 : i32
      %add3A_399 = arith.constant 7 : i32
      %add3A_400 = arith.addi %mul3A_398, %add3A_399 : i32
      %dma_start3A_401 = arith.constant 0 : i32
      %dma_start3A_402 = tpu.memref_slice %arg9[%add3A_400, %dma_start3A_401] : memref<256x64xf32, #tpu.memory_space<vmem>> -> memref<1x64xf32, #tpu.memory_space<vmem>>
      %dma_start3A_403 = tpu.memref_squeeze %dma_start3A_402 : memref<1x64xf32, #tpu.memory_space<vmem>> -> memref<64xf32, #tpu.memory_space<vmem>>
      %dma_start3A_404 = arith.constant 0 : i32
      %dma_start3A_405 = tpu.memref_slice %arg4[%reduce_sum3A_386, %dma_start3A_404] : memref<100000x64xf32, #tpu.memory_space<hbm>> -> memref<1x64xf32, #tpu.memory_space<hbm>>
      %dma_start3A_406 = tpu.memref_squeeze %dma_start3A_405 : memref<1x64xf32, #tpu.memory_space<hbm>> -> memref<64xf32, #tpu.memory_space<hbm>>
      %dma_start3A_407 = arith.constant 0 : i32
      %dma_start3A_408 = tpu.memref_slice %arg9[%add3A_400, %dma_start3A_407] : memref<256x64xf32, #tpu.memory_space<vmem>> -> memref<1x64xf32, #tpu.memory_space<vmem>>
      %dma_start3A_409 = tpu.memref_squeeze %dma_start3A_408 : memref<1x64xf32, #tpu.memory_space<vmem>> -> memref<64xf32, #tpu.memory_space<vmem>>
      %dma_start3A_410 = arith.constant 0 : i32
      %dma_start3A_411 = tpu.memref_slice %arg4[%reduce_sum3A_386, %dma_start3A_410] : memref<100000x64xf32, #tpu.memory_space<hbm>> -> memref<1x64xf32, #tpu.memory_space<hbm>>
      %dma_start3A_412 = tpu.memref_squeeze %dma_start3A_411 : memref<1x64xf32, #tpu.memory_space<hbm>> -> memref<64xf32, #tpu.memory_space<hbm>>
      tpu.enqueue_dma source(%dma_start3A_412 : memref<64xf32, #tpu.memory_space<hbm>>) target(%dma_start3A_409 : memref<64xf32, #tpu.memory_space<vmem>>) target_semaphore(%arg12 : memref<!tpu.dma_semaphore, #tpu.memory_space<semaphore_mem>>)
      %dma_start3A_413 = arith.constant 0 : i32
      %dma_start3A_414 = tpu.memref_slice %arg10[%add3A_400, %dma_start3A_413] : memref<256x64xf32, #tpu.memory_space<vmem>> -> memref<1x64xf32, #tpu.memory_space<vmem>>
      %dma_start3A_415 = tpu.memref_squeeze %dma_start3A_414 : memref<1x64xf32, #tpu.memory_space<vmem>> -> memref<64xf32, #tpu.memory_space<vmem>>
      %dma_start3A_416 = arith.constant 0 : i32
      %dma_start3A_417 = tpu.memref_slice %arg5[%reduce_sum3A_396, %dma_start3A_416] : memref<100000x64xf32, #tpu.memory_space<hbm>> -> memref<1x64xf32, #tpu.memory_space<hbm>>
      %dma_start3A_418 = tpu.memref_squeeze %dma_start3A_417 : memref<1x64xf32, #tpu.memory_space<hbm>> -> memref<64xf32, #tpu.memory_space<hbm>>
      %dma_start3A_419 = arith.constant 0 : i32
      %dma_start3A_420 = tpu.memref_slice %arg10[%add3A_400, %dma_start3A_419] : memref<256x64xf32, #tpu.memory_space<vmem>> -> memref<1x64xf32, #tpu.memory_space<vmem>>
      %dma_start3A_421 = tpu.memref_squeeze %dma_start3A_420 : memref<1x64xf32, #tpu.memory_space<vmem>> -> memref<64xf32, #tpu.memory_space<vmem>>
      %dma_start3A_422 = arith.constant 0 : i32
      %dma_start3A_423 = tpu.memref_slice %arg5[%reduce_sum3A_396, %dma_start3A_422] : memref<100000x64xf32, #tpu.memory_space<hbm>> -> memref<1x64xf32, #tpu.memory_space<hbm>>
      %dma_start3A_424 = tpu.memref_squeeze %dma_start3A_423 : memref<1x64xf32, #tpu.memory_space<hbm>> -> memref<64xf32, #tpu.memory_space<hbm>>
      tpu.enqueue_dma source(%dma_start3A_424 : memref<64xf32, #tpu.memory_space<hbm>>) target(%dma_start3A_421 : memref<64xf32, #tpu.memory_space<vmem>>) target_semaphore(%arg13 : memref<!tpu.dma_semaphore, #tpu.memory_space<semaphore_mem>>)
      %eq3A_425 = arith.constant 8 : i32
      %eq3A_426 = vector.broadcast %eq3A_425 : i32 to vector<16xi32>
      %eq3A_427 = arith.cmpi eq, %iota3A, %eq3A_426 : vector<16xi32>
      %jit3A_428 = arith.constant 0 : i32
      %broadcast_in_dim3A_429 = vector.broadcast %jit3A_428 : i32 to vector<16xi32>
      %select_n3A_430 = arith.select %eq3A_427, %get3A_44, %broadcast_in_dim3A_429 : vector<16xi1>, vector<16xi32>
      %reduce_sum3A_431 = arith.constant true
      %reduce_sum3A_432 = vector.broadcast %reduce_sum3A_431 : i1 to vector<16xi1>
      %reduce_sum3A_433 = tpu.scan <sum>, %select_n3A_430 masked %reduce_sum3A_432 : vector<16xi32>, vector<16xi1> -> vector<16xi32>
      %reduce_sum3A_434 = vector.extract %reduce_sum3A_433[15] : i32 from vector<16xi32>
      %eq3A_435 = arith.constant 8 : i32
      %eq3A_436 = vector.broadcast %eq3A_435 : i32 to vector<16xi32>
      %eq3A_437 = arith.cmpi eq, %iota3A, %eq3A_436 : vector<16xi32>
      %jit3A_438 = arith.constant 0 : i32
      %broadcast_in_dim3A_439 = vector.broadcast %jit3A_438 : i32 to vector<16xi32>
      %select_n3A_440 = arith.select %eq3A_437, %get3A_46, %broadcast_in_dim3A_439 : vector<16xi1>, vector<16xi32>
      %reduce_sum3A_441 = arith.constant true
      %reduce_sum3A_442 = vector.broadcast %reduce_sum3A_441 : i1 to vector<16xi1>
      %reduce_sum3A_443 = tpu.scan <sum>, %select_n3A_440 masked %reduce_sum3A_442 : vector<16xi32>, vector<16xi1> -> vector<16xi32>
      %reduce_sum3A_444 = vector.extract %reduce_sum3A_443[15] : i32 from vector<16xi32>
      %mul3A_445 = arith.constant 16 : i32
      %mul3A_446 = arith.muli %scan3A_38, %mul3A_445 : i32
      %add3A_447 = arith.constant 8 : i32
      %add3A_448 = arith.addi %mul3A_446, %add3A_447 : i32
      %dma_start3A_449 = arith.constant 0 : i32
      %dma_start3A_450 = tpu.memref_slice %arg9[%add3A_448, %dma_start3A_449] : memref<256x64xf32, #tpu.memory_space<vmem>> -> memref<1x64xf32, #tpu.memory_space<vmem>>
      %dma_start3A_451 = tpu.memref_squeeze %dma_start3A_450 : memref<1x64xf32, #tpu.memory_space<vmem>> -> memref<64xf32, #tpu.memory_space<vmem>>
      %dma_start3A_452 = arith.constant 0 : i32
      %dma_start3A_453 = tpu.memref_slice %arg4[%reduce_sum3A_434, %dma_start3A_452] : memref<100000x64xf32, #tpu.memory_space<hbm>> -> memref<1x64xf32, #tpu.memory_space<hbm>>
      %dma_start3A_454 = tpu.memref_squeeze %dma_start3A_453 : memref<1x64xf32, #tpu.memory_space<hbm>> -> memref<64xf32, #tpu.memory_space<hbm>>
      %dma_start3A_455 = arith.constant 0 : i32
      %dma_start3A_456 = tpu.memref_slice %arg9[%add3A_448, %dma_start3A_455] : memref<256x64xf32, #tpu.memory_space<vmem>> -> memref<1x64xf32, #tpu.memory_space<vmem>>
      %dma_start3A_457 = tpu.memref_squeeze %dma_start3A_456 : memref<1x64xf32, #tpu.memory_space<vmem>> -> memref<64xf32, #tpu.memory_space<vmem>>
      %dma_start3A_458 = arith.constant 0 : i32
      %dma_start3A_459 = tpu.memref_slice %arg4[%reduce_sum3A_434, %dma_start3A_458] : memref<100000x64xf32, #tpu.memory_space<hbm>> -> memref<1x64xf32, #tpu.memory_space<hbm>>
      %dma_start3A_460 = tpu.memref_squeeze %dma_start3A_459 : memref<1x64xf32, #tpu.memory_space<hbm>> -> memref<64xf32, #tpu.memory_space<hbm>>
      tpu.enqueue_dma source(%dma_start3A_460 : memref<64xf32, #tpu.memory_space<hbm>>) target(%dma_start3A_457 : memref<64xf32, #tpu.memory_space<vmem>>) target_semaphore(%arg12 : memref<!tpu.dma_semaphore, #tpu.memory_space<semaphore_mem>>)
      %dma_start3A_461 = arith.constant 0 : i32
      %dma_start3A_462 = tpu.memref_slice %arg10[%add3A_448, %dma_start3A_461] : memref<256x64xf32, #tpu.memory_space<vmem>> -> memref<1x64xf32, #tpu.memory_space<vmem>>
      %dma_start3A_463 = tpu.memref_squeeze %dma_start3A_462 : memref<1x64xf32, #tpu.memory_space<vmem>> -> memref<64xf32, #tpu.memory_space<vmem>>
      %dma_start3A_464 = arith.constant 0 : i32
      %dma_start3A_465 = tpu.memref_slice %arg5[%reduce_sum3A_444, %dma_start3A_464] : memref<100000x64xf32, #tpu.memory_space<hbm>> -> memref<1x64xf32, #tpu.memory_space<hbm>>
      %dma_start3A_466 = tpu.memref_squeeze %dma_start3A_465 : memref<1x64xf32, #tpu.memory_space<hbm>> -> memref<64xf32, #tpu.memory_space<hbm>>
      %dma_start3A_467 = arith.constant 0 : i32
      %dma_start3A_468 = tpu.memref_slice %arg10[%add3A_448, %dma_start3A_467] : memref<256x64xf32, #tpu.memory_space<vmem>> -> memref<1x64xf32, #tpu.memory_space<vmem>>
      %dma_start3A_469 = tpu.memref_squeeze %dma_start3A_468 : memref<1x64xf32, #tpu.memory_space<vmem>> -> memref<64xf32, #tpu.memory_space<vmem>>
      %dma_start3A_470 = arith.constant 0 : i32
      %dma_start3A_471 = tpu.memref_slice %arg5[%reduce_sum3A_444, %dma_start3A_470] : memref<100000x64xf32, #tpu.memory_space<hbm>> -> memref<1x64xf32, #tpu.memory_space<hbm>>
      %dma_start3A_472 = tpu.memref_squeeze %dma_start3A_471 : memref<1x64xf32, #tpu.memory_space<hbm>> -> memref<64xf32, #tpu.memory_space<hbm>>
      tpu.enqueue_dma source(%dma_start3A_472 : memref<64xf32, #tpu.memory_space<hbm>>) target(%dma_start3A_469 : memref<64xf32, #tpu.memory_space<vmem>>) target_semaphore(%arg13 : memref<!tpu.dma_semaphore, #tpu.memory_space<semaphore_mem>>)
      %eq3A_473 = arith.constant 9 : i32
      %eq3A_474 = vector.broadcast %eq3A_473 : i32 to vector<16xi32>
      %eq3A_475 = arith.cmpi eq, %iota3A, %eq3A_474 : vector<16xi32>
      %jit3A_476 = arith.constant 0 : i32
      %broadcast_in_dim3A_477 = vector.broadcast %jit3A_476 : i32 to vector<16xi32>
      %select_n3A_478 = arith.select %eq3A_475, %get3A_44, %broadcast_in_dim3A_477 : vector<16xi1>, vector<16xi32>
      %reduce_sum3A_479 = arith.constant true
      %reduce_sum3A_480 = vector.broadcast %reduce_sum3A_479 : i1 to vector<16xi1>
      %reduce_sum3A_481 = tpu.scan <sum>, %select_n3A_478 masked %reduce_sum3A_480 : vector<16xi32>, vector<16xi1> -> vector<16xi32>
      %reduce_sum3A_482 = vector.extract %reduce_sum3A_481[15] : i32 from vector<16xi32>
      %eq3A_483 = arith.constant 9 : i32
      %eq3A_484 = vector.broadcast %eq3A_483 : i32 to vector<16xi32>
      %eq3A_485 = arith.cmpi eq, %iota3A, %eq3A_484 : vector<16xi32>
      %jit3A_486 = arith.constant 0 : i32
      %broadcast_in_dim3A_487 = vector.broadcast %jit3A_486 : i32 to vector<16xi32>
      %select_n3A_488 = arith.select %eq3A_485, %get3A_46, %broadcast_in_dim3A_487 : vector<16xi1>, vector<16xi32>
      %reduce_sum3A_489 = arith.constant true
      %reduce_sum3A_490 = vector.broadcast %reduce_sum3A_489 : i1 to vector<16xi1>
      %reduce_sum3A_491 = tpu.scan <sum>, %select_n3A_488 masked %reduce_sum3A_490 : vector<16xi32>, vector<16xi1> -> vector<16xi32>
      %reduce_sum3A_492 = vector.extract %reduce_sum3A_491[15] : i32 from vector<16xi32>
      %mul3A_493 = arith.constant 16 : i32
      %mul3A_494 = arith.muli %scan3A_38, %mul3A_493 : i32
      %add3A_495 = arith.constant 9 : i32
      %add3A_496 = arith.addi %mul3A_494, %add3A_495 : i32
      %dma_start3A_497 = arith.constant 0 : i32
      %dma_start3A_498 = tpu.memref_slice %arg9[%add3A_496, %dma_start3A_497] : memref<256x64xf32, #tpu.memory_space<vmem>> -> memref<1x64xf32, #tpu.memory_space<vmem>>
      %dma_start3A_499 = tpu.memref_squeeze %dma_start3A_498 : memref<1x64xf32, #tpu.memory_space<vmem>> -> memref<64xf32, #tpu.memory_space<vmem>>
      %dma_start3A_500 = arith.constant 0 : i32
      %dma_start3A_501 = tpu.memref_slice %arg4[%reduce_sum3A_482, %dma_start3A_500] : memref<100000x64xf32, #tpu.memory_space<hbm>> -> memref<1x64xf32, #tpu.memory_space<hbm>>
      %dma_start3A_502 = tpu.memref_squeeze %dma_start3A_501 : memref<1x64xf32, #tpu.memory_space<hbm>> -> memref<64xf32, #tpu.memory_space<hbm>>
      %dma_start3A_503 = arith.constant 0 : i32
      %dma_start3A_504 = tpu.memref_slice %arg9[%add3A_496, %dma_start3A_503] : memref<256x64xf32, #tpu.memory_space<vmem>> -> memref<1x64xf32, #tpu.memory_space<vmem>>
      %dma_start3A_505 = tpu.memref_squeeze %dma_start3A_504 : memref<1x64xf32, #tpu.memory_space<vmem>> -> memref<64xf32, #tpu.memory_space<vmem>>
      %dma_start3A_506 = arith.constant 0 : i32
      %dma_start3A_507 = tpu.memref_slice %arg4[%reduce_sum3A_482, %dma_start3A_506] : memref<100000x64xf32, #tpu.memory_space<hbm>> -> memref<1x64xf32, #tpu.memory_space<hbm>>
      %dma_start3A_508 = tpu.memref_squeeze %dma_start3A_507 : memref<1x64xf32, #tpu.memory_space<hbm>> -> memref<64xf32, #tpu.memory_space<hbm>>
      tpu.enqueue_dma source(%dma_start3A_508 : memref<64xf32, #tpu.memory_space<hbm>>) target(%dma_start3A_505 : memref<64xf32, #tpu.memory_space<vmem>>) target_semaphore(%arg12 : memref<!tpu.dma_semaphore, #tpu.memory_space<semaphore_mem>>)
      %dma_start3A_509 = arith.constant 0 : i32
      %dma_start3A_510 = tpu.memref_slice %arg10[%add3A_496, %dma_start3A_509] : memref<256x64xf32, #tpu.memory_space<vmem>> -> memref<1x64xf32, #tpu.memory_space<vmem>>
      %dma_start3A_511 = tpu.memref_squeeze %dma_start3A_510 : memref<1x64xf32, #tpu.memory_space<vmem>> -> memref<64xf32, #tpu.memory_space<vmem>>
      %dma_start3A_512 = arith.constant 0 : i32
      %dma_start3A_513 = tpu.memref_slice %arg5[%reduce_sum3A_492, %dma_start3A_512] : memref<100000x64xf32, #tpu.memory_space<hbm>> -> memref<1x64xf32, #tpu.memory_space<hbm>>
      %dma_start3A_514 = tpu.memref_squeeze %dma_start3A_513 : memref<1x64xf32, #tpu.memory_space<hbm>> -> memref<64xf32, #tpu.memory_space<hbm>>
      %dma_start3A_515 = arith.constant 0 : i32
      %dma_start3A_516 = tpu.memref_slice %arg10[%add3A_496, %dma_start3A_515] : memref<256x64xf32, #tpu.memory_space<vmem>> -> memref<1x64xf32, #tpu.memory_space<vmem>>
      %dma_start3A_517 = tpu.memref_squeeze %dma_start3A_516 : memref<1x64xf32, #tpu.memory_space<vmem>> -> memref<64xf32, #tpu.memory_space<vmem>>
      %dma_start3A_518 = arith.constant 0 : i32
      %dma_start3A_519 = tpu.memref_slice %arg5[%reduce_sum3A_492, %dma_start3A_518] : memref<100000x64xf32, #tpu.memory_space<hbm>> -> memref<1x64xf32, #tpu.memory_space<hbm>>
      %dma_start3A_520 = tpu.memref_squeeze %dma_start3A_519 : memref<1x64xf32, #tpu.memory_space<hbm>> -> memref<64xf32, #tpu.memory_space<hbm>>
      tpu.enqueue_dma source(%dma_start3A_520 : memref<64xf32, #tpu.memory_space<hbm>>) target(%dma_start3A_517 : memref<64xf32, #tpu.memory_space<vmem>>) target_semaphore(%arg13 : memref<!tpu.dma_semaphore, #tpu.memory_space<semaphore_mem>>)
      %eq3A_521 = arith.constant 10 : i32
      %eq3A_522 = vector.broadcast %eq3A_521 : i32 to vector<16xi32>
      %eq3A_523 = arith.cmpi eq, %iota3A, %eq3A_522 : vector<16xi32>
      %jit3A_524 = arith.constant 0 : i32
      %broadcast_in_dim3A_525 = vector.broadcast %jit3A_524 : i32 to vector<16xi32>
      %select_n3A_526 = arith.select %eq3A_523, %get3A_44, %broadcast_in_dim3A_525 : vector<16xi1>, vector<16xi32>
      %reduce_sum3A_527 = arith.constant true
      %reduce_sum3A_528 = vector.broadcast %reduce_sum3A_527 : i1 to vector<16xi1>
      %reduce_sum3A_529 = tpu.scan <sum>, %select_n3A_526 masked %reduce_sum3A_528 : vector<16xi32>, vector<16xi1> -> vector<16xi32>
      %reduce_sum3A_530 = vector.extract %reduce_sum3A_529[15] : i32 from vector<16xi32>
      %eq3A_531 = arith.constant 10 : i32
      %eq3A_532 = vector.broadcast %eq3A_531 : i32 to vector<16xi32>
      %eq3A_533 = arith.cmpi eq, %iota3A, %eq3A_532 : vector<16xi32>
      %jit3A_534 = arith.constant 0 : i32
      %broadcast_in_dim3A_535 = vector.broadcast %jit3A_534 : i32 to vector<16xi32>
      %select_n3A_536 = arith.select %eq3A_533, %get3A_46, %broadcast_in_dim3A_535 : vector<16xi1>, vector<16xi32>
      %reduce_sum3A_537 = arith.constant true
      %reduce_sum3A_538 = vector.broadcast %reduce_sum3A_537 : i1 to vector<16xi1>
      %reduce_sum3A_539 = tpu.scan <sum>, %select_n3A_536 masked %reduce_sum3A_538 : vector<16xi32>, vector<16xi1> -> vector<16xi32>
      %reduce_sum3A_540 = vector.extract %reduce_sum3A_539[15] : i32 from vector<16xi32>
      %mul3A_541 = arith.constant 16 : i32
      %mul3A_542 = arith.muli %scan3A_38, %mul3A_541 : i32
      %add3A_543 = arith.constant 10 : i32
      %add3A_544 = arith.addi %mul3A_542, %add3A_543 : i32
      %dma_start3A_545 = arith.constant 0 : i32
      %dma_start3A_546 = tpu.memref_slice %arg9[%add3A_544, %dma_start3A_545] : memref<256x64xf32, #tpu.memory_space<vmem>> -> memref<1x64xf32, #tpu.memory_space<vmem>>
      %dma_start3A_547 = tpu.memref_squeeze %dma_start3A_546 : memref<1x64xf32, #tpu.memory_space<vmem>> -> memref<64xf32, #tpu.memory_space<vmem>>
      %dma_start3A_548 = arith.constant 0 : i32
      %dma_start3A_549 = tpu.memref_slice %arg4[%reduce_sum3A_530, %dma_start3A_548] : memref<100000x64xf32, #tpu.memory_space<hbm>> -> memref<1x64xf32, #tpu.memory_space<hbm>>
      %dma_start3A_550 = tpu.memref_squeeze %dma_start3A_549 : memref<1x64xf32, #tpu.memory_space<hbm>> -> memref<64xf32, #tpu.memory_space<hbm>>
      %dma_start3A_551 = arith.constant 0 : i32
      %dma_start3A_552 = tpu.memref_slice %arg9[%add3A_544, %dma_start3A_551] : memref<256x64xf32, #tpu.memory_space<vmem>> -> memref<1x64xf32, #tpu.memory_space<vmem>>
      %dma_start3A_553 = tpu.memref_squeeze %dma_start3A_552 : memref<1x64xf32, #tpu.memory_space<vmem>> -> memref<64xf32, #tpu.memory_space<vmem>>
      %dma_start3A_554 = arith.constant 0 : i32
      %dma_start3A_555 = tpu.memref_slice %arg4[%reduce_sum3A_530, %dma_start3A_554] : memref<100000x64xf32, #tpu.memory_space<hbm>> -> memref<1x64xf32, #tpu.memory_space<hbm>>
      %dma_start3A_556 = tpu.memref_squeeze %dma_start3A_555 : memref<1x64xf32, #tpu.memory_space<hbm>> -> memref<64xf32, #tpu.memory_space<hbm>>
      tpu.enqueue_dma source(%dma_start3A_556 : memref<64xf32, #tpu.memory_space<hbm>>) target(%dma_start3A_553 : memref<64xf32, #tpu.memory_space<vmem>>) target_semaphore(%arg12 : memref<!tpu.dma_semaphore, #tpu.memory_space<semaphore_mem>>)
      %dma_start3A_557 = arith.constant 0 : i32
      %dma_start3A_558 = tpu.memref_slice %arg10[%add3A_544, %dma_start3A_557] : memref<256x64xf32, #tpu.memory_space<vmem>> -> memref<1x64xf32, #tpu.memory_space<vmem>>
      %dma_start3A_559 = tpu.memref_squeeze %dma_start3A_558 : memref<1x64xf32, #tpu.memory_space<vmem>> -> memref<64xf32, #tpu.memory_space<vmem>>
      %dma_start3A_560 = arith.constant 0 : i32
      %dma_start3A_561 = tpu.memref_slice %arg5[%reduce_sum3A_540, %dma_start3A_560] : memref<100000x64xf32, #tpu.memory_space<hbm>> -> memref<1x64xf32, #tpu.memory_space<hbm>>
      %dma_start3A_562 = tpu.memref_squeeze %dma_start3A_561 : memref<1x64xf32, #tpu.memory_space<hbm>> -> memref<64xf32, #tpu.memory_space<hbm>>
      %dma_start3A_563 = arith.constant 0 : i32
      %dma_start3A_564 = tpu.memref_slice %arg10[%add3A_544, %dma_start3A_563] : memref<256x64xf32, #tpu.memory_space<vmem>> -> memref<1x64xf32, #tpu.memory_space<vmem>>
      %dma_start3A_565 = tpu.memref_squeeze %dma_start3A_564 : memref<1x64xf32, #tpu.memory_space<vmem>> -> memref<64xf32, #tpu.memory_space<vmem>>
      %dma_start3A_566 = arith.constant 0 : i32
      %dma_start3A_567 = tpu.memref_slice %arg5[%reduce_sum3A_540, %dma_start3A_566] : memref<100000x64xf32, #tpu.memory_space<hbm>> -> memref<1x64xf32, #tpu.memory_space<hbm>>
      %dma_start3A_568 = tpu.memref_squeeze %dma_start3A_567 : memref<1x64xf32, #tpu.memory_space<hbm>> -> memref<64xf32, #tpu.memory_space<hbm>>
      tpu.enqueue_dma source(%dma_start3A_568 : memref<64xf32, #tpu.memory_space<hbm>>) target(%dma_start3A_565 : memref<64xf32, #tpu.memory_space<vmem>>) target_semaphore(%arg13 : memref<!tpu.dma_semaphore, #tpu.memory_space<semaphore_mem>>)
      %eq3A_569 = arith.constant 11 : i32
      %eq3A_570 = vector.broadcast %eq3A_569 : i32 to vector<16xi32>
      %eq3A_571 = arith.cmpi eq, %iota3A, %eq3A_570 : vector<16xi32>
      %jit3A_572 = arith.constant 0 : i32
      %broadcast_in_dim3A_573 = vector.broadcast %jit3A_572 : i32 to vector<16xi32>
      %select_n3A_574 = arith.select %eq3A_571, %get3A_44, %broadcast_in_dim3A_573 : vector<16xi1>, vector<16xi32>
      %reduce_sum3A_575 = arith.constant true
      %reduce_sum3A_576 = vector.broadcast %reduce_sum3A_575 : i1 to vector<16xi1>
      %reduce_sum3A_577 = tpu.scan <sum>, %select_n3A_574 masked %reduce_sum3A_576 : vector<16xi32>, vector<16xi1> -> vector<16xi32>
      %reduce_sum3A_578 = vector.extract %reduce_sum3A_577[15] : i32 from vector<16xi32>
      %eq3A_579 = arith.constant 11 : i32
      %eq3A_580 = vector.broadcast %eq3A_579 : i32 to vector<16xi32>
      %eq3A_581 = arith.cmpi eq, %iota3A, %eq3A_580 : vector<16xi32>
      %jit3A_582 = arith.constant 0 : i32
      %broadcast_in_dim3A_583 = vector.broadcast %jit3A_582 : i32 to vector<16xi32>
      %select_n3A_584 = arith.select %eq3A_581, %get3A_46, %broadcast_in_dim3A_583 : vector<16xi1>, vector<16xi32>
      %reduce_sum3A_585 = arith.constant true
      %reduce_sum3A_586 = vector.broadcast %reduce_sum3A_585 : i1 to vector<16xi1>
      %reduce_sum3A_587 = tpu.scan <sum>, %select_n3A_584 masked %reduce_sum3A_586 : vector<16xi32>, vector<16xi1> -> vector<16xi32>
      %reduce_sum3A_588 = vector.extract %reduce_sum3A_587[15] : i32 from vector<16xi32>
      %mul3A_589 = arith.constant 16 : i32
      %mul3A_590 = arith.muli %scan3A_38, %mul3A_589 : i32
      %add3A_591 = arith.constant 11 : i32
      %add3A_592 = arith.addi %mul3A_590, %add3A_591 : i32
      %dma_start3A_593 = arith.constant 0 : i32
      %dma_start3A_594 = tpu.memref_slice %arg9[%add3A_592, %dma_start3A_593] : memref<256x64xf32, #tpu.memory_space<vmem>> -> memref<1x64xf32, #tpu.memory_space<vmem>>
      %dma_start3A_595 = tpu.memref_squeeze %dma_start3A_594 : memref<1x64xf32, #tpu.memory_space<vmem>> -> memref<64xf32, #tpu.memory_space<vmem>>
      %dma_start3A_596 = arith.constant 0 : i32
      %dma_start3A_597 = tpu.memref_slice %arg4[%reduce_sum3A_578, %dma_start3A_596] : memref<100000x64xf32, #tpu.memory_space<hbm>> -> memref<1x64xf32, #tpu.memory_space<hbm>>
      %dma_start3A_598 = tpu.memref_squeeze %dma_start3A_597 : memref<1x64xf32, #tpu.memory_space<hbm>> -> memref<64xf32, #tpu.memory_space<hbm>>
      %dma_start3A_599 = arith.constant 0 : i32
      %dma_start3A_600 = tpu.memref_slice %arg9[%add3A_592, %dma_start3A_599] : memref<256x64xf32, #tpu.memory_space<vmem>> -> memref<1x64xf32, #tpu.memory_space<vmem>>
      %dma_start3A_601 = tpu.memref_squeeze %dma_start3A_600 : memref<1x64xf32, #tpu.memory_space<vmem>> -> memref<64xf32, #tpu.memory_space<vmem>>
      %dma_start3A_602 = arith.constant 0 : i32
      %dma_start3A_603 = tpu.memref_slice %arg4[%reduce_sum3A_578, %dma_start3A_602] : memref<100000x64xf32, #tpu.memory_space<hbm>> -> memref<1x64xf32, #tpu.memory_space<hbm>>
      %dma_start3A_604 = tpu.memref_squeeze %dma_start3A_603 : memref<1x64xf32, #tpu.memory_space<hbm>> -> memref<64xf32, #tpu.memory_space<hbm>>
      tpu.enqueue_dma source(%dma_start3A_604 : memref<64xf32, #tpu.memory_space<hbm>>) target(%dma_start3A_601 : memref<64xf32, #tpu.memory_space<vmem>>) target_semaphore(%arg12 : memref<!tpu.dma_semaphore, #tpu.memory_space<semaphore_mem>>)
      %dma_start3A_605 = arith.constant 0 : i32
      %dma_start3A_606 = tpu.memref_slice %arg10[%add3A_592, %dma_start3A_605] : memref<256x64xf32, #tpu.memory_space<vmem>> -> memref<1x64xf32, #tpu.memory_space<vmem>>
      %dma_start3A_607 = tpu.memref_squeeze %dma_start3A_606 : memref<1x64xf32, #tpu.memory_space<vmem>> -> memref<64xf32, #tpu.memory_space<vmem>>
      %dma_start3A_608 = arith.constant 0 : i32
      %dma_start3A_609 = tpu.memref_slice %arg5[%reduce_sum3A_588, %dma_start3A_608] : memref<100000x64xf32, #tpu.memory_space<hbm>> -> memref<1x64xf32, #tpu.memory_space<hbm>>
      %dma_start3A_610 = tpu.memref_squeeze %dma_start3A_609 : memref<1x64xf32, #tpu.memory_space<hbm>> -> memref<64xf32, #tpu.memory_space<hbm>>
      %dma_start3A_611 = arith.constant 0 : i32
      %dma_start3A_612 = tpu.memref_slice %arg10[%add3A_592, %dma_start3A_611] : memref<256x64xf32, #tpu.memory_space<vmem>> -> memref<1x64xf32, #tpu.memory_space<vmem>>
      %dma_start3A_613 = tpu.memref_squeeze %dma_start3A_612 : memref<1x64xf32, #tpu.memory_space<vmem>> -> memref<64xf32, #tpu.memory_space<vmem>>
      %dma_start3A_614 = arith.constant 0 : i32
      %dma_start3A_615 = tpu.memref_slice %arg5[%reduce_sum3A_588, %dma_start3A_614] : memref<100000x64xf32, #tpu.memory_space<hbm>> -> memref<1x64xf32, #tpu.memory_space<hbm>>
      %dma_start3A_616 = tpu.memref_squeeze %dma_start3A_615 : memref<1x64xf32, #tpu.memory_space<hbm>> -> memref<64xf32, #tpu.memory_space<hbm>>
      tpu.enqueue_dma source(%dma_start3A_616 : memref<64xf32, #tpu.memory_space<hbm>>) target(%dma_start3A_613 : memref<64xf32, #tpu.memory_space<vmem>>) target_semaphore(%arg13 : memref<!tpu.dma_semaphore, #tpu.memory_space<semaphore_mem>>)
      %eq3A_617 = arith.constant 12 : i32
      %eq3A_618 = vector.broadcast %eq3A_617 : i32 to vector<16xi32>
      %eq3A_619 = arith.cmpi eq, %iota3A, %eq3A_618 : vector<16xi32>
      %jit3A_620 = arith.constant 0 : i32
      %broadcast_in_dim3A_621 = vector.broadcast %jit3A_620 : i32 to vector<16xi32>
      %select_n3A_622 = arith.select %eq3A_619, %get3A_44, %broadcast_in_dim3A_621 : vector<16xi1>, vector<16xi32>
      %reduce_sum3A_623 = arith.constant true
      %reduce_sum3A_624 = vector.broadcast %reduce_sum3A_623 : i1 to vector<16xi1>
      %reduce_sum3A_625 = tpu.scan <sum>, %select_n3A_622 masked %reduce_sum3A_624 : vector<16xi32>, vector<16xi1> -> vector<16xi32>
      %reduce_sum3A_626 = vector.extract %reduce_sum3A_625[15] : i32 from vector<16xi32>
      %eq3A_627 = arith.constant 12 : i32
      %eq3A_628 = vector.broadcast %eq3A_627 : i32 to vector<16xi32>
      %eq3A_629 = arith.cmpi eq, %iota3A, %eq3A_628 : vector<16xi32>
      %jit3A_630 = arith.constant 0 : i32
      %broadcast_in_dim3A_631 = vector.broadcast %jit3A_630 : i32 to vector<16xi32>
      %select_n3A_632 = arith.select %eq3A_629, %get3A_46, %broadcast_in_dim3A_631 : vector<16xi1>, vector<16xi32>
      %reduce_sum3A_633 = arith.constant true
      %reduce_sum3A_634 = vector.broadcast %reduce_sum3A_633 : i1 to vector<16xi1>
      %reduce_sum3A_635 = tpu.scan <sum>, %select_n3A_632 masked %reduce_sum3A_634 : vector<16xi32>, vector<16xi1> -> vector<16xi32>
      %reduce_sum3A_636 = vector.extract %reduce_sum3A_635[15] : i32 from vector<16xi32>
      %mul3A_637 = arith.constant 16 : i32
      %mul3A_638 = arith.muli %scan3A_38, %mul3A_637 : i32
      %add3A_639 = arith.constant 12 : i32
      %add3A_640 = arith.addi %mul3A_638, %add3A_639 : i32
      %dma_start3A_641 = arith.constant 0 : i32
      %dma_start3A_642 = tpu.memref_slice %arg9[%add3A_640, %dma_start3A_641] : memref<256x64xf32, #tpu.memory_space<vmem>> -> memref<1x64xf32, #tpu.memory_space<vmem>>
      %dma_start3A_643 = tpu.memref_squeeze %dma_start3A_642 : memref<1x64xf32, #tpu.memory_space<vmem>> -> memref<64xf32, #tpu.memory_space<vmem>>
      %dma_start3A_644 = arith.constant 0 : i32
      %dma_start3A_645 = tpu.memref_slice %arg4[%reduce_sum3A_626, %dma_start3A_644] : memref<100000x64xf32, #tpu.memory_space<hbm>> -> memref<1x64xf32, #tpu.memory_space<hbm>>
      %dma_start3A_646 = tpu.memref_squeeze %dma_start3A_645 : memref<1x64xf32, #tpu.memory_space<hbm>> -> memref<64xf32, #tpu.memory_space<hbm>>
      %dma_start3A_647 = arith.constant 0 : i32
      %dma_start3A_648 = tpu.memref_slice %arg9[%add3A_640, %dma_start3A_647] : memref<256x64xf32, #tpu.memory_space<vmem>> -> memref<1x64xf32, #tpu.memory_space<vmem>>
      %dma_start3A_649 = tpu.memref_squeeze %dma_start3A_648 : memref<1x64xf32, #tpu.memory_space<vmem>> -> memref<64xf32, #tpu.memory_space<vmem>>
      %dma_start3A_650 = arith.constant 0 : i32
      %dma_start3A_651 = tpu.memref_slice %arg4[%reduce_sum3A_626, %dma_start3A_650] : memref<100000x64xf32, #tpu.memory_space<hbm>> -> memref<1x64xf32, #tpu.memory_space<hbm>>
      %dma_start3A_652 = tpu.memref_squeeze %dma_start3A_651 : memref<1x64xf32, #tpu.memory_space<hbm>> -> memref<64xf32, #tpu.memory_space<hbm>>
      tpu.enqueue_dma source(%dma_start3A_652 : memref<64xf32, #tpu.memory_space<hbm>>) target(%dma_start3A_649 : memref<64xf32, #tpu.memory_space<vmem>>) target_semaphore(%arg12 : memref<!tpu.dma_semaphore, #tpu.memory_space<semaphore_mem>>)
      %dma_start3A_653 = arith.constant 0 : i32
      %dma_start3A_654 = tpu.memref_slice %arg10[%add3A_640, %dma_start3A_653] : memref<256x64xf32, #tpu.memory_space<vmem>> -> memref<1x64xf32, #tpu.memory_space<vmem>>
      %dma_start3A_655 = tpu.memref_squeeze %dma_start3A_654 : memref<1x64xf32, #tpu.memory_space<vmem>> -> memref<64xf32, #tpu.memory_space<vmem>>
      %dma_start3A_656 = arith.constant 0 : i32
      %dma_start3A_657 = tpu.memref_slice %arg5[%reduce_sum3A_636, %dma_start3A_656] : memref<100000x64xf32, #tpu.memory_space<hbm>> -> memref<1x64xf32, #tpu.memory_space<hbm>>
      %dma_start3A_658 = tpu.memref_squeeze %dma_start3A_657 : memref<1x64xf32, #tpu.memory_space<hbm>> -> memref<64xf32, #tpu.memory_space<hbm>>
      %dma_start3A_659 = arith.constant 0 : i32
      %dma_start3A_660 = tpu.memref_slice %arg10[%add3A_640, %dma_start3A_659] : memref<256x64xf32, #tpu.memory_space<vmem>> -> memref<1x64xf32, #tpu.memory_space<vmem>>
      %dma_start3A_661 = tpu.memref_squeeze %dma_start3A_660 : memref<1x64xf32, #tpu.memory_space<vmem>> -> memref<64xf32, #tpu.memory_space<vmem>>
      %dma_start3A_662 = arith.constant 0 : i32
      %dma_start3A_663 = tpu.memref_slice %arg5[%reduce_sum3A_636, %dma_start3A_662] : memref<100000x64xf32, #tpu.memory_space<hbm>> -> memref<1x64xf32, #tpu.memory_space<hbm>>
      %dma_start3A_664 = tpu.memref_squeeze %dma_start3A_663 : memref<1x64xf32, #tpu.memory_space<hbm>> -> memref<64xf32, #tpu.memory_space<hbm>>
      tpu.enqueue_dma source(%dma_start3A_664 : memref<64xf32, #tpu.memory_space<hbm>>) target(%dma_start3A_661 : memref<64xf32, #tpu.memory_space<vmem>>) target_semaphore(%arg13 : memref<!tpu.dma_semaphore, #tpu.memory_space<semaphore_mem>>)
      %eq3A_665 = arith.constant 13 : i32
      %eq3A_666 = vector.broadcast %eq3A_665 : i32 to vector<16xi32>
      %eq3A_667 = arith.cmpi eq, %iota3A, %eq3A_666 : vector<16xi32>
      %jit3A_668 = arith.constant 0 : i32
      %broadcast_in_dim3A_669 = vector.broadcast %jit3A_668 : i32 to vector<16xi32>
      %select_n3A_670 = arith.select %eq3A_667, %get3A_44, %broadcast_in_dim3A_669 : vector<16xi1>, vector<16xi32>
      %reduce_sum3A_671 = arith.constant true
      %reduce_sum3A_672 = vector.broadcast %reduce_sum3A_671 : i1 to vector<16xi1>
      %reduce_sum3A_673 = tpu.scan <sum>, %select_n3A_670 masked %reduce_sum3A_672 : vector<16xi32>, vector<16xi1> -> vector<16xi32>
      %reduce_sum3A_674 = vector.extract %reduce_sum3A_673[15] : i32 from vector<16xi32>
      %eq3A_675 = arith.constant 13 : i32
      %eq3A_676 = vector.broadcast %eq3A_675 : i32 to vector<16xi32>
      %eq3A_677 = arith.cmpi eq, %iota3A, %eq3A_676 : vector<16xi32>
      %jit3A_678 = arith.constant 0 : i32
      %broadcast_in_dim3A_679 = vector.broadcast %jit3A_678 : i32 to vector<16xi32>
      %select_n3A_680 = arith.select %eq3A_677, %get3A_46, %broadcast_in_dim3A_679 : vector<16xi1>, vector<16xi32>
      %reduce_sum3A_681 = arith.constant true
      %reduce_sum3A_682 = vector.broadcast %reduce_sum3A_681 : i1 to vector<16xi1>
      %reduce_sum3A_683 = tpu.scan <sum>, %select_n3A_680 masked %reduce_sum3A_682 : vector<16xi32>, vector<16xi1> -> vector<16xi32>
      %reduce_sum3A_684 = vector.extract %reduce_sum3A_683[15] : i32 from vector<16xi32>
      %mul3A_685 = arith.constant 16 : i32
      %mul3A_686 = arith.muli %scan3A_38, %mul3A_685 : i32
      %add3A_687 = arith.constant 13 : i32
      %add3A_688 = arith.addi %mul3A_686, %add3A_687 : i32
      %dma_start3A_689 = arith.constant 0 : i32
      %dma_start3A_690 = tpu.memref_slice %arg9[%add3A_688, %dma_start3A_689] : memref<256x64xf32, #tpu.memory_space<vmem>> -> memref<1x64xf32, #tpu.memory_space<vmem>>
      %dma_start3A_691 = tpu.memref_squeeze %dma_start3A_690 : memref<1x64xf32, #tpu.memory_space<vmem>> -> memref<64xf32, #tpu.memory_space<vmem>>
      %dma_start3A_692 = arith.constant 0 : i32
      %dma_start3A_693 = tpu.memref_slice %arg4[%reduce_sum3A_674, %dma_start3A_692] : memref<100000x64xf32, #tpu.memory_space<hbm>> -> memref<1x64xf32, #tpu.memory_space<hbm>>
      %dma_start3A_694 = tpu.memref_squeeze %dma_start3A_693 : memref<1x64xf32, #tpu.memory_space<hbm>> -> memref<64xf32, #tpu.memory_space<hbm>>
      %dma_start3A_695 = arith.constant 0 : i32
      %dma_start3A_696 = tpu.memref_slice %arg9[%add3A_688, %dma_start3A_695] : memref<256x64xf32, #tpu.memory_space<vmem>> -> memref<1x64xf32, #tpu.memory_space<vmem>>
      %dma_start3A_697 = tpu.memref_squeeze %dma_start3A_696 : memref<1x64xf32, #tpu.memory_space<vmem>> -> memref<64xf32, #tpu.memory_space<vmem>>
      %dma_start3A_698 = arith.constant 0 : i32
      %dma_start3A_699 = tpu.memref_slice %arg4[%reduce_sum3A_674, %dma_start3A_698] : memref<100000x64xf32, #tpu.memory_space<hbm>> -> memref<1x64xf32, #tpu.memory_space<hbm>>
      %dma_start3A_700 = tpu.memref_squeeze %dma_start3A_699 : memref<1x64xf32, #tpu.memory_space<hbm>> -> memref<64xf32, #tpu.memory_space<hbm>>
      tpu.enqueue_dma source(%dma_start3A_700 : memref<64xf32, #tpu.memory_space<hbm>>) target(%dma_start3A_697 : memref<64xf32, #tpu.memory_space<vmem>>) target_semaphore(%arg12 : memref<!tpu.dma_semaphore, #tpu.memory_space<semaphore_mem>>)
      %dma_start3A_701 = arith.constant 0 : i32
      %dma_start3A_702 = tpu.memref_slice %arg10[%add3A_688, %dma_start3A_701] : memref<256x64xf32, #tpu.memory_space<vmem>> -> memref<1x64xf32, #tpu.memory_space<vmem>>
      %dma_start3A_703 = tpu.memref_squeeze %dma_start3A_702 : memref<1x64xf32, #tpu.memory_space<vmem>> -> memref<64xf32, #tpu.memory_space<vmem>>
      %dma_start3A_704 = arith.constant 0 : i32
      %dma_start3A_705 = tpu.memref_slice %arg5[%reduce_sum3A_684, %dma_start3A_704] : memref<100000x64xf32, #tpu.memory_space<hbm>> -> memref<1x64xf32, #tpu.memory_space<hbm>>
      %dma_start3A_706 = tpu.memref_squeeze %dma_start3A_705 : memref<1x64xf32, #tpu.memory_space<hbm>> -> memref<64xf32, #tpu.memory_space<hbm>>
      %dma_start3A_707 = arith.constant 0 : i32
      %dma_start3A_708 = tpu.memref_slice %arg10[%add3A_688, %dma_start3A_707] : memref<256x64xf32, #tpu.memory_space<vmem>> -> memref<1x64xf32, #tpu.memory_space<vmem>>
      %dma_start3A_709 = tpu.memref_squeeze %dma_start3A_708 : memref<1x64xf32, #tpu.memory_space<vmem>> -> memref<64xf32, #tpu.memory_space<vmem>>
      %dma_start3A_710 = arith.constant 0 : i32
      %dma_start3A_711 = tpu.memref_slice %arg5[%reduce_sum3A_684, %dma_start3A_710] : memref<100000x64xf32, #tpu.memory_space<hbm>> -> memref<1x64xf32, #tpu.memory_space<hbm>>
      %dma_start3A_712 = tpu.memref_squeeze %dma_start3A_711 : memref<1x64xf32, #tpu.memory_space<hbm>> -> memref<64xf32, #tpu.memory_space<hbm>>
      tpu.enqueue_dma source(%dma_start3A_712 : memref<64xf32, #tpu.memory_space<hbm>>) target(%dma_start3A_709 : memref<64xf32, #tpu.memory_space<vmem>>) target_semaphore(%arg13 : memref<!tpu.dma_semaphore, #tpu.memory_space<semaphore_mem>>)
      %eq3A_713 = arith.constant 14 : i32
      %eq3A_714 = vector.broadcast %eq3A_713 : i32 to vector<16xi32>
      %eq3A_715 = arith.cmpi eq, %iota3A, %eq3A_714 : vector<16xi32>
      %jit3A_716 = arith.constant 0 : i32
      %broadcast_in_dim3A_717 = vector.broadcast %jit3A_716 : i32 to vector<16xi32>
      %select_n3A_718 = arith.select %eq3A_715, %get3A_44, %broadcast_in_dim3A_717 : vector<16xi1>, vector<16xi32>
      %reduce_sum3A_719 = arith.constant true
      %reduce_sum3A_720 = vector.broadcast %reduce_sum3A_719 : i1 to vector<16xi1>
      %reduce_sum3A_721 = tpu.scan <sum>, %select_n3A_718 masked %reduce_sum3A_720 : vector<16xi32>, vector<16xi1> -> vector<16xi32>
      %reduce_sum3A_722 = vector.extract %reduce_sum3A_721[15] : i32 from vector<16xi32>
      %eq3A_723 = arith.constant 14 : i32
      %eq3A_724 = vector.broadcast %eq3A_723 : i32 to vector<16xi32>
      %eq3A_725 = arith.cmpi eq, %iota3A, %eq3A_724 : vector<16xi32>
      %jit3A_726 = arith.constant 0 : i32
      %broadcast_in_dim3A_727 = vector.broadcast %jit3A_726 : i32 to vector<16xi32>
      %select_n3A_728 = arith.select %eq3A_725, %get3A_46, %broadcast_in_dim3A_727 : vector<16xi1>, vector<16xi32>
      %reduce_sum3A_729 = arith.constant true
      %reduce_sum3A_730 = vector.broadcast %reduce_sum3A_729 : i1 to vector<16xi1>
      %reduce_sum3A_731 = tpu.scan <sum>, %select_n3A_728 masked %reduce_sum3A_730 : vector<16xi32>, vector<16xi1> -> vector<16xi32>
      %reduce_sum3A_732 = vector.extract %reduce_sum3A_731[15] : i32 from vector<16xi32>
      %mul3A_733 = arith.constant 16 : i32
      %mul3A_734 = arith.muli %scan3A_38, %mul3A_733 : i32
      %add3A_735 = arith.constant 14 : i32
      %add3A_736 = arith.addi %mul3A_734, %add3A_735 : i32
      %dma_start3A_737 = arith.constant 0 : i32
      %dma_start3A_738 = tpu.memref_slice %arg9[%add3A_736, %dma_start3A_737] : memref<256x64xf32, #tpu.memory_space<vmem>> -> memref<1x64xf32, #tpu.memory_space<vmem>>
      %dma_start3A_739 = tpu.memref_squeeze %dma_start3A_738 : memref<1x64xf32, #tpu.memory_space<vmem>> -> memref<64xf32, #tpu.memory_space<vmem>>
      %dma_start3A_740 = arith.constant 0 : i32
      %dma_start3A_741 = tpu.memref_slice %arg4[%reduce_sum3A_722, %dma_start3A_740] : memref<100000x64xf32, #tpu.memory_space<hbm>> -> memref<1x64xf32, #tpu.memory_space<hbm>>
      %dma_start3A_742 = tpu.memref_squeeze %dma_start3A_741 : memref<1x64xf32, #tpu.memory_space<hbm>> -> memref<64xf32, #tpu.memory_space<hbm>>
      %dma_start3A_743 = arith.constant 0 : i32
      %dma_start3A_744 = tpu.memref_slice %arg9[%add3A_736, %dma_start3A_743] : memref<256x64xf32, #tpu.memory_space<vmem>> -> memref<1x64xf32, #tpu.memory_space<vmem>>
      %dma_start3A_745 = tpu.memref_squeeze %dma_start3A_744 : memref<1x64xf32, #tpu.memory_space<vmem>> -> memref<64xf32, #tpu.memory_space<vmem>>
      %dma_start3A_746 = arith.constant 0 : i32
      %dma_start3A_747 = tpu.memref_slice %arg4[%reduce_sum3A_722, %dma_start3A_746] : memref<100000x64xf32, #tpu.memory_space<hbm>> -> memref<1x64xf32, #tpu.memory_space<hbm>>
      %dma_start3A_748 = tpu.memref_squeeze %dma_start3A_747 : memref<1x64xf32, #tpu.memory_space<hbm>> -> memref<64xf32, #tpu.memory_space<hbm>>
      tpu.enqueue_dma source(%dma_start3A_748 : memref<64xf32, #tpu.memory_space<hbm>>) target(%dma_start3A_745 : memref<64xf32, #tpu.memory_space<vmem>>) target_semaphore(%arg12 : memref<!tpu.dma_semaphore, #tpu.memory_space<semaphore_mem>>)
      %dma_start3A_749 = arith.constant 0 : i32
      %dma_start3A_750 = tpu.memref_slice %arg10[%add3A_736, %dma_start3A_749] : memref<256x64xf32, #tpu.memory_space<vmem>> -> memref<1x64xf32, #tpu.memory_space<vmem>>
      %dma_start3A_751 = tpu.memref_squeeze %dma_start3A_750 : memref<1x64xf32, #tpu.memory_space<vmem>> -> memref<64xf32, #tpu.memory_space<vmem>>
      %dma_start3A_752 = arith.constant 0 : i32
      %dma_start3A_753 = tpu.memref_slice %arg5[%reduce_sum3A_732, %dma_start3A_752] : memref<100000x64xf32, #tpu.memory_space<hbm>> -> memref<1x64xf32, #tpu.memory_space<hbm>>
      %dma_start3A_754 = tpu.memref_squeeze %dma_start3A_753 : memref<1x64xf32, #tpu.memory_space<hbm>> -> memref<64xf32, #tpu.memory_space<hbm>>
      %dma_start3A_755 = arith.constant 0 : i32
      %dma_start3A_756 = tpu.memref_slice %arg10[%add3A_736, %dma_start3A_755] : memref<256x64xf32, #tpu.memory_space<vmem>> -> memref<1x64xf32, #tpu.memory_space<vmem>>
      %dma_start3A_757 = tpu.memref_squeeze %dma_start3A_756 : memref<1x64xf32, #tpu.memory_space<vmem>> -> memref<64xf32, #tpu.memory_space<vmem>>
      %dma_start3A_758 = arith.constant 0 : i32
      %dma_start3A_759 = tpu.memref_slice %arg5[%reduce_sum3A_732, %dma_start3A_758] : memref<100000x64xf32, #tpu.memory_space<hbm>> -> memref<1x64xf32, #tpu.memory_space<hbm>>
      %dma_start3A_760 = tpu.memref_squeeze %dma_start3A_759 : memref<1x64xf32, #tpu.memory_space<hbm>> -> memref<64xf32, #tpu.memory_space<hbm>>
      tpu.enqueue_dma source(%dma_start3A_760 : memref<64xf32, #tpu.memory_space<hbm>>) target(%dma_start3A_757 : memref<64xf32, #tpu.memory_space<vmem>>) target_semaphore(%arg13 : memref<!tpu.dma_semaphore, #tpu.memory_space<semaphore_mem>>)
      %eq3A_761 = arith.constant 15 : i32
      %eq3A_762 = vector.broadcast %eq3A_761 : i32 to vector<16xi32>
      %eq3A_763 = arith.cmpi eq, %iota3A, %eq3A_762 : vector<16xi32>
      %jit3A_764 = arith.constant 0 : i32
      %broadcast_in_dim3A_765 = vector.broadcast %jit3A_764 : i32 to vector<16xi32>
      %select_n3A_766 = arith.select %eq3A_763, %get3A_44, %broadcast_in_dim3A_765 : vector<16xi1>, vector<16xi32>
      %reduce_sum3A_767 = arith.constant true
      %reduce_sum3A_768 = vector.broadcast %reduce_sum3A_767 : i1 to vector<16xi1>
      %reduce_sum3A_769 = tpu.scan <sum>, %select_n3A_766 masked %reduce_sum3A_768 : vector<16xi32>, vector<16xi1> -> vector<16xi32>
      %reduce_sum3A_770 = vector.extract %reduce_sum3A_769[15] : i32 from vector<16xi32>
      %eq3A_771 = arith.constant 15 : i32
      %eq3A_772 = vector.broadcast %eq3A_771 : i32 to vector<16xi32>
      %eq3A_773 = arith.cmpi eq, %iota3A, %eq3A_772 : vector<16xi32>
      %jit3A_774 = arith.constant 0 : i32
      %broadcast_in_dim3A_775 = vector.broadcast %jit3A_774 : i32 to vector<16xi32>
      %select_n3A_776 = arith.select %eq3A_773, %get3A_46, %broadcast_in_dim3A_775 : vector<16xi1>, vector<16xi32>
      %reduce_sum3A_777 = arith.constant true
      %reduce_sum3A_778 = vector.broadcast %reduce_sum3A_777 : i1 to vector<16xi1>
      %reduce_sum3A_779 = tpu.scan <sum>, %select_n3A_776 masked %reduce_sum3A_778 : vector<16xi32>, vector<16xi1> -> vector<16xi32>
      %reduce_sum3A_780 = vector.extract %reduce_sum3A_779[15] : i32 from vector<16xi32>
      %mul3A_781 = arith.constant 16 : i32
      %mul3A_782 = arith.muli %scan3A_38, %mul3A_781 : i32
      %add3A_783 = arith.constant 15 : i32
      %add3A_784 = arith.addi %mul3A_782, %add3A_783 : i32
      %dma_start3A_785 = arith.constant 0 : i32
      %dma_start3A_786 = tpu.memref_slice %arg9[%add3A_784, %dma_start3A_785] : memref<256x64xf32, #tpu.memory_space<vmem>> -> memref<1x64xf32, #tpu.memory_space<vmem>>
      %dma_start3A_787 = tpu.memref_squeeze %dma_start3A_786 : memref<1x64xf32, #tpu.memory_space<vmem>> -> memref<64xf32, #tpu.memory_space<vmem>>
      %dma_start3A_788 = arith.constant 0 : i32
      %dma_start3A_789 = tpu.memref_slice %arg4[%reduce_sum3A_770, %dma_start3A_788] : memref<100000x64xf32, #tpu.memory_space<hbm>> -> memref<1x64xf32, #tpu.memory_space<hbm>>
      %dma_start3A_790 = tpu.memref_squeeze %dma_start3A_789 : memref<1x64xf32, #tpu.memory_space<hbm>> -> memref<64xf32, #tpu.memory_space<hbm>>
      %dma_start3A_791 = arith.constant 0 : i32
      %dma_start3A_792 = tpu.memref_slice %arg9[%add3A_784, %dma_start3A_791] : memref<256x64xf32, #tpu.memory_space<vmem>> -> memref<1x64xf32, #tpu.memory_space<vmem>>
      %dma_start3A_793 = tpu.memref_squeeze %dma_start3A_792 : memref<1x64xf32, #tpu.memory_space<vmem>> -> memref<64xf32, #tpu.memory_space<vmem>>
      %dma_start3A_794 = arith.constant 0 : i32
      %dma_start3A_795 = tpu.memref_slice %arg4[%reduce_sum3A_770, %dma_start3A_794] : memref<100000x64xf32, #tpu.memory_space<hbm>> -> memref<1x64xf32, #tpu.memory_space<hbm>>
      %dma_start3A_796 = tpu.memref_squeeze %dma_start3A_795 : memref<1x64xf32, #tpu.memory_space<hbm>> -> memref<64xf32, #tpu.memory_space<hbm>>
      tpu.enqueue_dma source(%dma_start3A_796 : memref<64xf32, #tpu.memory_space<hbm>>) target(%dma_start3A_793 : memref<64xf32, #tpu.memory_space<vmem>>) target_semaphore(%arg12 : memref<!tpu.dma_semaphore, #tpu.memory_space<semaphore_mem>>)
      %dma_start3A_797 = arith.constant 0 : i32
      %dma_start3A_798 = tpu.memref_slice %arg10[%add3A_784, %dma_start3A_797] : memref<256x64xf32, #tpu.memory_space<vmem>> -> memref<1x64xf32, #tpu.memory_space<vmem>>
      %dma_start3A_799 = tpu.memref_squeeze %dma_start3A_798 : memref<1x64xf32, #tpu.memory_space<vmem>> -> memref<64xf32, #tpu.memory_space<vmem>>
      %dma_start3A_800 = arith.constant 0 : i32
      %dma_start3A_801 = tpu.memref_slice %arg5[%reduce_sum3A_780, %dma_start3A_800] : memref<100000x64xf32, #tpu.memory_space<hbm>> -> memref<1x64xf32, #tpu.memory_space<hbm>>
      %dma_start3A_802 = tpu.memref_squeeze %dma_start3A_801 : memref<1x64xf32, #tpu.memory_space<hbm>> -> memref<64xf32, #tpu.memory_space<hbm>>
      %dma_start3A_803 = arith.constant 0 : i32
      %dma_start3A_804 = tpu.memref_slice %arg10[%add3A_784, %dma_start3A_803] : memref<256x64xf32, #tpu.memory_space<vmem>> -> memref<1x64xf32, #tpu.memory_space<vmem>>
      %dma_start3A_805 = tpu.memref_squeeze %dma_start3A_804 : memref<1x64xf32, #tpu.memory_space<vmem>> -> memref<64xf32, #tpu.memory_space<vmem>>
      %dma_start3A_806 = arith.constant 0 : i32
      %dma_start3A_807 = tpu.memref_slice %arg5[%reduce_sum3A_780, %dma_start3A_806] : memref<100000x64xf32, #tpu.memory_space<hbm>> -> memref<1x64xf32, #tpu.memory_space<hbm>>
      %dma_start3A_808 = tpu.memref_squeeze %dma_start3A_807 : memref<1x64xf32, #tpu.memory_space<hbm>> -> memref<64xf32, #tpu.memory_space<hbm>>
      tpu.enqueue_dma source(%dma_start3A_808 : memref<64xf32, #tpu.memory_space<hbm>>) target(%dma_start3A_805 : memref<64xf32, #tpu.memory_space<vmem>>) target_semaphore(%arg13 : memref<!tpu.dma_semaphore, #tpu.memory_space<semaphore_mem>>)
    }
    %scan3A_25 = arith.constant 16 : i32
    %scan3A_26 = arith.constant 0 : i32
    %scan3A_27 = arith.constant 0 : i32
    %scan3A_28 = arith.constant 256 : i32
    %scan3A_29 = arith.addi %scan3A_27, %scan3A_28 : i32
    %scan3A_30 = arith.constant 1 : i32
    scf.for %scan3A_38 = %scan3A_27 to %scan3A_29 step %scan3A_30  : i32 {
      %dma_wait3A = arith.constant 0 : i32
      %dma_wait3A_39 = arith.constant 0 : i32
      %dma_wait3A_40 = arith.constant 0 : i32
      %dma_wait3A_41 = tpu.memref_slice %arg9[%dma_wait3A_39, %dma_wait3A_40] : memref<256x64xf32, #tpu.memory_space<vmem>> -> memref<1x64xf32, #tpu.memory_space<vmem>>
      %dma_wait3A_42 = tpu.memref_squeeze %dma_wait3A_41 : memref<1x64xf32, #tpu.memory_space<vmem>> -> memref<64xf32, #tpu.memory_space<vmem>>
      %dma_wait3A_43 = arith.constant 0 : i32
      %dma_wait3A_44 = tpu.memref_slice %arg4[%dma_wait3A, %dma_wait3A_43] : memref<100000x64xf32, #tpu.memory_space<hbm>> -> memref<1x64xf32, #tpu.memory_space<hbm>>
      %dma_wait3A_45 = tpu.memref_squeeze %dma_wait3A_44 : memref<1x64xf32, #tpu.memory_space<hbm>> -> memref<64xf32, #tpu.memory_space<hbm>>
      %dma_wait3A_46 = arith.constant 0 : i32
      %dma_wait3A_47 = tpu.memref_slice %arg9[%dma_wait3A_39, %dma_wait3A_46] : memref<256x64xf32, #tpu.memory_space<vmem>> -> memref<1x64xf32, #tpu.memory_space<vmem>>
      %dma_wait3A_48 = tpu.memref_squeeze %dma_wait3A_47 : memref<1x64xf32, #tpu.memory_space<vmem>> -> memref<64xf32, #tpu.memory_space<vmem>>
      %dma_wait3A_49 = arith.constant 0 : i32
      %dma_wait3A_50 = tpu.memref_slice %arg4[%dma_wait3A, %dma_wait3A_49] : memref<100000x64xf32, #tpu.memory_space<hbm>> -> memref<1x64xf32, #tpu.memory_space<hbm>>
      %dma_wait3A_51 = tpu.memref_squeeze %dma_wait3A_50 : memref<1x64xf32, #tpu.memory_space<hbm>> -> memref<64xf32, #tpu.memory_space<hbm>>
      tpu.wait_dma2 semaphore(%arg12 : memref<!tpu.dma_semaphore, #tpu.memory_space<semaphore_mem>>) src(%dma_wait3A_51 : memref<64xf32, #tpu.memory_space<hbm>>) dst(%dma_wait3A_48 : memref<64xf32, #tpu.memory_space<vmem>>)
      %dma_wait3A_52 = arith.constant 0 : i32
      %dma_wait3A_53 = arith.constant 0 : i32
      %dma_wait3A_54 = arith.constant 0 : i32
      %dma_wait3A_55 = tpu.memref_slice %arg10[%dma_wait3A_53, %dma_wait3A_54] : memref<256x64xf32, #tpu.memory_space<vmem>> -> memref<1x64xf32, #tpu.memory_space<vmem>>
      %dma_wait3A_56 = tpu.memref_squeeze %dma_wait3A_55 : memref<1x64xf32, #tpu.memory_space<vmem>> -> memref<64xf32, #tpu.memory_space<vmem>>
      %dma_wait3A_57 = arith.constant 0 : i32
      %dma_wait3A_58 = tpu.memref_slice %arg5[%dma_wait3A_52, %dma_wait3A_57] : memref<100000x64xf32, #tpu.memory_space<hbm>> -> memref<1x64xf32, #tpu.memory_space<hbm>>
      %dma_wait3A_59 = tpu.memref_squeeze %dma_wait3A_58 : memref<1x64xf32, #tpu.memory_space<hbm>> -> memref<64xf32, #tpu.memory_space<hbm>>
      %dma_wait3A_60 = arith.constant 0 : i32
      %dma_wait3A_61 = tpu.memref_slice %arg10[%dma_wait3A_53, %dma_wait3A_60] : memref<256x64xf32, #tpu.memory_space<vmem>> -> memref<1x64xf32, #tpu.memory_space<vmem>>
      %dma_wait3A_62 = tpu.memref_squeeze %dma_wait3A_61 : memref<1x64xf32, #tpu.memory_space<vmem>> -> memref<64xf32, #tpu.memory_space<vmem>>
      %dma_wait3A_63 = arith.constant 0 : i32
      %dma_wait3A_64 = tpu.memref_slice %arg5[%dma_wait3A_52, %dma_wait3A_63] : memref<100000x64xf32, #tpu.memory_space<hbm>> -> memref<1x64xf32, #tpu.memory_space<hbm>>
      %dma_wait3A_65 = tpu.memref_squeeze %dma_wait3A_64 : memref<1x64xf32, #tpu.memory_space<hbm>> -> memref<64xf32, #tpu.memory_space<hbm>>
      tpu.wait_dma2 semaphore(%arg13 : memref<!tpu.dma_semaphore, #tpu.memory_space<semaphore_mem>>) src(%dma_wait3A_65 : memref<64xf32, #tpu.memory_space<hbm>>) dst(%dma_wait3A_62 : memref<64xf32, #tpu.memory_space<vmem>>)
    }
    %scan3A_31 = arith.constant 256 : i32
    %scan3A_32 = arith.constant 0 : i32
    %scan3A_33 = arith.constant 0 : i32
    %scan3A_34 = arith.constant 16 : i32
    %scan3A_35 = arith.addi %scan3A_33, %scan3A_34 : i32
    %scan3A_36 = arith.constant 1 : i32
    scf.for %scan3A_38 = %scan3A_33 to %scan3A_35 step %scan3A_36  : i32 {
      %mul3A_39 = arith.constant 16 : i32
      %mul3A_40 = arith.muli %scan3A_38, %mul3A_39 : i32
      %add3A_41 = vector.broadcast %mul3A_40 : i32 to vector<16xi32>
      %add3A_42 = arith.addi %add3A_41, %iota3A : vector<16xi32>
      %broadcast_in_dim3A = arith.constant 0.000000e+00 : f32
      %broadcast_in_dim3A_43 = vector.broadcast %broadcast_in_dim3A : f32 to vector<16xf32>
      %add3A_44 = arith.constant 0 : i32
      %add3A_45 = vector.broadcast %add3A_44 : i32 to vector<16xi32>
      %add3A_46 = arith.addi %iota3A, %add3A_45 : vector<16xi32>
      %and3A = arith.constant 63 : i32
      %and3A_47 = vector.broadcast %and3A : i32 to vector<16xi32>
      %and3A_48 = arith.andi %add3A_46, %and3A_47 : vector<16xi32>
      %gather3A = tpu.vector_load_idx %arg9[%add3A_42, %and3A_48] : memref<256x64xf32, #tpu.memory_space<vmem>>[vector<16xi32>, vector<16xi32>], vector<16xf32>,
      %gather3A_49 = tpu.vector_load_idx %arg10[%add3A_42, %and3A_48] : memref<256x64xf32, #tpu.memory_space<vmem>>[vector<16xi32>, vector<16xi32>], vector<16xf32>,
      %mul3A_50 = arith.mulf %gather3A, %gather3A_49 : vector<16xf32>
      %add3A_51 = arith.addf %broadcast_in_dim3A_43, %mul3A_50 : vector<16xf32>
      %add3A_52 = arith.constant 1 : i32
      %add3A_53 = vector.broadcast %add3A_52 : i32 to vector<16xi32>
      %add3A_54 = arith.addi %iota3A, %add3A_53 : vector<16xi32>
      %and3A_55 = arith.constant 63 : i32
      %and3A_56 = vector.broadcast %and3A_55 : i32 to vector<16xi32>
      %and3A_57 = arith.andi %add3A_54, %and3A_56 : vector<16xi32>
      %gather3A_58 = tpu.vector_load_idx %arg9[%add3A_42, %and3A_57] : memref<256x64xf32, #tpu.memory_space<vmem>>[vector<16xi32>, vector<16xi32>], vector<16xf32>,
      %gather3A_59 = tpu.vector_load_idx %arg10[%add3A_42, %and3A_57] : memref<256x64xf32, #tpu.memory_space<vmem>>[vector<16xi32>, vector<16xi32>], vector<16xf32>,
      %mul3A_60 = arith.mulf %gather3A_58, %gather3A_59 : vector<16xf32>
      %add3A_61 = arith.addf %add3A_51, %mul3A_60 : vector<16xf32>
      %add3A_62 = arith.constant 2 : i32
      %add3A_63 = vector.broadcast %add3A_62 : i32 to vector<16xi32>
      %add3A_64 = arith.addi %iota3A, %add3A_63 : vector<16xi32>
      %and3A_65 = arith.constant 63 : i32
      %and3A_66 = vector.broadcast %and3A_65 : i32 to vector<16xi32>
      %and3A_67 = arith.andi %add3A_64, %and3A_66 : vector<16xi32>
      %gather3A_68 = tpu.vector_load_idx %arg9[%add3A_42, %and3A_67] : memref<256x64xf32, #tpu.memory_space<vmem>>[vector<16xi32>, vector<16xi32>], vector<16xf32>,
      %gather3A_69 = tpu.vector_load_idx %arg10[%add3A_42, %and3A_67] : memref<256x64xf32, #tpu.memory_space<vmem>>[vector<16xi32>, vector<16xi32>], vector<16xf32>,
      %mul3A_70 = arith.mulf %gather3A_68, %gather3A_69 : vector<16xf32>
      %add3A_71 = arith.addf %add3A_61, %mul3A_70 : vector<16xf32>
      %add3A_72 = arith.constant 3 : i32
      %add3A_73 = vector.broadcast %add3A_72 : i32 to vector<16xi32>
      %add3A_74 = arith.addi %iota3A, %add3A_73 : vector<16xi32>
      %and3A_75 = arith.constant 63 : i32
      %and3A_76 = vector.broadcast %and3A_75 : i32 to vector<16xi32>
      %and3A_77 = arith.andi %add3A_74, %and3A_76 : vector<16xi32>
      %gather3A_78 = tpu.vector_load_idx %arg9[%add3A_42, %and3A_77] : memref<256x64xf32, #tpu.memory_space<vmem>>[vector<16xi32>, vector<16xi32>], vector<16xf32>,
      %gather3A_79 = tpu.vector_load_idx %arg10[%add3A_42, %and3A_77] : memref<256x64xf32, #tpu.memory_space<vmem>>[vector<16xi32>, vector<16xi32>], vector<16xf32>,
      %mul3A_80 = arith.mulf %gather3A_78, %gather3A_79 : vector<16xf32>
      %add3A_81 = arith.addf %add3A_71, %mul3A_80 : vector<16xf32>
      %add3A_82 = arith.constant 4 : i32
      %add3A_83 = vector.broadcast %add3A_82 : i32 to vector<16xi32>
      %add3A_84 = arith.addi %iota3A, %add3A_83 : vector<16xi32>
      %and3A_85 = arith.constant 63 : i32
      %and3A_86 = vector.broadcast %and3A_85 : i32 to vector<16xi32>
      %and3A_87 = arith.andi %add3A_84, %and3A_86 : vector<16xi32>
      %gather3A_88 = tpu.vector_load_idx %arg9[%add3A_42, %and3A_87] : memref<256x64xf32, #tpu.memory_space<vmem>>[vector<16xi32>, vector<16xi32>], vector<16xf32>,
      %gather3A_89 = tpu.vector_load_idx %arg10[%add3A_42, %and3A_87] : memref<256x64xf32, #tpu.memory_space<vmem>>[vector<16xi32>, vector<16xi32>], vector<16xf32>,
      %mul3A_90 = arith.mulf %gather3A_88, %gather3A_89 : vector<16xf32>
      %add3A_91 = arith.addf %add3A_81, %mul3A_90 : vector<16xf32>
      %add3A_92 = arith.constant 5 : i32
      %add3A_93 = vector.broadcast %add3A_92 : i32 to vector<16xi32>
      %add3A_94 = arith.addi %iota3A, %add3A_93 : vector<16xi32>
      %and3A_95 = arith.constant 63 : i32
      %and3A_96 = vector.broadcast %and3A_95 : i32 to vector<16xi32>
      %and3A_97 = arith.andi %add3A_94, %and3A_96 : vector<16xi32>
      %gather3A_98 = tpu.vector_load_idx %arg9[%add3A_42, %and3A_97] : memref<256x64xf32, #tpu.memory_space<vmem>>[vector<16xi32>, vector<16xi32>], vector<16xf32>,
      %gather3A_99 = tpu.vector_load_idx %arg10[%add3A_42, %and3A_97] : memref<256x64xf32, #tpu.memory_space<vmem>>[vector<16xi32>, vector<16xi32>], vector<16xf32>,
      %mul3A_100 = arith.mulf %gather3A_98, %gather3A_99 : vector<16xf32>
      %add3A_101 = arith.addf %add3A_91, %mul3A_100 : vector<16xf32>
      %add3A_102 = arith.constant 6 : i32
      %add3A_103 = vector.broadcast %add3A_102 : i32 to vector<16xi32>
      %add3A_104 = arith.addi %iota3A, %add3A_103 : vector<16xi32>
      %and3A_105 = arith.constant 63 : i32
      %and3A_106 = vector.broadcast %and3A_105 : i32 to vector<16xi32>
      %and3A_107 = arith.andi %add3A_104, %and3A_106 : vector<16xi32>
      %gather3A_108 = tpu.vector_load_idx %arg9[%add3A_42, %and3A_107] : memref<256x64xf32, #tpu.memory_space<vmem>>[vector<16xi32>, vector<16xi32>], vector<16xf32>,
      %gather3A_109 = tpu.vector_load_idx %arg10[%add3A_42, %and3A_107] : memref<256x64xf32, #tpu.memory_space<vmem>>[vector<16xi32>, vector<16xi32>], vector<16xf32>,
      %mul3A_110 = arith.mulf %gather3A_108, %gather3A_109 : vector<16xf32>
      %add3A_111 = arith.addf %add3A_101, %mul3A_110 : vector<16xf32>
      %add3A_112 = arith.constant 7 : i32
      %add3A_113 = vector.broadcast %add3A_112 : i32 to vector<16xi32>
      %add3A_114 = arith.addi %iota3A, %add3A_113 : vector<16xi32>
      %and3A_115 = arith.constant 63 : i32
      %and3A_116 = vector.broadcast %and3A_115 : i32 to vector<16xi32>
      %and3A_117 = arith.andi %add3A_114, %and3A_116 : vector<16xi32>
      %gather3A_118 = tpu.vector_load_idx %arg9[%add3A_42, %and3A_117] : memref<256x64xf32, #tpu.memory_space<vmem>>[vector<16xi32>, vector<16xi32>], vector<16xf32>,
      %gather3A_119 = tpu.vector_load_idx %arg10[%add3A_42, %and3A_117] : memref<256x64xf32, #tpu.memory_space<vmem>>[vector<16xi32>, vector<16xi32>], vector<16xf32>,
      %mul3A_120 = arith.mulf %gather3A_118, %gather3A_119 : vector<16xf32>
      %add3A_121 = arith.addf %add3A_111, %mul3A_120 : vector<16xf32>
      %add3A_122 = arith.constant 8 : i32
      %add3A_123 = vector.broadcast %add3A_122 : i32 to vector<16xi32>
      %add3A_124 = arith.addi %iota3A, %add3A_123 : vector<16xi32>
      %and3A_125 = arith.constant 63 : i32
      %and3A_126 = vector.broadcast %and3A_125 : i32 to vector<16xi32>
      %and3A_127 = arith.andi %add3A_124, %and3A_126 : vector<16xi32>
      %gather3A_128 = tpu.vector_load_idx %arg9[%add3A_42, %and3A_127] : memref<256x64xf32, #tpu.memory_space<vmem>>[vector<16xi32>, vector<16xi32>], vector<16xf32>,
      %gather3A_129 = tpu.vector_load_idx %arg10[%add3A_42, %and3A_127] : memref<256x64xf32, #tpu.memory_space<vmem>>[vector<16xi32>, vector<16xi32>], vector<16xf32>,
      %mul3A_130 = arith.mulf %gather3A_128, %gather3A_129 : vector<16xf32>
      %add3A_131 = arith.addf %add3A_121, %mul3A_130 : vector<16xf32>
      %add3A_132 = arith.constant 9 : i32
      %add3A_133 = vector.broadcast %add3A_132 : i32 to vector<16xi32>
      %add3A_134 = arith.addi %iota3A, %add3A_133 : vector<16xi32>
      %and3A_135 = arith.constant 63 : i32
      %and3A_136 = vector.broadcast %and3A_135 : i32 to vector<16xi32>
      %and3A_137 = arith.andi %add3A_134, %and3A_136 : vector<16xi32>
      %gather3A_138 = tpu.vector_load_idx %arg9[%add3A_42, %and3A_137] : memref<256x64xf32, #tpu.memory_space<vmem>>[vector<16xi32>, vector<16xi32>], vector<16xf32>,
      %gather3A_139 = tpu.vector_load_idx %arg10[%add3A_42, %and3A_137] : memref<256x64xf32, #tpu.memory_space<vmem>>[vector<16xi32>, vector<16xi32>], vector<16xf32>,
      %mul3A_140 = arith.mulf %gather3A_138, %gather3A_139 : vector<16xf32>
      %add3A_141 = arith.addf %add3A_131, %mul3A_140 : vector<16xf32>
      %add3A_142 = arith.constant 10 : i32
      %add3A_143 = vector.broadcast %add3A_142 : i32 to vector<16xi32>
      %add3A_144 = arith.addi %iota3A, %add3A_143 : vector<16xi32>
      %and3A_145 = arith.constant 63 : i32
      %and3A_146 = vector.broadcast %and3A_145 : i32 to vector<16xi32>
      %and3A_147 = arith.andi %add3A_144, %and3A_146 : vector<16xi32>
      %gather3A_148 = tpu.vector_load_idx %arg9[%add3A_42, %and3A_147] : memref<256x64xf32, #tpu.memory_space<vmem>>[vector<16xi32>, vector<16xi32>], vector<16xf32>,
      %gather3A_149 = tpu.vector_load_idx %arg10[%add3A_42, %and3A_147] : memref<256x64xf32, #tpu.memory_space<vmem>>[vector<16xi32>, vector<16xi32>], vector<16xf32>,
      %mul3A_150 = arith.mulf %gather3A_148, %gather3A_149 : vector<16xf32>
      %add3A_151 = arith.addf %add3A_141, %mul3A_150 : vector<16xf32>
      %add3A_152 = arith.constant 11 : i32
      %add3A_153 = vector.broadcast %add3A_152 : i32 to vector<16xi32>
      %add3A_154 = arith.addi %iota3A, %add3A_153 : vector<16xi32>
      %and3A_155 = arith.constant 63 : i32
      %and3A_156 = vector.broadcast %and3A_155 : i32 to vector<16xi32>
      %and3A_157 = arith.andi %add3A_154, %and3A_156 : vector<16xi32>
      %gather3A_158 = tpu.vector_load_idx %arg9[%add3A_42, %and3A_157] : memref<256x64xf32, #tpu.memory_space<vmem>>[vector<16xi32>, vector<16xi32>], vector<16xf32>,
      %gather3A_159 = tpu.vector_load_idx %arg10[%add3A_42, %and3A_157] : memref<256x64xf32, #tpu.memory_space<vmem>>[vector<16xi32>, vector<16xi32>], vector<16xf32>,
      %mul3A_160 = arith.mulf %gather3A_158, %gather3A_159 : vector<16xf32>
      %add3A_161 = arith.addf %add3A_151, %mul3A_160 : vector<16xf32>
      %add3A_162 = arith.constant 12 : i32
      %add3A_163 = vector.broadcast %add3A_162 : i32 to vector<16xi32>
      %add3A_164 = arith.addi %iota3A, %add3A_163 : vector<16xi32>
      %and3A_165 = arith.constant 63 : i32
      %and3A_166 = vector.broadcast %and3A_165 : i32 to vector<16xi32>
      %and3A_167 = arith.andi %add3A_164, %and3A_166 : vector<16xi32>
      %gather3A_168 = tpu.vector_load_idx %arg9[%add3A_42, %and3A_167] : memref<256x64xf32, #tpu.memory_space<vmem>>[vector<16xi32>, vector<16xi32>], vector<16xf32>,
      %gather3A_169 = tpu.vector_load_idx %arg10[%add3A_42, %and3A_167] : memref<256x64xf32, #tpu.memory_space<vmem>>[vector<16xi32>, vector<16xi32>], vector<16xf32>,
      %mul3A_170 = arith.mulf %gather3A_168, %gather3A_169 : vector<16xf32>
      %add3A_171 = arith.addf %add3A_161, %mul3A_170 : vector<16xf32>
      %add3A_172 = arith.constant 13 : i32
      %add3A_173 = vector.broadcast %add3A_172 : i32 to vector<16xi32>
      %add3A_174 = arith.addi %iota3A, %add3A_173 : vector<16xi32>
      %and3A_175 = arith.constant 63 : i32
      %and3A_176 = vector.broadcast %and3A_175 : i32 to vector<16xi32>
      %and3A_177 = arith.andi %add3A_174, %and3A_176 : vector<16xi32>
      %gather3A_178 = tpu.vector_load_idx %arg9[%add3A_42, %and3A_177] : memref<256x64xf32, #tpu.memory_space<vmem>>[vector<16xi32>, vector<16xi32>], vector<16xf32>,
      %gather3A_179 = tpu.vector_load_idx %arg10[%add3A_42, %and3A_177] : memref<256x64xf32, #tpu.memory_space<vmem>>[vector<16xi32>, vector<16xi32>], vector<16xf32>,
      %mul3A_180 = arith.mulf %gather3A_178, %gather3A_179 : vector<16xf32>
      %add3A_181 = arith.addf %add3A_171, %mul3A_180 : vector<16xf32>
      %add3A_182 = arith.constant 14 : i32
      %add3A_183 = vector.broadcast %add3A_182 : i32 to vector<16xi32>
      %add3A_184 = arith.addi %iota3A, %add3A_183 : vector<16xi32>
      %and3A_185 = arith.constant 63 : i32
      %and3A_186 = vector.broadcast %and3A_185 : i32 to vector<16xi32>
      %and3A_187 = arith.andi %add3A_184, %and3A_186 : vector<16xi32>
      %gather3A_188 = tpu.vector_load_idx %arg9[%add3A_42, %and3A_187] : memref<256x64xf32, #tpu.memory_space<vmem>>[vector<16xi32>, vector<16xi32>], vector<16xf32>,
      %gather3A_189 = tpu.vector_load_idx %arg10[%add3A_42, %and3A_187] : memref<256x64xf32, #tpu.memory_space<vmem>>[vector<16xi32>, vector<16xi32>], vector<16xf32>,
      %mul3A_190 = arith.mulf %gather3A_188, %gather3A_189 : vector<16xf32>
      %add3A_191 = arith.addf %add3A_181, %mul3A_190 : vector<16xf32>
      %add3A_192 = arith.constant 15 : i32
      %add3A_193 = vector.broadcast %add3A_192 : i32 to vector<16xi32>
      %add3A_194 = arith.addi %iota3A, %add3A_193 : vector<16xi32>
      %and3A_195 = arith.constant 63 : i32
      %and3A_196 = vector.broadcast %and3A_195 : i32 to vector<16xi32>
      %and3A_197 = arith.andi %add3A_194, %and3A_196 : vector<16xi32>
      %gather3A_198 = tpu.vector_load_idx %arg9[%add3A_42, %and3A_197] : memref<256x64xf32, #tpu.memory_space<vmem>>[vector<16xi32>, vector<16xi32>], vector<16xf32>,
      %gather3A_199 = tpu.vector_load_idx %arg10[%add3A_42, %and3A_197] : memref<256x64xf32, #tpu.memory_space<vmem>>[vector<16xi32>, vector<16xi32>], vector<16xf32>,
      %mul3A_200 = arith.mulf %gather3A_198, %gather3A_199 : vector<16xf32>
      %add3A_201 = arith.addf %add3A_191, %mul3A_200 : vector<16xf32>
      %add3A_202 = arith.constant 16 : i32
      %add3A_203 = vector.broadcast %add3A_202 : i32 to vector<16xi32>
      %add3A_204 = arith.addi %iota3A, %add3A_203 : vector<16xi32>
      %and3A_205 = arith.constant 63 : i32
      %and3A_206 = vector.broadcast %and3A_205 : i32 to vector<16xi32>
      %and3A_207 = arith.andi %add3A_204, %and3A_206 : vector<16xi32>
      %gather3A_208 = tpu.vector_load_idx %arg9[%add3A_42, %and3A_207] : memref<256x64xf32, #tpu.memory_space<vmem>>[vector<16xi32>, vector<16xi32>], vector<16xf32>,
      %gather3A_209 = tpu.vector_load_idx %arg10[%add3A_42, %and3A_207] : memref<256x64xf32, #tpu.memory_space<vmem>>[vector<16xi32>, vector<16xi32>], vector<16xf32>,
      %mul3A_210 = arith.mulf %gather3A_208, %gather3A_209 : vector<16xf32>
      %add3A_211 = arith.addf %add3A_201, %mul3A_210 : vector<16xf32>
      %add3A_212 = arith.constant 17 : i32
      %add3A_213 = vector.broadcast %add3A_212 : i32 to vector<16xi32>
      %add3A_214 = arith.addi %iota3A, %add3A_213 : vector<16xi32>
      %and3A_215 = arith.constant 63 : i32
      %and3A_216 = vector.broadcast %and3A_215 : i32 to vector<16xi32>
      %and3A_217 = arith.andi %add3A_214, %and3A_216 : vector<16xi32>
      %gather3A_218 = tpu.vector_load_idx %arg9[%add3A_42, %and3A_217] : memref<256x64xf32, #tpu.memory_space<vmem>>[vector<16xi32>, vector<16xi32>], vector<16xf32>,
      %gather3A_219 = tpu.vector_load_idx %arg10[%add3A_42, %and3A_217] : memref<256x64xf32, #tpu.memory_space<vmem>>[vector<16xi32>, vector<16xi32>], vector<16xf32>,
      %mul3A_220 = arith.mulf %gather3A_218, %gather3A_219 : vector<16xf32>
      %add3A_221 = arith.addf %add3A_211, %mul3A_220 : vector<16xf32>
      %add3A_222 = arith.constant 18 : i32
      %add3A_223 = vector.broadcast %add3A_222 : i32 to vector<16xi32>
      %add3A_224 = arith.addi %iota3A, %add3A_223 : vector<16xi32>
      %and3A_225 = arith.constant 63 : i32
      %and3A_226 = vector.broadcast %and3A_225 : i32 to vector<16xi32>
      %and3A_227 = arith.andi %add3A_224, %and3A_226 : vector<16xi32>
      %gather3A_228 = tpu.vector_load_idx %arg9[%add3A_42, %and3A_227] : memref<256x64xf32, #tpu.memory_space<vmem>>[vector<16xi32>, vector<16xi32>], vector<16xf32>,
      %gather3A_229 = tpu.vector_load_idx %arg10[%add3A_42, %and3A_227] : memref<256x64xf32, #tpu.memory_space<vmem>>[vector<16xi32>, vector<16xi32>], vector<16xf32>,
      %mul3A_230 = arith.mulf %gather3A_228, %gather3A_229 : vector<16xf32>
      %add3A_231 = arith.addf %add3A_221, %mul3A_230 : vector<16xf32>
      %add3A_232 = arith.constant 19 : i32
      %add3A_233 = vector.broadcast %add3A_232 : i32 to vector<16xi32>
      %add3A_234 = arith.addi %iota3A, %add3A_233 : vector<16xi32>
      %and3A_235 = arith.constant 63 : i32
      %and3A_236 = vector.broadcast %and3A_235 : i32 to vector<16xi32>
      %and3A_237 = arith.andi %add3A_234, %and3A_236 : vector<16xi32>
      %gather3A_238 = tpu.vector_load_idx %arg9[%add3A_42, %and3A_237] : memref<256x64xf32, #tpu.memory_space<vmem>>[vector<16xi32>, vector<16xi32>], vector<16xf32>,
      %gather3A_239 = tpu.vector_load_idx %arg10[%add3A_42, %and3A_237] : memref<256x64xf32, #tpu.memory_space<vmem>>[vector<16xi32>, vector<16xi32>], vector<16xf32>,
      %mul3A_240 = arith.mulf %gather3A_238, %gather3A_239 : vector<16xf32>
      %add3A_241 = arith.addf %add3A_231, %mul3A_240 : vector<16xf32>
      %add3A_242 = arith.constant 20 : i32
      %add3A_243 = vector.broadcast %add3A_242 : i32 to vector<16xi32>
      %add3A_244 = arith.addi %iota3A, %add3A_243 : vector<16xi32>
      %and3A_245 = arith.constant 63 : i32
      %and3A_246 = vector.broadcast %and3A_245 : i32 to vector<16xi32>
      %and3A_247 = arith.andi %add3A_244, %and3A_246 : vector<16xi32>
      %gather3A_248 = tpu.vector_load_idx %arg9[%add3A_42, %and3A_247] : memref<256x64xf32, #tpu.memory_space<vmem>>[vector<16xi32>, vector<16xi32>], vector<16xf32>,
      %gather3A_249 = tpu.vector_load_idx %arg10[%add3A_42, %and3A_247] : memref<256x64xf32, #tpu.memory_space<vmem>>[vector<16xi32>, vector<16xi32>], vector<16xf32>,
      %mul3A_250 = arith.mulf %gather3A_248, %gather3A_249 : vector<16xf32>
      %add3A_251 = arith.addf %add3A_241, %mul3A_250 : vector<16xf32>
      %add3A_252 = arith.constant 21 : i32
      %add3A_253 = vector.broadcast %add3A_252 : i32 to vector<16xi32>
      %add3A_254 = arith.addi %iota3A, %add3A_253 : vector<16xi32>
      %and3A_255 = arith.constant 63 : i32
      %and3A_256 = vector.broadcast %and3A_255 : i32 to vector<16xi32>
      %and3A_257 = arith.andi %add3A_254, %and3A_256 : vector<16xi32>
      %gather3A_258 = tpu.vector_load_idx %arg9[%add3A_42, %and3A_257] : memref<256x64xf32, #tpu.memory_space<vmem>>[vector<16xi32>, vector<16xi32>], vector<16xf32>,
      %gather3A_259 = tpu.vector_load_idx %arg10[%add3A_42, %and3A_257] : memref<256x64xf32, #tpu.memory_space<vmem>>[vector<16xi32>, vector<16xi32>], vector<16xf32>,
      %mul3A_260 = arith.mulf %gather3A_258, %gather3A_259 : vector<16xf32>
      %add3A_261 = arith.addf %add3A_251, %mul3A_260 : vector<16xf32>
      %add3A_262 = arith.constant 22 : i32
      %add3A_263 = vector.broadcast %add3A_262 : i32 to vector<16xi32>
      %add3A_264 = arith.addi %iota3A, %add3A_263 : vector<16xi32>
      %and3A_265 = arith.constant 63 : i32
      %and3A_266 = vector.broadcast %and3A_265 : i32 to vector<16xi32>
      %and3A_267 = arith.andi %add3A_264, %and3A_266 : vector<16xi32>
      %gather3A_268 = tpu.vector_load_idx %arg9[%add3A_42, %and3A_267] : memref<256x64xf32, #tpu.memory_space<vmem>>[vector<16xi32>, vector<16xi32>], vector<16xf32>,
      %gather3A_269 = tpu.vector_load_idx %arg10[%add3A_42, %and3A_267] : memref<256x64xf32, #tpu.memory_space<vmem>>[vector<16xi32>, vector<16xi32>], vector<16xf32>,
      %mul3A_270 = arith.mulf %gather3A_268, %gather3A_269 : vector<16xf32>
      %add3A_271 = arith.addf %add3A_261, %mul3A_270 : vector<16xf32>
      %add3A_272 = arith.constant 23 : i32
      %add3A_273 = vector.broadcast %add3A_272 : i32 to vector<16xi32>
      %add3A_274 = arith.addi %iota3A, %add3A_273 : vector<16xi32>
      %and3A_275 = arith.constant 63 : i32
      %and3A_276 = vector.broadcast %and3A_275 : i32 to vector<16xi32>
      %and3A_277 = arith.andi %add3A_274, %and3A_276 : vector<16xi32>
      %gather3A_278 = tpu.vector_load_idx %arg9[%add3A_42, %and3A_277] : memref<256x64xf32, #tpu.memory_space<vmem>>[vector<16xi32>, vector<16xi32>], vector<16xf32>,
      %gather3A_279 = tpu.vector_load_idx %arg10[%add3A_42, %and3A_277] : memref<256x64xf32, #tpu.memory_space<vmem>>[vector<16xi32>, vector<16xi32>], vector<16xf32>,
      %mul3A_280 = arith.mulf %gather3A_278, %gather3A_279 : vector<16xf32>
      %add3A_281 = arith.addf %add3A_271, %mul3A_280 : vector<16xf32>
      %add3A_282 = arith.constant 24 : i32
      %add3A_283 = vector.broadcast %add3A_282 : i32 to vector<16xi32>
      %add3A_284 = arith.addi %iota3A, %add3A_283 : vector<16xi32>
      %and3A_285 = arith.constant 63 : i32
      %and3A_286 = vector.broadcast %and3A_285 : i32 to vector<16xi32>
      %and3A_287 = arith.andi %add3A_284, %and3A_286 : vector<16xi32>
      %gather3A_288 = tpu.vector_load_idx %arg9[%add3A_42, %and3A_287] : memref<256x64xf32, #tpu.memory_space<vmem>>[vector<16xi32>, vector<16xi32>], vector<16xf32>,
      %gather3A_289 = tpu.vector_load_idx %arg10[%add3A_42, %and3A_287] : memref<256x64xf32, #tpu.memory_space<vmem>>[vector<16xi32>, vector<16xi32>], vector<16xf32>,
      %mul3A_290 = arith.mulf %gather3A_288, %gather3A_289 : vector<16xf32>
      %add3A_291 = arith.addf %add3A_281, %mul3A_290 : vector<16xf32>
      %add3A_292 = arith.constant 25 : i32
      %add3A_293 = vector.broadcast %add3A_292 : i32 to vector<16xi32>
      %add3A_294 = arith.addi %iota3A, %add3A_293 : vector<16xi32>
      %and3A_295 = arith.constant 63 : i32
      %and3A_296 = vector.broadcast %and3A_295 : i32 to vector<16xi32>
      %and3A_297 = arith.andi %add3A_294, %and3A_296 : vector<16xi32>
      %gather3A_298 = tpu.vector_load_idx %arg9[%add3A_42, %and3A_297] : memref<256x64xf32, #tpu.memory_space<vmem>>[vector<16xi32>, vector<16xi32>], vector<16xf32>,
      %gather3A_299 = tpu.vector_load_idx %arg10[%add3A_42, %and3A_297] : memref<256x64xf32, #tpu.memory_space<vmem>>[vector<16xi32>, vector<16xi32>], vector<16xf32>,
      %mul3A_300 = arith.mulf %gather3A_298, %gather3A_299 : vector<16xf32>
      %add3A_301 = arith.addf %add3A_291, %mul3A_300 : vector<16xf32>
      %add3A_302 = arith.constant 26 : i32
      %add3A_303 = vector.broadcast %add3A_302 : i32 to vector<16xi32>
      %add3A_304 = arith.addi %iota3A, %add3A_303 : vector<16xi32>
      %and3A_305 = arith.constant 63 : i32
      %and3A_306 = vector.broadcast %and3A_305 : i32 to vector<16xi32>
      %and3A_307 = arith.andi %add3A_304, %and3A_306 : vector<16xi32>
      %gather3A_308 = tpu.vector_load_idx %arg9[%add3A_42, %and3A_307] : memref<256x64xf32, #tpu.memory_space<vmem>>[vector<16xi32>, vector<16xi32>], vector<16xf32>,
      %gather3A_309 = tpu.vector_load_idx %arg10[%add3A_42, %and3A_307] : memref<256x64xf32, #tpu.memory_space<vmem>>[vector<16xi32>, vector<16xi32>], vector<16xf32>,
      %mul3A_310 = arith.mulf %gather3A_308, %gather3A_309 : vector<16xf32>
      %add3A_311 = arith.addf %add3A_301, %mul3A_310 : vector<16xf32>
      %add3A_312 = arith.constant 27 : i32
      %add3A_313 = vector.broadcast %add3A_312 : i32 to vector<16xi32>
      %add3A_314 = arith.addi %iota3A, %add3A_313 : vector<16xi32>
      %and3A_315 = arith.constant 63 : i32
      %and3A_316 = vector.broadcast %and3A_315 : i32 to vector<16xi32>
      %and3A_317 = arith.andi %add3A_314, %and3A_316 : vector<16xi32>
      %gather3A_318 = tpu.vector_load_idx %arg9[%add3A_42, %and3A_317] : memref<256x64xf32, #tpu.memory_space<vmem>>[vector<16xi32>, vector<16xi32>], vector<16xf32>,
      %gather3A_319 = tpu.vector_load_idx %arg10[%add3A_42, %and3A_317] : memref<256x64xf32, #tpu.memory_space<vmem>>[vector<16xi32>, vector<16xi32>], vector<16xf32>,
      %mul3A_320 = arith.mulf %gather3A_318, %gather3A_319 : vector<16xf32>
      %add3A_321 = arith.addf %add3A_311, %mul3A_320 : vector<16xf32>
      %add3A_322 = arith.constant 28 : i32
      %add3A_323 = vector.broadcast %add3A_322 : i32 to vector<16xi32>
      %add3A_324 = arith.addi %iota3A, %add3A_323 : vector<16xi32>
      %and3A_325 = arith.constant 63 : i32
      %and3A_326 = vector.broadcast %and3A_325 : i32 to vector<16xi32>
      %and3A_327 = arith.andi %add3A_324, %and3A_326 : vector<16xi32>
      %gather3A_328 = tpu.vector_load_idx %arg9[%add3A_42, %and3A_327] : memref<256x64xf32, #tpu.memory_space<vmem>>[vector<16xi32>, vector<16xi32>], vector<16xf32>,
      %gather3A_329 = tpu.vector_load_idx %arg10[%add3A_42, %and3A_327] : memref<256x64xf32, #tpu.memory_space<vmem>>[vector<16xi32>, vector<16xi32>], vector<16xf32>,
      %mul3A_330 = arith.mulf %gather3A_328, %gather3A_329 : vector<16xf32>
      %add3A_331 = arith.addf %add3A_321, %mul3A_330 : vector<16xf32>
      %add3A_332 = arith.constant 29 : i32
      %add3A_333 = vector.broadcast %add3A_332 : i32 to vector<16xi32>
      %add3A_334 = arith.addi %iota3A, %add3A_333 : vector<16xi32>
      %and3A_335 = arith.constant 63 : i32
      %and3A_336 = vector.broadcast %and3A_335 : i32 to vector<16xi32>
      %and3A_337 = arith.andi %add3A_334, %and3A_336 : vector<16xi32>
      %gather3A_338 = tpu.vector_load_idx %arg9[%add3A_42, %and3A_337] : memref<256x64xf32, #tpu.memory_space<vmem>>[vector<16xi32>, vector<16xi32>], vector<16xf32>,
      %gather3A_339 = tpu.vector_load_idx %arg10[%add3A_42, %and3A_337] : memref<256x64xf32, #tpu.memory_space<vmem>>[vector<16xi32>, vector<16xi32>], vector<16xf32>,
      %mul3A_340 = arith.mulf %gather3A_338, %gather3A_339 : vector<16xf32>
      %add3A_341 = arith.addf %add3A_331, %mul3A_340 : vector<16xf32>
      %add3A_342 = arith.constant 30 : i32
      %add3A_343 = vector.broadcast %add3A_342 : i32 to vector<16xi32>
      %add3A_344 = arith.addi %iota3A, %add3A_343 : vector<16xi32>
      %and3A_345 = arith.constant 63 : i32
      %and3A_346 = vector.broadcast %and3A_345 : i32 to vector<16xi32>
      %and3A_347 = arith.andi %add3A_344, %and3A_346 : vector<16xi32>
      %gather3A_348 = tpu.vector_load_idx %arg9[%add3A_42, %and3A_347] : memref<256x64xf32, #tpu.memory_space<vmem>>[vector<16xi32>, vector<16xi32>], vector<16xf32>,
      %gather3A_349 = tpu.vector_load_idx %arg10[%add3A_42, %and3A_347] : memref<256x64xf32, #tpu.memory_space<vmem>>[vector<16xi32>, vector<16xi32>], vector<16xf32>,
      %mul3A_350 = arith.mulf %gather3A_348, %gather3A_349 : vector<16xf32>
      %add3A_351 = arith.addf %add3A_341, %mul3A_350 : vector<16xf32>
      %add3A_352 = arith.constant 31 : i32
      %add3A_353 = vector.broadcast %add3A_352 : i32 to vector<16xi32>
      %add3A_354 = arith.addi %iota3A, %add3A_353 : vector<16xi32>
      %and3A_355 = arith.constant 63 : i32
      %and3A_356 = vector.broadcast %and3A_355 : i32 to vector<16xi32>
      %and3A_357 = arith.andi %add3A_354, %and3A_356 : vector<16xi32>
      %gather3A_358 = tpu.vector_load_idx %arg9[%add3A_42, %and3A_357] : memref<256x64xf32, #tpu.memory_space<vmem>>[vector<16xi32>, vector<16xi32>], vector<16xf32>,
      %gather3A_359 = tpu.vector_load_idx %arg10[%add3A_42, %and3A_357] : memref<256x64xf32, #tpu.memory_space<vmem>>[vector<16xi32>, vector<16xi32>], vector<16xf32>,
      %mul3A_360 = arith.mulf %gather3A_358, %gather3A_359 : vector<16xf32>
      %add3A_361 = arith.addf %add3A_351, %mul3A_360 : vector<16xf32>
      %add3A_362 = arith.constant 32 : i32
      %add3A_363 = vector.broadcast %add3A_362 : i32 to vector<16xi32>
      %add3A_364 = arith.addi %iota3A, %add3A_363 : vector<16xi32>
      %and3A_365 = arith.constant 63 : i32
      %and3A_366 = vector.broadcast %and3A_365 : i32 to vector<16xi32>
      %and3A_367 = arith.andi %add3A_364, %and3A_366 : vector<16xi32>
      %gather3A_368 = tpu.vector_load_idx %arg9[%add3A_42, %and3A_367] : memref<256x64xf32, #tpu.memory_space<vmem>>[vector<16xi32>, vector<16xi32>], vector<16xf32>,
      %gather3A_369 = tpu.vector_load_idx %arg10[%add3A_42, %and3A_367] : memref<256x64xf32, #tpu.memory_space<vmem>>[vector<16xi32>, vector<16xi32>], vector<16xf32>,
      %mul3A_370 = arith.mulf %gather3A_368, %gather3A_369 : vector<16xf32>
      %add3A_371 = arith.addf %add3A_361, %mul3A_370 : vector<16xf32>
      %add3A_372 = arith.constant 33 : i32
      %add3A_373 = vector.broadcast %add3A_372 : i32 to vector<16xi32>
      %add3A_374 = arith.addi %iota3A, %add3A_373 : vector<16xi32>
      %and3A_375 = arith.constant 63 : i32
      %and3A_376 = vector.broadcast %and3A_375 : i32 to vector<16xi32>
      %and3A_377 = arith.andi %add3A_374, %and3A_376 : vector<16xi32>
      %gather3A_378 = tpu.vector_load_idx %arg9[%add3A_42, %and3A_377] : memref<256x64xf32, #tpu.memory_space<vmem>>[vector<16xi32>, vector<16xi32>], vector<16xf32>,
      %gather3A_379 = tpu.vector_load_idx %arg10[%add3A_42, %and3A_377] : memref<256x64xf32, #tpu.memory_space<vmem>>[vector<16xi32>, vector<16xi32>], vector<16xf32>,
      %mul3A_380 = arith.mulf %gather3A_378, %gather3A_379 : vector<16xf32>
      %add3A_381 = arith.addf %add3A_371, %mul3A_380 : vector<16xf32>
      %add3A_382 = arith.constant 34 : i32
      %add3A_383 = vector.broadcast %add3A_382 : i32 to vector<16xi32>
      %add3A_384 = arith.addi %iota3A, %add3A_383 : vector<16xi32>
      %and3A_385 = arith.constant 63 : i32
      %and3A_386 = vector.broadcast %and3A_385 : i32 to vector<16xi32>
      %and3A_387 = arith.andi %add3A_384, %and3A_386 : vector<16xi32>
      %gather3A_388 = tpu.vector_load_idx %arg9[%add3A_42, %and3A_387] : memref<256x64xf32, #tpu.memory_space<vmem>>[vector<16xi32>, vector<16xi32>], vector<16xf32>,
      %gather3A_389 = tpu.vector_load_idx %arg10[%add3A_42, %and3A_387] : memref<256x64xf32, #tpu.memory_space<vmem>>[vector<16xi32>, vector<16xi32>], vector<16xf32>,
      %mul3A_390 = arith.mulf %gather3A_388, %gather3A_389 : vector<16xf32>
      %add3A_391 = arith.addf %add3A_381, %mul3A_390 : vector<16xf32>
      %add3A_392 = arith.constant 35 : i32
      %add3A_393 = vector.broadcast %add3A_392 : i32 to vector<16xi32>
      %add3A_394 = arith.addi %iota3A, %add3A_393 : vector<16xi32>
      %and3A_395 = arith.constant 63 : i32
      %and3A_396 = vector.broadcast %and3A_395 : i32 to vector<16xi32>
      %and3A_397 = arith.andi %add3A_394, %and3A_396 : vector<16xi32>
      %gather3A_398 = tpu.vector_load_idx %arg9[%add3A_42, %and3A_397] : memref<256x64xf32, #tpu.memory_space<vmem>>[vector<16xi32>, vector<16xi32>], vector<16xf32>,
      %gather3A_399 = tpu.vector_load_idx %arg10[%add3A_42, %and3A_397] : memref<256x64xf32, #tpu.memory_space<vmem>>[vector<16xi32>, vector<16xi32>], vector<16xf32>,
      %mul3A_400 = arith.mulf %gather3A_398, %gather3A_399 : vector<16xf32>
      %add3A_401 = arith.addf %add3A_391, %mul3A_400 : vector<16xf32>
      %add3A_402 = arith.constant 36 : i32
      %add3A_403 = vector.broadcast %add3A_402 : i32 to vector<16xi32>
      %add3A_404 = arith.addi %iota3A, %add3A_403 : vector<16xi32>
      %and3A_405 = arith.constant 63 : i32
      %and3A_406 = vector.broadcast %and3A_405 : i32 to vector<16xi32>
      %and3A_407 = arith.andi %add3A_404, %and3A_406 : vector<16xi32>
      %gather3A_408 = tpu.vector_load_idx %arg9[%add3A_42, %and3A_407] : memref<256x64xf32, #tpu.memory_space<vmem>>[vector<16xi32>, vector<16xi32>], vector<16xf32>,
      %gather3A_409 = tpu.vector_load_idx %arg10[%add3A_42, %and3A_407] : memref<256x64xf32, #tpu.memory_space<vmem>>[vector<16xi32>, vector<16xi32>], vector<16xf32>,
      %mul3A_410 = arith.mulf %gather3A_408, %gather3A_409 : vector<16xf32>
      %add3A_411 = arith.addf %add3A_401, %mul3A_410 : vector<16xf32>
      %add3A_412 = arith.constant 37 : i32
      %add3A_413 = vector.broadcast %add3A_412 : i32 to vector<16xi32>
      %add3A_414 = arith.addi %iota3A, %add3A_413 : vector<16xi32>
      %and3A_415 = arith.constant 63 : i32
      %and3A_416 = vector.broadcast %and3A_415 : i32 to vector<16xi32>
      %and3A_417 = arith.andi %add3A_414, %and3A_416 : vector<16xi32>
      %gather3A_418 = tpu.vector_load_idx %arg9[%add3A_42, %and3A_417] : memref<256x64xf32, #tpu.memory_space<vmem>>[vector<16xi32>, vector<16xi32>], vector<16xf32>,
      %gather3A_419 = tpu.vector_load_idx %arg10[%add3A_42, %and3A_417] : memref<256x64xf32, #tpu.memory_space<vmem>>[vector<16xi32>, vector<16xi32>], vector<16xf32>,
      %mul3A_420 = arith.mulf %gather3A_418, %gather3A_419 : vector<16xf32>
      %add3A_421 = arith.addf %add3A_411, %mul3A_420 : vector<16xf32>
      %add3A_422 = arith.constant 38 : i32
      %add3A_423 = vector.broadcast %add3A_422 : i32 to vector<16xi32>
      %add3A_424 = arith.addi %iota3A, %add3A_423 : vector<16xi32>
      %and3A_425 = arith.constant 63 : i32
      %and3A_426 = vector.broadcast %and3A_425 : i32 to vector<16xi32>
      %and3A_427 = arith.andi %add3A_424, %and3A_426 : vector<16xi32>
      %gather3A_428 = tpu.vector_load_idx %arg9[%add3A_42, %and3A_427] : memref<256x64xf32, #tpu.memory_space<vmem>>[vector<16xi32>, vector<16xi32>], vector<16xf32>,
      %gather3A_429 = tpu.vector_load_idx %arg10[%add3A_42, %and3A_427] : memref<256x64xf32, #tpu.memory_space<vmem>>[vector<16xi32>, vector<16xi32>], vector<16xf32>,
      %mul3A_430 = arith.mulf %gather3A_428, %gather3A_429 : vector<16xf32>
      %add3A_431 = arith.addf %add3A_421, %mul3A_430 : vector<16xf32>
      %add3A_432 = arith.constant 39 : i32
      %add3A_433 = vector.broadcast %add3A_432 : i32 to vector<16xi32>
      %add3A_434 = arith.addi %iota3A, %add3A_433 : vector<16xi32>
      %and3A_435 = arith.constant 63 : i32
      %and3A_436 = vector.broadcast %and3A_435 : i32 to vector<16xi32>
      %and3A_437 = arith.andi %add3A_434, %and3A_436 : vector<16xi32>
      %gather3A_438 = tpu.vector_load_idx %arg9[%add3A_42, %and3A_437] : memref<256x64xf32, #tpu.memory_space<vmem>>[vector<16xi32>, vector<16xi32>], vector<16xf32>,
      %gather3A_439 = tpu.vector_load_idx %arg10[%add3A_42, %and3A_437] : memref<256x64xf32, #tpu.memory_space<vmem>>[vector<16xi32>, vector<16xi32>], vector<16xf32>,
      %mul3A_440 = arith.mulf %gather3A_438, %gather3A_439 : vector<16xf32>
      %add3A_441 = arith.addf %add3A_431, %mul3A_440 : vector<16xf32>
      %add3A_442 = arith.constant 40 : i32
      %add3A_443 = vector.broadcast %add3A_442 : i32 to vector<16xi32>
      %add3A_444 = arith.addi %iota3A, %add3A_443 : vector<16xi32>
      %and3A_445 = arith.constant 63 : i32
      %and3A_446 = vector.broadcast %and3A_445 : i32 to vector<16xi32>
      %and3A_447 = arith.andi %add3A_444, %and3A_446 : vector<16xi32>
      %gather3A_448 = tpu.vector_load_idx %arg9[%add3A_42, %and3A_447] : memref<256x64xf32, #tpu.memory_space<vmem>>[vector<16xi32>, vector<16xi32>], vector<16xf32>,
      %gather3A_449 = tpu.vector_load_idx %arg10[%add3A_42, %and3A_447] : memref<256x64xf32, #tpu.memory_space<vmem>>[vector<16xi32>, vector<16xi32>], vector<16xf32>,
      %mul3A_450 = arith.mulf %gather3A_448, %gather3A_449 : vector<16xf32>
      %add3A_451 = arith.addf %add3A_441, %mul3A_450 : vector<16xf32>
      %add3A_452 = arith.constant 41 : i32
      %add3A_453 = vector.broadcast %add3A_452 : i32 to vector<16xi32>
      %add3A_454 = arith.addi %iota3A, %add3A_453 : vector<16xi32>
      %and3A_455 = arith.constant 63 : i32
      %and3A_456 = vector.broadcast %and3A_455 : i32 to vector<16xi32>
      %and3A_457 = arith.andi %add3A_454, %and3A_456 : vector<16xi32>
      %gather3A_458 = tpu.vector_load_idx %arg9[%add3A_42, %and3A_457] : memref<256x64xf32, #tpu.memory_space<vmem>>[vector<16xi32>, vector<16xi32>], vector<16xf32>,
      %gather3A_459 = tpu.vector_load_idx %arg10[%add3A_42, %and3A_457] : memref<256x64xf32, #tpu.memory_space<vmem>>[vector<16xi32>, vector<16xi32>], vector<16xf32>,
      %mul3A_460 = arith.mulf %gather3A_458, %gather3A_459 : vector<16xf32>
      %add3A_461 = arith.addf %add3A_451, %mul3A_460 : vector<16xf32>
      %add3A_462 = arith.constant 42 : i32
      %add3A_463 = vector.broadcast %add3A_462 : i32 to vector<16xi32>
      %add3A_464 = arith.addi %iota3A, %add3A_463 : vector<16xi32>
      %and3A_465 = arith.constant 63 : i32
      %and3A_466 = vector.broadcast %and3A_465 : i32 to vector<16xi32>
      %and3A_467 = arith.andi %add3A_464, %and3A_466 : vector<16xi32>
      %gather3A_468 = tpu.vector_load_idx %arg9[%add3A_42, %and3A_467] : memref<256x64xf32, #tpu.memory_space<vmem>>[vector<16xi32>, vector<16xi32>], vector<16xf32>,
      %gather3A_469 = tpu.vector_load_idx %arg10[%add3A_42, %and3A_467] : memref<256x64xf32, #tpu.memory_space<vmem>>[vector<16xi32>, vector<16xi32>], vector<16xf32>,
      %mul3A_470 = arith.mulf %gather3A_468, %gather3A_469 : vector<16xf32>
      %add3A_471 = arith.addf %add3A_461, %mul3A_470 : vector<16xf32>
      %add3A_472 = arith.constant 43 : i32
      %add3A_473 = vector.broadcast %add3A_472 : i32 to vector<16xi32>
      %add3A_474 = arith.addi %iota3A, %add3A_473 : vector<16xi32>
      %and3A_475 = arith.constant 63 : i32
      %and3A_476 = vector.broadcast %and3A_475 : i32 to vector<16xi32>
      %and3A_477 = arith.andi %add3A_474, %and3A_476 : vector<16xi32>
      %gather3A_478 = tpu.vector_load_idx %arg9[%add3A_42, %and3A_477] : memref<256x64xf32, #tpu.memory_space<vmem>>[vector<16xi32>, vector<16xi32>], vector<16xf32>,
      %gather3A_479 = tpu.vector_load_idx %arg10[%add3A_42, %and3A_477] : memref<256x64xf32, #tpu.memory_space<vmem>>[vector<16xi32>, vector<16xi32>], vector<16xf32>,
      %mul3A_480 = arith.mulf %gather3A_478, %gather3A_479 : vector<16xf32>
      %add3A_481 = arith.addf %add3A_471, %mul3A_480 : vector<16xf32>
      %add3A_482 = arith.constant 44 : i32
      %add3A_483 = vector.broadcast %add3A_482 : i32 to vector<16xi32>
      %add3A_484 = arith.addi %iota3A, %add3A_483 : vector<16xi32>
      %and3A_485 = arith.constant 63 : i32
      %and3A_486 = vector.broadcast %and3A_485 : i32 to vector<16xi32>
      %and3A_487 = arith.andi %add3A_484, %and3A_486 : vector<16xi32>
      %gather3A_488 = tpu.vector_load_idx %arg9[%add3A_42, %and3A_487] : memref<256x64xf32, #tpu.memory_space<vmem>>[vector<16xi32>, vector<16xi32>], vector<16xf32>,
      %gather3A_489 = tpu.vector_load_idx %arg10[%add3A_42, %and3A_487] : memref<256x64xf32, #tpu.memory_space<vmem>>[vector<16xi32>, vector<16xi32>], vector<16xf32>,
      %mul3A_490 = arith.mulf %gather3A_488, %gather3A_489 : vector<16xf32>
      %add3A_491 = arith.addf %add3A_481, %mul3A_490 : vector<16xf32>
      %add3A_492 = arith.constant 45 : i32
      %add3A_493 = vector.broadcast %add3A_492 : i32 to vector<16xi32>
      %add3A_494 = arith.addi %iota3A, %add3A_493 : vector<16xi32>
      %and3A_495 = arith.constant 63 : i32
      %and3A_496 = vector.broadcast %and3A_495 : i32 to vector<16xi32>
      %and3A_497 = arith.andi %add3A_494, %and3A_496 : vector<16xi32>
      %gather3A_498 = tpu.vector_load_idx %arg9[%add3A_42, %and3A_497] : memref<256x64xf32, #tpu.memory_space<vmem>>[vector<16xi32>, vector<16xi32>], vector<16xf32>,
      %gather3A_499 = tpu.vector_load_idx %arg10[%add3A_42, %and3A_497] : memref<256x64xf32, #tpu.memory_space<vmem>>[vector<16xi32>, vector<16xi32>], vector<16xf32>,
      %mul3A_500 = arith.mulf %gather3A_498, %gather3A_499 : vector<16xf32>
      %add3A_501 = arith.addf %add3A_491, %mul3A_500 : vector<16xf32>
      %add3A_502 = arith.constant 46 : i32
      %add3A_503 = vector.broadcast %add3A_502 : i32 to vector<16xi32>
      %add3A_504 = arith.addi %iota3A, %add3A_503 : vector<16xi32>
      %and3A_505 = arith.constant 63 : i32
      %and3A_506 = vector.broadcast %and3A_505 : i32 to vector<16xi32>
      %and3A_507 = arith.andi %add3A_504, %and3A_506 : vector<16xi32>
      %gather3A_508 = tpu.vector_load_idx %arg9[%add3A_42, %and3A_507] : memref<256x64xf32, #tpu.memory_space<vmem>>[vector<16xi32>, vector<16xi32>], vector<16xf32>,
      %gather3A_509 = tpu.vector_load_idx %arg10[%add3A_42, %and3A_507] : memref<256x64xf32, #tpu.memory_space<vmem>>[vector<16xi32>, vector<16xi32>], vector<16xf32>,
      %mul3A_510 = arith.mulf %gather3A_508, %gather3A_509 : vector<16xf32>
      %add3A_511 = arith.addf %add3A_501, %mul3A_510 : vector<16xf32>
      %add3A_512 = arith.constant 47 : i32
      %add3A_513 = vector.broadcast %add3A_512 : i32 to vector<16xi32>
      %add3A_514 = arith.addi %iota3A, %add3A_513 : vector<16xi32>
      %and3A_515 = arith.constant 63 : i32
      %and3A_516 = vector.broadcast %and3A_515 : i32 to vector<16xi32>
      %and3A_517 = arith.andi %add3A_514, %and3A_516 : vector<16xi32>
      %gather3A_518 = tpu.vector_load_idx %arg9[%add3A_42, %and3A_517] : memref<256x64xf32, #tpu.memory_space<vmem>>[vector<16xi32>, vector<16xi32>], vector<16xf32>,
      %gather3A_519 = tpu.vector_load_idx %arg10[%add3A_42, %and3A_517] : memref<256x64xf32, #tpu.memory_space<vmem>>[vector<16xi32>, vector<16xi32>], vector<16xf32>,
      %mul3A_520 = arith.mulf %gather3A_518, %gather3A_519 : vector<16xf32>
      %add3A_521 = arith.addf %add3A_511, %mul3A_520 : vector<16xf32>
      %add3A_522 = arith.constant 48 : i32
      %add3A_523 = vector.broadcast %add3A_522 : i32 to vector<16xi32>
      %add3A_524 = arith.addi %iota3A, %add3A_523 : vector<16xi32>
      %and3A_525 = arith.constant 63 : i32
      %and3A_526 = vector.broadcast %and3A_525 : i32 to vector<16xi32>
      %and3A_527 = arith.andi %add3A_524, %and3A_526 : vector<16xi32>
      %gather3A_528 = tpu.vector_load_idx %arg9[%add3A_42, %and3A_527] : memref<256x64xf32, #tpu.memory_space<vmem>>[vector<16xi32>, vector<16xi32>], vector<16xf32>,
      %gather3A_529 = tpu.vector_load_idx %arg10[%add3A_42, %and3A_527] : memref<256x64xf32, #tpu.memory_space<vmem>>[vector<16xi32>, vector<16xi32>], vector<16xf32>,
      %mul3A_530 = arith.mulf %gather3A_528, %gather3A_529 : vector<16xf32>
      %add3A_531 = arith.addf %add3A_521, %mul3A_530 : vector<16xf32>
      %add3A_532 = arith.constant 49 : i32
      %add3A_533 = vector.broadcast %add3A_532 : i32 to vector<16xi32>
      %add3A_534 = arith.addi %iota3A, %add3A_533 : vector<16xi32>
      %and3A_535 = arith.constant 63 : i32
      %and3A_536 = vector.broadcast %and3A_535 : i32 to vector<16xi32>
      %and3A_537 = arith.andi %add3A_534, %and3A_536 : vector<16xi32>
      %gather3A_538 = tpu.vector_load_idx %arg9[%add3A_42, %and3A_537] : memref<256x64xf32, #tpu.memory_space<vmem>>[vector<16xi32>, vector<16xi32>], vector<16xf32>,
      %gather3A_539 = tpu.vector_load_idx %arg10[%add3A_42, %and3A_537] : memref<256x64xf32, #tpu.memory_space<vmem>>[vector<16xi32>, vector<16xi32>], vector<16xf32>,
      %mul3A_540 = arith.mulf %gather3A_538, %gather3A_539 : vector<16xf32>
      %add3A_541 = arith.addf %add3A_531, %mul3A_540 : vector<16xf32>
      %add3A_542 = arith.constant 50 : i32
      %add3A_543 = vector.broadcast %add3A_542 : i32 to vector<16xi32>
      %add3A_544 = arith.addi %iota3A, %add3A_543 : vector<16xi32>
      %and3A_545 = arith.constant 63 : i32
      %and3A_546 = vector.broadcast %and3A_545 : i32 to vector<16xi32>
      %and3A_547 = arith.andi %add3A_544, %and3A_546 : vector<16xi32>
      %gather3A_548 = tpu.vector_load_idx %arg9[%add3A_42, %and3A_547] : memref<256x64xf32, #tpu.memory_space<vmem>>[vector<16xi32>, vector<16xi32>], vector<16xf32>,
      %gather3A_549 = tpu.vector_load_idx %arg10[%add3A_42, %and3A_547] : memref<256x64xf32, #tpu.memory_space<vmem>>[vector<16xi32>, vector<16xi32>], vector<16xf32>,
      %mul3A_550 = arith.mulf %gather3A_548, %gather3A_549 : vector<16xf32>
      %add3A_551 = arith.addf %add3A_541, %mul3A_550 : vector<16xf32>
      %add3A_552 = arith.constant 51 : i32
      %add3A_553 = vector.broadcast %add3A_552 : i32 to vector<16xi32>
      %add3A_554 = arith.addi %iota3A, %add3A_553 : vector<16xi32>
      %and3A_555 = arith.constant 63 : i32
      %and3A_556 = vector.broadcast %and3A_555 : i32 to vector<16xi32>
      %and3A_557 = arith.andi %add3A_554, %and3A_556 : vector<16xi32>
      %gather3A_558 = tpu.vector_load_idx %arg9[%add3A_42, %and3A_557] : memref<256x64xf32, #tpu.memory_space<vmem>>[vector<16xi32>, vector<16xi32>], vector<16xf32>,
      %gather3A_559 = tpu.vector_load_idx %arg10[%add3A_42, %and3A_557] : memref<256x64xf32, #tpu.memory_space<vmem>>[vector<16xi32>, vector<16xi32>], vector<16xf32>,
      %mul3A_560 = arith.mulf %gather3A_558, %gather3A_559 : vector<16xf32>
      %add3A_561 = arith.addf %add3A_551, %mul3A_560 : vector<16xf32>
      %add3A_562 = arith.constant 52 : i32
      %add3A_563 = vector.broadcast %add3A_562 : i32 to vector<16xi32>
      %add3A_564 = arith.addi %iota3A, %add3A_563 : vector<16xi32>
      %and3A_565 = arith.constant 63 : i32
      %and3A_566 = vector.broadcast %and3A_565 : i32 to vector<16xi32>
      %and3A_567 = arith.andi %add3A_564, %and3A_566 : vector<16xi32>
      %gather3A_568 = tpu.vector_load_idx %arg9[%add3A_42, %and3A_567] : memref<256x64xf32, #tpu.memory_space<vmem>>[vector<16xi32>, vector<16xi32>], vector<16xf32>,
      %gather3A_569 = tpu.vector_load_idx %arg10[%add3A_42, %and3A_567] : memref<256x64xf32, #tpu.memory_space<vmem>>[vector<16xi32>, vector<16xi32>], vector<16xf32>,
      %mul3A_570 = arith.mulf %gather3A_568, %gather3A_569 : vector<16xf32>
      %add3A_571 = arith.addf %add3A_561, %mul3A_570 : vector<16xf32>
      %add3A_572 = arith.constant 53 : i32
      %add3A_573 = vector.broadcast %add3A_572 : i32 to vector<16xi32>
      %add3A_574 = arith.addi %iota3A, %add3A_573 : vector<16xi32>
      %and3A_575 = arith.constant 63 : i32
      %and3A_576 = vector.broadcast %and3A_575 : i32 to vector<16xi32>
      %and3A_577 = arith.andi %add3A_574, %and3A_576 : vector<16xi32>
      %gather3A_578 = tpu.vector_load_idx %arg9[%add3A_42, %and3A_577] : memref<256x64xf32, #tpu.memory_space<vmem>>[vector<16xi32>, vector<16xi32>], vector<16xf32>,
      %gather3A_579 = tpu.vector_load_idx %arg10[%add3A_42, %and3A_577] : memref<256x64xf32, #tpu.memory_space<vmem>>[vector<16xi32>, vector<16xi32>], vector<16xf32>,
      %mul3A_580 = arith.mulf %gather3A_578, %gather3A_579 : vector<16xf32>
      %add3A_581 = arith.addf %add3A_571, %mul3A_580 : vector<16xf32>
      %add3A_582 = arith.constant 54 : i32
      %add3A_583 = vector.broadcast %add3A_582 : i32 to vector<16xi32>
      %add3A_584 = arith.addi %iota3A, %add3A_583 : vector<16xi32>
      %and3A_585 = arith.constant 63 : i32
      %and3A_586 = vector.broadcast %and3A_585 : i32 to vector<16xi32>
      %and3A_587 = arith.andi %add3A_584, %and3A_586 : vector<16xi32>
      %gather3A_588 = tpu.vector_load_idx %arg9[%add3A_42, %and3A_587] : memref<256x64xf32, #tpu.memory_space<vmem>>[vector<16xi32>, vector<16xi32>], vector<16xf32>,
      %gather3A_589 = tpu.vector_load_idx %arg10[%add3A_42, %and3A_587] : memref<256x64xf32, #tpu.memory_space<vmem>>[vector<16xi32>, vector<16xi32>], vector<16xf32>,
      %mul3A_590 = arith.mulf %gather3A_588, %gather3A_589 : vector<16xf32>
      %add3A_591 = arith.addf %add3A_581, %mul3A_590 : vector<16xf32>
      %add3A_592 = arith.constant 55 : i32
      %add3A_593 = vector.broadcast %add3A_592 : i32 to vector<16xi32>
      %add3A_594 = arith.addi %iota3A, %add3A_593 : vector<16xi32>
      %and3A_595 = arith.constant 63 : i32
      %and3A_596 = vector.broadcast %and3A_595 : i32 to vector<16xi32>
      %and3A_597 = arith.andi %add3A_594, %and3A_596 : vector<16xi32>
      %gather3A_598 = tpu.vector_load_idx %arg9[%add3A_42, %and3A_597] : memref<256x64xf32, #tpu.memory_space<vmem>>[vector<16xi32>, vector<16xi32>], vector<16xf32>,
      %gather3A_599 = tpu.vector_load_idx %arg10[%add3A_42, %and3A_597] : memref<256x64xf32, #tpu.memory_space<vmem>>[vector<16xi32>, vector<16xi32>], vector<16xf32>,
      %mul3A_600 = arith.mulf %gather3A_598, %gather3A_599 : vector<16xf32>
      %add3A_601 = arith.addf %add3A_591, %mul3A_600 : vector<16xf32>
      %add3A_602 = arith.constant 56 : i32
      %add3A_603 = vector.broadcast %add3A_602 : i32 to vector<16xi32>
      %add3A_604 = arith.addi %iota3A, %add3A_603 : vector<16xi32>
      %and3A_605 = arith.constant 63 : i32
      %and3A_606 = vector.broadcast %and3A_605 : i32 to vector<16xi32>
      %and3A_607 = arith.andi %add3A_604, %and3A_606 : vector<16xi32>
      %gather3A_608 = tpu.vector_load_idx %arg9[%add3A_42, %and3A_607] : memref<256x64xf32, #tpu.memory_space<vmem>>[vector<16xi32>, vector<16xi32>], vector<16xf32>,
      %gather3A_609 = tpu.vector_load_idx %arg10[%add3A_42, %and3A_607] : memref<256x64xf32, #tpu.memory_space<vmem>>[vector<16xi32>, vector<16xi32>], vector<16xf32>,
      %mul3A_610 = arith.mulf %gather3A_608, %gather3A_609 : vector<16xf32>
      %add3A_611 = arith.addf %add3A_601, %mul3A_610 : vector<16xf32>
      %add3A_612 = arith.constant 57 : i32
      %add3A_613 = vector.broadcast %add3A_612 : i32 to vector<16xi32>
      %add3A_614 = arith.addi %iota3A, %add3A_613 : vector<16xi32>
      %and3A_615 = arith.constant 63 : i32
      %and3A_616 = vector.broadcast %and3A_615 : i32 to vector<16xi32>
      %and3A_617 = arith.andi %add3A_614, %and3A_616 : vector<16xi32>
      %gather3A_618 = tpu.vector_load_idx %arg9[%add3A_42, %and3A_617] : memref<256x64xf32, #tpu.memory_space<vmem>>[vector<16xi32>, vector<16xi32>], vector<16xf32>,
      %gather3A_619 = tpu.vector_load_idx %arg10[%add3A_42, %and3A_617] : memref<256x64xf32, #tpu.memory_space<vmem>>[vector<16xi32>, vector<16xi32>], vector<16xf32>,
      %mul3A_620 = arith.mulf %gather3A_618, %gather3A_619 : vector<16xf32>
      %add3A_621 = arith.addf %add3A_611, %mul3A_620 : vector<16xf32>
      %add3A_622 = arith.constant 58 : i32
      %add3A_623 = vector.broadcast %add3A_622 : i32 to vector<16xi32>
      %add3A_624 = arith.addi %iota3A, %add3A_623 : vector<16xi32>
      %and3A_625 = arith.constant 63 : i32
      %and3A_626 = vector.broadcast %and3A_625 : i32 to vector<16xi32>
      %and3A_627 = arith.andi %add3A_624, %and3A_626 : vector<16xi32>
      %gather3A_628 = tpu.vector_load_idx %arg9[%add3A_42, %and3A_627] : memref<256x64xf32, #tpu.memory_space<vmem>>[vector<16xi32>, vector<16xi32>], vector<16xf32>,
      %gather3A_629 = tpu.vector_load_idx %arg10[%add3A_42, %and3A_627] : memref<256x64xf32, #tpu.memory_space<vmem>>[vector<16xi32>, vector<16xi32>], vector<16xf32>,
      %mul3A_630 = arith.mulf %gather3A_628, %gather3A_629 : vector<16xf32>
      %add3A_631 = arith.addf %add3A_621, %mul3A_630 : vector<16xf32>
      %add3A_632 = arith.constant 59 : i32
      %add3A_633 = vector.broadcast %add3A_632 : i32 to vector<16xi32>
      %add3A_634 = arith.addi %iota3A, %add3A_633 : vector<16xi32>
      %and3A_635 = arith.constant 63 : i32
      %and3A_636 = vector.broadcast %and3A_635 : i32 to vector<16xi32>
      %and3A_637 = arith.andi %add3A_634, %and3A_636 : vector<16xi32>
      %gather3A_638 = tpu.vector_load_idx %arg9[%add3A_42, %and3A_637] : memref<256x64xf32, #tpu.memory_space<vmem>>[vector<16xi32>, vector<16xi32>], vector<16xf32>,
      %gather3A_639 = tpu.vector_load_idx %arg10[%add3A_42, %and3A_637] : memref<256x64xf32, #tpu.memory_space<vmem>>[vector<16xi32>, vector<16xi32>], vector<16xf32>,
      %mul3A_640 = arith.mulf %gather3A_638, %gather3A_639 : vector<16xf32>
      %add3A_641 = arith.addf %add3A_631, %mul3A_640 : vector<16xf32>
      %add3A_642 = arith.constant 60 : i32
      %add3A_643 = vector.broadcast %add3A_642 : i32 to vector<16xi32>
      %add3A_644 = arith.addi %iota3A, %add3A_643 : vector<16xi32>
      %and3A_645 = arith.constant 63 : i32
      %and3A_646 = vector.broadcast %and3A_645 : i32 to vector<16xi32>
      %and3A_647 = arith.andi %add3A_644, %and3A_646 : vector<16xi32>
      %gather3A_648 = tpu.vector_load_idx %arg9[%add3A_42, %and3A_647] : memref<256x64xf32, #tpu.memory_space<vmem>>[vector<16xi32>, vector<16xi32>], vector<16xf32>,
      %gather3A_649 = tpu.vector_load_idx %arg10[%add3A_42, %and3A_647] : memref<256x64xf32, #tpu.memory_space<vmem>>[vector<16xi32>, vector<16xi32>], vector<16xf32>,
      %mul3A_650 = arith.mulf %gather3A_648, %gather3A_649 : vector<16xf32>
      %add3A_651 = arith.addf %add3A_641, %mul3A_650 : vector<16xf32>
      %add3A_652 = arith.constant 61 : i32
      %add3A_653 = vector.broadcast %add3A_652 : i32 to vector<16xi32>
      %add3A_654 = arith.addi %iota3A, %add3A_653 : vector<16xi32>
      %and3A_655 = arith.constant 63 : i32
      %and3A_656 = vector.broadcast %and3A_655 : i32 to vector<16xi32>
      %and3A_657 = arith.andi %add3A_654, %and3A_656 : vector<16xi32>
      %gather3A_658 = tpu.vector_load_idx %arg9[%add3A_42, %and3A_657] : memref<256x64xf32, #tpu.memory_space<vmem>>[vector<16xi32>, vector<16xi32>], vector<16xf32>,
      %gather3A_659 = tpu.vector_load_idx %arg10[%add3A_42, %and3A_657] : memref<256x64xf32, #tpu.memory_space<vmem>>[vector<16xi32>, vector<16xi32>], vector<16xf32>,
      %mul3A_660 = arith.mulf %gather3A_658, %gather3A_659 : vector<16xf32>
      %add3A_661 = arith.addf %add3A_651, %mul3A_660 : vector<16xf32>
      %add3A_662 = arith.constant 62 : i32
      %add3A_663 = vector.broadcast %add3A_662 : i32 to vector<16xi32>
      %add3A_664 = arith.addi %iota3A, %add3A_663 : vector<16xi32>
      %and3A_665 = arith.constant 63 : i32
      %and3A_666 = vector.broadcast %and3A_665 : i32 to vector<16xi32>
      %and3A_667 = arith.andi %add3A_664, %and3A_666 : vector<16xi32>
      %gather3A_668 = tpu.vector_load_idx %arg9[%add3A_42, %and3A_667] : memref<256x64xf32, #tpu.memory_space<vmem>>[vector<16xi32>, vector<16xi32>], vector<16xf32>,
      %gather3A_669 = tpu.vector_load_idx %arg10[%add3A_42, %and3A_667] : memref<256x64xf32, #tpu.memory_space<vmem>>[vector<16xi32>, vector<16xi32>], vector<16xf32>,
      %mul3A_670 = arith.mulf %gather3A_668, %gather3A_669 : vector<16xf32>
      %add3A_671 = arith.addf %add3A_661, %mul3A_670 : vector<16xf32>
      %add3A_672 = arith.constant 63 : i32
      %add3A_673 = vector.broadcast %add3A_672 : i32 to vector<16xi32>
      %add3A_674 = arith.addi %iota3A, %add3A_673 : vector<16xi32>
      %and3A_675 = arith.constant 63 : i32
      %and3A_676 = vector.broadcast %and3A_675 : i32 to vector<16xi32>
      %and3A_677 = arith.andi %add3A_674, %and3A_676 : vector<16xi32>
      %gather3A_678 = tpu.vector_load_idx %arg9[%add3A_42, %and3A_677] : memref<256x64xf32, #tpu.memory_space<vmem>>[vector<16xi32>, vector<16xi32>], vector<16xf32>,
      %gather3A_679 = tpu.vector_load_idx %arg10[%add3A_42, %and3A_677] : memref<256x64xf32, #tpu.memory_space<vmem>>[vector<16xi32>, vector<16xi32>], vector<16xf32>,
      %mul3A_680 = arith.mulf %gather3A_678, %gather3A_679 : vector<16xf32>
      %add3A_681 = arith.addf %add3A_671, %mul3A_680 : vector<16xf32>
      %mul3A_682 = arith.constant 16 : i32
      %mul3A_683 = arith.muli %scan3A_38, %mul3A_682 : i32
      %add3A_684 = arith.constant 256 : i32
      %add3A_685 = arith.addi %add3A_684, %mul3A_683 : i32
      %multiple_of3A_686 = tpu.assume_multiple %add3A_685, 16 : i32
      %swap3A = arith.index_cast %multiple_of3A_686 : i32 to index
      %swap3A_687 = tpu.vector_load %arg11[%swap3A] {strides = array<i32>} : memref<512xf32, #tpu.memory_space<vmem>>, vector<16xf32>,
      tpu.vector_store %arg11[%swap3A], %add3A_681 {strides = array<i32>} : memref<512xf32, #tpu.memory_space<vmem>>, vector<16xf32>,
    }
    %scan3A_37 = arith.constant 16 : i32
    "tpu.region"() ({
      %run_scoped3A = tpu.sem_alloc : memref<!tpu.dma_semaphore, #tpu.memory_space<semaphore_mem>>
      %dma_start3A = tpu.memref_slice %arg6[%multiple_of3A] : memref<16384xf32, #tpu.memory_space<hbm>> -> memref<512xf32, #tpu.memory_space<hbm>>
      %dma_start3A_38 = tpu.memref_slice %arg6[%multiple_of3A] : memref<16384xf32, #tpu.memory_space<hbm>> -> memref<512xf32, #tpu.memory_space<hbm>>
      tpu.enqueue_dma source(%arg11 : memref<512xf32, #tpu.memory_space<vmem>>) target(%dma_start3A_38 : memref<512xf32, #tpu.memory_space<hbm>>) target_semaphore(%run_scoped3A : memref<!tpu.dma_semaphore, #tpu.memory_space<semaphore_mem>>)
      %dma_wait3A = tpu.memref_slice %arg6[%multiple_of3A] : memref<16384xf32, #tpu.memory_space<hbm>> -> memref<512xf32, #tpu.memory_space<hbm>>
      %dma_wait3A_39 = tpu.memref_slice %arg6[%multiple_of3A] : memref<16384xf32, #tpu.memory_space<hbm>> -> memref<512xf32, #tpu.memory_space<hbm>>
      tpu.wait_dma2 semaphore(%run_scoped3A : memref<!tpu.dma_semaphore, #tpu.memory_space<semaphore_mem>>) src(%arg11 : memref<512xf32, #tpu.memory_space<vmem>>) dst(%dma_wait3A_39 : memref<512xf32, #tpu.memory_space<hbm>>)
      tpu.yield
    }) : () -> ()
    return
  }
}

</mosaic_0001>

<sc_bundles>
// kernel: kernel.3.cloned.1.call-start
scs
__scs_entry_jumppad:
0x0: {  	(pc) =	sbr.rel $0x88, $3  }
0x1: {  	(tag) =	ssettag $0x0;
	lr =	simm.s32 $0x1  }
0x2: {  	[smem:$0x3F9E] =	sst lr;
	_ =	strace $0xD0000000  }
0x3: {  	_ = 	snop  }
0x4: {  	_ = 	snop  }
0x5: {  	_ = 	snop  }
0x6: {  	_ = 	snop  }
0x7: {  	_ = 	snop  }
__scs_overlays_trampoline_lowered:
0x8: {  	[smem:$0x3FAD] =	sst s0  }
0x9: {  	[smem:$0x3FAE] =	sst s1  }
0xa: {  	[smem:$0x3FAF] =	sst s2  }
0xb: {  	[smem:$0x3FB0] =	sst s3  }
0xc: {  	[smem:$0x3FB1] =	sst s4  }
0xd: {  	[smem:$0x3FB2] =	sst s5  }
0xe: {  	[smem:$0x3FB3] =	sst s6  }
0xf: {  	[smem:$0x3FB4] =	sst s7  }
0x10: {  	[smem:$0x3FB5] =	sst s8  }
0x11: {  	[smem:$0x3FB6] =	sst s9;
	s0 =	simm.s32 @!p0 $0x0  }
0x12: {  	s1 =	sld [smem:$0x3F9C];
	s0 =	simm.s32 @p0 $0x1  }
0x13: {  	[smem:$0x3FB7] =	sst s0;
	s0 =	simm.s32 @!p1 $0x0  }
0x14: {  	s2 =	sld [smem:$0x3F9B];
	s0 =	simm.s32 @p1 $0x1  }
0x15: {  	[smem:$0x3FB8] =	sst s0;
	s0 =	simm.s32 @!p2 $0x0  }
0x16: {  	s3 =	sld [smem:$0x3FDB];
	s0 =	simm.s32 @p2 $0x1  }
0x17: {  	s4 =	simm.s32 $0x1BF5;
	[smem:$0x3FBA] =	sst s0  }
0x18: {  	s0 =	sld [smem:$0x3F9D];
	_ =	swait.ge [sflag:s4], $0x0  }
0x19: {  	s7 =	sld [smem:$0x3F9E]  }
0x1a: {  	s8 =	sadd.s32 $0xFFFFE003, lr  }
0x1b: {  	s9 =	sadd.s32 $0xFFFFFEF7, lr;
	s5 =	simm.s32 $0xFFFFFFFF;
	p2 =	slt.u32 s8, $0xFFFFF086  }
0x1c: {  	p1 =	slt.u32 s9, $0xF7A;
	s5 =	simm.s32 @!p2 $0x0  }
0x1d: {  	s5 =	simm.s32 @p1 $0x1;
	p0 =	seq.s32 s7, s2  }
0x1e: {  	s7 =	smul.u32 @!p0 $0xF7A, s2;
	p2 =	seq.s32 @!p0 s5, $0x0  }
0x1f: {  	s9 =	smul.u32 $0xF7A, s1;
	s8 =	simm.s32 @!p0 $0x1BF5;
	p2 =	por !p2, p0  }
0x20: {  	[sflag:s8] =	ssyncset.s32 @!p0 $0xFFFFF086;
	s6 =	sadd.s32 @!p0 s3, s7;
	s7 =	simm.s32 @!p0 $0x108  }
0x21: {  	s3 =	sadd.s32 s3, s9;
	s6 =	sadd.s32 @!p0 $0x88, s6;
	s7 =	simm.s32 @p2 $0x1082  }
0x22: {  	[simem:s7], [sflag:s8] =	dma.local @!p0 [hbm:s6], $0xF7A  }
0x23: {  	s9 =	sor.u32 $0xD0000000, s2;
	s6 =	simm.s32 $0x108;
	_ =	swait.ge @!p0 [sflag:s8], $0x0  }
0x24: {  	s3 =	sadd.s32 $0x88, s3;
	s6 =	simm.s32 @!p1 $0x1082;
	[sflag:s4] =	ssyncset.s32 $0xFFFFF086  }
0x25: {  	[simem:s6], [sflag:s4] =	dma.local [hbm:s3], $0xF7A  }
0x26: {  	[smem:$0x3F9E] =	sst s1;
	(tag) =	ssettag s2;
	_ =	strace s9  }
0x27: {  	s1 =	sld [smem:$0x3FAE]  }
0x28: {  	s2 =	sld [smem:$0x3FAF]  }
0x29: {  	s4 =	sld [smem:$0x3FB1]  }
0x2a: {  	p0 =	seq.s32 s5, $0x0;
	s5 =	sld [smem:$0x3FB2]  }
0x2b: {  	s6 =	sld [smem:$0x3FB3]  }
0x2c: {  	s7 =	sld [smem:$0x3FB4]  }
0x2d: {  	s3 =	simm.s32 $0x108;
	s8 =	sld [smem:$0x3FB5]  }
0x2e: {  	s3 =	simm.s32 @!p0 $0x1082;
	s9 =	sld [smem:$0x3FB6]  }
0x2f: {  	lr =	sadd.s32 s0, s3;
	s0 =	sld [smem:$0x3FAD]  }
0x30: {  	s3 =	sld [smem:$0x3FB0]  }
0x31: {  	[smem:$0x3FB9] =	sst s10  }
0x32: {  	s10 =	sld [smem:$0x3FB7];
	_ =	sdelay $0x3  }
0x33: {  	p0 =	seq.s32 s10, $0x1;
	s10 =	sld [smem:$0x3FB9];
	_ =	sdelay $0x3  }
0x34: {  	[smem:$0x3FB9] =	sst s10  }
0x35: {  	s10 =	sld [smem:$0x3FB8];
	_ =	sdelay $0x3  }
0x36: {  	p1 =	seq.s32 s10, $0x1;
	s10 =	sld [smem:$0x3FB9];
	_ =	sdelay $0x3  }
0x37: {  	[smem:$0x3FB9] =	sst s10  }
0x38: {  	s10 =	sld [smem:$0x3FBA]  }
0x39: {  	_ = 	snop;
	(pc) =	sbr.ind lr, $3  }
0x3a: {  	_ = 	snop  }
0x3b: {  	_ = 	snop  }
0x3c: {  	p2 =	seq.s32 s10, $0x1;
	s10 =	sld [smem:$0x3FB9]  }
0x3d: {  	_ =	shalt  }
0x3e: {  	_ =	shalt  }
0x3f: {  	_ =	shalt  }
0x40: {  	_ =	shalt  }
0x41: {  	_ =	shalt  }
0x42: {  	_ =	shalt  }
0x43: {  	_ =	shalt  }
0x44: {  	_ =	shalt  }
0x45: {  	_ =	shalt  }
0x46: {  	_ =	shalt  }
0x47: {  	_ =	shalt  }
0x48: {  	_ =	shalt  }
0x49: {  	_ =	shalt  }
0x4a: {  	_ =	shalt  }
0x4b: {  	_ =	shalt  }
0x4c: {  	_ =	shalt  }
0x4d: {  	_ =	shalt  }
0x4e: {  	_ =	shalt  }
0x4f: {  	_ =	shalt  }
0x50: {  	_ =	shalt  }
0x51: {  	_ =	shalt  }
0x52: {  	_ =	shalt  }
0x53: {  	_ =	shalt  }
0x54: {  	_ =	shalt  }
0x55: {  	_ =	shalt  }
0x56: {  	_ =	shalt  }
0x57: {  	_ =	shalt  }
0x58: {  	_ =	shalt  }
0x59: {  	_ =	shalt  }
0x5a: {  	_ =	shalt  }
0x5b: {  	_ =	shalt  }
0x5c: {  	_ =	shalt  }
0x5d: {  	_ =	shalt  }
0x5e: {  	_ =	shalt  }
0x5f: {  	_ =	shalt  }
0x60: {  	_ =	shalt  }
0x61: {  	_ =	shalt  }
0x62: {  	_ =	shalt  }
0x63: {  	_ =	shalt  }
0x64: {  	_ =	shalt  }
0x65: {  	_ =	shalt  }
0x66: {  	_ =	shalt  }
0x67: {  	_ =	shalt  }
0x68: {  	_ =	shalt  }
0x69: {  	_ =	shalt  }
0x6a: {  	_ =	shalt  }
0x6b: {  	_ =	shalt  }
0x6c: {  	_ =	shalt  }
0x6d: {  	_ =	shalt  }
0x6e: {  	_ =	shalt  }
0x6f: {  	_ =	shalt  }
0x70: {  	_ =	shalt  }
0x71: {  	_ =	shalt  }
0x72: {  	_ =	shalt  }
0x73: {  	_ =	shalt  }
0x74: {  	_ =	shalt  }
0x75: {  	_ =	shalt  }
0x76: {  	_ =	shalt  }
0x77: {  	_ =	shalt  }
0x78: {  	_ =	shalt  }
0x79: {  	_ =	shalt  }
0x7a: {  	_ =	shalt  }
0x7b: {  	_ =	shalt  }
0x7c: {  	_ =	shalt  }
0x7d: {  	_ =	shalt  }
0x7e: {  	_ =	shalt  }
0x7f: {  	_ =	shalt  }
0x80: {  	_ =	shalt  }
0x81: {  	_ =	shalt  }
0x82: {  	_ =	shalt  }
0x83: {  	_ =	shalt  }
0x84: {  	_ =	shalt  }
0x85: {  	_ =	shalt  }
0x86: {  	_ =	shalt  }
0x87: {  	_ =	shalt  }
.Lfunc_end0:
.L_simem_size_0:
called_computation_lowered:
.L_overlay_start_0:
0x88: {  	s2 =	sld [smem:$0x3FD9]  }
0x89: {  	s3 =	sld [smem:$0x3FFE];
	_ =	sdelay $0x1  }
0x8a: {  	s1 =	srdreg.scid  }
0x8b: {  	s0 =	sand.u32 $0x1, s1  }
0x8c: {  	s17 =	sshll.u32 s0, $0xA;
	s2 =	sadd.s32 s3, s2  }
0x8d: {  	s2 =	sadd.s32 s2, s17  }
0x8e: {  	[smem:$0x3FC5] =	sst s2  }
0x8f: {  	_ = 	snop  }
0x90: {  	s2 =	sld [smem:$0x3FD0];
	(tm) =	ssettm $0x1  }
0x91: {  	s18 =	sld [smem:$0x3FFB];
	_ =	sdelay $0x3  }
0x92: {  	_ =	strace s18  }
0x93: {  	s3 =	sld [smem:$0x3FFC];
	_ =	sdelay $0x3  }
0x94: {  	_ =	strace s3  }
0x95: {  	s3 =	sld [smem:$0x3FFD];
	_ =	sdelay $0x3  }
0x96: {  	_ =	strace s3  }
0x97: {  	_ =	strace $0x8FFFFFFF  }
0x98: {  	s19 =	sld [smem:$0x3FDB];
	_ =	sdelay $0x1  }
0x99: {  	s4 =	simm.s32 $_scs_section_size  }
0x9a: {  	s5 =	simm.s32 $_size__tile_overlayer_lowered;
	s6 =	simm.s32 $_tile_overlayer_lowered  }
0x9b: {  	s22 =	simm.s32 $0x1BFF;
	s21 =	sshll.u32 s6, $0x1;
	s3 =	sadd.s32 s4, s19  }
0x9c: {  	s7 =	simm.s32 $0x0;
	s20 =	sshll.u32 s5, $0x1;
	s5 =	sadd.s32 s21, s3  }
0x9d: {  	[timem:s7], [sflag:s22] =	dma.local [hbm:s5], s20  }
0x9e: {  	_ =	swait.ge [sflag:s22], s20  }
0x9f: {  	s4 =	ssub.s32 $0x0, s20;
	[sflag:s22] =	ssyncset.done $0x0  }
0xa0: {  	[sflag:s22] =	ssyncadd.s32 s4;
	_ =	sdelay $0x1  }
0xa1: {  	s23 =	simm.s32 $0x1B8B  }
0xa2: {  	_ =	swait.ge [sflag:s23], $0x1  }
0xa3: {  	[sflag:s23] =	ssyncset.done $0x0  }
0xa4: {  	s25 =	simm.s32 $0x1B8E;
	s24 =	sld [smem:$0x3FFE];
	[sflag:s23] =	ssyncadd.s32 $0xFFFFFFFF  }
0xa5: {  	s26 =	simm.s32 $execute0_lowered;
	[smem:$0x3FD2] =	sst s25  }
0xa6: {  	s5 =	sshll.u32 s26, $0x1;
	_ =	strace $0x80000046;
	[dreg:$0x1] =	wrdreg $0xFFFFFFFF  }
0xa7: {  	s28 =	simm.s32 $_size_execute0_lowered;
	s3 =	sadd.s32 s3, s5;
	[dreg:$0x0] =	wrdreg $0x0  }
0xa8: {  	s5 =	sshll.u32 s28, $0x1;
	[dreg:$0x2] =	wrdreg s3  }
0xa9: {  	[dreg:$0x3] =	wrdreg s5  }
0xaa: {  	[dreg:$0x4] =	wrdreg $0xC0  }
0xab: {  	_ =	task [dreg:s7], $0x5FFFF  }
0xac: {  	[dreg:$0x1] =	wrdreg $0xFFFFFFFF  }
0xad: {  	[dreg:$0x0] =	wrdreg $0x60  }
0xae: {  	[dreg:$0x2] =	wrdreg s24  }
0xaf: {  	[dreg:$0x3] =	wrdreg s2  }
0xb0: {  	[dreg:$0x4] =	wrdreg $0x9  }
0xb1: {  	_ =	task.clear_ibuf [dreg:s7], $0x5FFFF;
	_ =	strace $0x90000046  }
0xb2: {  	s29 =	simm.s32 $0x9;
	_ =	strace $0x80000048  }
0xb3: {  	_ =	swait.ge [sflag:s29], $0x1  }
0xb4: {  	[sflag:s29] =	ssyncadd.s32 $0xFFFFFFFF  }
0xb5: {  	_ =	strace $0x90000048  }
0xb6: {  	_ =	sfence  }
0xb7: {  	s30 =	sld [smem:$0x0];
	_ =	sdelay $0x2  }
0xb8: {  	s31 =	sshll.u32 s1, $0xD;
	s1 =	sshrl.u32 s1, $0x2  }
0xb9: {  	s3 =	sand.u32 $0x4000, s31;
	s1 =	sadd.s32 s1, s30  }
0xba: {  	s0 =	sor.u32 s3, s0;
	s1 =	sshll.u32 s1, $0x11  }
0xbb: {  	s0 =	sor.u32 s1, s0  }
0xbc: {  	s0 =	sadd.s32 $0x8F2B, s0  }
0xbd: {  	[sflag:s0] =	ssyncadd.remote.s32 $0x1  }
0xbe: {  	_ =	sfence.sel $0xFFFF  }
0xbf: {  	[dreg:$0x0] =	wrdreg $0xFFFFFFFF;
	(pc) =	sbr.abs _section_cstart, $3  }
0xc0: {  	[dreg:$0x1] =	wrdreg $0xFFFFFFFF  }
0xc1: {  	_ =	task.clear_ibuf [dreg:s7], $0x2FFFF;
	_ =	strace $0x9FFFFFFF  }
0xc2: {  	(tm) =	ssettm $0x7FFFFFFF  }
0xc3: {  	_ =	shalt  }
tec
execute0_lowered:
.L_overlay_start_1:
0x0: {  	(tag) =	ssettag $0x1  }
0x1: {  	v32 =	vlaneseq.u32;
	v62 =	vimm.s32 $0x34333231  }
0x2: {  	v1 =	vimm.s32 $0x38373635;
	v63 =	vimm.s32 $0x3F3E3D;
	v2 =	vimm.s32 $0x32107654  }
0x3: {  	v3 =	vimm.s32 $0x1003F3E;
	v4 =	vimm.s32 $0x201003F;
	v13 =	vimm.s32 $0x3F3E3D3C  }
0x4: {  	v14 =	vimm.s32 $0x43218765;
	v15 =	vimm.s32 $0x54329876;
	v5 =	vimm.s32 $0x6543A987  }
0x5: {  	vm15 =	vcmask $0x2F10;
	v24 =	vimm.s32 $0xB0A0908;
	v6 =	vimm.s32 $0xC0B0A09  }
0x6: {  	v7 =	vimm.s32 $0xD0C0B0A;
	v36 =	vimm.s32 $0x3A393837;
	v44 =	vimm.s32 $0x3B3A3938  }
0x7: {  	v0 =	vmul.u32 $0x80, v32;
	v61 =	vadd.s32 $0x1, v32;
	v12 =	vunpack.c.0.s8.s32 v1  }
0x8: {  	v2 =	vunpack.c.l.s4.s8 v2;
	v16 =	vunpack.c.0.s8.s32 v63;
	v17 =	vunpack.c.0.s8.s32 v3  }
0x9: {  	v18 =	vunpack.c.0.s8.s32 v4;
	v3 =	vunpack.c.l.s4.s8 v14;
	v20 =	vunpack.c.0.s8.s32 v13  }
0xa: {  	v22 =	vunpack.c.l.s4.s8 v15;
	v23 =	vunpack.c.l.s4.s8 v5;
	v5 =	vunpack.c.0.s8.s32 v24  }
0xb: {  	v13 =	vimm.s32 $0xE0D0C0B;
	v6 =	vunpack.c.0.s8.s32 v6;
	v7 =	vunpack.c.0.s8.s32 v7  }
0xc: {  	v15 =	vimm.s32 $0x39383736;
	v37 =	vunpack.c.0.s8.s32 v36;
	v45 =	vunpack.c.0.s8.s32 v44  }
0xd: {  	[tilespmem:$0x1FDA0] =	vst v61;
	v2 =	vunpack.c.0.s8.s32 v2;
	v3 =	vunpack.c.0.s8.s32 v3;
	v1 =	vunpack.c.0.s8.s32 v22  }
0xe: {  	v13 =	vunpack.c.0.s8.s32 v13;
	v28 =	vunpack.c.0.s8.s32 v15;
	[tilespmem:$0x1FD90] =	vst v0;
	v4 =	vunpack.c.0.s8.s32 v23  }
0xf: {  	[tilespmem:$0x1FDE0] =	vst v12;
	v2 =	vand.u32 $0xF, v2;
	v3 =	vand.u32 $0xF, v3;
	v1 =	vand.u32 $0xF, v1  }
0x10: {  	[tilespmem:$0x1FE40] =	vst v37;
	v4 =	vand.u32 $0xF, v4;
	v2 =	vsel vm15, v2, v20;
	v3 =	vsel vm15, v3, v16  }
0x11: {  	[tilespmem:$0x1FE70] =	vst v20;
	v1 =	vsel vm15, v1, v17;
	v4 =	vsel vm15, v4, v18;
	vm15 =	vcmask $0x3F30  }
0x12: {  	v0 =	vunpack.c.0.s8.s32 v62;
	[tilespmem:$0x1FE80] =	vst v45;
	v2 =	vsel vm15, v5, v2;
	v25 =	vsel vm15, v6, v3  }
0x13: {  	[tilespmem:$0x1FE90] =	vst v16;
	v42 =	vsel vm15, v7, v1;
	v26 =	vsel vm15, v13, v4;
	vm15 =	vcmask $0x1F10  }
0x14: {  	v29 =	vimm.s32 $0x3C3B3A39;
	[tilespmem:$0x1FE10] =	vst v28;
	v0 =	vsel vm15, v12, v0  }
0x15: {  	[tilespmem:$0x1FDF0] =	vst v0;
	v0 =	vunpack.c.0.s8.s32 v29  }
0x16: {  	v31 =	vimm.s32 $0x3D3C3B3A;
	v35 =	vimm.s32 $0x36353433;
	[tilespmem:$0x1FDB0] =	vst v2  }
0x17: {  	v38 =	vimm.s32 $0x3020100;
	v14 =	vimm.s32 $0x35343332;
	[tilespmem:$0x1FE00] =	vst v0;
	v0 =	vunpack.c.0.s8.s32 v31  }
0x18: {  	v39 =	vimm.s32 $0x37363534;
	v46 =	vimm.s32 $0x4030201;
	v27 =	vunpack.c.0.s8.s32 v14;
	[tilespmem:$0x1FDC0] =	vst v25  }
0x19: {  	v48 =	vimm.s32 $0x3E3D3C3B;
	v54 =	vimm.s32 $0x6050403;
	[tilespmem:$0x1FE30] =	vst v0;
	v0 =	vunpack.c.0.s8.s32 v35  }
0x1a: {  	v55 =	vimm.s32 $0x87654321;
	v3 =	vunpack.c.0.s8.s32 v46;
	[tilespmem:$0x1FDD0] =	vst v26;
	v30 =	vsel vm15, v28, v27  }
0x1b: {  	v58 =	vimm.s32 $0x76543210;
	v1 =	vunpack.c.0.s8.s32 v38;
	[tilespmem:$0x1FE20] =	vst v30;
	v0 =	vsel vm15, v37, v0  }
0x1c: {  	v2 =	vunpack.c.0.s8.s32 v39;
	v52 =	vsel vm15, v3, v16;
	[tilespmem:$0x1FE50] =	vst v0;
	v0 =	vunpack.c.0.s8.s32 v48  }
0x1d: {  	s0 =	rddreg [dreg:$0x0];
	s24 =	simm.s32 $0x0;
	v57 =	vimm.s32 $0xA9876543;
	v5 =	vunpack.c.l.s4.s8 v58;
	v49 =	vsel vm15, v1, v20;
	[tilespmem:$0x1FEA0] =	vst v52  }
0x1e: {  	[smem:$0x7FF] =	sst s24;
	v1 =	vunpack.c.0.s8.s32 v54;
	v50 =	vsel vm15, v45, v2;
	v2 =	vunpack.c.l.s4.s8 v55;
	[tilespmem:$0x1FE60] =	vst v0  }
0x1f: {  	s1 =	rddreg [dreg:$0x1];
	v4 =	vunpack.c.l.s4.s8 v57;
	_ =	strace $0x80000047;
	[tilespmem:$0x1FEB0] =	vst v17  }
0x20: {  	v61 =	vunpack.c.0.s8.s32 v5;
	v1 =	vsel vm15, v1, v18;
	v2 =	vunpack.c.0.s8.s32 v2;
	[tilespmem:$0x1FED0] =	vst v18  }
0x21: {  	v60 =	vunpack.c.0.s8.s32 v4;
	[tilespmem:$0x1FEE0] =	vst v1  }
0x22: {  	v62 =	vand.u32 $0xF, v2;
	[tilespmem:$0x1FEF0] =	vst v61  }
0x23: {  	v63 =	vand.u32 $0xF, v60;
	[tilespmem:$0x1FF00] =	vst v62  }
0x24: {  	v10 =	vadd.s32 $0x2, v32;
	[tilespmem:$0x1FF20] =	vst v63  }
0x25: {  	v40 =	vadd.s32 $0x3, v32;
	[tilespmem:$0x1FF30] =	vst v10  }
0x26: {  	v33 =	vadd.s32 $0x4, v32;
	[tilespmem:$0x1FF40] =	vst v40  }
0x27: {  	v51 =	vadd.s32 $0x5, v32;
	[tilespmem:$0x1FF50] =	vst v33  }
0x28: {  	v47 =	vadd.s32 $0x6, v32;
	[tilespmem:$0x1FF60] =	vst v51  }
0x29: {  	s2 =	srdreg.scid;
	v34 =	vadd.s32 $0x7, v32;
	[tilespmem:$0x1FF70] =	vst v47  }
0x2a: {  	vm1 =	vcmask $0x308;
	vm2 =	vcmask $0x70C;
	s3 =	stileid.u32;
	v43 =	vadd.s32 $0x8, v32;
	s2 =	sand.u32 $0x1, s2;
	[tilespmem:$0x1FF80] =	vst v34  }
0x2b: {  	vm3 =	vcmask $0xB10;
	vm4 =	vcmask $0xF14;
	v8 =	vadd.s32 $0x9, v32;
	s3 =	sshll.u32 s3, $0x7;
	s4 =	sshll.u32 s2, $0x6;
	[tilespmem:$0x1FF90] =	vst v43  }
0x2c: {  	vm5 =	vcmask $0x1318;
	v56 =	vimm.s32 $0x98765432;
	v41 =	vadd.s32 $0xA, v32;
	s3 =	sor.u32 s4, s3;
	[tilespmem:$0x1FFA0] =	vst v8  }
0x2d: {  	vm6 =	vcmask $0x171C;
	v11 =	vadd.s32 $0xB, v32;
	s5 =	sadd.s32 $0x3200, s0;
	s26 =	sadd.s32 $0x189C00, s0;
	s4 =	sadd.s32 s3, s0;
	[tilespmem:$0x1FFB0] =	vst v41  }
0x2e: {  	vm7 =	vcmask $0x1B20;
	v53 =	vimm.s32 $0x5040302;
	s2 =	ssub.s32 $0x2, s2;
	s30 =	sadd.s32 $0x2A00, s4;
	v3 =	vunpack.c.l.s4.s8 v56;
	[dreg:$0x3] =	wrdreg s5;
	[tilespmem:$0x1FFC0] =	vst v11  }
0x2f: {  	v19 =	vadd.s32 $0xC, v32;
	s29 =	sshrl.u32 s2, $0x1;
	s31 =	sadd.s32 $0x2200, s4;
	v20 =	vcombine.low v50, v49;
	v0 =	vunpack.c.0.s8.s32 v53;
	[smem:$0x7FA] =	sst s30;
	[tilespmem:$0x1FFD0] =	vst v42  }
0x30: {  	vm8 =	vcmask $0x1F24;
	vm9 =	vcmask $0x2328;
	s0 =	ssub.s32 s2, s29;
	s1 =	sadd.s32 s1, s3;
	v59 =	vunpack.c.0.s8.s32 v3;
	[smem:$0x7FB] =	sst s31;
	[tilespmem:$0x1FFE0] =	vst v19  }
0x31: {  	vm10 =	vcmask $0x272C;
	vm11 =	vcmask $0x2B30;
	s0 =	smax.u32 s0, $0x1;
	[smem:$0x7FC] =	sst s1;
	[tilespmem:$0x1FFF0] =	vst v20;
	v0 =	vsel vm15, v0, v17  }
0x32: {  	vm0 =	vmmov $0x1;
	vm12 =	vcmask $0x2F34;
	s12 =	simm.s32 $0x400;
	s13 =	simm.s32 $0x8400;
	[smem:$0x7FD] =	sst s0;
	[tilespmem:$0x1FEC0] =	vst v0;
	v0 =	vand.u32 $0xF, v59  }
0x33: {  	vm13 =	vcmask $0x3338;
	vm14 =	vcmask $0x373C;
	s2 =	simm.s32 $0x3;
	s1 =	simm.s32 $0x0;
	[dreg:$0x4] =	wrdreg s26;
	vm15 =	vmmov $0x7fff;
	[tilespmem:$0x1FF10] =	vst v0  }
.LBB2_1:
0x34: {  	s0 =	sld [smem:$0x7FA];
	_ =	sdelay $0x1  }
0x35: {  	[smem:$0x7F9] =	sst s1  }
0x36: {  	[tilespmem:s24], [sflag:$0x3] =	stream.linear.gather [hbm4b:s0+s24], $0x200, $0x38;
	[tilespmem:$0x10600] =	vst v63  }
0x37: {  	_ =	swait.ge [sflag:s2], $0x200  }
0x38: {  	s21 =	sld [smem:$0x7FB]  }
0x39: {  	[sflag:s2] =	ssyncset.done $0x0  }
0x3a: {  	s20 =	simm.s32 $0x200;
	[sflag:s2] =	ssyncadd.s32 $0xFFFFFE00  }
0x3b: {  	[tilespmem:s20], [sflag:$0x3] =	stream.linear.gather [hbm4b:s21+s24], $0x200, $0x38;
	[tilespmem:$0x10600] =	vst v63  }
0x3c: {  	_ =	swait.ge [sflag:s2], $0x200  }
0x3d: {  	[sflag:s2] =	ssyncset.done $0x0  }
0x3e: {  	[sflag:s2] =	ssyncadd.s32 $0xFFFFFE00  }
0x3f: {  	v0 =	vld [tilespmem:s20+$0x0]  }
0x40: {  	v1 =	vld [tilespmem:s24+$0x0];
	_ =	sdelay $0x3  }
0x41: {  	v2 =	vnsel vm0, $0x0, v0  }
0x42: {  	v3 =	vnsel vm0, $0x0, v1;
	(xrf0) =	vadd.scan.msk.s32 $0xffff, v2  }
0x43: {  	v2 =	vsel vm1, $0x0, v1;
	(xrf0) =	vadd.scan.msk.s32 $0xffff, v3  }
0x44: {  	v3 =	vsel vm11, $0x0, v0;
	(xrf0) =	vadd.scan.msk.s32 $0xffff, v2  }
0x45: {  	v2 =	vsel vm2, $0x0, v0;
	(xrf0) =	vadd.scan.msk.s32 $0xffff, v3;
	v3 =	vsel vm3, $0x0, v0  }
0x46: {  	(xrf0) =	vadd.scan.msk.s32 $0xffff, v2;
	v2 =	vsel vm2, $0x0, v1  }
0x47: {  	(xrf0) =	vadd.scan.msk.s32 $0xffff, v3  }
0x48: {  	v4 =	vsel vm5, $0x0, v0;
	v3, _, _ =	vpop (xrf0);
	(xrf0) =	vadd.scan.msk.s32 $0xffff, v2  }
0x49: {  	v2, _, _ =	vpop (xrf0);
	(v2sf) =	vpush v3, $0xF;
	v3 =	vsel vm1, $0x0, v0;
	(xrf0) =	vadd.scan.msk.s32 $0xffff, v4;
	v4 =	vsel vm12, $0x0, v0  }
0x4a: {  	(v2sf) =	vpush v2, $0xF;
	v2, _, _ =	vpop (xrf0);
	(xrf0) =	vadd.scan.msk.s32 $0xffff, v3;
	v3 =	vsel vm6, $0x0, v0  }
0x4b: {  	(v2sf) =	vpush v2, $0xF;
	v2, _, _ =	vpop (xrf0)  }
0x4c: {  	(xrf0) =	vadd.scan.msk.s32 $0xffff, v4;
	v4, _, _ =	vpop (xrf0);
	(v2sf) =	vpush v2, $0xF;
	v2 =	vsel vm13, $0x0, v0  }
0x4d: {  	(xrf0) =	vadd.scan.msk.s32 $0xffff, v3;
	(v2sf) =	vpush v4, $0xF;
	v3, _, _ =	vpop (xrf0);
	v4 =	vsel vm3, $0x0, v1  }
0x4e: {  	(v2sf) =	vpush v3, $0xF;
	v3 =	vsel vm4, $0x0, v1  }
0x4f: {  	(xrf0) =	vadd.scan.msk.s32 $0xffff, v2;
	v2, _, _ =	vpop (xrf0)  }
0x50: {  	(xrf0) =	vadd.scan.msk.s32 $0xffff, v4;
	v4, _, _ =	vpop (xrf0)  }
0x51: {  	(v2sf) =	vpush v2, $0xF;
	v2 =	vsel vm7, $0x0, v0;
	(xrf0) =	vadd.scan.msk.s32 $0xffff, v3;
	v3, _, _ =	vpop (xrf0)  }
0x52: {  	s17 =	simm.s32 $0x2000;
	s16 =	simm.s32 $0x0;
	(v2sf) =	vpush v3, $0xF  }
0x53: {  	s3 =	simm.s32 $0x8500;
	s29 =	simm.s32 $0x700;
	s18 =	simm.s32 $0x900;
	v5 =	vsel vm8, $0x0, v0  }
0x54: {  	s1 =	simm.s32 $0x8580;
	s4 =	simm.s32 $0x400;
	s8 =	simm.s32 $0x480;
	(xrf0) =	vadd.scan.msk.s32 $0xffff, v2;
	v2, _, _ =	vpop (xrf0)  }
0x55: {  	s9 =	simm.s32 $0x8400;
	s10 =	simm.s32 $0x500;
	s28 =	simm.s32 $0x8880;
	v3 =	vsel vm5, $0x0, v1;
	(xrf0) =	vadd.scan.msk.s32 $0xffff, v5;
	(v2sf) =	vpush v4, $0xF;
	v4, _, _ =	vpop (xrf0)  }
0x56: {  	s5 =	simm.s32 $0x680;
	s11 =	simm.s32 $0x8480;
	s6 =	simm.s32 $0x880;
	(xrf0) =	vadd.scan.msk.s32 $0xffff, v3;
	v3 =	vsel vm9, $0x0, v0;
	v5, _, _ =	vpop (xrf0);
	(v2sf) =	vpush v4, $0xF  }
0x57: {  	s22 =	simm.s32 $0x800;
	s7 =	simm.s32 $0x780;
	s30 =	simm.s32 $0x8700;
	(xrf0) =	vadd.scan.msk.s32 $0xffff, v3;
	v3 =	vsel vm7, $0x0, v1;
	v4, _, _ =	vpop (xrf0)  }
0x58: {  	s31 =	simm.s32 $0x8A00;
	[dreg:$0x6] =	wrdreg s6;
	v6 =	vsel vm6, $0x0, v1;
	(v2sf) =	vpush v4, $0xF;
	v4, _, _ =	vpop (xrf0);
	s14 =	spop (v2sf)  }
0x59: {  	s0 =	simm.s32 $0x600;
	[dreg:$0x8] =	wrdreg s22;
	(xrf0) =	vadd.scan.msk.s32 $0xffff, v6;
	(v2sf) =	vpush v4, $0xF;
	s23 =	spop (v2sf)  }
0x5a: {  	v6 =	vsel vm4, $0x0, v0;
	(xrf0) =	vadd.scan.msk.s32 $0xffff, v3;
	v3, _, _ =	vpop (xrf0);
	s14 =	sshll.u32 s14, $0x4;
	s15 =	spop (v2sf);
	s19 =	sshll.u32 s23, $0x4  }
0x5b: {  	(v2sf) =	vpush v3, $0xF;
	s23 =	rddreg [dreg:$0x3];
	s6 =	spop (v2sf);
	s19 =	sand.u32 $0x1FFFFFF0, s19  }
0x5c: {  	(xrf0) =	vadd.scan.msk.s32 $0xffff, v6;
	v4, _, _ =	vpop (xrf0);
	s14 =	sand.u32 $0x1FFFFFF0, s14;
	s20 =	spop (v2sf);
	s19 =	sadd.s32 s23, s19  }
0x5d: {  	v6, _, _ =	vpop (xrf0);
	[tilespmem:s4], [sflag:$0x1] =	stream.linear.gather [hbm4b:s19+s24], $0x80, $0x38;
	[tilespmem:$0x10600] =	vst v63  }
0x5e: {  	(v2sf) =	vpush v6, $0xF;
	s25 =	sshll.u32 s15, $0x4;
	s14 =	sadd.s32 s26, s14;
	s21 =	spop (v2sf)  }
0x5f: {  	v3, _, _ =	vpop (xrf0);
	[tilespmem:s9], [sflag:$0x2] =	stream.linear.gather [hbm4b:s14+s24], $0x80, $0x38;
	[tilespmem:$0x10600] =	vst v63  }
0x60: {  	[dreg:$0x10] =	wrdreg s7;
	v6, _, _ =	vpop (xrf0);
	(v2sf) =	vpush v4, $0xF;
	s15 =	spop (v2sf);
	s14 =	sand.u32 $0x1FFFFFF0, s25  }
0x61: {  	s7 =	simm.s32 $0x8600;
	v4, _, _ =	vpop (xrf0);
	s9 =	sadd.s32 s23, s14;
	s22 =	spop (v2sf)  }
0x62: {  	(v2sf) =	vpush v3, $0xF;
	v3, _, _ =	vpop (xrf0);
	[tilespmem:s8], [sflag:$0x1] =	stream.linear.gather [hbm4b:s9+s24], $0x80, $0x38;
	[tilespmem:$0x10600] =	vst v63  }
0x63: {  	s2 =	simm.s32 $0x580;
	s19 =	simm.s32 $0x10;
	(v2sf) =	vpush v3, $0xF;
	s25 =	sshll.u32 s22, $0x4  }
0x64: {  	s4 =	spop (v2sf);
	s22 =	sshll.u32 s15, $0x4;
	s14 =	sand.u32 $0x1FFFFFF0, s25  }
0x65: {  	s9 =	sand.u32 $0x1FFFFFF0, s22;
	s8 =	spop (v2sf);
	s14 =	sadd.s32 s26, s14  }
0x66: {  	[tilespmem:s11], [sflag:$0x2] =	stream.linear.gather [hbm4b:s14+s24], $0x80, $0x38;
	[tilespmem:$0x10600] =	vst v63  }
0x67: {  	s25 =	sshll.u32 s20, $0x4;
	s20 =	simm.s32 $0x210;
	s15 =	spop (v2sf)  }
0x68: {  	s9 =	sadd.s32 s23, s9;
	s22 =	sand.u32 $0x1FFFFFF0, s25;
	s14 =	spop (v2sf)  }
0x69: {  	v3 =	vsel vm8, $0x0, v1;
	[tilespmem:s10], [sflag:$0x1] =	stream.linear.gather [hbm4b:s9+s24], $0x80, $0x38;
	[tilespmem:$0x10600] =	vst v63  }
0x6a: {  	(xrf0) =	vadd.scan.msk.s32 $0xffff, v3;
	s25 =	sshll.u32 s15, $0x4;
	s9 =	sadd.s32 s26, s22;
	s11 =	spop (v2sf)  }
0x6b: {  	v7 =	vsel vm9, $0x0, v1;
	[tilespmem:s3], [sflag:$0x2] =	stream.linear.gather [hbm4b:s9+s24], $0x80, $0x38;
	[tilespmem:$0x10600] =	vst v63  }
0x6c: {  	(xrf0) =	vadd.scan.msk.s32 $0xffff, v7;
	s10 =	sand.u32 $0x1FFFFFF0, s25;
	s14 =	sshll.u32 s14, $0x4;
	s9 =	sshll.u32 s21, $0x4  }
0x6d: {  	s15 =	spop (v2sf);
	s3 =	sand.u32 $0x1FFFFFF0, s9;
	s9 =	sadd.s32 s23, s10  }
0x6e: {  	[tilespmem:s2], [sflag:$0x1] =	stream.linear.gather [hbm4b:s9+s24], $0x80, $0x38;
	[tilespmem:$0x10600] =	vst v63  }
0x6f: {  	(v2sf) =	vpush v6, $0xF;
	s10 =	sand.u32 $0x1FFFFFF0, s14;
	s21 =	spop (v2sf);
	s3 =	sadd.s32 s26, s3  }
0x70: {  	v3, _, _ =	vpop (xrf0);
	(v2sf) =	vpush v4, $0xF;
	v4 =	vsel vm10, $0x0, v1;
	[tilespmem:s1], [sflag:$0x2] =	stream.linear.gather [hbm4b:s3+s24], $0x80, $0x38;
	[tilespmem:$0x10600] =	vst v63  }
0x71: {  	s9 =	sshll.u32 s6, $0x4;
	s22 =	spop (v2sf);
	(v2sf) =	vpush v3, $0xF;
	v3 =	vsel vm10, $0x0, v0;
	(xrf0) =	vadd.scan.msk.s32 $0xffff, v4;
	s3 =	simm.s32 $0xA80  }
0x72: {  	v6, _, _ =	vpop (xrf0);
	(xrf0) =	vadd.scan.msk.s32 $0xffff, v3;
	s1 =	sadd.s32 s23, s10;
	v3 =	vsel vm11, $0x0, v1;
	s10 =	sshll.u32 s4, $0x4;
	s25 =	spop (v2sf)  }
0x73: {  	[dreg:$0xd] =	wrdreg s3;
	(v2sf) =	vpush v6, $0xF;
	(xrf0) =	vadd.scan.msk.s32 $0xffff, v3;
	s14 =	sshll.u32 s25, $0x4;
	s25 =	simm.s32 $0x8A80  }
0x74: {  	v3 =	vsel vm12, $0x0, v1;
	[tilespmem:s0], [sflag:$0x1] =	stream.linear.gather [hbm4b:s1+s24], $0x80, $0x38;
	[tilespmem:$0x10600] =	vst v63  }
0x75: {  	v4 =	vsel vm13, $0x0, v1;
	s1 =	simm.s32 $0xB00;
	s0 =	simm.s32 $0xA00;
	(xrf0) =	vadd.scan.msk.s32 $0xffff, v3;
	[dreg:$0xc] =	wrdreg s25  }
0x76: {  	v3 =	vsel vm14, $0x0, v1;
	s2 =	sand.u32 $0x1FFFFFF0, s14;
	[dreg:$0xa] =	wrdreg s1;
	s1 =	simm.s32 $0x8980;
	(xrf0) =	vadd.scan.msk.s32 $0xffff, v4  }
0x77: {  	s14 =	sshll.u32 s8, $0x4;
	s25 =	sshll.u32 s15, $0x4;
	s3 =	sadd.s32 s26, s2;
	(xrf0) =	vadd.scan.msk.s32 $0xffff, v3  }
0x78: {  	v4 =	vsel vm14, $0x0, v0;
	[tilespmem:s7], [sflag:$0x2] =	stream.linear.gather [hbm4b:s3+s24], $0x80, $0x38;
	[tilespmem:$0x10600] =	vst v63  }
0x79: {  	v1 =	vsel vm15, $0x0, v1;
	s8 =	simm.s32 $0x8680;
	s15 =	sand.u32 $0x1FFFFFF0, s14;
	s7 =	sand.u32 $0x1FFFFFF0, s25;
	(xrf0) =	vadd.scan.msk.s32 $0xffff, v4  }
0x7a: {  	s2 =	sshll.u32 s11, $0x4;
	s3 =	sand.u32 $0x1FFFFFF0, s10;
	v3, _, _ =	vpop (xrf0);
	s4 =	sadd.s32 s23, s7;
	(xrf0) =	vadd.scan.msk.s32 $0xffff, v1  }
0x7b: {  	v0 =	vsel vm15, $0x0, v0;
	[tilespmem:s5], [sflag:$0x1] =	stream.linear.gather [hbm4b:s4+s24], $0x80, $0x38;
	[tilespmem:$0x10600] =	vst v63  }
0x7c: {  	s10 =	sand.u32 $0x1FFFFFF0, s9;
	s9 =	sshll.u32 s21, $0x4;
	v4, _, _ =	vpop (xrf0);
	s3 =	sadd.s32 s26, s3;
	(xrf0) =	vadd.scan.msk.s32 $0xffff, v0  }
0x7d: {  	v1, _, _ =	vpop (xrf0);
	[tilespmem:s8], [sflag:$0x2] =	stream.linear.gather [hbm4b:s3+s24], $0x80, $0x38;
	[tilespmem:$0x10600] =	vst v63  }
0x7e: {  	s14 =	sshll.u32 s22, $0x4;
	s7 =	sand.u32 $0x1FFFFFF0, s9;
	(v2sf) =	vpush v3, $0xF;
	v7, _, _ =	vpop (xrf0);
	s11 =	spop (v2sf)  }
0x7f: {  	s5 =	simm.s32 $0x8800;
	v6, _, _ =	vpop (xrf0);
	(v2sf) =	vpush v4, $0xF;
	s6 =	sshll.u32 s11, $0x4;
	s11 =	sand.u32 $0x1FFFFFF0, s14  }
0x80: {  	v4, _, _ =	vpop (xrf0);
	(v2sf) =	vpush v2, $0xF;
	s14 =	simm.s32 $0x980;
	s6 =	sand.u32 $0x1FFFFFF0, s6;
	s21 =	spop (v2sf)  }
0x81: {  	v3, _, _ =	vpop (xrf0);
	s4 =	sadd.s32 s23, s6;
	s6 =	simm.s32 $0x8900;
	s22 =	spop (v2sf);
	(v2sf) =	vpush v1, $0xF  }
0x82: {  	s23 =	sshll.u32 s21, $0x4;
	v1, _, _ =	vpop (xrf0);
	s3 =	sshll.u32 s22, $0x4;
	(v2sf) =	vpush v5, $0xF;
	s25 =	spop (v2sf)  }
0x83: {  	s21 =	sand.u32 $0x1FFFFFF0, s23;
	v0, _, _ =	vpop (xrf0);
	s3 =	sand.u32 $0x1FFFFFF0, s3;
	(v2sf) =	vpush v7, $0xF;
	s8 =	sshll.u32 s25, $0x4  }
.LBB2_2:
0x84: {  	_ =	sdelay $0x1  }
0x85: {  	[tilespmem:s29], [sflag:$0x1] =	stream.linear.gather [hbm4b:s4+s24], $0x80, $0x38;
	[tilespmem:$0x10600] =	vst v63  }
0x86: {  	s25 =	rddreg [dreg:$0x3];
	s4 =	sadd.s32 s26, s15  }
0x87: {  	[tilespmem:s30], [sflag:$0x2] =	stream.linear.gather [hbm4b:s4+s24], $0x80, $0x38;
	[tilespmem:$0x10600] =	vst v63  }
0x88: {  	s2 =	sand.u32 $0x1FFFFFF0, s2;
	s4 =	sadd.s32 s25, s21;
	s21 =	rddreg [dreg:$0x10]  }
0x89: {  	[tilespmem:s21], [sflag:$0x1] =	stream.linear.gather [hbm4b:s4+s24], $0x80, $0x38;
	[tilespmem:$0x10600] =	vst v63  }
0x8a: {  	s9 =	sadd.s32 $0x8780, s16;
	s2 =	sadd.s32 s26, s2  }
0x8b: {  	[tilespmem:s9], [sflag:$0x2] =	stream.linear.gather [hbm4b:s2+s24], $0x80, $0x38;
	[tilespmem:$0x10600] =	vst v63  }
0x8c: {  	s22 =	sand.u32 $0x1FFFFFF0, s8;
	s23 =	spop (v2sf)  }
0x8d: {  	s7 =	sadd.s32 s26, s7;
	s15 =	sshll.u32 s23, $0x4;
	s23 =	spop (v2sf);
	(v2sf) =	vpush v6, $0xF  }
0x8e: {  	s21 =	sadd.s32 s25, s22;
	s4 =	sshll.u32 s23, $0x4;
	s23 =	spop (v2sf)  }
0x8f: {  	s2 =	sadd.s32 s25, s3;
	(v2sf) =	vpush v4, $0xF;
	s3 =	sshll.u32 s23, $0x4;
	s23 =	rddreg [dreg:$0x8]  }
0x90: {  	[tilespmem:s23], [sflag:$0x1] =	stream.linear.gather [hbm4b:s2+s24], $0x80, $0x38;
	[tilespmem:$0x10600] =	vst v63  }
0x91: {  	s15 =	sand.u32 $0x1FFFFFF0, s15;
	s9 =	spop (v2sf);
	(v2sf) =	vpush v3, $0xF;
	s4 =	sand.u32 $0x1FFFFFF0, s4  }
0x92: {  	[tilespmem:s5], [sflag:$0x2] =	stream.linear.gather [hbm4b:s7+s24], $0x80, $0x38;
	[tilespmem:$0x10600] =	vst v63  }
0x93: {  	s9 =	sshll.u32 s9, $0x4;
	s3 =	sand.u32 $0x1FFFFFF0, s3;
	s23 =	rddreg [dreg:$0x6]  }
0x94: {  	[tilespmem:s23], [sflag:$0x1] =	stream.linear.gather [hbm4b:s21+s24], $0x80, $0x38;
	[tilespmem:$0x10600] =	vst v63  }
0x95: {  	s22 =	spop (v2sf);
	(v2sf) =	vpush v1, $0xF;
	s4 =	sadd.s32 s26, s4;
	s21 =	sadd.s32 s26, s11  }
0x96: {  	[tilespmem:s28], [sflag:$0x2] =	stream.linear.gather [hbm4b:s21+s24], $0x80, $0x38;
	[tilespmem:$0x10600] =	vst v63  }
0x97: {  	s7 =	sshll.u32 s22, $0x4;
	s22 =	spop (v2sf);
	s23 =	sadd.s32 s25, s15  }
0x98: {  	[tilespmem:s18], [sflag:$0x1] =	stream.linear.gather [hbm4b:s23+s24], $0x80, $0x38;
	[tilespmem:$0x10600] =	vst v63  }
0x99: {  	s5 =	sand.u32 $0x1FFFFFF0, s9;
	(v2sf) =	vpush v0, $0xF;
	s9 =	sadd.s32 s26, s3;
	s11 =	sshll.u32 s22, $0x4  }
0x9a: {  	[tilespmem:s6], [sflag:$0x2] =	stream.linear.gather [hbm4b:s4+s24], $0x80, $0x38;
	[tilespmem:$0x10600] =	vst v63  }
0x9b: {  	s7 =	sand.u32 $0x1FFFFFF0, s7;
	s22 =	sadd.s32 s26, s10;
	s4 =	sand.u32 $0x1FFFFFF0, s11  }
0x9c: {  	s18 =	sadd.s32 s25, s5;
	s2 =	sadd.s32 s25, s4;
	s15 =	spop (v2sf)  }
0x9d: {  	[tilespmem:s14], [sflag:$0x1] =	stream.linear.gather [hbm4b:s18+s24], $0x80, $0x38;
	[tilespmem:$0x10600] =	vst v63  }
0x9e: {  	s18 =	rddreg [dreg:$0xd];
	s21 =	sshll.u32 s15, $0x4;
	s23 =	spop (v2sf)  }
0x9f: {  	[tilespmem:s1], [sflag:$0x2] =	stream.linear.gather [hbm4b:s22+s24], $0x80, $0x38;
	[tilespmem:$0x10600] =	vst v63  }
0xa0: {  	s5 =	sand.u32 $0x1FFFFFF0, s21;
	s4 =	sshll.u32 s23, $0x4;
	s6 =	spop (v2sf)  }
0xa1: {  	[tilespmem:s0], [sflag:$0x1] =	stream.linear.gather [hbm4b:s2+s24], $0x80, $0x38;
	[tilespmem:$0x10600] =	vst v63  }
0xa2: {  	s21 =	sadd.s32 s26, s7;
	s23 =	rddreg [dreg:$0xc];
	s10 =	sand.u32 $0x1FFFFFF0, s4  }
0xa3: {  	[tilespmem:s31], [sflag:$0x2] =	stream.linear.gather [hbm4b:s9+s24], $0x80, $0x38;
	[tilespmem:$0x10600] =	vst v63  }
0xa4: {  	s11 =	sshll.u32 s6, $0x4;
	s14 =	sadd.s32 s25, s5;
	s15 =	spop (v2sf)  }
0xa5: {  	[tilespmem:s18], [sflag:$0x1] =	stream.linear.gather [hbm4b:s14+s24], $0x80, $0x38;
	[tilespmem:$0x10600] =	vst v63  }
0xa6: {  	s2 =	sand.u32 $0x1FFFFFF0, s11;
	s3 =	sshll.u32 s15, $0x4;
	s6 =	sadd.s32 s25, s10  }
0xa7: {  	[tilespmem:s23], [sflag:$0x2] =	stream.linear.gather [hbm4b:s21+s24], $0x80, $0x38;
	[tilespmem:$0x10600] =	vst v63  }
0xa8: {  	s10 =	rddreg [dreg:$0xa];
	s11 =	sadd.s32 $0x8B00, s16;
	s22 =	spop (v2sf)  }
0xa9: {  	[tilespmem:s10], [sflag:$0x1] =	stream.linear.gather [hbm4b:s6+s24], $0x80, $0x38;
	[tilespmem:$0x10600] =	vst v63  }
0xaa: {  	s7 =	sand.u32 $0x1FFFFFF0, s3;
	s2 =	sadd.s32 s26, s2;
	s9 =	sshll.u32 s22, $0x4  }
0xab: {  	[tilespmem:s11], [sflag:$0x2] =	stream.linear.gather [hbm4b:s2+s24], $0x80, $0x38;
	[tilespmem:$0x10600] =	vst v63  }
0xac: {  	s1 =	sadd.s32 s25, s7;
	s3 =	sand.u32 $0x1FFFFFF0, s9;
	s14 =	sadd.s32 $0xB80, s16  }
0xad: {  	[tilespmem:s14], [sflag:$0x1] =	stream.linear.gather [hbm4b:s1+s24], $0x80, $0x38;
	[tilespmem:$0x10600] =	vst v63  }
0xae: {  	s15 =	sadd.s32 $0x8B80, s16;
	s16 =	sadd.s32 s26, s3  }
0xaf: {  	[tilespmem:s15], [sflag:$0x2] =	stream.linear.gather [hbm4b:s16+s24], $0x80, $0x38;
	[tilespmem:$0x10600] =	vst v63  }
0xb0: {  	v2 =	vld [tilespmem:s20+$0x0]  }
0xb1: {  	v1 =	vld [tilespmem:s19+$0x0];
	_ =	sdelay $0x3  }
0xb2: {  	v3 =	vnsel vm0, $0x0, v2  }
0xb3: {  	v6 =	vnsel vm0, $0x0, v1;
	(xrf0) =	vadd.scan.msk.s32 $0xffff, v3  }
0xb4: {  	v7 =	vsel vm1, $0x0, v1;
	(xrf0) =	vadd.scan.msk.s32 $0xffff, v6  }
0xb5: {  	(xrf0) =	vadd.scan.msk.s32 $0xffff, v7  }
0xb6: {  	v16 =	vsel vm11, $0x0, v2  }
0xb7: {  	v5 =	vsel vm2, $0x0, v2;
	(xrf0) =	vadd.scan.msk.s32 $0xffff, v16  }
0xb8: {  	s8 =	smov.u32 s17;
	(xrf0) =	vadd.scan.msk.s32 $0xffff, v5  }
0xb9: {  	s30 =	rddreg [dreg:$0x3];
	s16 =	sshra.s32 s8, $0x2;
	v16 =	vsel vm3, $0x0, v2;
	v29, _, _ =	vpop (xrf0)  }
0xba: {  	s28 =	rddreg [dreg:$0x3];
	s18 =	sadd.s32 $0x8500, s16;
	v3 =	vsel vm2, $0x0, v1;
	(xrf0) =	vadd.scan.msk.s32 $0xffff, v16;
	v31, _, _ =	vpop (xrf0);
	(v2sf) =	vpush v29, $0xF  }
0xbb: {  	p0 =	sne.s32 s17, $0x1E000;
	s21 =	sadd.s32 $0x700, s16;
	[dreg:$0x1b] =	wrdreg s18;
	v5 =	vsel vm5, $0x0, v2;
	(xrf0) =	vadd.scan.msk.s32 $0xffff, v3;
	(v2sf) =	vpush v31, $0xF;
	v50, _, _ =	vpop (xrf0)  }
0xbc: {  	s17 =	sadd.s32 $0x2000, s17;
	s22 =	sadd.s32 $0x900, s16;
	[dreg:$0x14] =	wrdreg s21;
	v30 =	vsel vm1, $0x0, v2;
	(xrf0) =	vadd.scan.msk.s32 $0xffff, v5;
	(v2sf) =	vpush v50, $0xF  }
0xbd: {  	s29 =	simm.s32 $0x0;
	s23 =	sadd.s32 $0x580, s16;
	[dreg:$0x12] =	wrdreg s22;
	v5 =	vsel vm12, $0x0, v2;
	(xrf0) =	vadd.scan.msk.s32 $0xffff, v30;
	v53, _, _ =	vpop (xrf0)  }
0xbe: {  	s1 =	sadd.s32 $0x8580, s16;
	s10 =	sadd.s32 $0x400, s16;
	[dreg:$0x19] =	wrdreg s23;
	v52 =	vsel vm6, $0x0, v2;
	(xrf0) =	vadd.scan.msk.s32 $0xffff, v5;
	v54, _, _ =	vpop (xrf0);
	(v2sf) =	vpush v53, $0xF  }
0xbf: {  	s8 =	sadd.s32 $0x480, s16;
	s2 =	sadd.s32 $0x600, s16;
	[dreg:$0x17] =	wrdreg s1;
	v9 =	vsel vm13, $0x0, v2;
	v6 =	vsel vm4, $0x0, v1;
	(xrf0) =	vadd.scan.msk.s32 $0xffff, v52;
	(v2sf) =	vpush v54, $0xF  }
0xc0: {  	s11 =	sadd.s32 $0x500, s16;
	s3 =	sadd.s32 $0x8880, s16;
	[dreg:$0x15] =	wrdreg s2;
	v13 =	vsel vm3, $0x0, v1;
	v55, _, _ =	vpop (xrf0);
	(xrf0) =	vadd.scan.msk.s32 $0xffff, v9  }
0xc1: {  	s4 =	sadd.s32 $0x680, s16;
	s7 =	sadd.s32 $0x8480, s16;
	[dreg:$0x1f] =	wrdreg s3;
	v5, _, _ =	vpop (xrf0);
	(xrf0) =	vadd.scan.msk.s32 $0xffff, v13;
	(v2sf) =	vpush v55, $0xF  }
0xc2: {  	s5 =	sadd.s32 $0x880, s16;
	s6 =	sadd.s32 $0x800, s16;
	[dreg:$0x1d] =	wrdreg s4;
	(xrf0) =	vadd.scan.msk.s32 $0xffff, v6;
	v6, _, _ =	vpop (xrf0);
	(v2sf) =	vpush v5, $0xF  }
0xc3: {  	s9 =	sadd.s32 $0x780, s16;
	s14 =	sadd.s32 $0x8700, s16;
	[dreg:$0x6] =	wrdreg s5;
	v58, _, _ =	vpop (xrf0)  }
0xc4: {  	s19 =	sadd.s32 $0x10, s19;
	s20 =	sadd.s32 $0x10, s20;
	[dreg:$0x8] =	wrdreg s6;
	(v2sf) =	vpush v58, $0xF  }
0xc5: {  	s15 =	sadd.s32 $0xA80, s16;
	s0 =	sadd.s32 $0xA00, s16;
	[dreg:$0x10] =	wrdreg s9;
	v0 =	vsel vm14, $0x0, v2;
	v56 =	vsel vm7, $0x0, v2;
	v5, _, _ =	vpop (xrf0);
	(v2sf) =	vpush v6, $0xF  }
0xc6: {  	s31 =	sadd.s32 $0x8A00, s16;
	s2 =	sadd.s32 $0x8400, s16;
	[smem:$0x7F8] =	sst s14;
	v4 =	vsel vm10, $0x0, v2;
	v14 =	vsel vm4, $0x0, v2;
	v57 =	vsel vm8, $0x0, v2;
	(xrf0) =	vadd.scan.msk.s32 $0xffff, v56;
	v6, _, _ =	vpop (xrf0)  }
0xc7: {  	s9 =	sadd.s32 $0x8600, s16;
	[dreg:$0xd] =	wrdreg s15;
	s18 =	sadd.s32 $0x8A80, s16;
	v15 =	vsel vm5, $0x0, v1;
	v3 =	vsel vm15, $0x0, v2;
	v9 =	vsel vm9, $0x0, v2;
	(xrf0) =	vadd.scan.msk.s32 $0xffff, v57;
	v2, _, _ =	vpop (xrf0)  }
0xc8: {  	s21 =	sadd.s32 $0xB00, s16;
	s1 =	sadd.s32 $0x8980, s16;
	s6 =	sadd.s32 $0x8900, s16;
	(xrf0) =	vadd.scan.msk.s32 $0xffff, v15;
	(v2sf) =	vpush v6, $0xF;
	v6, _, _ =	vpop (xrf0)  }
0xc9: {  	s14 =	sadd.s32 $0x980, s16;
	[dreg:$0xc] =	wrdreg s18;
	(v2sf) =	vpush v6, $0xF;
	s22 =	spop (v2sf)  }
0xca: {  	s5 =	sadd.s32 $0x8800, s16;
	[dreg:$0xa] =	wrdreg s21;
	v7 =	vsel vm6, $0x0, v1;
	s23 =	spop (v2sf)  }
0xcb: {  	(xrf0) =	vadd.scan.msk.s32 $0xffff, v9;
	v6, _, _ =	vpop (xrf0);
	s3 =	sshll.u32 s22, $0x4;
	s4 =	sshll.u32 s23, $0x4;
	s15 =	spop (v2sf)  }
0xcc: {  	v17 =	vsel vm7, $0x0, v1;
	(xrf0) =	vadd.scan.msk.s32 $0xffff, v7;
	(v2sf) =	vpush v6, $0xF;
	v6, _, _ =	vpop (xrf0);
	s23 =	sand.u32 $0x1FFFFFF0, s3;
	s4 =	sand.u32 $0x1FFFFFF0, s4;
	s3 =	sshll.u32 s15, $0x4  }
0xcd: {  	(xrf0) =	vadd.scan.msk.s32 $0xffff, v17;
	v7, _, _ =	vpop (xrf0);
	s18 =	spop (v2sf);
	s23 =	sadd.s32 s26, s23;
	s22 =	sand.u32 $0x1FFFFFF0, s3  }
0xce: {  	(xrf0) =	vadd.scan.msk.s32 $0xffff, v14;
	v59, _, _ =	vpop (xrf0);
	(v2sf) =	vpush v6, $0xF;
	s18 =	sshll.u32 s18, $0x4;
	s21 =	spop (v2sf);
	s4 =	sadd.s32 s25, s4  }
0xcf: {  	v22 =	vsel vm8, $0x0, v1;
	(v2sf) =	vpush v59, $0xF;
	[tilespmem:s10], [sflag:$0x1] =	stream.linear.gather [hbm4b:s4+s24], $0x80, $0x38;
	[tilespmem:$0x10600] =	vst v63  }
0xd0: {  	v24 =	vsel vm9, $0x0, v1;
	(xrf0) =	vadd.scan.msk.s32 $0xffff, v22;
	s3 =	sshll.u32 s21, $0x4;
	s25 =	spop (v2sf);
	s22 =	sadd.s32 s28, s22  }
0xd1: {  	(xrf0) =	vadd.scan.msk.s32 $0xffff, v24;
	(v2sf) =	vpush v7, $0xF;
	s21 =	sand.u32 $0x1FFFFFF0, s3;
	s25 =	sshll.u32 s25, $0x4;
	s10 =	spop (v2sf)  }
0xd2: {  	v25 =	vsel vm10, $0x0, v1;
	v6, _, _ =	vpop (xrf0);
	[tilespmem:s2], [sflag:$0x2] =	stream.linear.gather [hbm4b:s23+s29], $0x80, $0x38;
	[tilespmem:$0x10600] =	vst v63  }
0xd3: {  	(xrf0) =	vadd.scan.msk.s32 $0xffff, v25;
	v60, _, _ =	vpop (xrf0);
	s15 =	sshll.u32 s10, $0x4;
	s4 =	sand.u32 $0x1FFFFFF0, s25;
	s24 =	spop (v2sf)  }
0xd4: {  	(xrf0) =	vadd.scan.msk.s32 $0xffff, v4;
	v4, _, _ =	vpop (xrf0);
	(v2sf) =	vpush v6, $0xF;
	s3 =	sshll.u32 s24, $0x4;
	s24 =	sand.u32 $0x1FFFFFF0, s15;
	s25 =	spop (v2sf)  }
0xd5: {  	v7, _, _ =	vpop (xrf0);
	[tilespmem:s8], [sflag:$0x1] =	stream.linear.gather [hbm4b:s22+s29], $0x80, $0x38;
	[tilespmem:$0x10600] =	vst v63  }
0xd6: {  	(v2sf) =	vpush v7, $0xF;
	s22 =	sadd.s32 $0x8680, s16;
	s3 =	sand.u32 $0x1FFFFFF0, s3;
	s10 =	sshll.u32 s25, $0x4  }
0xd7: {  	(v2sf) =	vpush v60, $0xF;
	s15 =	spop (v2sf);
	s25 =	sadd.s32 s26, s3;
	s3 =	sand.u32 $0x1FFFFFF0, s10  }
0xd8: {  	s15 =	sshll.u32 s15, $0x4;
	s10 =	sand.u32 $0x1FFFFFF0, s18;
	s18 =	spop (v2sf)  }
0xd9: {  	[tilespmem:s7], [sflag:$0x2] =	stream.linear.gather [hbm4b:s25+s29], $0x80, $0x38;
	[tilespmem:$0x10600] =	vst v63  }
0xda: {  	s24 =	sadd.s32 s30, s24;
	s15 =	sand.u32 $0x1FFFFFF0, s15;
	s18 =	sshll.u32 s18, $0x4  }
0xdb: {  	s25 =	rddreg [dreg:$0x1b];
	s26 =	spop (v2sf);
	s18 =	sand.u32 $0x1FFFFFF0, s18  }
0xdc: {  	(v2sf) =	vpush v4, $0xF;
	[tilespmem:s11], [sflag:$0x1] =	stream.linear.gather [hbm4b:s24+s29], $0x80, $0x38;
	[tilespmem:$0x10600] =	vst v63  }
0xdd: {  	s26 =	sshll.u32 s26, $0x4;
	s24 =	rddreg [dreg:$0x4];
	s23 =	spop (v2sf)  }
0xde: {  	v61, _, _ =	vpop (xrf0);
	s11 =	sadd.s32 s24, s21;
	s2 =	sshll.u32 s23, $0x4;
	s23 =	spop (v2sf)  }
0xdf: {  	(v2sf) =	vpush v61, $0xF;
	[tilespmem:s25], [sflag:$0x2] =	stream.linear.gather [hbm4b:s11+s29], $0x80, $0x38;
	[tilespmem:$0x10600] =	vst v63  }
0xe0: {  	s26 =	sand.u32 $0x1FFFFFF0, s26;
	s18 =	sadd.s32 s30, s18;
	s28 =	spop (v2sf)  }
0xe1: {  	v7, _, _ =	vpop (xrf0);
	s25 =	rddreg [dreg:$0x19];
	s23 =	sshll.u32 s23, $0x4;
	s8 =	sshll.u32 s28, $0x4  }
0xe2: {  	(v2sf) =	vpush v7, $0xF;
	[tilespmem:s25], [sflag:$0x1] =	stream.linear.gather [hbm4b:s18+s29], $0x80, $0x38;
	[tilespmem:$0x10600] =	vst v63  }
0xe3: {  	v26 =	vsel vm11, $0x0, v1;
	s25 =	rddreg [dreg:$0x17];
	s23 =	sand.u32 $0x1FFFFFF0, s23;
	s28 =	spop (v2sf)  }
0xe4: {  	v27 =	vsel vm12, $0x0, v1;
	(xrf0) =	vadd.scan.msk.s32 $0xffff, v26;
	s7 =	sand.u32 $0x1FFFFFF0, s8;
	s21 =	sshll.u32 s28, $0x4;
	s28 =	rddreg [dreg:$0x1f]  }
0xe5: {  	v28 =	vsel vm13, $0x0, v1;
	(xrf0) =	vadd.scan.msk.s32 $0xffff, v27;
	s8 =	spop (v2sf);
	s11 =	sand.u32 $0x1FFFFFF0, s21;
	s21 =	rddreg [dreg:$0x4]  }
0xe6: {  	(xrf0) =	vadd.scan.msk.s32 $0xffff, v28;
	s8 =	sshll.u32 s8, $0x4;
	s4 =	sadd.s32 s21, s4;
	s24 =	spop (v2sf)  }
0xe7: {  	v16 =	vsel vm14, $0x0, v1;
	[tilespmem:s25], [sflag:$0x2] =	stream.linear.gather [hbm4b:s4+s29], $0x80, $0x38;
	[tilespmem:$0x10600] =	vst v63  }
0xe8: {  	(xrf0) =	vadd.scan.msk.s32 $0xffff, v16;
	s8 =	sand.u32 $0x1FFFFFF0, s8;
	s25 =	rddreg [dreg:$0x15];
	s24 =	sshll.u32 s24, $0x4  }
0xe9: {  	v62, _, _ =	vpop (xrf0);
	(xrf0) =	vadd.scan.msk.s32 $0xffff, v0;
	s18 =	sand.u32 $0x1FFFFFF0, s24;
	s24 =	sadd.s32 s30, s26;
	s26 =	rddreg [dreg:$0x4]  }
0xea: {  	v1 =	vsel vm15, $0x0, v1;
	[tilespmem:s25], [sflag:$0x1] =	stream.linear.gather [hbm4b:s24+s29], $0x80, $0x38;
	[tilespmem:$0x10600] =	vst v63  }
0xeb: {  	v63, _, _ =	vpop (xrf0);
	(xrf0) =	vadd.scan.msk.s32 $0xffff, v1;
	s4 =	sadd.s32 s30, s18;
	s29 =	rddreg [dreg:$0x14];
	s21 =	spop (v2sf)  }
0xec: {  	v16, _, _ =	vpop (xrf0);
	(xrf0) =	vadd.scan.msk.s32 $0xffff, v3;
	s24 =	simm.s32 $0x0;
	s8 =	sadd.s32 s26, s8;
	s21 =	sshll.u32 s21, $0x4  }
0xed: {  	[tilespmem:s9], [sflag:$0x2] =	stream.linear.gather [hbm4b:s8+s24], $0x80, $0x38;
	[tilespmem:$0x10600] =	vst v63  }
0xee: {  	v17, _, _ =	vpop (xrf0);
	(v2sf) =	vpush v62, $0xF;
	s8 =	sadd.s32 s30, s23;
	s30 =	sld [smem:$0x7F8];
	s25 =	spop (v2sf)  }
.Ltmp0:
0xef: {  	v6, _, _ =	vpop (xrf0);
	(v2sf) =	vpush v63, $0xF;
	s9 =	sshll.u32 s25, $0x4;
	s25 =	rddreg [dreg:$0x1d];
	(pc) =	sbr.rel @p0 .LBB2_2-.Ltmp0, $4  }
0xf0: {  	v4, _, _ =	vpop (xrf0);
	(v2sf) =	vpush v5, $0xF;
	[tilespmem:s25], [sflag:$0x1] =	stream.linear.gather [hbm4b:s8+s24], $0x80, $0x38;
	[tilespmem:$0x10600] =	vst v63  }
0xf1: {  	v3, _, _ =	vpop (xrf0);
	(v2sf) =	vpush v16, $0xF;
	s21 =	sand.u32 $0x1FFFFFF0, s21;
	s18 =	spop (v2sf);
	s25 =	sadd.s32 s26, s3  }
0xf2: {  	v1, _, _ =	vpop (xrf0);
	(v2sf) =	vpush v2, $0xF;
	s3 =	sand.u32 $0x1FFFFFF0, s9;
	s8 =	sshll.u32 s18, $0x4;
	s18 =	rddreg [dreg:$0x12]  }
0xf3: {  	v0, _, _ =	vpop (xrf0);
	(v2sf) =	vpush v17, $0xF;
	[tilespmem:s22], [sflag:$0x2] =	stream.linear.gather [hbm4b:s25+s24], $0x80, $0x38;
	[tilespmem:$0x10600] =	vst v63  }
0xf4: {  	[tilespmem:s29], [sflag:$0x1] =	stream.linear.gather [hbm4b:s4+s24], $0x80, $0x38;
	[tilespmem:$0x10600] =	vst v63  }
0xf5: {  	s19 =	sadd.s32 s26, s15;
	s15 =	rddreg [dreg:$0x3]  }
0xf6: {  	[tilespmem:s30], [sflag:$0x2] =	stream.linear.gather [hbm4b:s19+s24], $0x80, $0x38;
	[tilespmem:$0x10600] =	vst v63  }
0xf7: {  	s9 =	rddreg [dreg:$0x10];
	s2 =	sand.u32 $0x1FFFFFF0, s2;
	s20 =	sadd.s32 s15, s21  }
0xf8: {  	[tilespmem:s9], [sflag:$0x1] =	stream.linear.gather [hbm4b:s20+s24], $0x80, $0x38;
	[tilespmem:$0x10600] =	vst v63  }
0xf9: {  	s21 =	sadd.s32 $0x8780, s16;
	s2 =	sadd.s32 s26, s2  }
0xfa: {  	[tilespmem:s21], [sflag:$0x2] =	stream.linear.gather [hbm4b:s2+s24], $0x80, $0x38;
	[tilespmem:$0x10600] =	vst v63  }
0xfb: {  	s23 =	rddreg [dreg:$0x8];
	s22 =	sadd.s32 s15, s3  }
0xfc: {  	[tilespmem:s23], [sflag:$0x1] =	stream.linear.gather [hbm4b:s22+s24], $0x80, $0x38;
	[tilespmem:$0x10600] =	vst v63  }
0xfd: {  	s25 =	sadd.s32 s26, s7;
	s29 =	sand.u32 $0x1FFFFFF0, s8  }
0xfe: {  	[tilespmem:s5], [sflag:$0x2] =	stream.linear.gather [hbm4b:s25+s24], $0x80, $0x38;
	[tilespmem:$0x10600] =	vst v63  }
0xff: {  	s30 =	rddreg [dreg:$0x6];
	s2 =	sadd.s32 s15, s29;
	s4 =	spop (v2sf)  }
0x100: {  	[tilespmem:s30], [sflag:$0x1] =	stream.linear.gather [hbm4b:s2+s24], $0x80, $0x38;
	[tilespmem:$0x10600] =	vst v63  }
0x101: {  	s2 =	sshll.u32 s4, $0x4  }
0x102: {  	s3 =	sadd.s32 s26, s11;
	s5 =	spop (v2sf);
	s2 =	sand.u32 $0x1FFFFFF0, s2  }
0x103: {  	(v2sf) =	vpush v6, $0xF;
	[tilespmem:s28], [sflag:$0x2] =	stream.linear.gather [hbm4b:s3+s24], $0x80, $0x38;
	[tilespmem:$0x10600] =	vst v63  }
0x104: {  	s7 =	spop (v2sf);
	s2 =	sadd.s32 s15, s2  }
0x105: {  	[tilespmem:s18], [sflag:$0x1] =	stream.linear.gather [hbm4b:s2+s24], $0x80, $0x38;
	[tilespmem:$0x10600] =	vst v63  }
0x106: {  	s8 =	spop (v2sf);
	s2 =	sshll.u32 s5, $0x4  }
0x107: {  	s9 =	sadd.s32 s26, s10;
	s3 =	sshll.u32 s8, $0x4;
	s2 =	sand.u32 $0x1FFFFFF0, s2  }
0x108: {  	s10 =	spop (v2sf);
	s3 =	sand.u32 $0x1FFFFFF0, s3;
	s2 =	sadd.s32 s26, s2  }
0x109: {  	[tilespmem:s6], [sflag:$0x2] =	stream.linear.gather [hbm4b:s2+s24], $0x80, $0x38;
	[tilespmem:$0x10600] =	vst v63  }
0x10a: {  	(v2sf) =	vpush v4, $0xF;
	s11 =	spop (v2sf);
	s3 =	sadd.s32 s15, s3  }
0x10b: {  	[tilespmem:s14], [sflag:$0x1] =	stream.linear.gather [hbm4b:s3+s24], $0x80, $0x38;
	[tilespmem:$0x10600] =	vst v63  }
0x10c: {  	s3 =	sshll.u32 s11, $0x4  }
0x10d: {  	s3 =	sand.u32 $0x1FFFFFF0, s3  }
0x10e: {  	(v2sf) =	vpush v3, $0xF;
	[tilespmem:s1], [sflag:$0x2] =	stream.linear.gather [hbm4b:s9+s24], $0x80, $0x38;
	[tilespmem:$0x10600] =	vst v63  }
0x10f: {  	s14 =	sshll.u32 s7, $0x4;
	s3 =	sadd.s32 s15, s3  }
0x110: {  	[tilespmem:s0], [sflag:$0x1] =	stream.linear.gather [hbm4b:s3+s24], $0x80, $0x38;
	[tilespmem:$0x10600] =	vst v63  }
0x111: {  	s0 =	sand.u32 $0x1FFFFFF0, s14  }
0x112: {  	s17 =	spop (v2sf);
	s0 =	sadd.s32 s26, s0  }
0x113: {  	[tilespmem:s31], [sflag:$0x2] =	stream.linear.gather [hbm4b:s0+s24], $0x80, $0x38;
	[tilespmem:$0x10600] =	vst v63  }
0x114: {  	(v2sf) =	vpush v1, $0xF;
	s0 =	sshll.u32 s17, $0x4  }
0x115: {  	s0 =	sand.u32 $0x1FFFFFF0, s0  }
0x116: {  	s19 =	sshll.u32 s10, $0x4;
	s18 =	rddreg [dreg:$0xd];
	s0 =	sadd.s32 s15, s0  }
0x117: {  	(v2sf) =	vpush v0, $0xF;
	[tilespmem:s18], [sflag:$0x1] =	stream.linear.gather [hbm4b:s0+s24], $0x80, $0x38;
	[tilespmem:$0x10600] =	vst v63  }
0x118: {  	s0 =	sand.u32 $0x1FFFFFF0, s19  }
0x119: {  	s20 =	rddreg [dreg:$0xc];
	s21 =	spop (v2sf);
	s0 =	sadd.s32 s26, s0  }
0x11a: {  	[tilespmem:s20], [sflag:$0x2] =	stream.linear.gather [hbm4b:s0+s24], $0x80, $0x38;
	[tilespmem:$0x10600] =	vst v63  }
0x11b: {  	s0 =	sshll.u32 s21, $0x4  }
0x11c: {  	s0 =	sand.u32 $0x1FFFFFF0, s0  }
0x11d: {  	s22 =	rddreg [dreg:$0xa];
	s23 =	spop (v2sf);
	s0 =	sadd.s32 s15, s0  }
0x11e: {  	[tilespmem:s22], [sflag:$0x1] =	stream.linear.gather [hbm4b:s0+s24], $0x80, $0x38;
	[tilespmem:$0x10600] =	vst v63  }
0x11f: {  	s0 =	sshll.u32 s23, $0x4  }
0x120: {  	s0 =	sand.u32 $0x1FFFFFF0, s0  }
0x121: {  	s25 =	sadd.s32 $0x8B00, s16;
	s0 =	sadd.s32 s26, s0  }
0x122: {  	[tilespmem:s25], [sflag:$0x2] =	stream.linear.gather [hbm4b:s0+s24], $0x80, $0x38;
	[tilespmem:$0x10600] =	vst v63  }
0x123: {  	s28 =	spop (v2sf)  }
0x124: {  	s0 =	sshll.u32 s28, $0x4  }
0x125: {  	s0 =	sand.u32 $0x1FFFFFF0, s0  }
0x126: {  	s29 =	sadd.s32 $0xB80, s16;
	s30 =	spop (v2sf);
	s0 =	sadd.s32 s15, s0  }
0x127: {  	[tilespmem:s29], [sflag:$0x1] =	stream.linear.gather [hbm4b:s0+s24], $0x80, $0x38;
	[tilespmem:$0x10600] =	vst v63  }
0x128: {  	s0 =	sshll.u32 s30, $0x4  }
0x129: {  	s0 =	sand.u32 $0x1FFFFFF0, s0  }
0x12a: {  	s1 =	simm.s32 $0x1;
	s31 =	sadd.s32 $0x8B80, s16;
	s0 =	sadd.s32 s26, s0  }
0x12b: {  	[tilespmem:s31], [sflag:$0x2] =	stream.linear.gather [hbm4b:s0+s24], $0x80, $0x38;
	[tilespmem:$0x10600] =	vst v63  }
0x12c: {  	_ =	swait.ge [sflag:s1], $0x80  }
0x12d: {  	[sflag:s1] =	ssyncset.done $0x0  }
0x12e: {  	s2 =	simm.s32 $0x2;
	[sflag:s1] =	ssyncadd.s32 $0xFFFFFF80  }
0x12f: {  	_ =	swait.ge [sflag:s2], $0x80  }
0x130: {  	v18 =	vld [tilespmem:$0x1FDA0]  }
0x131: {  	s0 =	simm.s32 $0xFF;
	[sflag:s2] =	ssyncset.done $0x0;
	v23 =	vld [tilespmem:$0x1FD90]  }
.LBB2_4:
0x132: {  	p0 =	sne.s32 s0, $0x1;
	s0 =	sadd.s32 $0xFFFFFFFF, s0;
	[sflag:s2] =	ssyncadd.s32 $0xFFFFFF80  }
.Ltmp1:
0x133: {  	_ =	swait.ge [sflag:s1], $0x80;
	(pc) =	sbr.rel @p0 .LBB2_4-.Ltmp1, $4  }
0x134: {  	[sflag:s1] =	ssyncset.done $0x0  }
0x135: {  	[sflag:s1] =	ssyncadd.s32 $0xFFFFFF80  }
0x136: {  	_ =	swait.ge [sflag:s2], $0x80  }
0x137: {  	[sflag:s2] =	ssyncset.done $0x0  }
0x138: {  	s0 =	simm.s32 $0x0  }
0x139: {  	v0 =	vmov s0  }
0x13a: {  	v0 =	vshll.u32 v0, $0x7  }
0x13b: {  	v1 =	vor.u32 v23, v0  }
0x13c: {  	v0 =	vor.u32 v32, v1;
	_ =	sdelay $0x1  }
0x13d: {  	v2 =	vor.u32 v18, v1;
	_ =	sdelay $0x1  }
0x13e: {  	[sflag:s2] =	ssyncadd.s32 $0xFFFFFF80;
	v3 =	vor.u32 v10, v1  }
0x13f: {  	v4 =	vld.idx.msk [tilespmem:v0+s13+$0x0], $0xffff  }
0x140: {  	v5 =	vor.u32 v40, v1;
	v0 =	vld.idx.msk [tilespmem:v0+s12+$0x0], $0xffff  }
0x141: {  	v6 =	vld.idx.msk [tilespmem:v2+s12+$0x0], $0xffff  }
0x142: {  	v7 =	vor.u32 v33, v1;
	v2 =	vld.idx.msk [tilespmem:v2+s13+$0x0], $0xffff  }
0x143: {  	v13 =	vld.idx.msk [tilespmem:v3+s12+$0x0], $0xffff  }
0x144: {  	v14 =	vor.u32 v51, v1;
	v3 =	vld.idx.msk [tilespmem:v3+s13+$0x0], $0xffff  }
0x145: {  	v15 =	vld.idx.msk [tilespmem:v5+s12+$0x0], $0xffff;
	v0 =	vmul.f32 v4, v0  }
0x146: {  	v4 =	vld.idx.msk [tilespmem:v5+s13+$0x0], $0xffff;
	v5 =	vor.u32 v47, v1  }
0x147: {  	v16 =	vld.idx.msk [tilespmem:v7+s12+$0x0], $0xffff;
	v2 =	vmul.f32 v2, v6;
	v0 =	vadd.f32 $0.0e+00, v0  }
0x148: {  	v6 =	vld.idx.msk [tilespmem:v7+s13+$0x0], $0xffff;
	v7 =	vor.u32 v34, v1  }
0x149: {  	v17 =	vld.idx.msk [tilespmem:v14+s12+$0x0], $0xffff;
	v0 =	vadd.f32 v2, v0;
	v2 =	vmul.f32 v3, v13  }
0x14a: {  	v3 =	vld.idx.msk [tilespmem:v14+s13+$0x0], $0xffff;
	v13 =	vor.u32 v43, v1  }
0x14b: {  	v14 =	vld.idx.msk [tilespmem:v5+s12+$0x0], $0xffff;
	v0 =	vadd.f32 v2, v0;
	v2 =	vmul.f32 v4, v15  }
0x14c: {  	v4 =	vld.idx.msk [tilespmem:v5+s13+$0x0], $0xffff;
	v5 =	vor.u32 v8, v1  }
0x14d: {  	v15 =	vld.idx.msk [tilespmem:v7+s12+$0x0], $0xffff;
	v0 =	vadd.f32 v2, v0;
	v2 =	vmul.f32 v6, v16  }
0x14e: {  	v6 =	vld.idx.msk [tilespmem:v7+s13+$0x0], $0xffff;
	v7 =	vor.u32 v41, v1  }
0x14f: {  	v16 =	vld.idx.msk [tilespmem:v13+s12+$0x0], $0xffff;
	v0 =	vadd.f32 v2, v0;
	v2 =	vmul.f32 v3, v17  }
0x150: {  	v3 =	vld.idx.msk [tilespmem:v13+s13+$0x0], $0xffff;
	v13 =	vor.u32 v11, v1  }
0x151: {  	v17 =	vld.idx.msk [tilespmem:v5+s12+$0x0], $0xffff;
	v0 =	vadd.f32 v2, v0;
	v2 =	vmul.f32 v4, v14  }
0x152: {  	v4 =	vld.idx.msk [tilespmem:v5+s13+$0x0], $0xffff;
	v5 =	vor.u32 v19, v1  }
0x153: {  	v36 =	vadd.s32 $0xD, v32;
	v14 =	vld.idx.msk [tilespmem:v7+s12+$0x0], $0xffff;
	v0 =	vadd.f32 v2, v0;
	v2 =	vmul.f32 v6, v15  }
0x154: {  	v6 =	vld.idx.msk [tilespmem:v7+s13+$0x0], $0xffff;
	v7 =	vor.u32 v36, v1  }
0x155: {  	v34 =	vadd.s32 $0xE, v32;
	v15 =	vld.idx.msk [tilespmem:v13+s12+$0x0], $0xffff;
	v0 =	vadd.f32 v2, v0;
	v2 =	vmul.f32 v3, v16  }
0x156: {  	v3 =	vld.idx.msk [tilespmem:v13+s13+$0x0], $0xffff;
	v13 =	vor.u32 v34, v1  }
0x157: {  	[tilespmem:$0x1FC60] =	vst v36;
	v36 =	vadd.s32 $0xF, v32;
	v16 =	vld.idx.msk [tilespmem:v5+s12+$0x0], $0xffff;
	v0 =	vadd.f32 v2, v0;
	v2 =	vmul.f32 v4, v17  }
0x158: {  	v4 =	vld.idx.msk [tilespmem:v5+s13+$0x0], $0xffff;
	v5 =	vor.u32 v36, v1  }
0x159: {  	v38 =	vor.u32 $0x10, v32;
	v17 =	vld.idx.msk [tilespmem:v7+s12+$0x0], $0xffff;
	v0 =	vadd.f32 v2, v0;
	v2 =	vmul.f32 v6, v14  }
0x15a: {  	v6 =	vld.idx.msk [tilespmem:v7+s13+$0x0], $0xffff;
	v7 =	vor.u32 v38, v1  }
0x15b: {  	v37 =	vadd.s32 $0x11, v32;
	v14 =	vld.idx.msk [tilespmem:v13+s12+$0x0], $0xffff;
	v0 =	vadd.f32 v2, v0;
	v2 =	vmul.f32 v3, v15  }
0x15c: {  	v3 =	vld.idx.msk [tilespmem:v13+s13+$0x0], $0xffff;
	v13 =	vor.u32 v37, v1  }
0x15d: {  	v39 =	vadd.s32 $0x12, v32;
	v15 =	vld.idx.msk [tilespmem:v5+s12+$0x0], $0xffff;
	v0 =	vadd.f32 v2, v0;
	v2 =	vmul.f32 v4, v16  }
0x15e: {  	v4 =	vld.idx.msk [tilespmem:v5+s13+$0x0], $0xffff;
	v5 =	vor.u32 v39, v1  }
0x15f: {  	v53 =	vadd.s32 $0x13, v32;
	v16 =	vld.idx.msk [tilespmem:v7+s12+$0x0], $0xffff;
	v0 =	vadd.f32 v2, v0;
	v2 =	vmul.f32 v6, v17  }
0x160: {  	v6 =	vld.idx.msk [tilespmem:v7+s13+$0x0], $0xffff;
	v7 =	vor.u32 v53, v1  }
0x161: {  	v44 =	vadd.s32 $0x14, v32;
	v17 =	vld.idx.msk [tilespmem:v13+s12+$0x0], $0xffff;
	v0 =	vadd.f32 v2, v0;
	v2 =	vmul.f32 v3, v14  }
0x162: {  	v3 =	vld.idx.msk [tilespmem:v13+s13+$0x0], $0xffff;
	v13 =	vor.u32 v44, v1  }
0x163: {  	v56 =	vadd.s32 $0x15, v32;
	v14 =	vld.idx.msk [tilespmem:v5+s12+$0x0], $0xffff;
	v0 =	vadd.f32 v2, v0;
	v2 =	vmul.f32 v4, v15  }
0x164: {  	v4 =	vld.idx.msk [tilespmem:v5+s13+$0x0], $0xffff;
	v5 =	vor.u32 v56, v1  }
0x165: {  	v62 =	vadd.s32 $0x16, v32;
	v15 =	vld.idx.msk [tilespmem:v7+s12+$0x0], $0xffff;
	v0 =	vadd.f32 v2, v0;
	v2 =	vmul.f32 v6, v16  }
0x166: {  	v6 =	vld.idx.msk [tilespmem:v7+s13+$0x0], $0xffff;
	v7 =	vor.u32 v62, v1  }
0x167: {  	v58 =	vadd.s32 $0x17, v32;
	v16 =	vld.idx.msk [tilespmem:v13+s12+$0x0], $0xffff;
	v0 =	vadd.f32 v2, v0;
	v2 =	vmul.f32 v3, v17  }
0x168: {  	v3 =	vld.idx.msk [tilespmem:v13+s13+$0x0], $0xffff;
	v13 =	vor.u32 v58, v1  }
0x169: {  	v54 =	vadd.s32 $0x18, v32;
	v17 =	vld.idx.msk [tilespmem:v5+s12+$0x0], $0xffff;
	v0 =	vadd.f32 v2, v0;
	v2 =	vmul.f32 v4, v14  }
0x16a: {  	v4 =	vld.idx.msk [tilespmem:v5+s13+$0x0], $0xffff;
	v5 =	vor.u32 v54, v1  }
0x16b: {  	v59 =	vadd.s32 $0x19, v32;
	v14 =	vld.idx.msk [tilespmem:v7+s12+$0x0], $0xffff;
	v0 =	vadd.f32 v2, v0;
	v2 =	vmul.f32 v6, v15  }
0x16c: {  	v6 =	vld.idx.msk [tilespmem:v7+s13+$0x0], $0xffff;
	v7 =	vor.u32 v59, v1  }
0x16d: {  	v50 =	vadd.s32 $0x1A, v32;
	v15 =	vld.idx.msk [tilespmem:v13+s12+$0x0], $0xffff;
	v0 =	vadd.f32 v2, v0;
	v2 =	vmul.f32 v3, v16  }
0x16e: {  	v3 =	vld.idx.msk [tilespmem:v13+s13+$0x0], $0xffff;
	v13 =	vor.u32 v50, v1  }
0x16f: {  	v61 =	vadd.s32 $0x1B, v32;
	v16 =	vld.idx.msk [tilespmem:v5+s12+$0x0], $0xffff;
	v0 =	vadd.f32 v2, v0;
	v2 =	vmul.f32 v4, v17  }
0x170: {  	v4 =	vld.idx.msk [tilespmem:v5+s13+$0x0], $0xffff;
	v5 =	vor.u32 v61, v1  }
0x171: {  	v49 =	vadd.s32 $0x1C, v32;
	v17 =	vld.idx.msk [tilespmem:v7+s12+$0x0], $0xffff;
	v0 =	vadd.f32 v2, v0;
	v2 =	vmul.f32 v6, v14  }
0x172: {  	v6 =	vld.idx.msk [tilespmem:v7+s13+$0x0], $0xffff;
	v7 =	vor.u32 v49, v1  }
0x173: {  	v46 =	vadd.s32 $0x1D, v32;
	v14 =	vld.idx.msk [tilespmem:v13+s12+$0x0], $0xffff;
	v0 =	vadd.f32 v2, v0;
	v2 =	vmul.f32 v3, v15  }
0x174: {  	v3 =	vld.idx.msk [tilespmem:v13+s13+$0x0], $0xffff;
	v13 =	vor.u32 v46, v1  }
0x175: {  	v63 =	vadd.s32 $0x1E, v32;
	v15 =	vld.idx.msk [tilespmem:v5+s12+$0x0], $0xffff;
	v0 =	vadd.f32 v2, v0;
	v2 =	vmul.f32 v4, v16  }
0x176: {  	v4 =	vld.idx.msk [tilespmem:v5+s13+$0x0], $0xffff;
	v5 =	vor.u32 v63, v1  }
0x177: {  	v42 =	vadd.s32 $0x1F, v32;
	v16 =	vld.idx.msk [tilespmem:v7+s12+$0x0], $0xffff;
	v0 =	vadd.f32 v2, v0;
	v2 =	vmul.f32 v6, v17  }
0x178: {  	v6 =	vld.idx.msk [tilespmem:v7+s13+$0x0], $0xffff;
	v7 =	vor.u32 v42, v1  }
0x179: {  	v60 =	vor.u32 $0x20, v32;
	v17 =	vld.idx.msk [tilespmem:v13+s12+$0x0], $0xffff;
	v0 =	vadd.f32 v2, v0;
	v2 =	vmul.f32 v3, v14  }
0x17a: {  	v3 =	vld.idx.msk [tilespmem:v13+s13+$0x0], $0xffff;
	v13 =	vor.u32 v60, v1  }
0x17b: {  	v45 =	vadd.s32 $0x21, v32;
	v14 =	vld.idx.msk [tilespmem:v5+s12+$0x0], $0xffff;
	v0 =	vadd.f32 v2, v0;
	v2 =	vmul.f32 v4, v15  }
0x17c: {  	v4 =	vld.idx.msk [tilespmem:v5+s13+$0x0], $0xffff;
	v5 =	vor.u32 v45, v1  }
0x17d: {  	v55 =	vadd.s32 $0x22, v32;
	v15 =	vld.idx.msk [tilespmem:v7+s12+$0x0], $0xffff;
	v0 =	vadd.f32 v2, v0;
	v2 =	vmul.f32 v6, v16  }
0x17e: {  	v6 =	vld.idx.msk [tilespmem:v7+s13+$0x0], $0xffff;
	v7 =	vor.u32 v55, v1  }
0x17f: {  	v43 =	vadd.s32 $0x23, v32;
	v16 =	vld.idx.msk [tilespmem:v13+s12+$0x0], $0xffff;
	v0 =	vadd.f32 v2, v0;
	v2 =	vmul.f32 v3, v17  }
0x180: {  	v3 =	vld.idx.msk [tilespmem:v13+s13+$0x0], $0xffff;
	v13 =	vor.u32 v43, v1  }
0x181: {  	v57 =	vadd.s32 $0x24, v32;
	v17 =	vld.idx.msk [tilespmem:v5+s12+$0x0], $0xffff;
	v0 =	vadd.f32 v2, v0;
	v2 =	vmul.f32 v4, v14  }
0x182: {  	v4 =	vld.idx.msk [tilespmem:v5+s13+$0x0], $0xffff;
	v5 =	vor.u32 v57, v1  }
0x183: {  	[tilespmem:$0x1FC90] =	vst v39;
	v39 =	vadd.s32 $0x25, v32;
	v14 =	vld.idx.msk [tilespmem:v7+s12+$0x0], $0xffff;
	v0 =	vadd.f32 v2, v0;
	v2 =	vmul.f32 v6, v15  }
0x184: {  	v6 =	vld.idx.msk [tilespmem:v7+s13+$0x0], $0xffff;
	v7 =	vor.u32 v39, v1  }
0x185: {  	[tilespmem:$0x1FC80] =	vst v37;
	v37 =	vadd.s32 $0x26, v32;
	v15 =	vld.idx.msk [tilespmem:v13+s12+$0x0], $0xffff;
	v0 =	vadd.f32 v2, v0;
	v2 =	vmul.f32 v3, v16  }
0x186: {  	v30 =	vmov v19;
	v19 =	vor.u32 v37, v1;
	v3 =	vld.idx.msk [tilespmem:v13+s13+$0x0], $0xffff  }
0x187: {  	v48 =	vadd.s32 $0x27, v32;
	v16 =	vld.idx.msk [tilespmem:v5+s12+$0x0], $0xffff;
	v0 =	vadd.f32 v2, v0;
	v2 =	vmul.f32 v4, v17  }
0x188: {  	v4 =	vld.idx.msk [tilespmem:v5+s13+$0x0], $0xffff;
	v5 =	vor.u32 v48, v1  }
0x189: {  	v35 =	vadd.s32 $0x28, v32;
	v17 =	vld.idx.msk [tilespmem:v7+s12+$0x0], $0xffff;
	v0 =	vadd.f32 v2, v0;
	v2 =	vmul.f32 v6, v14  }
0x18a: {  	v6 =	vld.idx.msk [tilespmem:v7+s13+$0x0], $0xffff;
	v7 =	vor.u32 v35, v1  }
0x18b: {  	v52 =	vadd.s32 $0x29, v32;
	v14 =	vld.idx.msk [tilespmem:v19+s12+$0x0], $0xffff;
	v0 =	vadd.f32 v2, v0;
	v2 =	vmul.f32 v3, v15  }
0x18c: {  	v3 =	vld.idx.msk [tilespmem:v19+s13+$0x0], $0xffff;
	v19 =	vor.u32 v52, v1  }
0x18d: {  	v20 =	vld.idx.msk [tilespmem:v5+s12+$0x0], $0xffff;
	v0 =	vadd.f32 v2, v0;
	v2 =	vmul.f32 v4, v16  }
0x18e: {  	v4 =	vld.idx.msk [tilespmem:v5+s13+$0x0], $0xffff  }
0x18f: {  	v29 =	vadd.s32 $0x2A, v32;
	v16 =	vld.idx.msk [tilespmem:v7+s12+$0x0], $0xffff;
	v0 =	vadd.f32 v2, v0;
	v2 =	vmul.f32 v6, v17  }
0x190: {  	v5 =	vor.u32 v29, v1;
	v6 =	vld.idx.msk [tilespmem:v7+s13+$0x0], $0xffff  }
0x191: {  	v25 =	vld.idx.msk [tilespmem:v19+s12+$0x0], $0xffff;
	v0 =	vadd.f32 v2, v0;
	v2 =	vmul.f32 v3, v14  }
0x192: {  	v28 =	vadd.s32 $0x2B, v32;
	v3 =	vld.idx.msk [tilespmem:v19+s13+$0x0], $0xffff  }
0x193: {  	v7 =	vor.u32 v28, v1;
	v0 =	vadd.f32 v2, v0;
	v2 =	vmul.f32 v4, v20  }
0x194: {  	v27 =	vadd.s32 $0x2C, v32;
	v19 =	vld [tilespmem:$0x1FE00]  }
0x195: {  	v14 =	vor.u32 v27, v1;
	v22 =	vld.idx.msk [tilespmem:v5+s12+$0x0], $0xffff;
	v0 =	vadd.f32 v2, v0;
	v2 =	vmul.f32 v6, v16  }
0x196: {  	v4 =	vld.idx.msk [tilespmem:v5+s13+$0x0], $0xffff  }
0x197: {  	v17 =	vadd.s32 $0x2D, v32;
	v0 =	vadd.f32 v2, v0;
	v2 =	vmul.f32 v3, v25;
	v3 =	vld [tilespmem:$0x1FE90]  }
0x198: {  	v5 =	vor.u32 v17, v1;
	v21 =	vld.idx.msk [tilespmem:v7+s12+$0x0], $0xffff  }
0x199: {  	v6 =	vld.idx.msk [tilespmem:v7+s13+$0x0], $0xffff  }
0x19a: {  	v16 =	vld.idx.msk [tilespmem:v14+s12+$0x0], $0xffff  }
0x19b: {  	vm1 =	vcmask $0x1F10;
	v41 =	vadd.s32 $0x2E, v32;
	v14 =	vld.idx.msk [tilespmem:v14+s13+$0x0], $0xffff  }
0x19c: {  	v12 =	vmov v40;
	v7 =	vor.u32 v41, v1;
	v40 =	vsel vm1, v3, v19;
	v3 =	vld [tilespmem:$0x1FDF0]  }
0x19d: {  	v31 =	vld.idx.msk [tilespmem:v5+s12+$0x0], $0xffff;
	v0 =	vadd.f32 v2, v0;
	v2 =	vmul.f32 v4, v22  }
0x19e: {  	v4 =	vld.idx.msk [tilespmem:v5+s13+$0x0], $0xffff  }
0x19f: {  	v0 =	vadd.f32 v2, v0;
	v2 =	vmul.f32 v6, v21  }
0x1a0: {  	v20 =	vld [tilespmem:$0x1FE30]  }
0x1a1: {  	v13 =	vld.idx.msk [tilespmem:v7+s12+$0x0], $0xffff;
	v0 =	vadd.f32 v2, v0;
	v2 =	vmul.f32 v14, v16;
	v26 =	vcombine.low v3, v40  }
0x1a2: {  	v6 =	vld.idx.msk [tilespmem:v7+s13+$0x0], $0xffff  }
0x1a3: {  	v0 =	vadd.f32 v2, v0;
	v2 =	vmul.f32 v4, v31;
	v4 =	vld [tilespmem:$0x1FDE0];
	v7 =	vor.u32 v26, v1  }
0x1a4: {  	v3 =	vld [tilespmem:$0x1FEB0];
	_ =	sdelay $0x3  }
0x1a5: {  	v19 =	vsel vm1, v19, v4;
	v4 =	vld.idx.msk [tilespmem:v7+s12+$0x0], $0xffff  }
0x1a6: {  	v8 =	vsel vm1, v3, v20;
	v3 =	vld [tilespmem:$0x1FE20]  }
0x1a7: {  	v24 =	vadd.s32 $0x2F, v32  }
0x1a8: {  	[tilespmem:$0x1FCF0] =	vst v41;
	v41 =	vor.u32 v24, v1  }
0x1a9: {  	v21 =	vld [tilespmem:$0x1FE60]  }
0x1aa: {  	[tilespmem:$0x1FC50] =	vst v4;
	v4 =	vld [tilespmem:$0x1FEA0]  }
0x1ab: {  	v25 =	vor.u32 $0x30, v32;
	v32 =	vcombine.low v3, v8;
	v3 =	vld [tilespmem:$0x1FED0]  }
0x1ac: {  	v0 =	vadd.f32 v2, v0;
	v2 =	vmul.f32 v6, v13  }
0x1ad: {  	v16 =	vld.idx.msk [tilespmem:v41+s13+$0x0], $0xffff  }
0x1ae: {  	v0 =	vadd.f32 v2, v0;
	v2 =	vld [tilespmem:$0x1FEC0]  }
0x1af: {  	v11 =	vcombine.low v19, v4;
	v4 =	vld [tilespmem:$0x1FE10]  }
0x1b0: {  	v9 =	vsel vm1, v3, v21;
	v3 =	vld.idx.msk [tilespmem:v41+s12+$0x0], $0xffff;
	_ =	sdelay $0x3  }
0x1b1: {  	v4 =	vsel vm1, v20, v4  }
0x1b2: {  	v3 =	vmul.f32 v16, v3;
	v16 =	vcombine.low v4, v2;
	v2 =	vld [tilespmem:$0x1FE40];
	_ =	sdelay $0x1  }
0x1b3: {  	v5 =	vor.u32 v25, v1  }
0x1b4: {  	v14 =	vld [tilespmem:$0x1FE50];
	_ =	sdelay $0x1  }
0x1b5: {  	v21 =	vsel vm1, v21, v2;
	v2 =	vld [tilespmem:$0x1FEE0];
	_ =	sdelay $0x1  }
0x1b6: {  	v31 =	vld.idx.msk [tilespmem:v5+s13+$0x0], $0xffff  }
0x1b7: {  	v15 =	vcombine.low v14, v9;
	v14 =	vmov v25;
	v25 =	vld.idx.msk [tilespmem:v5+s12+$0x0], $0xffff  }
0x1b8: {  	v19 =	vld [tilespmem:$0x1FE80]  }
0x1b9: {  	[tilespmem:$0x1FD30] =	vst v11;
	v4 =	vor.u32 v11, v1;
	v11 =	vcombine.low v21, v2;
	v2 =	vld [tilespmem:$0x1FE70]  }
0x1ba: {  	v41 =	vor.u32 v32, v1  }
0x1bb: {  	[tilespmem:$0x1FD20] =	vst v15;
	v5 =	vor.u32 v15, v1;
	v15 =	vld [tilespmem:$0x1FFF0];
	_ =	sdelay $0x1  }
0x1bc: {  	v6 =	vld.idx.msk [tilespmem:v7+s13+$0x0], $0xffff  }
0x1bd: {  	v0 =	vadd.f32 v3, v0;
	v3 =	vmul.f32 v31, v25;
	v25 =	vsel vm1, v2, v19;
	v2 =	vld [tilespmem:$0x1FC50]  }
0x1be: {  	[tilespmem:$0x1FD10] =	vst v32;
	v32 =	vld.idx.msk [tilespmem:v41+s13+$0x0], $0xffff  }
0x1bf: {  	v20 =	vld.idx.msk [tilespmem:v41+s12+$0x0], $0xffff;
	v7 =	vor.u32 v15, v1  }
0x1c0: {  	v41 =	vld.idx.msk [tilespmem:v5+s12+$0x0], $0xffff  }
0x1c1: {  	v31 =	vld.idx.msk [tilespmem:v5+s13+$0x0], $0xffff  }
0x1c2: {  	v6 =	vmul.f32 v6, v2;
	v2 =	vld [tilespmem:$0x1FEF0]  }
0x1c3: {  	v0 =	vadd.f32 v3, v0;
	v3 =	vld [tilespmem:$0x1FF00]  }
0x1c4: {  	v5 =	vor.u32 v16, v1;
	v19 =	vld.idx.msk [tilespmem:v7+s12+$0x0], $0xffff  }
0x1c5: {  	v7 =	vld.idx.msk [tilespmem:v7+s13+$0x0], $0xffff  }
0x1c6: {  	v6 =	vadd.f32 v6, v0;
	v0 =	vmul.f32 v32, v20;
	v20 =	vld.idx.msk [tilespmem:v4+s13+$0x0], $0xffff  }
0x1c7: {  	[tilespmem:$0x1FD40] =	vst v16;
	v16 =	vcombine.low v25, v2;
	v25 =	vld.idx.msk [tilespmem:v4+s12+$0x0], $0xffff  }
0x1c8: {  	v2 =	vor.u32 v11, v1;
	v4 =	vld [tilespmem:$0x1FF10]  }
0x1c9: {  	v6 =	vadd.f32 v0, v6;
	v0 =	vmul.f32 v31, v41;
	v31 =	vld.idx.msk [tilespmem:v5+s13+$0x0], $0xffff  }
0x1ca: {  	v41 =	vld [tilespmem:$0x1FDC0]  }
0x1cb: {  	v6 =	vadd.f32 v0, v6;
	v0 =	vld [tilespmem:$0x1FF20]  }
0x1cc: {  	v40 =	vcombine.low v40, v3;
	[tilespmem:$0x1FD60] =	vst v16;
	v3 =	vor.u32 v16, v1;
	v16 =	vld.idx.msk [tilespmem:v5+s12+$0x0], $0xffff  }
0x1cd: {  	v21 =	vcombine.low v8, v4;
	v8 =	vld.idx.msk [tilespmem:v2+s12+$0x0], $0xffff  }
0x1ce: {  	[tilespmem:$0x1FD50] =	vst v11;
	v4 =	vor.u32 v40, v1;
	v11 =	vld.idx.msk [tilespmem:v2+s13+$0x0], $0xffff  }
0x1cf: {  	[tilespmem:$0x1FD70] =	vst v40;
	v7 =	vmul.f32 v7, v19;
	v40 =	vld [tilespmem:$0x1FDB0]  }
0x1d0: {  	v5 =	vmul.f32 v20, v25;
	v20 =	vld [tilespmem:$0x1FFD0]  }
0x1d1: {  	v6 =	vadd.f32 v7, v6;
	v32 =	vcombine.low v9, v0;
	v2 =	vor.u32 v21, v1;
	v0 =	vld.idx.msk [tilespmem:v3+s12+$0x0], $0xffff  }
0x1d2: {  	v19 =	vld.idx.msk [tilespmem:v3+s13+$0x0], $0xffff  }
0x1d3: {  	v6 =	vadd.f32 v5, v6;
	v5 =	vmul.f32 v31, v16;
	v3 =	vor.u32 v32, v1;
	v9 =	vld.idx.msk [tilespmem:v4+s12+$0x0], $0xffff  }
0x1d4: {  	v25 =	vld.idx.msk [tilespmem:v4+s13+$0x0], $0xffff  }
0x1d5: {  	v7 =	vadd.f32 v5, v6;
	v4 =	vor.u32 v40, v1;
	v6 =	vmul.f32 v11, v8;
	v11 =	vld [tilespmem:$0x1FDD0]  }
0x1d6: {  	v16 =	vld.idx.msk [tilespmem:v2+s12+$0x0], $0xffff  }
0x1d7: {  	v5 =	vor.u32 v41, v1;
	v31 =	vld.idx.msk [tilespmem:v2+s13+$0x0], $0xffff  }
0x1d8: {  	v6 =	vadd.f32 v6, v7;
	v7 =	vmul.f32 v19, v0;
	v8 =	vld.idx.msk [tilespmem:v3+s12+$0x0], $0xffff  }
0x1d9: {  	v2 =	vor.u32 v20, v1;
	v19 =	vld.idx.msk [tilespmem:v3+s13+$0x0], $0xffff  }
0x1da: {  	v6 =	vadd.f32 v7, v6;
	v7 =	vld.idx.msk [tilespmem:v4+s12+$0x0], $0xffff;
	v3 =	vmul.f32 v25, v9  }
0x1db: {  	v4 =	vld.idx.msk [tilespmem:v4+s13+$0x0], $0xffff;
	v1 =	vor.u32 v11, v1  }
0x1dc: {  	v9 =	vld.idx.msk [tilespmem:v5+s12+$0x0], $0xffff;
	v3 =	vadd.f32 v3, v6;
	v6 =	vmul.f32 v31, v16  }
0x1dd: {  	v5 =	vld.idx.msk [tilespmem:v5+s13+$0x0], $0xffff  }
0x1de: {  	v16 =	vld.idx.msk [tilespmem:v2+s12+$0x0], $0xffff;
	v3 =	vadd.f32 v6, v3;
	v6 =	vmul.f32 v19, v8  }
0x1df: {  	v2 =	vld.idx.msk [tilespmem:v2+s13+$0x0], $0xffff  }
0x1e0: {  	v8 =	vld.idx.msk [tilespmem:v1+s12+$0x0], $0xffff;
	v4 =	vmul.f32 v4, v7;
	v3 =	vadd.f32 v6, v3  }
0x1e1: {  	v6 =	vld.idx.msk [tilespmem:v1+s13+$0x0], $0xffff  }
0x1e2: {  	s30 =	simm.s32 $0x10;
	v1 =	vadd.f32 v4, v3;
	v3 =	vmul.f32 v5, v9  }
0x1e3: {  	v4 =	vmov s30  }
0x1e4: {  	v2 =	vmul.f32 v2, v16;
	v4 =	vshll.u32 v4, $0x7;
	v3 =	vadd.f32 v3, v1  }
0x1e5: {  	v13 =	vlaneseq.u32;
	v1 =	vor.u32 v23, v4  }
0x1e6: {  	v4 =	vor.u32 v13, v1;
	v2 =	vadd.f32 v2, v3;
	v3 =	vmul.f32 v6, v8;
	_ =	sdelay $0x1  }
0x1e7: {  	v5 =	vor.u32 v18, v1;
	v2 =	vadd.f32 v3, v2  }
0x1e8: {  	s16 =	simm.s32 $0x10400  }
0x1e9: {  	v3 =	vor.u32 v10, v1;
	[tilespmem:s16+$0x0] =	vst v2  }
0x1ea: {  	v7 =	vld.idx.msk [tilespmem:v4+s13+$0x0], $0xffff  }
0x1eb: {  	v4 =	vld.idx.msk [tilespmem:v4+s12+$0x0], $0xffff  }
0x1ec: {  	v6 =	vor.u32 v12, v1;
	v16 =	vld.idx.msk [tilespmem:v5+s12+$0x0], $0xffff  }
0x1ed: {  	v5 =	vld.idx.msk [tilespmem:v5+s13+$0x0], $0xffff  }
0x1ee: {  	v2 =	vor.u32 v33, v1;
	v10 =	vld.idx.msk [tilespmem:v3+s12+$0x0], $0xffff  }
0x1ef: {  	v19 =	vld.idx.msk [tilespmem:v3+s13+$0x0], $0xffff  }
0x1f0: {  	v22 =	vmov v47;
	v47 =	vld [tilespmem:$0x1FF80];
	v4 =	vmul.f32 v7, v4  }
0x1f1: {  	v8 =	vmov v12;
	v12 =	vld.idx.msk [tilespmem:v6+s12+$0x0], $0xffff  }
0x1f2: {  	v6 =	vld.idx.msk [tilespmem:v6+s13+$0x0], $0xffff;
	v5 =	vmul.f32 v5, v16;
	v4 =	vadd.f32 $0.0e+00, v4  }
0x1f3: {  	v3 =	vor.u32 v51, v1;
	v13 =	vld.idx.msk [tilespmem:v2+s12+$0x0], $0xffff  }
0x1f4: {  	v5 =	vadd.f32 v5, v4;
	v4 =	vmul.f32 v19, v10;
	v10 =	vld [tilespmem:$0x1FF90]  }
0x1f5: {  	v23 =	vld.idx.msk [tilespmem:v2+s13+$0x0], $0xffff;
	v2 =	vor.u32 v47, v1  }
0x1f6: {  	v7 =	vor.u32 v22, v1  }
0x1f7: {  	v6 =	vmul.f32 v6, v12;
	v12 =	vld [tilespmem:$0x1FFA0]  }
0x1f8: {  	v16 =	vld.idx.msk [tilespmem:v3+s12+$0x0], $0xffff  }
0x1f9: {  	v25 =	vld.idx.msk [tilespmem:v3+s13+$0x0], $0xffff;
	v3 =	vor.u32 v10, v1  }
0x1fa: {  	v18 =	vmov v22;
	v22 =	vld.idx.msk [tilespmem:v2+s12+$0x0], $0xffff;
	v5 =	vadd.f32 v4, v5  }
0x1fb: {  	v19 =	vld.idx.msk [tilespmem:v7+s12+$0x0], $0xffff  }
0x1fc: {  	v6 =	vadd.f32 v6, v5;
	v5 =	vmul.f32 v23, v13;
	v23 =	vld.idx.msk [tilespmem:v2+s13+$0x0], $0xffff  }
0x1fd: {  	v2 =	vld [tilespmem:$0x1FFB0]  }
0x1fe: {  	v13 =	vld.idx.msk [tilespmem:v3+s12+$0x0], $0xffff  }
0x1ff: {  	v6 =	vadd.f32 v5, v6;
	v5 =	vmul.f32 v25, v16;
	v25 =	vld.idx.msk [tilespmem:v3+s13+$0x0], $0xffff  }
0x200: {  	v3 =	vld [tilespmem:$0x1FFC0]  }
0x201: {  	v7 =	vld.idx.msk [tilespmem:v7+s13+$0x0], $0xffff;
	v4 =	vor.u32 v12, v1;
	_ =	sdelay $0x1  }
0x202: {  	v2 =	vor.u32 v2, v1;
	_ =	sdelay $0x1  }
0x203: {  	v0 =	vld [tilespmem:$0x1FC60];
	v3 =	vor.u32 v3, v1  }
0x204: {  	v7 =	vmul.f32 v7, v19;
	v16 =	vld.idx.msk [tilespmem:v4+s12+$0x0], $0xffff;
	v5 =	vadd.f32 v5, v6  }
0x205: {  	v31 =	vld.idx.msk [tilespmem:v4+s13+$0x0], $0xffff  }
0x206: {  	v6 =	vadd.f32 v7, v5;
	v5 =	vmul.f32 v23, v22;
	v19 =	vld.idx.msk [tilespmem:v2+s12+$0x0], $0xffff  }
0x207: {  	v4 =	vor.u32 v30, v1;
	v7 =	vld.idx.msk [tilespmem:v2+s13+$0x0], $0xffff  }
0x208: {  	v6 =	vadd.f32 v5, v6;
	v2 =	vor.u32 v0, v1;
	v5 =	vmul.f32 v25, v13;
	v0 =	vld.idx.msk [tilespmem:v3+s12+$0x0], $0xffff  }
0x209: {  	v22 =	vld.idx.msk [tilespmem:v3+s13+$0x0], $0xffff  }
0x20a: {  	v6 =	vadd.f32 v5, v6;
	v5 =	vmul.f32 v31, v16;
	_ =	sdelay $0x1  }
0x20b: {  	v23 =	vld.idx.msk [tilespmem:v4+s13+$0x0], $0xffff;
	v5 =	vadd.f32 v5, v6;
	v7 =	vmul.f32 v7, v19;
	v3 =	vor.u32 v34, v1  }
0x20c: {  	v13 =	vld.idx.msk [tilespmem:v4+s12+$0x0], $0xffff  }
0x20d: {  	v6 =	vadd.f32 v7, v5;
	v5 =	vmul.f32 v22, v0;
	v0 =	vld [tilespmem:$0x1FC80]  }
0x20e: {  	v16 =	vld.idx.msk [tilespmem:v2+s12+$0x0], $0xffff  }
0x20f: {  	v25 =	vld.idx.msk [tilespmem:v2+s13+$0x0], $0xffff  }
0x210: {  	v19 =	vld.idx.msk [tilespmem:v3+s12+$0x0], $0xffff  }
0x211: {  	[tilespmem:$0x1FC70] =	vst v34;
	v4 =	vor.u32 v36, v1;
	v7 =	vld.idx.msk [tilespmem:v3+s13+$0x0], $0xffff  }
0x212: {  	v2 =	vor.u32 v38, v1;
	v34 =	vmovc v36;
	v36 =	vmovc v38;
	v38 =	vmov v0;
	v3 =	vor.u32 v0, v1;
	v0 =	vld [tilespmem:$0x1FC90];
	_ =	sdelay $0x3  }
0x213: {  	v22 =	vld.idx.msk [tilespmem:v4+s12+$0x0], $0xffff;
	v6 =	vadd.f32 v5, v6;
	v5 =	vmul.f32 v23, v13  }
0x214: {  	v23 =	vld.idx.msk [tilespmem:v4+s13+$0x0], $0xffff;
	v4 =	vor.u32 v0, v1  }
0x215: {  	v6 =	vadd.f32 v5, v6;
	v5 =	vmul.f32 v25, v16;
	v25 =	vld.idx.msk [tilespmem:v2+s13+$0x0], $0xffff  }
0x216: {  	v0 =	vld.idx.msk [tilespmem:v2+s12+$0x0], $0xffff;
	v2 =	vor.u32 v53, v1  }
0x217: {  	v13 =	vld.idx.msk [tilespmem:v3+s12+$0x0], $0xffff  }
0x218: {  	v7 =	vmul.f32 v7, v19;
	v5 =	vadd.f32 v5, v6;
	v31 =	vld.idx.msk [tilespmem:v3+s13+$0x0], $0xffff;
	v3 =	vor.u32 v44, v1  }
0x219: {  	v16 =	vld.idx.msk [tilespmem:v4+s12+$0x0], $0xffff  }
0x21a: {  	v6 =	vadd.f32 v7, v5;
	v5 =	vmul.f32 v23, v22;
	v7 =	vld.idx.msk [tilespmem:v4+s13+$0x0], $0xffff;
	v4 =	vor.u32 v56, v1  }
0x21b: {  	v19 =	vld.idx.msk [tilespmem:v2+s12+$0x0], $0xffff  }
0x21c: {  	v6 =	vadd.f32 v5, v6;
	v5 =	vmul.f32 v25, v0;
	v23 =	vld.idx.msk [tilespmem:v2+s13+$0x0], $0xffff;
	v2 =	vor.u32 v62, v1  }
0x21d: {  	v0 =	vld.idx.msk [tilespmem:v3+s12+$0x0], $0xffff  }
0x21e: {  	v25 =	vld.idx.msk [tilespmem:v3+s13+$0x0], $0xffff;
	v3 =	vor.u32 v58, v1;
	v6 =	vadd.f32 v5, v6;
	v5 =	vmul.f32 v31, v13  }
0x21f: {  	v13 =	vld.idx.msk [tilespmem:v4+s12+$0x0], $0xffff  }
0x220: {  	v5 =	vadd.f32 v5, v6;
	v7 =	vmul.f32 v7, v16;
	v31 =	vld.idx.msk [tilespmem:v4+s13+$0x0], $0xffff;
	v4 =	vor.u32 v54, v1  }
0x221: {  	v16 =	vld.idx.msk [tilespmem:v2+s12+$0x0], $0xffff  }
0x222: {  	v6 =	vadd.f32 v7, v5;
	v5 =	vmul.f32 v23, v19;
	v7 =	vld.idx.msk [tilespmem:v2+s13+$0x0], $0xffff;
	v2 =	vor.u32 v59, v1  }
0x223: {  	v19 =	vld.idx.msk [tilespmem:v3+s12+$0x0], $0xffff  }
0x224: {  	v23 =	vld.idx.msk [tilespmem:v3+s13+$0x0], $0xffff;
	v3 =	vor.u32 v50, v1;
	v6 =	vadd.f32 v5, v6;
	v5 =	vmul.f32 v25, v0  }
0x225: {  	v0 =	vld.idx.msk [tilespmem:v4+s12+$0x0], $0xffff  }
0x226: {  	v25 =	vld.idx.msk [tilespmem:v4+s13+$0x0], $0xffff;
	v4 =	vor.u32 v61, v1;
	v6 =	vadd.f32 v5, v6;
	v5 =	vmul.f32 v31, v13  }
0x227: {  	v13 =	vld.idx.msk [tilespmem:v2+s12+$0x0], $0xffff  }
0x228: {  	v7 =	vmul.f32 v7, v16;
	v31 =	vld.idx.msk [tilespmem:v2+s13+$0x0], $0xffff;
	v2 =	vor.u32 v49, v1;
	v5 =	vadd.f32 v5, v6  }
0x229: {  	v16 =	vld.idx.msk [tilespmem:v3+s12+$0x0], $0xffff  }
0x22a: {  	v6 =	vadd.f32 v7, v5;
	v5 =	vmul.f32 v23, v19;
	v7 =	vld.idx.msk [tilespmem:v3+s13+$0x0], $0xffff;
	v3 =	vor.u32 v46, v1  }
0x22b: {  	v9 =	vmov v33;
	v33 =	vmov v49;
	v23 =	vld.idx.msk [tilespmem:v4+s12+$0x0], $0xffff  }
0x22c: {  	v49 =	vld.idx.msk [tilespmem:v4+s13+$0x0], $0xffff;
	v4 =	vor.u32 v63, v1;
	v6 =	vadd.f32 v5, v6;
	v5 =	vmul.f32 v25, v0  }
0x22d: {  	v0 =	vld.idx.msk [tilespmem:v2+s12+$0x0], $0xffff  }
0x22e: {  	v6 =	vadd.f32 v5, v6;
	v5 =	vmul.f32 v31, v13;
	v31 =	vld.idx.msk [tilespmem:v2+s13+$0x0], $0xffff;
	v2 =	vor.u32 v42, v1  }
0x22f: {  	[tilespmem:$0x1FCC0] =	vst v56;
	v56 =	vmov v50;
	v13 =	vld.idx.msk [tilespmem:v3+s12+$0x0], $0xffff  }
0x230: {  	v7 =	vmul.f32 v7, v16;
	v50 =	vld.idx.msk [tilespmem:v3+s13+$0x0], $0xffff;
	v3 =	vor.u32 v60, v1;
	v5 =	vadd.f32 v5, v6  }
0x231: {  	v25 =	vld.idx.msk [tilespmem:v4+s12+$0x0], $0xffff  }
0x232: {  	v6 =	vadd.f32 v7, v5;
	v5 =	vmul.f32 v49, v23;
	v7 =	vld.idx.msk [tilespmem:v4+s13+$0x0], $0xffff  }
0x233: {  	v4 =	vor.u32 v45, v1;
	v23 =	vld.idx.msk [tilespmem:v2+s12+$0x0], $0xffff  }
0x234: {  	v6 =	vadd.f32 v5, v6;
	v5 =	vmul.f32 v31, v0;
	v31 =	vld.idx.msk [tilespmem:v2+s13+$0x0], $0xffff  }
0x235: {  	v2 =	vor.u32 v55, v1;
	v0 =	vld.idx.msk [tilespmem:v3+s12+$0x0], $0xffff  }
0x236: {  	v22 =	vmov v54;
	v54 =	vmov v59;
	v59 =	vld.idx.msk [tilespmem:v3+s13+$0x0], $0xffff;
	v3 =	vor.u32 v43, v1;
	_ =	sdelay $0x1  }
0x237: {  	v6 =	vadd.f32 v5, v6;
	v5 =	vmul.f32 v50, v13;
	v13 =	vld.idx.msk [tilespmem:v4+s12+$0x0], $0xffff  }
0x238: {  	v49 =	vld.idx.msk [tilespmem:v4+s13+$0x0], $0xffff;
	v4 =	vor.u32 v57, v1  }
0x239: {  	v7 =	vmul.f32 v7, v25;
	v5 =	vadd.f32 v5, v6;
	v50 =	vld.idx.msk [tilespmem:v2+s12+$0x0], $0xffff  }
0x23a: {  	[tilespmem:$0x1FCB0] =	vst v44;
	v44 =	vmov v62;
	v62 =	vmov v61;
	v61 =	vld.idx.msk [tilespmem:v3+s13+$0x0], $0xffff  }
0x23b: {  	v6 =	vadd.f32 v7, v5;
	v5 =	vmul.f32 v31, v23;
	v7 =	vld.idx.msk [tilespmem:v2+s13+$0x0], $0xffff;
	v2 =	vor.u32 v39, v1  }
0x23c: {  	v23 =	vld.idx.msk [tilespmem:v3+s12+$0x0], $0xffff  }
0x23d: {  	v3 =	vor.u32 v37, v1;
	v6 =	vadd.f32 v5, v6;
	v5 =	vmul.f32 v59, v0;
	v0 =	vld.idx.msk [tilespmem:v4+s12+$0x0], $0xffff  }
0x23e: {  	v19 =	vmov v63;
	v63 =	vld.idx.msk [tilespmem:v4+s13+$0x0], $0xffff;
	v4 =	vor.u32 v48, v1;
	_ =	sdelay $0x1  }
0x23f: {  	v6 =	vadd.f32 v5, v6;
	v5 =	vmul.f32 v49, v13;
	v13 =	vld.idx.msk [tilespmem:v2+s12+$0x0], $0xffff  }
0x240: {  	v25 =	vmov v57;
	v57 =	vmov v48;
	v48 =	vld.idx.msk [tilespmem:v2+s13+$0x0], $0xffff;
	v2 =	vor.u32 v35, v1  }
0x241: {  	v7 =	vmul.f32 v7, v50;
	v49 =	vld.idx.msk [tilespmem:v3+s12+$0x0], $0xffff;
	v5 =	vadd.f32 v5, v6  }
0x242: {  	v50 =	vld.idx.msk [tilespmem:v4+s13+$0x0], $0xffff  }
0x243: {  	v6 =	vadd.f32 v7, v5;
	v5 =	vmul.f32 v61, v23;
	v7 =	vld.idx.msk [tilespmem:v3+s13+$0x0], $0xffff;
	v3 =	vor.u32 v52, v1  }
0x244: {  	v23 =	vld.idx.msk [tilespmem:v4+s12+$0x0], $0xffff;
	v4 =	vor.u32 v29, v1  }
0x245: {  	v6 =	vadd.f32 v5, v6;
	v5 =	vmul.f32 v63, v0;
	v0 =	vmov v29;
	v29 =	vld.idx.msk [tilespmem:v2+s12+$0x0], $0xffff  }
0x246: {  	v59 =	vmov v52;
	v52 =	vld.idx.msk [tilespmem:v2+s13+$0x0], $0xffff;
	v2 =	vor.u32 v28, v1;
	_ =	sdelay $0x1  }
0x247: {  	v61 =	vmov v28;
	v6 =	vadd.f32 v5, v6;
	v5 =	vmul.f32 v48, v13;
	v28 =	vld.idx.msk [tilespmem:v3+s12+$0x0], $0xffff  }
0x248: {  	[tilespmem:$0x1FCA0] =	vst v53;
	v53 =	vmov v58;
	v58 =	vmov v45;
	v13 =	vmov v27;
	v45 =	vld.idx.msk [tilespmem:v3+s13+$0x0], $0xffff  }
0x249: {  	v7 =	vmul.f32 v7, v49;
	v3 =	vor.u32 v27, v1;
	v27 =	vld.idx.msk [tilespmem:v4+s12+$0x0], $0xffff;
	v5 =	vadd.f32 v5, v6  }
0x24a: {  	[tilespmem:$0x1FCD0] =	vst v46;
	v46 =	vld.idx.msk [tilespmem:v2+s13+$0x0], $0xffff  }
0x24b: {  	v6 =	vadd.f32 v7, v5;
	v7 =	vld.idx.msk [tilespmem:v4+s13+$0x0], $0xffff  }
0x24c: {  	v5 =	vmul.f32 v50, v23;
	v23 =	vld.idx.msk [tilespmem:v2+s12+$0x0], $0xffff  }
0x24d: {  	v4 =	vor.u32 v17, v1;
	v2 =	vld [tilespmem:$0x1FCF0]  }
0x24e: {  	v6 =	vadd.f32 v5, v6;
	v5 =	vmul.f32 v52, v29;
	v29 =	vld.idx.msk [tilespmem:v3+s12+$0x0], $0xffff  }
0x24f: {  	v51 =	vmov v47;
	v47 =	vld.idx.msk [tilespmem:v3+s13+$0x0], $0xffff;
	v3 =	vor.u32 v24, v1;
	_ =	sdelay $0x1  }
0x250: {  	v6 =	vadd.f32 v5, v6;
	v5 =	vmul.f32 v45, v28  }
0x251: {  	v63 =	vmov v17;
	v17 =	vmov v2;
	v2 =	vor.u32 v2, v1;
	v28 =	vld.idx.msk [tilespmem:v4+s12+$0x0], $0xffff  }
0x252: {  	v7 =	vmul.f32 v7, v27;
	v27 =	vld.idx.msk [tilespmem:v4+s13+$0x0], $0xffff;
	v5 =	vadd.f32 v5, v6  }
0x253: {  	v4 =	vor.u32 v14, v1;
	v49 =	vld.idx.msk [tilespmem:v3+s13+$0x0], $0xffff  }
0x254: {  	v6 =	vadd.f32 v7, v5;
	v5 =	vmul.f32 v46, v23;
	v23 =	vld.idx.msk [tilespmem:v3+s12+$0x0], $0xffff  }
0x255: {  	v3 =	vld [tilespmem:$0x1FD10]  }
0x256: {  	v48 =	vld.idx.msk [tilespmem:v2+s12+$0x0], $0xffff  }
0x257: {  	v7 =	vld.idx.msk [tilespmem:v2+s13+$0x0], $0xffff;
	v6 =	vadd.f32 v5, v6;
	v5 =	vmul.f32 v47, v29  }
0x258: {  	[tilespmem:$0x1FD00] =	vst v24;
	v24 =	vmov v14;
	v14 =	vmov v26;
	v2 =	vor.u32 v26, v1;
	v26 =	vld.idx.msk [tilespmem:v4+s12+$0x0], $0xffff  }
0x259: {  	v6 =	vadd.f32 v5, v6;
	v5 =	vmul.f32 v27, v28;
	v28 =	vld.idx.msk [tilespmem:v4+s13+$0x0], $0xffff  }
0x25a: {  	v4 =	vld [tilespmem:$0x1FD20];
	_ =	sdelay $0x1  }
0x25b: {  	v3 =	vor.u32 v3, v1;
	_ =	sdelay $0x2  }
0x25c: {  	v29 =	vld.idx.msk [tilespmem:v2+s12+$0x0], $0xffff;
	v27 =	vmov v4;
	v4 =	vor.u32 v4, v1  }
0x25d: {  	v5 =	vadd.f32 v5, v6;
	v7 =	vmul.f32 v7, v48;
	v50 =	vld.idx.msk [tilespmem:v2+s13+$0x0], $0xffff  }
0x25e: {  	v2 =	vor.u32 v15, v1;
	v15 =	vld.idx.msk [tilespmem:v3+s12+$0x0], $0xffff  }
0x25f: {  	v6 =	vadd.f32 v7, v5;
	v7 =	vld.idx.msk [tilespmem:v3+s13+$0x0], $0xffff  }
0x260: {  	v3 =	vld [tilespmem:$0x1FD30]  }
0x261: {  	v5 =	vmul.f32 v49, v23;
	v23 =	vld.idx.msk [tilespmem:v4+s12+$0x0], $0xffff  }
0x262: {  	v47 =	vld.idx.msk [tilespmem:v4+s13+$0x0], $0xffff  }
0x263: {  	v4 =	vld [tilespmem:$0x1FD40]  }
0x264: {  	[tilespmem:$0x1FCE0] =	vst v42;
	v6 =	vadd.f32 v5, v6;
	v5 =	vmul.f32 v28, v26;
	v26 =	vld.idx.msk [tilespmem:v2+s12+$0x0], $0xffff  }
0x265: {  	v42 =	vmovc v60;
	v60 =	vmovc v43;
	v43 =	vmov v35;
	v52 =	vld.idx.msk [tilespmem:v2+s13+$0x0], $0xffff;
	v35 =	vmov v3;
	v3 =	vor.u32 v3, v1  }
0x266: {  	v2 =	vld [tilespmem:$0x1FD50];
	_ =	sdelay $0x1  }
0x267: {  	v28 =	vmov v4;
	v4 =	vor.u32 v4, v1;
	_ =	sdelay $0x1  }
0x268: {  	v6 =	vadd.f32 v5, v6;
	v5 =	vmul.f32 v50, v29;
	v45 =	vld.idx.msk [tilespmem:v3+s12+$0x0], $0xffff  }
0x269: {  	v31 =	vmov v37;
	v37 =	vmov v2;
	v2 =	vor.u32 v2, v1;
	v49 =	vld.idx.msk [tilespmem:v3+s13+$0x0], $0xffff  }
0x26a: {  	v5 =	vadd.f32 v5, v6;
	v7 =	vmul.f32 v7, v15;
	v3 =	vld [tilespmem:$0x1FD60]  }
0x26b: {  	v50 =	vld.idx.msk [tilespmem:v4+s12+$0x0], $0xffff  }
0x26c: {  	v6 =	vadd.f32 v7, v5;
	v7 =	vld.idx.msk [tilespmem:v4+s13+$0x0], $0xffff  }
0x26d: {  	v5 =	vmul.f32 v47, v23;
	v4 =	vld [tilespmem:$0x1FD70]  }
0x26e: {  	v23 =	vld.idx.msk [tilespmem:v2+s12+$0x0], $0xffff  }
0x26f: {  	v6 =	vadd.f32 v5, v6;
	v5 =	vmul.f32 v52, v26;
	v52 =	vld.idx.msk [tilespmem:v2+s13+$0x0], $0xffff;
	v2 =	vor.u32 v21, v1  }
0x270: {  	v29 =	vmov v3;
	v3 =	vor.u32 v3, v1;
	_ =	sdelay $0x1  }
0x271: {  	v16 =	vmovc v55;
	v55 =	vmov v39;
	v39 =	vmov v4;
	v4 =	vor.u32 v4, v1  }
0x272: {  	v6 =	vadd.f32 v5, v6;
	v5 =	vmul.f32 v49, v45;
	v45 =	vld [tilespmem:$0x1FF30]  }
0x273: {  	v7 =	vmul.f32 v7, v50;
	v50 =	vld.idx.msk [tilespmem:v2+s12+$0x0], $0xffff  }
0x274: {  	v15 =	vmov v21;
	v21 =	vld.idx.msk [tilespmem:v3+s12+$0x0], $0xffff  }
0x275: {  	v48 =	vld.idx.msk [tilespmem:v3+s13+$0x0], $0xffff;
	v3 =	vor.u32 v32, v1  }
0x276: {  	v5 =	vadd.f32 v5, v6;
	v26 =	vld.idx.msk [tilespmem:v4+s12+$0x0], $0xffff  }
0x277: {  	v49 =	vld.idx.msk [tilespmem:v4+s13+$0x0], $0xffff;
	v4 =	vor.u32 v40, v1  }
0x278: {  	[tilespmem:$0x1FD80] =	vst v32;
	v32 =	vld [tilespmem:$0x1FFB0];
	v6 =	vadd.f32 v7, v5;
	v5 =	vmul.f32 v52, v23  }
0x279: {  	v7 =	vld.idx.msk [tilespmem:v2+s13+$0x0], $0xffff;
	v2 =	vor.u32 v41, v1  }
0x27a: {  	v6 =	vadd.f32 v5, v6;
	v23 =	vld.idx.msk [tilespmem:v3+s12+$0x0], $0xffff;
	v5 =	vmul.f32 v48, v21  }
0x27b: {  	v21 =	vld.idx.msk [tilespmem:v3+s13+$0x0], $0xffff;
	v3 =	vor.u32 v20, v1  }
0x27c: {  	v5 =	vadd.f32 v5, v6;
	v6 =	vmul.f32 v49, v26;
	v20 =	vld.idx.msk [tilespmem:v4+s12+$0x0], $0xffff  }
0x27d: {  	v4 =	vld.idx.msk [tilespmem:v4+s13+$0x0], $0xffff  }
0x27e: {  	v52 =	vld.idx.msk [tilespmem:v2+s12+$0x0], $0xffff;
	v5 =	vadd.f32 v6, v5;
	v6 =	vmul.f32 v7, v50  }
0x27f: {  	v2 =	vld.idx.msk [tilespmem:v2+s13+$0x0], $0xffff  }
0x280: {  	v1 =	vor.u32 v11, v1;
	v7 =	vld.idx.msk [tilespmem:v3+s12+$0x0], $0xffff;
	v5 =	vadd.f32 v6, v5;
	v6 =	vmul.f32 v21, v23  }
0x281: {  	v3 =	vld.idx.msk [tilespmem:v3+s13+$0x0], $0xffff  }
0x282: {  	v48 =	vld [tilespmem:$0x1FD90];
	v4 =	vmul.f32 v4, v20;
	v5 =	vadd.f32 v6, v5  }
0x283: {  	v49 =	vld [tilespmem:$0x1FF60]  }
0x284: {  	v23 =	vld [tilespmem:$0x1FDA0];
	v4 =	vadd.f32 v4, v5;
	v5 =	vmul.f32 v2, v52  }
0x285: {  	s31 =	simm.s32 $0x20;
	v2 =	vld.idx.msk [tilespmem:v1+s12+$0x0], $0xffff  }
0x286: {  	v46 =	vmovc v8;
	v47 =	vmovc v9;
	v6 =	vmov s31;
	v4 =	vadd.f32 v5, v4;
	v5 =	vmul.f32 v3, v7;
	v3 =	vld.idx.msk [tilespmem:v1+s13+$0x0], $0xffff  }
0x287: {  	s17 =	simm.s32 $0x30;
	v26 =	vmovc v11;
	v50 =	vmovc v18;
	v21 =	vmov v10;
	v20 =	vld [tilespmem:$0x1FFC0];
	v52 =	vmov v12;
	v1 =	vshll.u32 v6, $0x7  }
.LBB2_6:
0x288: {  	_ =	sdelay $0x1  }
0x289: {  	v1 =	vor.u32 v48, v1;
	v6 =	vlaneseq.u32  }
0x28a: {  	v6 =	vor.u32 v6, v1;
	v4 =	vadd.f32 v5, v4;
	v2 =	vmul.f32 v3, v2;
	_ =	sdelay $0x1  }
0x28b: {  	v3 =	vor.u32 v23, v1;
	v2 =	vadd.f32 v2, v4  }
0x28c: {  	s16 =	sadd.s32 $0x10, s16  }
0x28d: {  	v4 =	vor.u32 v45, v1;
	[tilespmem:s16+$0x0] =	vst v2  }
0x28e: {  	v2 =	vld.idx.msk [tilespmem:v6+s13+$0x0], $0xffff  }
0x28f: {  	v5 =	vld.idx.msk [tilespmem:v6+s12+$0x0], $0xffff;
	v6 =	vor.u32 v46, v1  }
0x290: {  	v7 =	vld.idx.msk [tilespmem:v3+s12+$0x0], $0xffff  }
0x291: {  	v8 =	vor.u32 v47, v1;
	v3 =	vld.idx.msk [tilespmem:v3+s13+$0x0], $0xffff  }
0x292: {  	v9 =	vld.idx.msk [tilespmem:v4+s12+$0x0], $0xffff  }
0x293: {  	v10 =	vor.u32 v49, v1;
	v4 =	vld.idx.msk [tilespmem:v4+s13+$0x0], $0xffff  }
0x294: {  	v11 =	vld.idx.msk [tilespmem:v6+s12+$0x0], $0xffff  }
0x295: {  	v2 =	vmul.f32 v2, v5;
	v5 =	vld.idx.msk [tilespmem:v6+s13+$0x0], $0xffff;
	v6 =	vor.u32 v50, v1  }
0x296: {  	v12 =	vld.idx.msk [tilespmem:v8+s12+$0x0], $0xffff  }
0x297: {  	v3 =	vmul.f32 v3, v7;
	v7 =	vld.idx.msk [tilespmem:v8+s13+$0x0], $0xffff;
	v8 =	vor.u32 v51, v1;
	v2 =	vadd.f32 $0.0e+00, v2  }
0x298: {  	v18 =	vld.idx.msk [tilespmem:v10+s12+$0x0], $0xffff  }
0x299: {  	v2 =	vadd.f32 v3, v2;
	v3 =	vmul.f32 v4, v9;
	v4 =	vld.idx.msk [tilespmem:v10+s13+$0x0], $0xffff;
	v9 =	vor.u32 v21, v1  }
0x29a: {  	v10 =	vld.idx.msk [tilespmem:v6+s12+$0x0], $0xffff  }
0x29b: {  	v2 =	vadd.f32 v3, v2;
	v3 =	vmul.f32 v5, v11;
	v5 =	vld.idx.msk [tilespmem:v6+s13+$0x0], $0xffff;
	v6 =	vor.u32 v52, v1  }
0x29c: {  	v11 =	vld.idx.msk [tilespmem:v8+s12+$0x0], $0xffff  }
0x29d: {  	v2 =	vadd.f32 v3, v2;
	v3 =	vmul.f32 v7, v12;
	v7 =	vld.idx.msk [tilespmem:v8+s13+$0x0], $0xffff;
	v8 =	vor.u32 v32, v1  }
0x29e: {  	v12 =	vld.idx.msk [tilespmem:v9+s12+$0x0], $0xffff  }
0x29f: {  	v2 =	vadd.f32 v3, v2;
	v3 =	vmul.f32 v4, v18;
	v4 =	vld.idx.msk [tilespmem:v9+s13+$0x0], $0xffff  }
0x2a0: {  	v9 =	vor.u32 v20, v1;
	v18 =	vld.idx.msk [tilespmem:v6+s12+$0x0], $0xffff  }
0x2a1: {  	v2 =	vadd.f32 v3, v2;
	v3 =	vmul.f32 v5, v10;
	v5 =	vld.idx.msk [tilespmem:v6+s13+$0x0], $0xffff  }
0x2a2: {  	v10 =	vld.idx.msk [tilespmem:v8+s12+$0x0], $0xffff  }
0x2a3: {  	v6 =	vor.u32 v30, v1;
	v2 =	vadd.f32 v3, v2;
	v3 =	vmul.f32 v7, v11;
	v7 =	vld.idx.msk [tilespmem:v8+s13+$0x0], $0xffff  }
0x2a4: {  	v8 =	vld [tilespmem:$0x1FC60]  }
0x2a5: {  	v11 =	vld.idx.msk [tilespmem:v9+s12+$0x0], $0xffff  }
0x2a6: {  	v2 =	vadd.f32 v3, v2;
	v3 =	vmul.f32 v4, v12;
	v4 =	vld.idx.msk [tilespmem:v9+s13+$0x0], $0xffff  }
0x2a7: {  	v9 =	vld [tilespmem:$0x1FC70]  }
0x2a8: {  	v12 =	vld.idx.msk [tilespmem:v6+s12+$0x0], $0xffff  }
0x2a9: {  	v2 =	vadd.f32 v3, v2;
	v3 =	vmul.f32 v5, v18;
	v5 =	vld.idx.msk [tilespmem:v6+s13+$0x0], $0xffff;
	v6 =	vor.u32 v34, v1  }
0x2aa: {  	v8 =	vor.u32 v8, v1;
	_ =	sdelay $0x1  }
0x2ab: {  	v2 =	vadd.f32 v3, v2;
	v3 =	vmul.f32 v7, v10;
	_ =	sdelay $0x1  }
0x2ac: {  	v9 =	vor.u32 v9, v1;
	v2 =	vadd.f32 v3, v2;
	v3 =	vmul.f32 v4, v11;
	v11 =	vld.idx.msk [tilespmem:v6+s12+$0x0], $0xffff  }
0x2ad: {  	v18 =	vld.idx.msk [tilespmem:v8+s12+$0x0], $0xffff  }
0x2ae: {  	v7 =	vld.idx.msk [tilespmem:v8+s13+$0x0], $0xffff  }
0x2af: {  	v8 =	vor.u32 v36, v1;
	v2 =	vadd.f32 v3, v2;
	v3 =	vmul.f32 v5, v12;
	v5 =	vld.idx.msk [tilespmem:v6+s13+$0x0], $0xffff  }
0x2b0: {  	v6 =	vld [tilespmem:$0x1FC90]  }
0x2b1: {  	v10 =	vld.idx.msk [tilespmem:v9+s12+$0x0], $0xffff  }
0x2b2: {  	v4 =	vld.idx.msk [tilespmem:v9+s13+$0x0], $0xffff;
	v9 =	vor.u32 v38, v1;
	_ =	sdelay $0x1  }
0x2b3: {  	v12 =	vld.idx.msk [tilespmem:v8+s12+$0x0], $0xffff  }
0x2b4: {  	v2 =	vadd.f32 v3, v2;
	v6 =	vor.u32 v6, v1;
	v3 =	vmul.f32 v7, v18;
	v7 =	vld.idx.msk [tilespmem:v8+s13+$0x0], $0xffff  }
0x2b5: {  	v8 =	vld [tilespmem:$0x1FCA0]  }
0x2b6: {  	v18 =	vld.idx.msk [tilespmem:v9+s12+$0x0], $0xffff  }
0x2b7: {  	v2 =	vadd.f32 v3, v2;
	v3 =	vmul.f32 v4, v10;
	v4 =	vld.idx.msk [tilespmem:v9+s13+$0x0], $0xffff  }
0x2b8: {  	v9 =	vld [tilespmem:$0x1FCB0]  }
0x2b9: {  	v10 =	vld.idx.msk [tilespmem:v6+s12+$0x0], $0xffff  }
0x2ba: {  	v2 =	vadd.f32 v3, v2;
	v3 =	vmul.f32 v5, v11;
	v5 =	vld.idx.msk [tilespmem:v6+s13+$0x0], $0xffff  }
0x2bb: {  	v6 =	vld [tilespmem:$0x1FCC0]  }
0x2bc: {  	v8 =	vor.u32 v8, v1;
	_ =	sdelay $0x1  }
0x2bd: {  	v9 =	vor.u32 v9, v1;
	_ =	sdelay $0x1  }
0x2be: {  	v6 =	vor.u32 v6, v1  }
0x2bf: {  	v11 =	vld.idx.msk [tilespmem:v8+s12+$0x0], $0xffff  }
0x2c0: {  	v2 =	vadd.f32 v3, v2;
	v3 =	vmul.f32 v7, v12;
	v7 =	vld.idx.msk [tilespmem:v8+s13+$0x0], $0xffff;
	v8 =	vor.u32 v44, v1  }
0x2c1: {  	v12 =	vld.idx.msk [tilespmem:v9+s12+$0x0], $0xffff  }
0x2c2: {  	v2 =	vadd.f32 v3, v2;
	v3 =	vmul.f32 v4, v18;
	v4 =	vld.idx.msk [tilespmem:v9+s13+$0x0], $0xffff;
	v9 =	vor.u32 v53, v1  }
0x2c3: {  	v18 =	vld.idx.msk [tilespmem:v6+s12+$0x0], $0xffff  }
0x2c4: {  	v2 =	vadd.f32 v3, v2;
	v3 =	vmul.f32 v5, v10;
	v5 =	vld.idx.msk [tilespmem:v6+s13+$0x0], $0xffff;
	v6 =	vor.u32 v22, v1  }
0x2c5: {  	v10 =	vld.idx.msk [tilespmem:v8+s12+$0x0], $0xffff  }
0x2c6: {  	v2 =	vadd.f32 v3, v2;
	v3 =	vmul.f32 v7, v11;
	v7 =	vld.idx.msk [tilespmem:v8+s13+$0x0], $0xffff;
	v8 =	vor.u32 v54, v1  }
0x2c7: {  	v11 =	vld.idx.msk [tilespmem:v9+s12+$0x0], $0xffff  }
0x2c8: {  	v2 =	vadd.f32 v3, v2;
	v3 =	vmul.f32 v4, v12;
	v4 =	vld.idx.msk [tilespmem:v9+s13+$0x0], $0xffff;
	v9 =	vor.u32 v56, v1  }
0x2c9: {  	v12 =	vld.idx.msk [tilespmem:v6+s12+$0x0], $0xffff  }
0x2ca: {  	v2 =	vadd.f32 v3, v2;
	v3 =	vmul.f32 v5, v18;
	v5 =	vld.idx.msk [tilespmem:v6+s13+$0x0], $0xffff  }
0x2cb: {  	v18 =	vld.idx.msk [tilespmem:v8+s12+$0x0], $0xffff  }
0x2cc: {  	v2 =	vadd.f32 v3, v2;
	v3 =	vmul.f32 v7, v10;
	v7 =	vld.idx.msk [tilespmem:v8+s13+$0x0], $0xffff;
	v8 =	vor.u32 v33, v1  }
0x2cd: {  	v10 =	vld.idx.msk [tilespmem:v9+s12+$0x0], $0xffff  }
0x2ce: {  	v2 =	vadd.f32 v3, v2;
	v3 =	vmul.f32 v4, v11;
	v4 =	vld.idx.msk [tilespmem:v9+s13+$0x0], $0xffff  }
0x2cf: {  	v9 =	vld [tilespmem:$0x1FCD0]  }
0x2d0: {  	v6 =	vor.u32 v62, v1;
	v2 =	vadd.f32 v3, v2;
	v3 =	vmul.f32 v5, v12  }
0x2d1: {  	v12 =	vld.idx.msk [tilespmem:v8+s12+$0x0], $0xffff  }
0x2d2: {  	v2 =	vadd.f32 v3, v2;
	v3 =	vmul.f32 v7, v18;
	v7 =	vld.idx.msk [tilespmem:v8+s13+$0x0], $0xffff  }
0x2d3: {  	v8 =	vld [tilespmem:$0x1FCE0]  }
0x2d4: {  	v9 =	vor.u32 v9, v1  }
0x2d5: {  	v11 =	vld.idx.msk [tilespmem:v6+s12+$0x0], $0xffff  }
0x2d6: {  	v5 =	vld.idx.msk [tilespmem:v6+s13+$0x0], $0xffff;
	v6 =	vor.u32 v19, v1;
	_ =	sdelay $0x1  }
0x2d7: {  	v8 =	vor.u32 v8, v1  }
0x2d8: {  	v18 =	vld.idx.msk [tilespmem:v9+s12+$0x0], $0xffff  }
0x2d9: {  	v2 =	vadd.f32 v3, v2;
	v3 =	vmul.f32 v4, v10;
	v4 =	vld.idx.msk [tilespmem:v9+s13+$0x0], $0xffff;
	v9 =	vor.u32 v42, v1  }
0x2da: {  	v10 =	vld.idx.msk [tilespmem:v6+s12+$0x0], $0xffff  }
0x2db: {  	v2 =	vadd.f32 v3, v2;
	v3 =	vmul.f32 v5, v11;
	v5 =	vld.idx.msk [tilespmem:v6+s13+$0x0], $0xffff;
	v6 =	vor.u32 v58, v1  }
0x2dc: {  	v11 =	vld.idx.msk [tilespmem:v8+s12+$0x0], $0xffff  }
0x2dd: {  	v2 =	vadd.f32 v3, v2;
	v3 =	vmul.f32 v7, v12;
	v7 =	vld.idx.msk [tilespmem:v8+s13+$0x0], $0xffff;
	v8 =	vor.u32 v16, v1  }
0x2de: {  	v12 =	vld.idx.msk [tilespmem:v9+s12+$0x0], $0xffff  }
0x2df: {  	v2 =	vadd.f32 v3, v2;
	v3 =	vmul.f32 v4, v18;
	v4 =	vld.idx.msk [tilespmem:v9+s13+$0x0], $0xffff;
	v9 =	vor.u32 v60, v1  }
0x2e0: {  	v18 =	vld.idx.msk [tilespmem:v6+s12+$0x0], $0xffff  }
0x2e1: {  	v2 =	vadd.f32 v3, v2;
	v3 =	vmul.f32 v5, v10;
	v5 =	vld.idx.msk [tilespmem:v6+s13+$0x0], $0xffff;
	v6 =	vor.u32 v25, v1  }
0x2e2: {  	v10 =	vld.idx.msk [tilespmem:v8+s12+$0x0], $0xffff  }
0x2e3: {  	v2 =	vadd.f32 v3, v2;
	v3 =	vmul.f32 v7, v11;
	v7 =	vld.idx.msk [tilespmem:v8+s13+$0x0], $0xffff;
	v8 =	vor.u32 v55, v1  }
0x2e4: {  	v11 =	vld.idx.msk [tilespmem:v9+s12+$0x0], $0xffff  }
0x2e5: {  	v2 =	vadd.f32 v3, v2;
	v3 =	vmul.f32 v4, v12;
	v4 =	vld.idx.msk [tilespmem:v9+s13+$0x0], $0xffff;
	v9 =	vor.u32 v31, v1  }
0x2e6: {  	v12 =	vld.idx.msk [tilespmem:v6+s12+$0x0], $0xffff  }
0x2e7: {  	v2 =	vadd.f32 v3, v2;
	v3 =	vmul.f32 v5, v18;
	v5 =	vld.idx.msk [tilespmem:v6+s13+$0x0], $0xffff;
	v6 =	vor.u32 v57, v1  }
0x2e8: {  	v18 =	vld.idx.msk [tilespmem:v8+s12+$0x0], $0xffff  }
0x2e9: {  	v2 =	vadd.f32 v3, v2;
	v3 =	vmul.f32 v7, v10;
	v7 =	vld.idx.msk [tilespmem:v8+s13+$0x0], $0xffff;
	v8 =	vor.u32 v43, v1  }
0x2ea: {  	v10 =	vld.idx.msk [tilespmem:v9+s12+$0x0], $0xffff  }
0x2eb: {  	v2 =	vadd.f32 v3, v2;
	v3 =	vmul.f32 v4, v11;
	v4 =	vld.idx.msk [tilespmem:v9+s13+$0x0], $0xffff;
	v9 =	vor.u32 v59, v1  }
0x2ec: {  	v11 =	vld.idx.msk [tilespmem:v6+s12+$0x0], $0xffff  }
0x2ed: {  	v2 =	vadd.f32 v3, v2;
	v3 =	vmul.f32 v5, v12;
	v5 =	vld.idx.msk [tilespmem:v6+s13+$0x0], $0xffff  }
0x2ee: {  	v12 =	vld.idx.msk [tilespmem:v8+s12+$0x0], $0xffff  }
0x2ef: {  	v2 =	vadd.f32 v3, v2;
	v3 =	vmul.f32 v7, v18;
	v7 =	vld.idx.msk [tilespmem:v8+s13+$0x0], $0xffff  }
0x2f0: {  	v6 =	vor.u32 v0, v1;
	v18 =	vld.idx.msk [tilespmem:v9+s12+$0x0], $0xffff  }
0x2f1: {  	v2 =	vadd.f32 v3, v2;
	v3 =	vmul.f32 v4, v10;
	v4 =	vld.idx.msk [tilespmem:v9+s13+$0x0], $0xffff;
	v9 =	vor.u32 v13, v1;
	_ =	sdelay $0x1  }
0x2f2: {  	v2 =	vadd.f32 v3, v2;
	v3 =	vmul.f32 v5, v11;
	_ =	sdelay $0x1  }
0x2f3: {  	v8 =	vor.u32 v61, v1;
	v10 =	vld.idx.msk [tilespmem:v6+s12+$0x0], $0xffff;
	v2 =	vadd.f32 v3, v2;
	v3 =	vmul.f32 v7, v12  }
0x2f4: {  	v12 =	vld.idx.msk [tilespmem:v9+s12+$0x0], $0xffff  }
0x2f5: {  	v2 =	vadd.f32 v3, v2;
	v3 =	vmul.f32 v4, v18;
	v4 =	vld.idx.msk [tilespmem:v9+s13+$0x0], $0xffff  }
0x2f6: {  	v9 =	vld [tilespmem:$0x1FD00]  }
0x2f7: {  	v5 =	vld.idx.msk [tilespmem:v6+s13+$0x0], $0xffff;
	v6 =	vor.u32 v63, v1  }
0x2f8: {  	v11 =	vld.idx.msk [tilespmem:v8+s12+$0x0], $0xffff  }
0x2f9: {  	v7 =	vld.idx.msk [tilespmem:v8+s13+$0x0], $0xffff;
	v8 =	vor.u32 v17, v1;
	_ =	sdelay $0x1  }
0x2fa: {  	v9 =	vor.u32 v9, v1  }
0x2fb: {  	v18 =	vld.idx.msk [tilespmem:v6+s12+$0x0], $0xffff  }
0x2fc: {  	v2 =	vadd.f32 v3, v2;
	v3 =	vmul.f32 v5, v10;
	v5 =	vld.idx.msk [tilespmem:v6+s13+$0x0], $0xffff  }
0x2fd: {  	v10 =	vld.idx.msk [tilespmem:v8+s12+$0x0], $0xffff  }
0x2fe: {  	v2 =	vadd.f32 v3, v2;
	v3 =	vmul.f32 v7, v11;
	v7 =	vld.idx.msk [tilespmem:v8+s13+$0x0], $0xffff;
	v8 =	vor.u32 v14, v1  }
0x2ff: {  	v11 =	vld.idx.msk [tilespmem:v9+s12+$0x0], $0xffff  }
0x300: {  	v2 =	vadd.f32 v3, v2;
	v3 =	vmul.f32 v4, v12;
	v4 =	vld.idx.msk [tilespmem:v9+s13+$0x0], $0xffff  }
0x301: {  	v9 =	vld [tilespmem:$0x1FD10]  }
0x302: {  	v6 =	vor.u32 v24, v1;
	v2 =	vadd.f32 v3, v2;
	v3 =	vmul.f32 v5, v18  }
0x303: {  	v18 =	vld.idx.msk [tilespmem:v8+s12+$0x0], $0xffff  }
0x304: {  	v2 =	vadd.f32 v3, v2;
	v3 =	vmul.f32 v7, v10;
	v7 =	vld.idx.msk [tilespmem:v8+s13+$0x0], $0xffff  }
0x305: {  	v8 =	vld [tilespmem:$0x1FFF0]  }
0x306: {  	v9 =	vor.u32 v9, v1  }
0x307: {  	v12 =	vld.idx.msk [tilespmem:v6+s12+$0x0], $0xffff  }
0x308: {  	v5 =	vld.idx.msk [tilespmem:v6+s13+$0x0], $0xffff;
	v6 =	vor.u32 v27, v1;
	_ =	sdelay $0x1  }
0x309: {  	v8 =	vor.u32 v8, v1  }
0x30a: {  	v10 =	vld.idx.msk [tilespmem:v9+s12+$0x0], $0xffff  }
0x30b: {  	v2 =	vadd.f32 v3, v2;
	v3 =	vmul.f32 v4, v11;
	v4 =	vld.idx.msk [tilespmem:v9+s13+$0x0], $0xffff;
	v9 =	vor.u32 v35, v1  }
0x30c: {  	v11 =	vld.idx.msk [tilespmem:v6+s12+$0x0], $0xffff  }
0x30d: {  	v2 =	vadd.f32 v3, v2;
	v3 =	vmul.f32 v5, v12;
	v5 =	vld.idx.msk [tilespmem:v6+s13+$0x0], $0xffff  }
0x30e: {  	v12 =	vld.idx.msk [tilespmem:v8+s12+$0x0], $0xffff  }
0x30f: {  	v2 =	vadd.f32 v3, v2;
	v3 =	vmul.f32 v7, v18;
	v7 =	vld.idx.msk [tilespmem:v8+s13+$0x0], $0xffff  }
0x310: {  	v18 =	vld.idx.msk [tilespmem:v9+s12+$0x0], $0xffff  }
0x311: {  	v2 =	vadd.f32 v3, v2;
	v3 =	vmul.f32 v4, v10;
	v4 =	vld.idx.msk [tilespmem:v9+s13+$0x0], $0xffff;
	v9 =	vor.u32 v29, v1;
	_ =	sdelay $0x1  }
0x312: {  	v2 =	vadd.f32 v3, v2;
	v3 =	vmul.f32 v5, v11  }
0x313: {  	v6 =	vor.u32 v28, v1  }
0x314: {  	v2 =	vadd.f32 v3, v2;
	v3 =	vmul.f32 v7, v12  }
0x315: {  	v8 =	vor.u32 v37, v1;
	v12 =	vld.idx.msk [tilespmem:v9+s12+$0x0], $0xffff  }
0x316: {  	v2 =	vadd.f32 v3, v2;
	v3 =	vmul.f32 v4, v18;
	v4 =	vld.idx.msk [tilespmem:v9+s13+$0x0], $0xffff  }
0x317: {  	v9 =	vld [tilespmem:$0x1FD80]  }
0x318: {  	v10 =	vld.idx.msk [tilespmem:v6+s12+$0x0], $0xffff  }
0x319: {  	v5 =	vld.idx.msk [tilespmem:v6+s13+$0x0], $0xffff  }
0x31a: {  	v11 =	vld.idx.msk [tilespmem:v8+s12+$0x0], $0xffff  }
0x31b: {  	v6 =	vor.u32 v39, v1;
	v7 =	vld.idx.msk [tilespmem:v8+s13+$0x0], $0xffff  }
0x31c: {  	v9 =	vor.u32 v9, v1;
	_ =	sdelay $0x1  }
0x31d: {  	v2 =	vadd.f32 v3, v2;
	v3 =	vmul.f32 v5, v10;
	_ =	sdelay $0x1  }
0x31e: {  	v8 =	vor.u32 v15, v1;
	v18 =	vld.idx.msk [tilespmem:v6+s12+$0x0], $0xffff;
	v2 =	vadd.f32 v3, v2;
	v3 =	vmul.f32 v7, v11  }
0x31f: {  	v11 =	vld.idx.msk [tilespmem:v9+s12+$0x0], $0xffff  }
0x320: {  	v2 =	vadd.f32 v3, v2;
	v3 =	vmul.f32 v4, v12;
	v4 =	vld.idx.msk [tilespmem:v9+s13+$0x0], $0xffff  }
0x321: {  	v9 =	vld [tilespmem:$0x1FFD0]  }
0x322: {  	v5 =	vld.idx.msk [tilespmem:v6+s13+$0x0], $0xffff;
	v6 =	vor.u32 v40, v1  }
0x323: {  	v10 =	vld.idx.msk [tilespmem:v8+s12+$0x0], $0xffff  }
0x324: {  	v7 =	vld.idx.msk [tilespmem:v8+s13+$0x0], $0xffff;
	v8 =	vor.u32 v41, v1;
	_ =	sdelay $0x1  }
0x325: {  	v9 =	vor.u32 v9, v1  }
0x326: {  	v12 =	vld.idx.msk [tilespmem:v6+s12+$0x0], $0xffff;
	v2 =	vadd.f32 v3, v2;
	v3 =	vmul.f32 v5, v18  }
0x327: {  	v5 =	vld.idx.msk [tilespmem:v6+s13+$0x0], $0xffff  }
0x328: {  	v6 =	vld.idx.msk [tilespmem:v8+s12+$0x0], $0xffff;
	v2 =	vadd.f32 v3, v2;
	v3 =	vmul.f32 v7, v10  }
0x329: {  	v7 =	vld.idx.msk [tilespmem:v8+s13+$0x0], $0xffff;
	v1 =	vor.u32 v26, v1  }
0x32a: {  	v3 =	vadd.f32 v3, v2;
	v4 =	vmul.f32 v4, v11;
	v8 =	vld.idx.msk [tilespmem:v9+s12+$0x0], $0xffff  }
0x32b: {  	p0 =	sne.s32 s17, $0xF0;
	v9 =	vld.idx.msk [tilespmem:v9+s13+$0x0], $0xffff  }
.Ltmp2:
0x32c: {  	v5 =	vmul.f32 v5, v12;
	v4 =	vadd.f32 v4, v3;
	(pc) =	sbr.rel @p0 .LBB2_6-.Ltmp2, $4  }
0x32d: {  	_ = 	snop  }
0x32e: {  	v4 =	vadd.f32 v5, v4;
	v5 =	vmul.f32 v7, v6;
	v2 =	vld.idx.msk [tilespmem:v1+s12+$0x0], $0xffff  }
0x32f: {  	v3 =	vld.idx.msk [tilespmem:v1+s13+$0x0], $0xffff;
	v1 =	vmov s17  }
0x330: {  	s17 =	sadd.s32 $0x10, s17;
	v1 =	vshll.u32 v1, $0x7;
	v4 =	vadd.f32 v5, v4;
	v5 =	vmul.f32 v9, v8  }
0x331: {  	_ =	sdelay $0x1  }
0x332: {  	v1 =	vor.u32 v48, v1;
	v6 =	vlaneseq.u32  }
0x333: {  	v6 =	vor.u32 v6, v1;
	v4 =	vadd.f32 v5, v4;
	v2 =	vmul.f32 v3, v2;
	_ =	sdelay $0x1  }
0x334: {  	v3 =	vor.u32 v23, v1;
	v2 =	vadd.f32 v2, v4  }
0x335: {  	s0 =	sadd.s32 $0x10, s16;
	v48 =	vld [tilespmem:$0x1FC60]  }
0x336: {  	v18 =	vld [tilespmem:$0x1FC70];
	v8 =	vor.u32 v47, v1;
	[tilespmem:s0+$0x0] =	vst v2  }
0x337: {  	v4 =	vor.u32 v45, v1;
	v2 =	vld.idx.msk [tilespmem:v6+s13+$0x0], $0xffff  }
0x338: {  	v5 =	vld.idx.msk [tilespmem:v6+s12+$0x0], $0xffff  }
0x339: {  	v6 =	vor.u32 v46, v1;
	v7 =	vld.idx.msk [tilespmem:v3+s12+$0x0], $0xffff  }
0x33a: {  	v3 =	vld.idx.msk [tilespmem:v3+s13+$0x0], $0xffff  }
0x33b: {  	v12 =	vld.idx.msk [tilespmem:v8+s12+$0x0], $0xffff  }
0x33c: {  	v10 =	vor.u32 v49, v1;
	v9 =	vld.idx.msk [tilespmem:v4+s12+$0x0], $0xffff  }
0x33d: {  	v46 =	vor.u32 v20, v1;
	v4 =	vld.idx.msk [tilespmem:v4+s13+$0x0], $0xffff  }
0x33e: {  	v11 =	vld.idx.msk [tilespmem:v6+s12+$0x0], $0xffff;
	v2 =	vmul.f32 v2, v5  }
0x33f: {  	v3 =	vmul.f32 v3, v7;
	v7 =	vld.idx.msk [tilespmem:v8+s13+$0x0], $0xffff;
	v8 =	vor.u32 v51, v1;
	v51 =	vor.u32 v21, v1  }
0x340: {  	v5 =	vld.idx.msk [tilespmem:v6+s13+$0x0], $0xffff;
	v6 =	vor.u32 v50, v1  }
0x341: {  	v50 =	vld.idx.msk [tilespmem:v10+s13+$0x0], $0xffff;
	v2 =	vadd.f32 $0.0e+00, v2  }
0x342: {  	v49 =	vld.idx.msk [tilespmem:v46+s13+$0x0], $0xffff  }
0x343: {  	v4 =	vmul.f32 v4, v9;
	v2 =	vadd.f32 v3, v2;
	v3 =	vld.idx.msk [tilespmem:v10+s12+$0x0], $0xffff  }
0x344: {  	v45 =	vld.idx.msk [tilespmem:v51+s13+$0x0], $0xffff  }
0x345: {  	v5 =	vmul.f32 v5, v11;
	v2 =	vadd.f32 v4, v2;
	v4 =	vld.idx.msk [tilespmem:v6+s12+$0x0], $0xffff  }
0x346: {  	v52 =	vor.u32 v52, v1;
	v6 =	vld.idx.msk [tilespmem:v6+s13+$0x0], $0xffff  }
0x347: {  	v2 =	vadd.f32 v5, v2;
	v5 =	vld.idx.msk [tilespmem:v8+s12+$0x0], $0xffff  }
0x348: {  	v32 =	vor.u32 v32, v1;
	v7 =	vmul.f32 v7, v12;
	v8 =	vld.idx.msk [tilespmem:v8+s13+$0x0], $0xffff  }
0x349: {  	v12 =	vor.u32 v48, v1;
	v48 =	vld [tilespmem:$0x1FC90]  }
0x34a: {  	v3 =	vmul.f32 v50, v3;
	v50 =	vor.u32 v18, v1;
	v2 =	vadd.f32 v7, v2;
	v7 =	vld.idx.msk [tilespmem:v51+s12+$0x0], $0xffff  }
0x34b: {  	v4 =	vmul.f32 v6, v4;
	v6 =	vld.idx.msk [tilespmem:v52+s13+$0x0], $0xffff  }
0x34c: {  	v47 =	vor.u32 v30, v1;
	v2 =	vadd.f32 v3, v2;
	v3 =	vld.idx.msk [tilespmem:v52+s12+$0x0], $0xffff  }
0x34d: {  	v5 =	vmul.f32 v8, v5;
	v8 =	vld.idx.msk [tilespmem:v32+s13+$0x0], $0xffff  }
0x34e: {  	v2 =	vadd.f32 v4, v2;
	v4 =	vld.idx.msk [tilespmem:v32+s12+$0x0], $0xffff  }
0x34f: {  	v32 =	vld.idx.msk [tilespmem:v50+s13+$0x0], $0xffff  }
0x350: {  	v7 =	vmul.f32 v45, v7;
	v2 =	vadd.f32 v5, v2;
	v5 =	vld.idx.msk [tilespmem:v46+s12+$0x0], $0xffff  }
0x351: {  	v3 =	vmul.f32 v6, v3;
	v6 =	vld.idx.msk [tilespmem:v47+s13+$0x0], $0xffff  }
0x352: {  	v2 =	vadd.f32 v7, v2;
	v7 =	vld.idx.msk [tilespmem:v47+s12+$0x0], $0xffff  }
0x353: {  	v51 =	vor.u32 v34, v1;
	v4 =	vmul.f32 v8, v4;
	v8 =	vld.idx.msk [tilespmem:v12+s13+$0x0], $0xffff  }
0x354: {  	v2 =	vadd.f32 v3, v2;
	v3 =	vld.idx.msk [tilespmem:v12+s12+$0x0], $0xffff  }
0x355: {  	v5 =	vmul.f32 v49, v5;
	v49 =	vld [tilespmem:$0x1FCA0]  }
0x356: {  	v52 =	vor.u32 v36, v1;
	v2 =	vadd.f32 v4, v2;
	v4 =	vld.idx.msk [tilespmem:v50+s12+$0x0], $0xffff  }
0x357: {  	v50 =	vld [tilespmem:$0x1FCB0]  }
0x358: {  	v45 =	vmov v34;
	v34 =	vor.u32 v38, v1;
	v6 =	vmul.f32 v6, v7;
	v7 =	vld.idx.msk [tilespmem:v51+s13+$0x0], $0xffff  }
0x359: {  	v2 =	vadd.f32 v5, v2;
	v5 =	vld.idx.msk [tilespmem:v51+s12+$0x0], $0xffff  }
0x35a: {  	v46 =	vmov v36;
	v36 =	vor.u32 v48, v1;
	v51 =	vld [tilespmem:$0x1FCC0]  }
0x35b: {  	v3 =	vmul.f32 v8, v3;
	v8 =	vld.idx.msk [tilespmem:v52+s13+$0x0], $0xffff  }
0x35c: {  	v2 =	vadd.f32 v6, v2;
	v6 =	vld.idx.msk [tilespmem:v52+s12+$0x0], $0xffff;
	v47 =	vor.u32 v49, v1  }
0x35d: {  	v4 =	vmul.f32 v32, v4;
	v32 =	vld.idx.msk [tilespmem:v34+s13+$0x0], $0xffff  }
0x35e: {  	v2 =	vadd.f32 v3, v2;
	v3 =	vld.idx.msk [tilespmem:v34+s12+$0x0], $0xffff;
	v34 =	vor.u32 v50, v1  }
0x35f: {  	v5 =	vmul.f32 v7, v5;
	v7 =	vld.idx.msk [tilespmem:v36+s13+$0x0], $0xffff  }
0x360: {  	v2 =	vadd.f32 v4, v2;
	v4 =	vld.idx.msk [tilespmem:v36+s12+$0x0], $0xffff  }
0x361: {  	v36 =	vor.u32 v51, v1;
	v6 =	vmul.f32 v8, v6;
	v8 =	vld.idx.msk [tilespmem:v47+s13+$0x0], $0xffff  }
0x362: {  	v2 =	vadd.f32 v5, v2;
	v5 =	vld.idx.msk [tilespmem:v47+s12+$0x0], $0xffff  }
0x363: {  	[tilespmem:$0x1FB60] =	vst v44;
	v52 =	vor.u32 v53, v1;
	v47 =	vld.idx.msk [tilespmem:v34+s13+$0x0], $0xffff  }
0x364: {  	[tilespmem:$0x1FB70] =	vst v22;
	v44 =	vor.u32 v44, v1;
	v3 =	vmul.f32 v32, v3;
	v32 =	vor.u32 v22, v1;
	v22 =	vld [tilespmem:$0x1FCD0]  }
0x365: {  	v2 =	vadd.f32 v6, v2;
	v6 =	vld.idx.msk [tilespmem:v34+s12+$0x0], $0xffff  }
0x366: {  	v4 =	vmul.f32 v7, v4;
	v7 =	vld.idx.msk [tilespmem:v36+s13+$0x0], $0xffff  }
0x367: {  	v2 =	vadd.f32 v3, v2;
	v3 =	vld.idx.msk [tilespmem:v36+s12+$0x0], $0xffff  }
0x368: {  	v36 =	vld.idx.msk [tilespmem:v52+s13+$0x0], $0xffff  }
0x369: {  	v5 =	vmul.f32 v8, v5;
	v8 =	vld.idx.msk [tilespmem:v44+s13+$0x0], $0xffff;
	v2 =	vadd.f32 v4, v2  }
0x36a: {  	v34 =	vor.u32 v54, v1;
	v4 =	vld.idx.msk [tilespmem:v44+s12+$0x0], $0xffff  }
0x36b: {  	[tilespmem:$0x1FB90] =	vst v33;
	v44 =	vor.u32 v56, v1;
	v2 =	vadd.f32 v5, v2;
	v5 =	vld.idx.msk [tilespmem:v52+s12+$0x0], $0xffff  }
0x36c: {  	[tilespmem:$0x1FBA0] =	vst v19;
	v6 =	vmul.f32 v47, v6;
	v52 =	vor.u32 v33, v1;
	v33 =	vor.u32 v19, v1;
	v19 =	vld [tilespmem:$0x1FCE0]  }
0x36d: {  	v3 =	vmul.f32 v7, v3;
	v7 =	vld.idx.msk [tilespmem:v32+s13+$0x0], $0xffff  }
0x36e: {  	v47 =	vor.u32 v62, v1;
	v2 =	vadd.f32 v6, v2;
	v6 =	vld.idx.msk [tilespmem:v32+s12+$0x0], $0xffff  }
0x36f: {  	v32 =	vor.u32 v22, v1;
	v4 =	vmul.f32 v8, v4;
	v8 =	vld.idx.msk [tilespmem:v34+s13+$0x0], $0xffff  }
0x370: {  	[tilespmem:$0x1FB80] =	vst v56;
	v56 =	vld.idx.msk [tilespmem:v44+s13+$0x0], $0xffff;
	v2 =	vadd.f32 v3, v2  }
0x371: {  	v3 =	vld.idx.msk [tilespmem:v34+s12+$0x0], $0xffff  }
0x372: {  	v2 =	vadd.f32 v4, v2;
	v4 =	vld.idx.msk [tilespmem:v44+s12+$0x0], $0xffff  }
0x373: {  	v5 =	vmul.f32 v36, v5;
	v6 =	vmul.f32 v7, v6;
	v7 =	vld.idx.msk [tilespmem:v47+s13+$0x0], $0xffff  }
0x374: {  	v44 =	vor.u32 v42, v1;
	v36 =	vld.idx.msk [tilespmem:v32+s13+$0x0], $0xffff  }
0x375: {  	v2 =	vadd.f32 v5, v2;
	v5 =	vld.idx.msk [tilespmem:v47+s12+$0x0], $0xffff  }
0x376: {  	v3 =	vmul.f32 v8, v3;
	v8 =	vld.idx.msk [tilespmem:v52+s13+$0x0], $0xffff  }
0x377: {  	v2 =	vadd.f32 v6, v2;
	v6 =	vld.idx.msk [tilespmem:v52+s12+$0x0], $0xffff  }
0x378: {  	[tilespmem:$0x1FBC0] =	vst v16;
	v34 =	vor.u32 v19, v1;
	v52 =	vor.u32 v16, v1;
	v16 =	vld [tilespmem:$0x1FD10]  }
0x379: {  	v20 =	vmov v58;
	v4 =	vmul.f32 v56, v4;
	v56 =	vld.idx.msk [tilespmem:v44+s13+$0x0], $0xffff  }
0x37a: {  	v47 =	vor.u32 v58, v1;
	v58 =	vor.u32 v60, v1;
	v2 =	vadd.f32 v3, v2;
	v3 =	vld.idx.msk [tilespmem:v32+s12+$0x0], $0xffff  }
0x37b: {  	v5 =	vmul.f32 v7, v5;
	v7 =	vld.idx.msk [tilespmem:v33+s13+$0x0], $0xffff  }
0x37c: {  	v2 =	vadd.f32 v4, v2;
	v4 =	vld.idx.msk [tilespmem:v33+s12+$0x0], $0xffff  }
0x37d: {  	v6 =	vmul.f32 v8, v6;
	v8 =	vld.idx.msk [tilespmem:v34+s13+$0x0], $0xffff  }
0x37e: {  	v2 =	vadd.f32 v5, v2;
	v5 =	vld.idx.msk [tilespmem:v34+s12+$0x0], $0xffff  }
0x37f: {  	v34 =	vld.idx.msk [tilespmem:v58+s13+$0x0], $0xffff  }
0x380: {  	v3 =	vmul.f32 v36, v3;
	v36 =	vor.u32 v31, v1;
	v2 =	vadd.f32 v6, v2;
	v6 =	vld.idx.msk [tilespmem:v44+s12+$0x0], $0xffff  }
0x381: {  	v4 =	vmul.f32 v7, v4;
	v7 =	vld.idx.msk [tilespmem:v47+s13+$0x0], $0xffff  }
0x382: {  	v2 =	vadd.f32 v3, v2;
	v3 =	vld.idx.msk [tilespmem:v47+s12+$0x0], $0xffff  }
0x383: {  	v32 =	vor.u32 v25, v1;
	v5 =	vmul.f32 v8, v5;
	v8 =	vld.idx.msk [tilespmem:v52+s13+$0x0], $0xffff  }
0x384: {  	v47 =	vor.u32 v59, v1;
	v2 =	vadd.f32 v4, v2;
	v4 =	vld.idx.msk [tilespmem:v52+s12+$0x0], $0xffff  }
0x385: {  	v44 =	vld.idx.msk [tilespmem:v36+s13+$0x0], $0xffff  }
0x386: {  	[tilespmem:$0x1FC00] =	vst v0;
	v52 =	vor.u32 v0, v1;
	v0 =	vld [tilespmem:$0x1FFF0]  }
0x387: {  	v33 =	vor.u32 v55, v1;
	v2 =	vadd.f32 v5, v2;
	v5 =	vld.idx.msk [tilespmem:v58+s12+$0x0], $0xffff  }
0x388: {  	v6 =	vmul.f32 v56, v6;
	v3 =	vmul.f32 v7, v3;
	v7 =	vld.idx.msk [tilespmem:v32+s13+$0x0], $0xffff  }
0x389: {  	v58 =	vld.idx.msk [tilespmem:v47+s13+$0x0], $0xffff  }
0x38a: {  	[tilespmem:$0x1FBB0] =	vst v42;
	v42 =	vor.u32 v57, v1;
	v2 =	vadd.f32 v6, v2;
	v6 =	vld.idx.msk [tilespmem:v32+s12+$0x0], $0xffff  }
0x38b: {  	[tilespmem:$0x1FBD0] =	vst v25;
	v25 =	vmov v59;
	v32 =	vld [tilespmem:$0x1FD00]  }
0x38c: {  	v59 =	vor.u32 v13, v1;
	v4 =	vmul.f32 v8, v4;
	v8 =	vld.idx.msk [tilespmem:v33+s13+$0x0], $0xffff;
	v2 =	vadd.f32 v3, v2  }
0x38d: {  	[tilespmem:$0x1FBF0] =	vst v43;
	v43 =	vor.u32 v43, v1;
	v3 =	vld.idx.msk [tilespmem:v33+s12+$0x0], $0xffff  }
0x38e: {  	v5 =	vmul.f32 v34, v5;
	v2 =	vadd.f32 v4, v2;
	v4 =	vld.idx.msk [tilespmem:v36+s12+$0x0], $0xffff  }
0x38f: {  	v6 =	vmul.f32 v7, v6;
	v7 =	vld.idx.msk [tilespmem:v42+s13+$0x0], $0xffff  }
0x390: {  	v2 =	vadd.f32 v5, v2;
	v5 =	vld.idx.msk [tilespmem:v42+s12+$0x0], $0xffff  }
0x391: {  	v36 =	vld.idx.msk [tilespmem:v59+s13+$0x0], $0xffff;
	v42 =	vor.u32 v32, v1  }
0x392: {  	v3 =	vmul.f32 v8, v3;
	v8 =	vld.idx.msk [tilespmem:v43+s13+$0x0], $0xffff;
	v2 =	vadd.f32 v6, v2  }
0x393: {  	v56 =	vor.u32 v61, v1;
	v6 =	vld.idx.msk [tilespmem:v43+s12+$0x0], $0xffff  }
0x394: {  	v4 =	vmul.f32 v44, v4;
	v2 =	vadd.f32 v3, v2;
	v3 =	vld.idx.msk [tilespmem:v47+s12+$0x0], $0xffff  }
0x395: {  	v5 =	vmul.f32 v7, v5;
	v7 =	vld.idx.msk [tilespmem:v52+s13+$0x0], $0xffff  }
0x396: {  	v47 =	vld.idx.msk [tilespmem:v42+s13+$0x0], $0xffff;
	v2 =	vadd.f32 v4, v2  }
0x397: {  	[tilespmem:$0x1FBE0] =	vst v31;
	v31 =	vmov v61;
	v61 =	vor.u32 v63, v1;
	v4 =	vld.idx.msk [tilespmem:v52+s12+$0x0], $0xffff  }
0x398: {  	v6 =	vmul.f32 v8, v6;
	v8 =	vld.idx.msk [tilespmem:v56+s13+$0x0], $0xffff;
	v2 =	vadd.f32 v5, v2  }
0x399: {  	v30 =	vmov v63;
	v63 =	vor.u32 v17, v1;
	v5 =	vld.idx.msk [tilespmem:v56+s12+$0x0], $0xffff  }
0x39a: {  	v3 =	vmul.f32 v58, v3;
	v58 =	vor.u32 v0, v1;
	v0 =	vld [tilespmem:$0x1FFD0];
	v2 =	vadd.f32 v6, v2  }
0x39b: {  	v52 =	vor.u32 v16, v1;
	v6 =	vld.idx.msk [tilespmem:v59+s12+$0x0], $0xffff  }
0x39c: {  	v4 =	vmul.f32 v7, v4;
	v7 =	vld.idx.msk [tilespmem:v61+s13+$0x0], $0xffff;
	v2 =	vadd.f32 v3, v2  }
0x39d: {  	v43 =	vor.u32 v24, v1;
	v3 =	vld.idx.msk [tilespmem:v61+s12+$0x0], $0xffff  }
0x39e: {  	v5 =	vmul.f32 v8, v5;
	v8 =	vld.idx.msk [tilespmem:v63+s13+$0x0], $0xffff;
	v2 =	vadd.f32 v4, v2  }
0x39f: {  	v44 =	vor.u32 v14, v1;
	v4 =	vld.idx.msk [tilespmem:v63+s12+$0x0], $0xffff  }
0x3a0: {  	v59 =	vld.idx.msk [tilespmem:v52+s13+$0x0], $0xffff;
	v6 =	vmul.f32 v36, v6;
	v2 =	vadd.f32 v5, v2  }
0x3a1: {  	v61 =	vor.u32 v35, v1;
	v5 =	vld.idx.msk [tilespmem:v42+s12+$0x0], $0xffff  }
0x3a2: {  	v3 =	vmul.f32 v7, v3;
	v7 =	vld.idx.msk [tilespmem:v43+s13+$0x0], $0xffff;
	v2 =	vadd.f32 v6, v2  }
0x3a3: {  	v56 =	vor.u32 v27, v1;
	v6 =	vld.idx.msk [tilespmem:v43+s12+$0x0], $0xffff  }
0x3a4: {  	v4 =	vmul.f32 v8, v4;
	v8 =	vld.idx.msk [tilespmem:v44+s13+$0x0], $0xffff;
	v2 =	vadd.f32 v3, v2  }
0x3a5: {  	v3 =	vld.idx.msk [tilespmem:v44+s12+$0x0], $0xffff  }
0x3a6: {  	v34 =	vld.idx.msk [tilespmem:v61+s13+$0x0], $0xffff;
	v5 =	vmul.f32 v47, v5;
	v2 =	vadd.f32 v4, v2  }
0x3a7: {  	v4 =	vld.idx.msk [tilespmem:v52+s12+$0x0], $0xffff  }
0x3a8: {  	v6 =	vmul.f32 v7, v6;
	v7 =	vld.idx.msk [tilespmem:v56+s13+$0x0], $0xffff;
	v2 =	vadd.f32 v5, v2  }
0x3a9: {  	v63 =	vor.u32 v28, v1;
	v5 =	vld.idx.msk [tilespmem:v56+s12+$0x0], $0xffff  }
0x3aa: {  	v3 =	vmul.f32 v8, v3;
	v8 =	vld.idx.msk [tilespmem:v58+s13+$0x0], $0xffff;
	v2 =	vadd.f32 v6, v2  }
0x3ab: {  	v33 =	vor.u32 v37, v1;
	v6 =	vld.idx.msk [tilespmem:v58+s12+$0x0], $0xffff  }
0x3ac: {  	v58 =	vld [tilespmem:$0x1FD80];
	v4 =	vmul.f32 v59, v4;
	v2 =	vadd.f32 v3, v2  }
0x3ad: {  	[tilespmem:$0x1FC20] =	vst v24;
	v24 =	vmov v37;
	v37 =	vor.u32 v29, v1;
	v3 =	vld.idx.msk [tilespmem:v61+s12+$0x0], $0xffff  }
0x3ae: {  	v5 =	vmul.f32 v7, v5;
	v7 =	vld.idx.msk [tilespmem:v63+s13+$0x0], $0xffff;
	v2 =	vadd.f32 v4, v2  }
0x3af: {  	v52 =	vmov v39;
	v39 =	vor.u32 v39, v1;
	v4 =	vld.idx.msk [tilespmem:v63+s12+$0x0], $0xffff  }
0x3b0: {  	v6 =	vmul.f32 v8, v6;
	v8 =	vld.idx.msk [tilespmem:v33+s13+$0x0], $0xffff;
	v2 =	vadd.f32 v5, v2  }
0x3b1: {  	v42 =	vor.u32 v15, v1;
	v5 =	vld.idx.msk [tilespmem:v33+s12+$0x0], $0xffff  }
0x3b2: {  	v43 =	vld.idx.msk [tilespmem:v37+s13+$0x0], $0xffff;
	v3 =	vmul.f32 v34, v3;
	v2 =	vadd.f32 v6, v2  }
0x3b3: {  	v44 =	vor.u32 v58, v1;
	v6 =	vld.idx.msk [tilespmem:v37+s12+$0x0], $0xffff  }
0x3b4: {  	v4 =	vmul.f32 v7, v4;
	v7 =	vld.idx.msk [tilespmem:v39+s13+$0x0], $0xffff;
	v2 =	vadd.f32 v3, v2  }
0x3b5: {  	v47 =	vor.u32 v40, v1;
	v3 =	vld.idx.msk [tilespmem:v39+s12+$0x0], $0xffff  }
0x3b6: {  	v5 =	vmul.f32 v8, v5;
	v8 =	vld.idx.msk [tilespmem:v42+s13+$0x0], $0xffff;
	v2 =	vadd.f32 v4, v2  }
0x3b7: {  	v56 =	vor.u32 v41, v1;
	v4 =	vld.idx.msk [tilespmem:v42+s12+$0x0], $0xffff  }
0x3b8: {  	v59 =	vld.idx.msk [tilespmem:v44+s13+$0x0], $0xffff;
	v6 =	vmul.f32 v43, v6;
	v2 =	vadd.f32 v5, v2  }
0x3b9: {  	v61 =	vor.u32 v0, v1;
	v5 =	vld.idx.msk [tilespmem:v44+s12+$0x0], $0xffff  }
0x3ba: {  	v3 =	vmul.f32 v7, v3;
	v7 =	vld.idx.msk [tilespmem:v47+s13+$0x0], $0xffff;
	v2 =	vadd.f32 v6, v2  }
0x3bb: {  	v1 =	vor.u32 v26, v1;
	v6 =	vld.idx.msk [tilespmem:v47+s12+$0x0], $0xffff  }
0x3bc: {  	v2 =	vadd.f32 v3, v2;
	v3 =	vmul.f32 v8, v4;
	v4 =	vld.idx.msk [tilespmem:v56+s12+$0x0], $0xffff  }
0x3bd: {  	v8 =	vld.idx.msk [tilespmem:v56+s13+$0x0], $0xffff  }
0x3be: {  	v63 =	vld.idx.msk [tilespmem:v61+s13+$0x0], $0xffff;
	v2 =	vadd.f32 v3, v2;
	v3 =	vmul.f32 v59, v5  }
0x3bf: {  	v5 =	vld.idx.msk [tilespmem:v61+s12+$0x0], $0xffff  }
0x3c0: {  	v2 =	vadd.f32 v3, v2;
	v3 =	vmul.f32 v7, v6;
	v6 =	vld.idx.msk [tilespmem:v1+s12+$0x0], $0xffff  }
0x3c1: {  	v1 =	vld.idx.msk [tilespmem:v1+s13+$0x0], $0xffff  }
0x3c2: {  	v2 =	vadd.f32 v3, v2;
	v3 =	vmul.f32 v8, v4;
	_ =	sdelay $0x1  }
0x3c3: {  	v2 =	vadd.f32 v3, v2;
	v3 =	vmul.f32 v63, v5;
	_ =	sdelay $0x1  }
0x3c4: {  	v1 =	vmul.f32 v1, v6;
	v2 =	vadd.f32 v3, v2;
	_ =	sdelay $0x1  }
0x3c5: {  	v1 =	vadd.f32 v1, v2  }
0x3c6: {  	s0 =	sadd.s32 $0x10, s0  }
0x3c7: {  	s21 =	simm.s32 $0x300;
	[tilespmem:s0+$0x0] =	vst v1  }
0x3c8: {  	s1 =	simm.s32 $0x100;
	v0 =	vld [tilespmem:s21+$0x0]  }
0x3c9: {  	v1 =	vld [tilespmem:s1+$0x0];
	_ =	sdelay $0x3  }
0x3ca: {  	v2 =	vnsel vm0, $0x0, v0  }
0x3cb: {  	vm1 =	vcmask $0x308;
	v3 =	vnsel vm0, $0x0, v1;
	(xrf0) =	vadd.scan.msk.s32 $0xffff, v2  }
0x3cc: {  	v2 =	vsel vm1, $0x0, v1;
	(xrf0) =	vadd.scan.msk.s32 $0xffff, v3  }
0x3cd: {  	v3 =	vsel vm11, $0x0, v0;
	(xrf0) =	vadd.scan.msk.s32 $0xffff, v2  }
0x3ce: {  	v2 =	vsel vm2, $0x0, v0;
	(xrf0) =	vadd.scan.msk.s32 $0xffff, v3;
	v3 =	vsel vm3, $0x0, v0  }
0x3cf: {  	(xrf0) =	vadd.scan.msk.s32 $0xffff, v2;
	v2 =	vsel vm2, $0x0, v1  }
0x3d0: {  	(xrf0) =	vadd.scan.msk.s32 $0xffff, v3  }
0x3d1: {  	v4 =	vsel vm5, $0x0, v0;
	v3, _, _ =	vpop (xrf0);
	(xrf0) =	vadd.scan.msk.s32 $0xffff, v2  }
0x3d2: {  	v2, _, _ =	vpop (xrf0);
	(v2sf) =	vpush v3, $0xF;
	v3 =	vsel vm1, $0x0, v0;
	(xrf0) =	vadd.scan.msk.s32 $0xffff, v4;
	v4 =	vsel vm12, $0x0, v0  }
0x3d3: {  	(v2sf) =	vpush v2, $0xF;
	v2, _, _ =	vpop (xrf0);
	(xrf0) =	vadd.scan.msk.s32 $0xffff, v3;
	v3 =	vsel vm6, $0x0, v0  }
0x3d4: {  	(v2sf) =	vpush v2, $0xF;
	v2, _, _ =	vpop (xrf0)  }
0x3d5: {  	(xrf0) =	vadd.scan.msk.s32 $0xffff, v4;
	v4, _, _ =	vpop (xrf0);
	(v2sf) =	vpush v2, $0xF;
	v2 =	vsel vm13, $0x0, v0  }
0x3d6: {  	(xrf0) =	vadd.scan.msk.s32 $0xffff, v3;
	(v2sf) =	vpush v4, $0xF;
	v3, _, _ =	vpop (xrf0);
	v4 =	vsel vm3, $0x0, v1  }
0x3d7: {  	(v2sf) =	vpush v3, $0xF;
	v3 =	vsel vm4, $0x0, v1  }
0x3d8: {  	(xrf0) =	vadd.scan.msk.s32 $0xffff, v2;
	v2, _, _ =	vpop (xrf0)  }
0x3d9: {  	(xrf0) =	vadd.scan.msk.s32 $0xffff, v4;
	v4, _, _ =	vpop (xrf0)  }
0x3da: {  	(v2sf) =	vpush v2, $0xF;
	v2 =	vsel vm7, $0x0, v0;
	(xrf0) =	vadd.scan.msk.s32 $0xffff, v3;
	v3, _, _ =	vpop (xrf0)  }
0x3db: {  	(v2sf) =	vpush v3, $0xF  }
0x3dc: {  	s17 =	simm.s32 $0x2000;
	s16 =	simm.s32 $0x0;
	v3 =	vsel vm5, $0x0, v1  }
0x3dd: {  	s3 =	simm.s32 $0x8500;
	s29 =	simm.s32 $0x700;
	s18 =	simm.s32 $0x900;
	v5 =	vsel vm8, $0x0, v0;
	(xrf0) =	vadd.scan.msk.s32 $0xffff, v2;
	v2, _, _ =	vpop (xrf0)  }
0x3de: {  	s2 =	simm.s32 $0x580;
	s4 =	simm.s32 $0x400;
	s8 =	simm.s32 $0x480;
	(xrf0) =	vadd.scan.msk.s32 $0xffff, v5;
	(v2sf) =	vpush v4, $0xF;
	v4, _, _ =	vpop (xrf0)  }
0x3df: {  	s9 =	simm.s32 $0x8400;
	s10 =	simm.s32 $0x500;
	s28 =	simm.s32 $0x8880;
	(xrf0) =	vadd.scan.msk.s32 $0xffff, v3;
	v3, _, _ =	vpop (xrf0);
	(v2sf) =	vpush v4, $0xF  }
0x3e0: {  	s5 =	simm.s32 $0x680;
	s11 =	simm.s32 $0x8480;
	s6 =	simm.s32 $0x880;
	v4, _, _ =	vpop (xrf0)  }
0x3e1: {  	s22 =	simm.s32 $0x800;
	s7 =	simm.s32 $0x780;
	v5 =	vsel vm9, $0x0, v0;
	(v2sf) =	vpush v4, $0xF;
	s14 =	spop (v2sf)  }
0x3e2: {  	s25 =	simm.s32 $0x8700;
	[dreg:$0x5] =	wrdreg s6;
	v6 =	vsel vm6, $0x0, v1;
	(xrf0) =	vadd.scan.msk.s32 $0xffff, v5;
	v4 =	vsel vm7, $0x0, v1;
	s23 =	spop (v2sf)  }
0x3e3: {  	(xrf0) =	vadd.scan.msk.s32 $0xffff, v6;
	s14 =	sshll.u32 s14, $0x4;
	s15 =	spop (v2sf);
	s19 =	sshll.u32 s23, $0x4  }
0x3e4: {  	v6 =	vsel vm4, $0x0, v0;
	v5, _, _ =	vpop (xrf0);
	(xrf0) =	vadd.scan.msk.s32 $0xffff, v4;
	s23 =	rddreg [dreg:$0x3];
	s6 =	spop (v2sf);
	s19 =	sand.u32 $0x1FFFFFF0, s19  }
0x3e5: {  	(v2sf) =	vpush v5, $0xF;
	(xrf0) =	vadd.scan.msk.s32 $0xffff, v6;
	v4, _, _ =	vpop (xrf0);
	s14 =	sand.u32 $0x1FFFFFF0, s14;
	s20 =	spop (v2sf);
	s19 =	sadd.s32 s23, s19  }
0x3e6: {  	v5, _, _ =	vpop (xrf0);
	(v2sf) =	vpush v4, $0xF;
	[tilespmem:s4], [sflag:$0x1] =	stream.linear.gather [hbm4b:s19+s24], $0x80, $0x38;
	[tilespmem:$0x10600] =	vst v63  }
0x3e7: {  	s30 =	sshll.u32 s15, $0x4;
	s14 =	sadd.s32 s26, s14;
	v6, _, _ =	vpop (xrf0);
	s21 =	spop (v2sf)  }
0x3e8: {  	(v2sf) =	vpush v6, $0xF;
	[tilespmem:s9], [sflag:$0x2] =	stream.linear.gather [hbm4b:s14+s24], $0x80, $0x38;
	[tilespmem:$0x10600] =	vst v63  }
0x3e9: {  	s31 =	simm.s32 $0x8A00;
	v4, _, _ =	vpop (xrf0);
	(v2sf) =	vpush v5, $0xF;
	s15 =	spop (v2sf);
	s14 =	sand.u32 $0x1FFFFFF0, s30  }
0x3ea: {  	[dreg:$0x7] =	wrdreg s22;
	v6, _, _ =	vpop (xrf0);
	s9 =	sadd.s32 s23, s14;
	s22 =	spop (v2sf)  }
0x3eb: {  	v5, _, _ =	vpop (xrf0);
	(v2sf) =	vpush v4, $0xF;
	[tilespmem:s8], [sflag:$0x1] =	stream.linear.gather [hbm4b:s9+s24], $0x80, $0x38;
	[tilespmem:$0x10600] =	vst v63  }
0x3ec: {  	[dreg:$0xf] =	wrdreg s7;
	v4, _, _ =	vpop (xrf0);
	s30 =	sshll.u32 s22, $0x4;
	s22 =	sshll.u32 s15, $0x4  }
0x3ed: {  	(v2sf) =	vpush v4, $0xF;
	s4 =	spop (v2sf);
	s14 =	sand.u32 $0x1FFFFFF0, s30;
	s9 =	sand.u32 $0x1FFFFFF0, s22  }
0x3ee: {  	s30 =	sshll.u32 s20, $0x4;
	s8 =	spop (v2sf);
	s14 =	sadd.s32 s26, s14  }
0x3ef: {  	[tilespmem:s11], [sflag:$0x2] =	stream.linear.gather [hbm4b:s14+s24], $0x80, $0x38;
	[tilespmem:$0x10600] =	vst v63  }
0x3f0: {  	s9 =	sadd.s32 s23, s9;
	s22 =	sand.u32 $0x1FFFFFF0, s30;
	s15 =	spop (v2sf)  }
0x3f1: {  	[tilespmem:s10], [sflag:$0x1] =	stream.linear.gather [hbm4b:s9+s24], $0x80, $0x38;
	[tilespmem:$0x10600] =	vst v63  }
0x3f2: {  	s7 =	simm.s32 $0x8600;
	s30 =	sshll.u32 s15, $0x4;
	s9 =	sadd.s32 s26, s22  }
0x3f3: {  	v4 =	vsel vm8, $0x0, v1;
	[tilespmem:s3], [sflag:$0x2] =	stream.linear.gather [hbm4b:s9+s24], $0x80, $0x38;
	[tilespmem:$0x10600] =	vst v63  }
0x3f4: {  	(xrf0) =	vadd.scan.msk.s32 $0xffff, v4;
	v4 =	vsel vm9, $0x0, v1;
	s14 =	spop (v2sf);
	s10 =	sand.u32 $0x1FFFFFF0, s30;
	s9 =	sshll.u32 s21, $0x4  }
0x3f5: {  	(xrf0) =	vadd.scan.msk.s32 $0xffff, v4;
	s11 =	spop (v2sf);
	s3 =	sand.u32 $0x1FFFFFF0, s9;
	s9 =	sadd.s32 s23, s10  }
0x3f6: {  	[tilespmem:s2], [sflag:$0x1] =	stream.linear.gather [hbm4b:s9+s24], $0x80, $0x38;
	[tilespmem:$0x10600] =	vst v63  }
0x3f7: {  	s1 =	simm.s32 $0x8580;
	s14 =	sshll.u32 s14, $0x4;
	s15 =	spop (v2sf)  }
0x3f8: {  	s10 =	sand.u32 $0x1FFFFFF0, s14;
	s3 =	sadd.s32 s26, s3;
	s21 =	spop (v2sf)  }
0x3f9: {  	(v2sf) =	vpush v6, $0xF;
	[tilespmem:s1], [sflag:$0x2] =	stream.linear.gather [hbm4b:s3+s24], $0x80, $0x38;
	[tilespmem:$0x10600] =	vst v63  }
0x3fa: {  	s0 =	simm.s32 $0x600;
	v4, _, _ =	vpop (xrf0);
	(v2sf) =	vpush v5, $0xF;
	s1 =	sadd.s32 s23, s10;
	s22 =	spop (v2sf)  }
0x3fb: {  	v5 =	vsel vm10, $0x0, v1;
	(v2sf) =	vpush v4, $0xF;
	v4, _, _ =	vpop (xrf0);
	[tilespmem:s0], [sflag:$0x1] =	stream.linear.gather [hbm4b:s1+s24], $0x80, $0x38;
	[tilespmem:$0x10600] =	vst v63  }
0x3fc: {  	s19 =	simm.s32 $0x110;
	s20 =	simm.s32 $0x310;
	(xrf0) =	vadd.scan.msk.s32 $0xffff, v5;
	s30 =	spop (v2sf);
	(v2sf) =	vpush v4, $0xF;
	v4 =	vsel vm10, $0x0, v0  }
0x3fd: {  	s9 =	sshll.u32 s6, $0x4;
	s3 =	simm.s32 $0xA80;
	s14 =	sshll.u32 s30, $0x4;
	(xrf0) =	vadd.scan.msk.s32 $0xffff, v4;
	v4 =	vsel vm11, $0x0, v1  }
0x3fe: {  	s10 =	sshll.u32 s4, $0x4;
	[dreg:$0xe] =	wrdreg s3;
	s2 =	sand.u32 $0x1FFFFFF0, s14;
	(xrf0) =	vadd.scan.msk.s32 $0xffff, v4;
	v4 =	vsel vm12, $0x0, v1  }
0x3ff: {  	s1 =	simm.s32 $0xB00;
	s30 =	simm.s32 $0x8A80;
	s3 =	sadd.s32 s26, s2;
	(xrf0) =	vadd.scan.msk.s32 $0xffff, v4  }
0x400: {  	v4 =	vsel vm13, $0x0, v1;
	[tilespmem:s7], [sflag:$0x2] =	stream.linear.gather [hbm4b:s3+s24], $0x80, $0x38;
	[tilespmem:$0x10600] =	vst v63  }
0x401: {  	s0 =	simm.s32 $0xA00;
	[dreg:$0xb] =	wrdreg s30;
	s30 =	sshll.u32 s15, $0x4;
	(xrf0) =	vadd.scan.msk.s32 $0xffff, v4;
	v4 =	vsel vm14, $0x0, v1  }
0x402: {  	[dreg:$0x9] =	wrdreg s1;
	s14 =	sshll.u32 s8, $0x4;
	s8 =	sand.u32 $0x1FFFFFF0, s30;
	(xrf0) =	vadd.scan.msk.s32 $0xffff, v4;
	v4 =	vsel vm14, $0x0, v0  }
0x403: {  	s1 =	simm.s32 $0x8980;
	s3 =	sand.u32 $0x1FFFFFF0, s10;
	s4 =	sadd.s32 s23, s8;
	v1 =	vsel vm15, $0x0, v1;
	(xrf0) =	vadd.scan.msk.s32 $0xffff, v4  }
0x404: {  	[tilespmem:s5], [sflag:$0x1] =	stream.linear.gather [hbm4b:s4+s24], $0x80, $0x38;
	[tilespmem:$0x10600] =	vst v63  }
0x405: {  	s10 =	sand.u32 $0x1FFFFFF0, s9;
	s9 =	simm.s32 $0x8680;
	s3 =	sadd.s32 s26, s3;
	v4, _, _ =	vpop (xrf0);
	(xrf0) =	vadd.scan.msk.s32 $0xffff, v1  }
0x406: {  	v5 =	vsel vm15, $0x0, v0;
	[tilespmem:s9], [sflag:$0x2] =	stream.linear.gather [hbm4b:s3+s24], $0x80, $0x38;
	v1, _, _ =	vpop (xrf0);
	[tilespmem:$0x10600] =	vst v63  }
0x407: {  	s15 =	sshll.u32 s22, $0x4;
	s2 =	sshll.u32 s11, $0x4;
	s11 =	sshll.u32 s21, $0x4;
	(xrf0) =	vadd.scan.msk.s32 $0xffff, v5;
	v6, _, _ =	vpop (xrf0)  }
0x408: {  	s7 =	sand.u32 $0x1FFFFFF0, s14;
	s8 =	sand.u32 $0x1FFFFFF0, s11;
	s14 =	spop (v2sf);
	(v2sf) =	vpush v4, $0xF;
	v8, _, _ =	vpop (xrf0)  }
0x409: {  	v29 =	vmov v32;
	s11 =	sand.u32 $0x1FFFFFF0, s15;
	s6 =	sshll.u32 s14, $0x4;
	s21 =	spop (v2sf);
	(v2sf) =	vpush v1, $0xF;
	v7, _, _ =	vpop (xrf0)  }
0x40a: {  	v37 =	vmov v25;
	v39 =	vmov v31;
	s5 =	simm.s32 $0x8800;
	s14 =	simm.s32 $0x980;
	s6 =	sand.u32 $0x1FFFFFF0, s6;
	(v2sf) =	vpush v2, $0xF;
	v5, _, _ =	vpop (xrf0)  }
0x40b: {  	[tilespmem:$0x1FC10] =	vst v13;
	v31 =	vmov v24;
	v44 =	vmov v18;
	s4 =	sadd.s32 s23, s6;
	s6 =	simm.s32 $0x8900;
	s22 =	spop (v2sf);
	(v2sf) =	vpush v6, $0xF;
	v4, _, _ =	vpop (xrf0)  }
0x40c: {  	[tilespmem:$0x1FC30] =	vst v14;
	v59 =	vmov v22;
	v61 =	vmov v19;
	s23 =	sshll.u32 s21, $0x4;
	s3 =	sshll.u32 s22, $0x4;
	s30 =	spop (v2sf);
	(v2sf) =	vpush v3, $0xF;
	v2, _, _ =	vpop (xrf0)  }
0x40d: {  	[tilespmem:$0x1FC40] =	vst v15;
	v22 =	vmov v30;
	v63 =	vmov v20;
	v0 =	vld [tilespmem:$0x1FC60];
	s21 =	sand.u32 $0x1FFFFFF0, s23;
	s3 =	sand.u32 $0x1FFFFFF0, s3;
	s9 =	sshll.u32 s30, $0x4;
	(v2sf) =	vpush v8, $0xF;
	v1, _, _ =	vpop (xrf0)  }
.LBB2_8:
0x40e: {  	_ =	sdelay $0x5  }
0x40f: {  	[tilespmem:s29], [sflag:$0x1] =	stream.linear.gather [hbm4b:s4+s24], $0x80, $0x38;
	[tilespmem:$0x10600] =	vst v63  }
0x410: {  	s15 =	sadd.s32 $0x8780, s16;
	s22 =	sand.u32 $0x1FFFFFF0, s9;
	s7 =	sadd.s32 s26, s7  }
0x411: {  	[tilespmem:s25], [sflag:$0x2] =	stream.linear.gather [hbm4b:s7+s24], $0x80, $0x38;
	[tilespmem:$0x10600] =	vst v63  }
0x412: {  	s2 =	sand.u32 $0x1FFFFFF0, s2;
	s25 =	rddreg [dreg:$0x3];
	s23 =	spop (v2sf)  }
0x413: {  	s8 =	sadd.s32 s26, s8;
	s21 =	sadd.s32 s25, s21;
	s30 =	sshll.u32 s23, $0x4  }
0x414: {  	s23 =	spop (v2sf);
	s7 =	sand.u32 $0x1FFFFFF0, s30;
	s30 =	rddreg [dreg:$0xf]  }
0x415: {  	[tilespmem:s30], [sflag:$0x1] =	stream.linear.gather [hbm4b:s21+s24], $0x80, $0x38;
	[tilespmem:$0x10600] =	vst v63  }
0x416: {  	s2 =	sadd.s32 s26, s2;
	(v2sf) =	vpush v7, $0xF;
	s4 =	sshll.u32 s23, $0x4;
	s30 =	spop (v2sf)  }
0x417: {  	[tilespmem:s15], [sflag:$0x2] =	stream.linear.gather [hbm4b:s2+s24], $0x80, $0x38;
	[tilespmem:$0x10600] =	vst v63  }
0x418: {  	(v2sf) =	vpush v5, $0xF;
	s4 =	sand.u32 $0x1FFFFFF0, s4;
	s23 =	spop (v2sf);
	s15 =	sadd.s32 s25, s3  }
0x419: {  	s3 =	sshll.u32 s30, $0x4;
	s30 =	rddreg [dreg:$0x7];
	s21 =	sshll.u32 s23, $0x4  }
0x41a: {  	(v2sf) =	vpush v4, $0xF;
	[tilespmem:s30], [sflag:$0x1] =	stream.linear.gather [hbm4b:s15+s24], $0x80, $0x38;
	[tilespmem:$0x10600] =	vst v63  }
0x41b: {  	s23 =	sadd.s32 s25, s22;
	s22 =	sadd.s32 s26, s11;
	s3 =	sand.u32 $0x1FFFFFF0, s3  }
0x41c: {  	[tilespmem:s5], [sflag:$0x2] =	stream.linear.gather [hbm4b:s8+s24], $0x80, $0x38;
	[tilespmem:$0x10600] =	vst v63  }
0x41d: {  	s30 =	spop (v2sf);
	s5 =	sand.u32 $0x1FFFFFF0, s21;
	s21 =	rddreg [dreg:$0x5]  }
0x41e: {  	[tilespmem:s21], [sflag:$0x1] =	stream.linear.gather [hbm4b:s23+s24], $0x80, $0x38;
	[tilespmem:$0x10600] =	vst v63  }
0x41f: {  	s11 =	sadd.s32 s26, s3;
	s8 =	sshll.u32 s30, $0x4;
	s23 =	spop (v2sf)  }
0x420: {  	(v2sf) =	vpush v2, $0xF;
	[tilespmem:s28], [sflag:$0x2] =	stream.linear.gather [hbm4b:s22+s24], $0x80, $0x38;
	[tilespmem:$0x10600] =	vst v63  }
0x421: {  	s30 =	sadd.s32 s25, s7;
	s7 =	sand.u32 $0x1FFFFFF0, s8;
	s15 =	sshll.u32 s23, $0x4  }
0x422: {  	(v2sf) =	vpush v1, $0xF;
	[tilespmem:s18], [sflag:$0x1] =	stream.linear.gather [hbm4b:s30+s24], $0x80, $0x38;
	[tilespmem:$0x10600] =	vst v63  }
0x423: {  	s8 =	sadd.s32 s26, s4;
	s21 =	sadd.s32 s25, s5;
	s4 =	sand.u32 $0x1FFFFFF0, s15  }
0x424: {  	[tilespmem:s6], [sflag:$0x2] =	stream.linear.gather [hbm4b:s8+s24], $0x80, $0x38;
	[tilespmem:$0x10600] =	vst v63  }
0x425: {  	s23 =	sadd.s32 s26, s10;
	s4 =	sadd.s32 s25, s4;
	s18 =	spop (v2sf)  }
0x426: {  	[tilespmem:s14], [sflag:$0x1] =	stream.linear.gather [hbm4b:s21+s24], $0x80, $0x38;
	[tilespmem:$0x10600] =	vst v63  }
0x427: {  	s22 =	sshll.u32 s18, $0x4;
	s6 =	rddreg [dreg:$0xb];
	s30 =	spop (v2sf)  }
0x428: {  	[tilespmem:s1], [sflag:$0x2] =	stream.linear.gather [hbm4b:s23+s24], $0x80, $0x38;
	[tilespmem:$0x10600] =	vst v63  }
0x429: {  	s5 =	sand.u32 $0x1FFFFFF0, s22;
	s22 =	rddreg [dreg:$0xe];
	s10 =	spop (v2sf)  }
0x42a: {  	[tilespmem:s0], [sflag:$0x1] =	stream.linear.gather [hbm4b:s4+s24], $0x80, $0x38;
	[tilespmem:$0x10600] =	vst v63  }
0x42b: {  	s8 =	sshll.u32 s30, $0x4;
	s18 =	sadd.s32 s25, s5;
	s15 =	sshll.u32 s10, $0x4  }
0x42c: {  	[tilespmem:s31], [sflag:$0x2] =	stream.linear.gather [hbm4b:s11+s24], $0x80, $0x38;
	[tilespmem:$0x10600] =	vst v63  }
0x42d: {  	s14 =	sand.u32 $0x1FFFFFF0, s8;
	s2 =	sand.u32 $0x1FFFFFF0, s15;
	s23 =	sadd.s32 s26, s7  }
0x42e: {  	[tilespmem:s22], [sflag:$0x1] =	stream.linear.gather [hbm4b:s18+s24], $0x80, $0x38;
	[tilespmem:$0x10600] =	vst v63  }
0x42f: {  	s7 =	sadd.s32 s25, s14;
	s14 =	sadd.s32 $0x8B00, s16;
	s21 =	spop (v2sf)  }
0x430: {  	[tilespmem:s6], [sflag:$0x2] =	stream.linear.gather [hbm4b:s23+s24], $0x80, $0x38;
	[tilespmem:$0x10600] =	vst v63  }
0x431: {  	s3 =	sshll.u32 s21, $0x4;
	s11 =	rddreg [dreg:$0x9];
	s30 =	spop (v2sf)  }
0x432: {  	[tilespmem:s11], [sflag:$0x1] =	stream.linear.gather [hbm4b:s7+s24], $0x80, $0x38;
	[tilespmem:$0x10600] =	vst v63  }
0x433: {  	s2 =	sadd.s32 s26, s2;
	s8 =	sand.u32 $0x1FFFFFF0, s3;
	s10 =	sshll.u32 s30, $0x4  }
0x434: {  	[tilespmem:s14], [sflag:$0x2] =	stream.linear.gather [hbm4b:s2+s24], $0x80, $0x38;
	[tilespmem:$0x10600] =	vst v63  }
0x435: {  	s15 =	sadd.s32 $0xB80, s16;
	s1 =	sadd.s32 s25, s8;
	s3 =	sand.u32 $0x1FFFFFF0, s10  }
0x436: {  	[tilespmem:s15], [sflag:$0x1] =	stream.linear.gather [hbm4b:s1+s24], $0x80, $0x38;
	[tilespmem:$0x10600] =	vst v63  }
0x437: {  	s16 =	sadd.s32 $0x8B80, s16;
	s18 =	sadd.s32 s26, s3  }
0x438: {  	[tilespmem:s16], [sflag:$0x2] =	stream.linear.gather [hbm4b:s18+s24], $0x80, $0x38;
	[tilespmem:$0x10600] =	vst v63  }
0x439: {  	v3 =	vld [tilespmem:s20+$0x0]  }
0x43a: {  	v2 =	vld [tilespmem:s19+$0x0];
	_ =	sdelay $0x3  }
0x43b: {  	v4 =	vnsel vm0, $0x0, v3  }
0x43c: {  	v7 =	vnsel vm0, $0x0, v2;
	(xrf0) =	vadd.scan.msk.s32 $0xffff, v4  }
0x43d: {  	v8 =	vsel vm1, $0x0, v2;
	(xrf0) =	vadd.scan.msk.s32 $0xffff, v7  }
0x43e: {  	v12 =	vsel vm11, $0x0, v3;
	(xrf0) =	vadd.scan.msk.s32 $0xffff, v8  }
0x43f: {  	v6 =	vsel vm2, $0x0, v3;
	(xrf0) =	vadd.scan.msk.s32 $0xffff, v12  }
0x440: {  	v26 =	vsel vm3, $0x0, v3;
	(xrf0) =	vadd.scan.msk.s32 $0xffff, v6  }
0x441: {  	s9 =	smov.u32 s17;
	(xrf0) =	vadd.scan.msk.s32 $0xffff, v26  }
0x442: {  	s16 =	sshra.s32 s9, $0x2;
	v4 =	vsel vm2, $0x0, v2;
	v41, _, _ =	vpop (xrf0)  }
0x443: {  	s28 =	rddreg [dreg:$0x3];
	s21 =	sadd.s32 $0x8500, s16;
	v6 =	vsel vm5, $0x0, v3;
	(xrf0) =	vadd.scan.msk.s32 $0xffff, v4;
	v43, _, _ =	vpop (xrf0);
	(v2sf) =	vpush v41, $0xF  }
0x444: {  	p0 =	sne.s32 s17, $0x1E000;
	s22 =	sadd.s32 $0x700, s16;
	[dreg:$0x1c] =	wrdreg s21;
	v42 =	vsel vm1, $0x0, v3;
	(xrf0) =	vadd.scan.msk.s32 $0xffff, v6;
	(v2sf) =	vpush v43, $0xF;
	v36, _, _ =	vpop (xrf0)  }
0x445: {  	s17 =	sadd.s32 $0x2000, s17;
	s23 =	sadd.s32 $0x900, s16;
	[dreg:$0x13] =	wrdreg s22;
	v6 =	vsel vm12, $0x0, v3;
	(xrf0) =	vadd.scan.msk.s32 $0xffff, v42;
	(v2sf) =	vpush v36, $0xF;
	v56, _, _ =	vpop (xrf0)  }
0x446: {  	s29 =	simm.s32 $0x0;
	s30 =	sadd.s32 $0x580, s16;
	[dreg:$0x11] =	wrdreg s23;
	v47 =	vsel vm6, $0x0, v3;
	(xrf0) =	vadd.scan.msk.s32 $0xffff, v6;
	v14, _, _ =	vpop (xrf0);
	(v2sf) =	vpush v56, $0xF  }
0x447: {  	s1 =	sadd.s32 $0x8580, s16;
	s10 =	sadd.s32 $0x400, s16;
	[dreg:$0x1a] =	wrdreg s30;
	v13 =	vsel vm13, $0x0, v3;
	v7 =	vsel vm4, $0x0, v2;
	(xrf0) =	vadd.scan.msk.s32 $0xffff, v47;
	(v2sf) =	vpush v14, $0xF;
	v24, _, _ =	vpop (xrf0)  }
0x448: {  	s9 =	sadd.s32 $0x480, s16;
	s2 =	sadd.s32 $0x600, s16;
	[dreg:$0x18] =	wrdreg s1;
	v9 =	vsel vm3, $0x0, v2;
	(xrf0) =	vadd.scan.msk.s32 $0xffff, v13;
	(v2sf) =	vpush v24, $0xF  }
0x449: {  	s11 =	sadd.s32 $0x500, s16;
	s3 =	sadd.s32 $0x680, s16;
	[dreg:$0x16] =	wrdreg s2;
	v6, _, _ =	vpop (xrf0);
	(xrf0) =	vadd.scan.msk.s32 $0xffff, v9  }
0x44a: {  	s8 =	sadd.s32 $0x8480, s16;
	s4 =	sadd.s32 $0x880, s16;
	[dreg:$0x1e] =	wrdreg s3;
	(xrf0) =	vadd.scan.msk.s32 $0xffff, v7;
	v7, _, _ =	vpop (xrf0);
	(v2sf) =	vpush v6, $0xF  }
0x44b: {  	s5 =	sadd.s32 $0x800, s16;
	s6 =	sadd.s32 $0x780, s16;
	[dreg:$0x5] =	wrdreg s4;
	v33, _, _ =	vpop (xrf0)  }
0x44c: {  	s7 =	sadd.s32 $0x8700, s16;
	s15 =	sadd.s32 $0x8600, s16;
	[dreg:$0x7] =	wrdreg s5;
	(v2sf) =	vpush v33, $0xF  }
0x44d: {  	s19 =	sadd.s32 $0x10, s19;
	s20 =	sadd.s32 $0x10, s20;
	[dreg:$0xf] =	wrdreg s6;
	v25 =	vsel vm7, $0x0, v3;
	v6, _, _ =	vpop (xrf0);
	(v2sf) =	vpush v7, $0xF  }
0x44e: {  	s14 =	sadd.s32 $0xA80, s16;
	s18 =	sadd.s32 $0x8A80, s16;
	[smem:$0x7F7] =	sst s7;
	v26 =	vsel vm8, $0x0, v3;
	(xrf0) =	vadd.scan.msk.s32 $0xffff, v25;
	v7, _, _ =	vpop (xrf0)  }
0x44f: {  	s0 =	sadd.s32 $0xA00, s16;
	s31 =	sadd.s32 $0x8A00, s16;
	[dreg:$0xe] =	wrdreg s14;
	v11 =	vsel vm5, $0x0, v2;
	(xrf0) =	vadd.scan.msk.s32 $0xffff, v26;
	(v2sf) =	vpush v7, $0xF  }
0x450: {  	s2 =	sadd.s32 $0x8400, s16;
	s30 =	sadd.s32 $0x8880, s16;
	[dreg:$0xb] =	wrdreg s18;
	v1 =	vsel vm14, $0x0, v3;
	v5 =	vsel vm10, $0x0, v3;
	(xrf0) =	vadd.scan.msk.s32 $0xffff, v11  }
0x451: {  	s21 =	sadd.s32 $0xB00, s16;
	s1 =	sadd.s32 $0x8980, s16;
	s6 =	sadd.s32 $0x8900, s16;
	v10 =	vsel vm4, $0x0, v3;
	v34 =	vsel vm9, $0x0, v3;
	v4 =	vsel vm15, $0x0, v3;
	v3, _, _ =	vpop (xrf0)  }
0x452: {  	s14 =	sadd.s32 $0x980, s16;
	s5 =	sadd.s32 $0x8800, s16;
	v8 =	vsel vm6, $0x0, v2;
	(xrf0) =	vadd.scan.msk.s32 $0xffff, v34;
	v7, _, _ =	vpop (xrf0);
	s22 =	spop (v2sf)  }
0x453: {  	[dreg:$0x9] =	wrdreg s21;
	v18 =	vsel vm7, $0x0, v2;
	(xrf0) =	vadd.scan.msk.s32 $0xffff, v8;
	(v2sf) =	vpush v7, $0xF;
	v7, _, _ =	vpop (xrf0);
	s3 =	sshll.u32 s22, $0x4;
	s23 =	spop (v2sf)  }
0x454: {  	(xrf0) =	vadd.scan.msk.s32 $0xffff, v18;
	(v2sf) =	vpush v7, $0xF;
	v7, _, _ =	vpop (xrf0);
	s4 =	sshll.u32 s23, $0x4;
	s23 =	sand.u32 $0x1FFFFFF0, s3;
	s7 =	spop (v2sf)  }
0x455: {  	v19 =	vsel vm8, $0x0, v2;
	(xrf0) =	vadd.scan.msk.s32 $0xffff, v10;
	v8, _, _ =	vpop (xrf0);
	s4 =	sand.u32 $0x1FFFFFF0, s4;
	s3 =	sshll.u32 s7, $0x4;
	s18 =	spop (v2sf)  }
0x456: {  	v20 =	vsel vm9, $0x0, v2;
	(xrf0) =	vadd.scan.msk.s32 $0xffff, v19;
	v36, _, _ =	vpop (xrf0);
	(v2sf) =	vpush v7, $0xF;
	s23 =	sadd.s32 s26, s23;
	s22 =	sand.u32 $0x1FFFFFF0, s3;
	s21 =	spop (v2sf)  }
0x457: {  	(xrf0) =	vadd.scan.msk.s32 $0xffff, v20;
	(v2sf) =	vpush v36, $0xF;
	s18 =	sshll.u32 s18, $0x4;
	s4 =	sadd.s32 s25, s4;
	s25 =	spop (v2sf)  }
0x458: {  	v21 =	vsel vm10, $0x0, v2;
	(v2sf) =	vpush v8, $0xF;
	[tilespmem:s10], [sflag:$0x1] =	stream.linear.gather [hbm4b:s4+s24], $0x80, $0x38;
	[tilespmem:$0x10600] =	vst v63  }
0x459: {  	v7, _, _ =	vpop (xrf0);
	(xrf0) =	vadd.scan.msk.s32 $0xffff, v21;
	s3 =	sshll.u32 s21, $0x4;
	s22 =	sadd.s32 s28, s22;
	s7 =	spop (v2sf)  }
0x45a: {  	v41, _, _ =	vpop (xrf0);
	(v2sf) =	vpush v7, $0xF;
	[tilespmem:s2], [sflag:$0x2] =	stream.linear.gather [hbm4b:s23+s29], $0x80, $0x38;
	[tilespmem:$0x10600] =	vst v63  }
0x45b: {  	(xrf0) =	vadd.scan.msk.s32 $0xffff, v5;
	v5, _, _ =	vpop (xrf0);
	s21 =	sand.u32 $0x1FFFFFF0, s3;
	s25 =	sshll.u32 s25, $0x4;
	s24 =	spop (v2sf)  }
0x45c: {  	v8, _, _ =	vpop (xrf0);
	s10 =	sshll.u32 s7, $0x4;
	s4 =	sand.u32 $0x1FFFFFF0, s25;
	s25 =	spop (v2sf)  }
0x45d: {  	(v2sf) =	vpush v8, $0xF;
	[tilespmem:s9], [sflag:$0x1] =	stream.linear.gather [hbm4b:s22+s29], $0x80, $0x38;
	[tilespmem:$0x10600] =	vst v63  }
0x45e: {  	(v2sf) =	vpush v41, $0xF;
	s3 =	sshll.u32 s24, $0x4;
	s24 =	sand.u32 $0x1FFFFFF0, s10;
	s10 =	spop (v2sf)  }
0x45f: {  	s3 =	sand.u32 $0x1FFFFFF0, s3;
	s7 =	sshll.u32 s25, $0x4;
	s10 =	sshll.u32 s10, $0x4  }
0x460: {  	s25 =	sadd.s32 s26, s3;
	s3 =	sand.u32 $0x1FFFFFF0, s7;
	s7 =	sand.u32 $0x1FFFFFF0, s10  }
0x461: {  	[tilespmem:s8], [sflag:$0x2] =	stream.linear.gather [hbm4b:s25+s29], $0x80, $0x38;
	[tilespmem:$0x10600] =	vst v63  }
0x462: {  	s10 =	sand.u32 $0x1FFFFFF0, s18;
	s18 =	spop (v2sf);
	s25 =	rddreg [dreg:$0x3]  }
0x463: {  	s18 =	sshll.u32 s18, $0x4;
	s26 =	spop (v2sf);
	s24 =	sadd.s32 s25, s24  }
0x464: {  	(v2sf) =	vpush v5, $0xF;
	[tilespmem:s11], [sflag:$0x1] =	stream.linear.gather [hbm4b:s24+s29], $0x80, $0x38;
	[tilespmem:$0x10600] =	vst v63  }
0x465: {  	s22 =	sadd.s32 $0x8680, s16;
	s18 =	sand.u32 $0x1FFFFFF0, s18;
	s23 =	spop (v2sf)  }
0x466: {  	s26 =	sshll.u32 s26, $0x4;
	s2 =	sshll.u32 s23, $0x4;
	s23 =	spop (v2sf)  }
0x467: {  	v42, _, _ =	vpop (xrf0);
	s24 =	rddreg [dreg:$0x4];
	s26 =	sand.u32 $0x1FFFFFF0, s26;
	s28 =	spop (v2sf)  }
0x468: {  	s11 =	sadd.s32 s24, s21;
	s18 =	sadd.s32 s25, s18;
	(v2sf) =	vpush v42, $0xF;
	s9 =	sshll.u32 s28, $0x4  }
0x469: {  	s23 =	sshll.u32 s23, $0x4;
	s28 =	spop (v2sf);
	s8 =	sand.u32 $0x1FFFFFF0, s9  }
0x46a: {  	v8, _, _ =	vpop (xrf0);
	s21 =	sshll.u32 s28, $0x4;
	s28 =	smov.u32 s30;
	s30 =	rddreg [dreg:$0x1c]  }
0x46b: {  	v23 =	vsel vm11, $0x0, v2;
	(v2sf) =	vpush v8, $0xF;
	[tilespmem:s30], [sflag:$0x2] =	stream.linear.gather [hbm4b:s11+s29], $0x80, $0x38;
	[tilespmem:$0x10600] =	vst v63  }
0x46c: {  	v32 =	vsel vm12, $0x0, v2;
	(xrf0) =	vadd.scan.msk.s32 $0xffff, v23;
	s9 =	spop (v2sf);
	s11 =	sand.u32 $0x1FFFFFF0, s21;
	s30 =	rddreg [dreg:$0x1a]  }
0x46d: {  	(xrf0) =	vadd.scan.msk.s32 $0xffff, v32;
	s21 =	rddreg [dreg:$0x4];
	s9 =	sshll.u32 s9, $0x4;
	s24 =	spop (v2sf)  }
0x46e: {  	v40 =	vsel vm13, $0x0, v2;
	[tilespmem:s30], [sflag:$0x1] =	stream.linear.gather [hbm4b:s18+s29], $0x80, $0x38;
	[tilespmem:$0x10600] =	vst v63  }
0x46f: {  	(xrf0) =	vadd.scan.msk.s32 $0xffff, v40;
	s4 =	sadd.s32 s21, s4;
	s30 =	rddreg [dreg:$0x18];
	s24 =	sshll.u32 s24, $0x4  }
0x470: {  	v12 =	vsel vm14, $0x0, v2;
	[tilespmem:s30], [sflag:$0x2] =	stream.linear.gather [hbm4b:s4+s29], $0x80, $0x38;
	[tilespmem:$0x10600] =	vst v63  }
0x471: {  	(xrf0) =	vadd.scan.msk.s32 $0xffff, v12;
	s18 =	sand.u32 $0x1FFFFFF0, s24;
	s24 =	sadd.s32 s25, s26;
	s26 =	rddreg [dreg:$0x4]  }
0x472: {  	v2 =	vsel vm15, $0x0, v2;
	v43, _, _ =	vpop (xrf0);
	(xrf0) =	vadd.scan.msk.s32 $0xffff, v1;
	s23 =	sand.u32 $0x1FFFFFF0, s23;
	s9 =	sand.u32 $0x1FFFFFF0, s9;
	s30 =	rddreg [dreg:$0x16]  }
0x473: {  	v47, _, _ =	vpop (xrf0);
	(xrf0) =	vadd.scan.msk.s32 $0xffff, v2;
	s4 =	sadd.s32 s25, s18;
	s9 =	sadd.s32 s26, s9;
	s21 =	spop (v2sf)  }
0x474: {  	[tilespmem:s30], [sflag:$0x1] =	stream.linear.gather [hbm4b:s24+s29], $0x80, $0x38;
	[tilespmem:$0x10600] =	vst v63  }
0x475: {  	v56, _, _ =	vpop (xrf0);
	(xrf0) =	vadd.scan.msk.s32 $0xffff, v4;
	s29 =	rddreg [dreg:$0x13];
	s24 =	simm.s32 $0x0;
	s21 =	sshll.u32 s21, $0x4  }
0x476: {  	[tilespmem:s15], [sflag:$0x2] =	stream.linear.gather [hbm4b:s9+s24], $0x80, $0x38;
	[tilespmem:$0x10600] =	vst v63  }
0x477: {  	v18, _, _ =	vpop (xrf0);
	(v2sf) =	vpush v43, $0xF;
	s21 =	sand.u32 $0x1FFFFFF0, s21;
	s9 =	sadd.s32 s25, s23;
	s30 =	spop (v2sf)  }
.Ltmp3:
0x478: {  	v7, _, _ =	vpop (xrf0);
	(v2sf) =	vpush v47, $0xF;
	s15 =	sshll.u32 s30, $0x4;
	s30 =	rddreg [dreg:$0x1e];
	(pc) =	sbr.rel @p0 .LBB2_8-.Ltmp3, $4  }
0x479: {  	v5, _, _ =	vpop (xrf0);
	(v2sf) =	vpush v6, $0xF;
	[tilespmem:s30], [sflag:$0x1] =	stream.linear.gather [hbm4b:s9+s24], $0x80, $0x38;
	[tilespmem:$0x10600] =	vst v63  }
0x47a: {  	v4, _, _ =	vpop (xrf0);
	(v2sf) =	vpush v56, $0xF;
	s25 =	sld [smem:$0x7F7];
	s18 =	spop (v2sf);
	s30 =	sadd.s32 s26, s3  }
0x47b: {  	v2, _, _ =	vpop (xrf0);
	(v2sf) =	vpush v3, $0xF;
	s3 =	sand.u32 $0x1FFFFFF0, s15;
	s9 =	sshll.u32 s18, $0x4;
	s18 =	rddreg [dreg:$0x11]  }
0x47c: {  	v1, _, _ =	vpop (xrf0);
	(v2sf) =	vpush v18, $0xF;
	[tilespmem:s22], [sflag:$0x2] =	stream.linear.gather [hbm4b:s30+s24], $0x80, $0x38;
	[tilespmem:$0x10600] =	vst v63  }
0x47d: {  	[tilespmem:s29], [sflag:$0x1] =	stream.linear.gather [hbm4b:s4+s24], $0x80, $0x38;
	[tilespmem:$0x10600] =	vst v63  }
0x47e: {  	s17 =	sadd.s32 s26, s7;
	s15 =	rddreg [dreg:$0x3]  }
0x47f: {  	[tilespmem:s25], [sflag:$0x2] =	stream.linear.gather [hbm4b:s17+s24], $0x80, $0x38;
	[tilespmem:$0x10600] =	vst v63  }
0x480: {  	s20 =	rddreg [dreg:$0xf];
	s2 =	sand.u32 $0x1FFFFFF0, s2;
	s19 =	sadd.s32 s15, s21  }
0x481: {  	[tilespmem:s20], [sflag:$0x1] =	stream.linear.gather [hbm4b:s19+s24], $0x80, $0x38;
	[tilespmem:$0x10600] =	vst v63  }
0x482: {  	s21 =	sadd.s32 $0x8780, s16;
	s2 =	sadd.s32 s26, s2  }
0x483: {  	[tilespmem:s21], [sflag:$0x2] =	stream.linear.gather [hbm4b:s2+s24], $0x80, $0x38;
	[tilespmem:$0x10600] =	vst v63  }
0x484: {  	s23 =	rddreg [dreg:$0x7];
	s22 =	sadd.s32 s15, s3  }
0x485: {  	[tilespmem:s23], [sflag:$0x1] =	stream.linear.gather [hbm4b:s22+s24], $0x80, $0x38;
	[tilespmem:$0x10600] =	vst v63  }
0x486: {  	s29 =	sand.u32 $0x1FFFFFF0, s9;
	s25 =	sadd.s32 s26, s8  }
0x487: {  	[tilespmem:s5], [sflag:$0x2] =	stream.linear.gather [hbm4b:s25+s24], $0x80, $0x38;
	[tilespmem:$0x10600] =	vst v63  }
0x488: {  	s30 =	rddreg [dreg:$0x5];
	s2 =	sadd.s32 s15, s29;
	s4 =	spop (v2sf)  }
0x489: {  	[tilespmem:s30], [sflag:$0x1] =	stream.linear.gather [hbm4b:s2+s24], $0x80, $0x38;
	[tilespmem:$0x10600] =	vst v63  }
0x48a: {  	s2 =	sshll.u32 s4, $0x4  }
0x48b: {  	s3 =	sadd.s32 s26, s11;
	s5 =	spop (v2sf);
	s2 =	sand.u32 $0x1FFFFFF0, s2  }
0x48c: {  	(v2sf) =	vpush v7, $0xF;
	[tilespmem:s28], [sflag:$0x2] =	stream.linear.gather [hbm4b:s3+s24], $0x80, $0x38;
	[tilespmem:$0x10600] =	vst v63  }
0x48d: {  	s7 =	spop (v2sf);
	s2 =	sadd.s32 s15, s2  }
0x48e: {  	[tilespmem:s18], [sflag:$0x1] =	stream.linear.gather [hbm4b:s2+s24], $0x80, $0x38;
	[tilespmem:$0x10600] =	vst v63  }
0x48f: {  	s8 =	spop (v2sf);
	s2 =	sshll.u32 s5, $0x4  }
0x490: {  	s9 =	sadd.s32 s26, s10;
	s3 =	sshll.u32 s8, $0x4;
	s2 =	sand.u32 $0x1FFFFFF0, s2  }
0x491: {  	s10 =	spop (v2sf);
	s3 =	sand.u32 $0x1FFFFFF0, s3;
	s2 =	sadd.s32 s26, s2  }
0x492: {  	[tilespmem:s6], [sflag:$0x2] =	stream.linear.gather [hbm4b:s2+s24], $0x80, $0x38;
	[tilespmem:$0x10600] =	vst v63  }
0x493: {  	(v2sf) =	vpush v5, $0xF;
	s11 =	spop (v2sf);
	s3 =	sadd.s32 s15, s3  }
0x494: {  	[tilespmem:s14], [sflag:$0x1] =	stream.linear.gather [hbm4b:s3+s24], $0x80, $0x38;
	[tilespmem:$0x10600] =	vst v63  }
0x495: {  	s3 =	sshll.u32 s11, $0x4  }
0x496: {  	s3 =	sand.u32 $0x1FFFFFF0, s3  }
0x497: {  	(v2sf) =	vpush v4, $0xF;
	[tilespmem:s1], [sflag:$0x2] =	stream.linear.gather [hbm4b:s9+s24], $0x80, $0x38;
	[tilespmem:$0x10600] =	vst v63  }
0x498: {  	s14 =	sshll.u32 s7, $0x4;
	s3 =	sadd.s32 s15, s3  }
0x499: {  	[tilespmem:s0], [sflag:$0x1] =	stream.linear.gather [hbm4b:s3+s24], $0x80, $0x38;
	[tilespmem:$0x10600] =	vst v63  }
0x49a: {  	s0 =	sand.u32 $0x1FFFFFF0, s14  }
0x49b: {  	(v2sf) =	vpush v2, $0xF;
	s17 =	spop (v2sf);
	s0 =	sadd.s32 s26, s0  }
0x49c: {  	[tilespmem:s31], [sflag:$0x2] =	stream.linear.gather [hbm4b:s0+s24], $0x80, $0x38;
	[tilespmem:$0x10600] =	vst v63  }
0x49d: {  	s0 =	sshll.u32 s17, $0x4  }
0x49e: {  	s0 =	sand.u32 $0x1FFFFFF0, s0  }
0x49f: {  	s19 =	sshll.u32 s10, $0x4;
	s18 =	rddreg [dreg:$0xe];
	(v2sf) =	vpush v1, $0xF;
	s0 =	sadd.s32 s15, s0  }
0x4a0: {  	[tilespmem:s18], [sflag:$0x1] =	stream.linear.gather [hbm4b:s0+s24], $0x80, $0x38;
	[tilespmem:$0x10600] =	vst v63  }
0x4a1: {  	s0 =	sand.u32 $0x1FFFFFF0, s19  }
0x4a2: {  	s20 =	rddreg [dreg:$0xb];
	s21 =	spop (v2sf);
	s0 =	sadd.s32 s26, s0  }
0x4a3: {  	[tilespmem:s20], [sflag:$0x2] =	stream.linear.gather [hbm4b:s0+s24], $0x80, $0x38;
	[tilespmem:$0x10600] =	vst v63  }
0x4a4: {  	s0 =	sshll.u32 s21, $0x4  }
0x4a5: {  	s0 =	sand.u32 $0x1FFFFFF0, s0  }
0x4a6: {  	s22 =	rddreg [dreg:$0x9];
	s23 =	spop (v2sf);
	s0 =	sadd.s32 s15, s0  }
0x4a7: {  	[tilespmem:s22], [sflag:$0x1] =	stream.linear.gather [hbm4b:s0+s24], $0x80, $0x38;
	[tilespmem:$0x10600] =	vst v63  }
0x4a8: {  	s0 =	sshll.u32 s23, $0x4  }
0x4a9: {  	s0 =	sand.u32 $0x1FFFFFF0, s0  }
0x4aa: {  	s25 =	sadd.s32 $0x8B00, s16;
	s28 =	spop (v2sf);
	s0 =	sadd.s32 s26, s0  }
0x4ab: {  	[tilespmem:s25], [sflag:$0x2] =	stream.linear.gather [hbm4b:s0+s24], $0x80, $0x38;
	[tilespmem:$0x10600] =	vst v63  }
0x4ac: {  	s0 =	sshll.u32 s28, $0x4  }
0x4ad: {  	s0 =	sand.u32 $0x1FFFFFF0, s0  }
0x4ae: {  	s29 =	sadd.s32 $0xB80, s16;
	s0 =	sadd.s32 s15, s0;
	s30 =	spop (v2sf)  }
0x4af: {  	[tilespmem:s29], [sflag:$0x1] =	stream.linear.gather [hbm4b:s0+s24], $0x80, $0x38;
	[tilespmem:$0x10600] =	vst v63  }
0x4b0: {  	s0 =	sshll.u32 s30, $0x4  }
0x4b1: {  	s0 =	sand.u32 $0x1FFFFFF0, s0  }
0x4b2: {  	s1 =	simm.s32 $0x1;
	s31 =	sadd.s32 $0x8B80, s16;
	s0 =	sadd.s32 s26, s0  }
0x4b3: {  	[tilespmem:s31], [sflag:$0x2] =	stream.linear.gather [hbm4b:s0+s24], $0x80, $0x38;
	[tilespmem:$0x10600] =	vst v63  }
0x4b4: {  	_ =	swait.ge [sflag:s1], $0x80  }
0x4b5: {  	[sflag:s1] =	ssyncset.done $0x0  }
0x4b6: {  	s2 =	simm.s32 $0x2;
	[sflag:s1] =	ssyncadd.s32 $0xFFFFFF80  }
0x4b7: {  	v23 =	vmovc v58;
	v25 =	vmovc v35;
	v35 =	vmov v57;
	v33 =	vmov v55;
	v26 =	vmov v60;
	_ =	swait.ge [sflag:s2], $0x80  }
0x4b8: {  	v55 =	vmovc v54;
	v13 =	vmovc v53;
	v40 =	vmov v48;
	v18 =	vmov v46;
	v48 =	vmov v45;
	s0 =	simm.s32 $0xFF;
	[sflag:s2] =	ssyncset.done $0x0  }
.LBB2_10:
0x4b9: {  	p0 =	sne.s32 s0, $0x1;
	s0 =	sadd.s32 $0xFFFFFFFF, s0;
	[sflag:s2] =	ssyncadd.s32 $0xFFFFFF80  }
.Ltmp4:
0x4ba: {  	_ =	swait.ge [sflag:s1], $0x80;
	(pc) =	sbr.rel @p0 .LBB2_10-.Ltmp4, $4  }
0x4bb: {  	[sflag:s1] =	ssyncset.done $0x0  }
0x4bc: {  	[sflag:s1] =	ssyncadd.s32 $0xFFFFFF80  }
0x4bd: {  	_ =	swait.ge [sflag:s2], $0x80  }
0x4be: {  	[sflag:s2] =	ssyncset.done $0x0  }
0x4bf: {  	v32 =	vld [tilespmem:$0x1FD90]  }
0x4c0: {  	v43 =	vld [tilespmem:$0x1FDA0]  }
0x4c1: {  	v4 =	vld [tilespmem:$0x1FF30]  }
0x4c2: {  	v6 =	vld [tilespmem:$0x1FF40]  }
0x4c3: {  	v8 =	vld [tilespmem:$0x1FF50]  }
0x4c4: {  	s17 =	simm.s32 $0x0;
	v10 =	vld [tilespmem:$0x1FF60]  }
0x4c5: {  	v34 =	vld [tilespmem:$0x1FF80];
	v1 =	vmov s17  }
0x4c6: {  	v45 =	vld [tilespmem:$0x1FF90];
	v1 =	vshll.u32 v1, $0x7  }
0x4c7: {  	v2 =	vlaneseq.u32;
	v46 =	vld [tilespmem:$0x1FFA0];
	v1 =	vor.u32 v32, v1  }
0x4c8: {  	v53 =	vld [tilespmem:$0x1FFC0];
	v2 =	vor.u32 v2, v1  }
0x4c9: {  	v54 =	vld [tilespmem:$0x1FFE0]  }
0x4ca: {  	v24 =	vld [tilespmem:$0x1FBC0];
	v3 =	vor.u32 v43, v1  }
0x4cb: {  	v30 =	vld [tilespmem:$0x1FBD0]  }
0x4cc: {  	[sflag:s2] =	ssyncadd.s32 $0xFFFFFF80;
	v28 =	vld [tilespmem:$0x1FCF0];
	v20 =	vmov v4;
	v4 =	vor.u32 v4, v1  }
0x4cd: {  	v5 =	vld.idx.msk [tilespmem:v2+s13+$0x0], $0xffff  }
0x4ce: {  	v41 =	vmov v6;
	v6 =	vor.u32 v6, v1;
	v2 =	vld.idx.msk [tilespmem:v2+s12+$0x0], $0xffff  }
0x4cf: {  	v7 =	vld.idx.msk [tilespmem:v3+s12+$0x0], $0xffff  }
0x4d0: {  	v3 =	vld.idx.msk [tilespmem:v3+s13+$0x0], $0xffff  }
0x4d1: {  	v42 =	vmov v8;
	v8 =	vor.u32 v8, v1;
	v9 =	vld.idx.msk [tilespmem:v4+s12+$0x0], $0xffff  }
0x4d2: {  	v4 =	vld.idx.msk [tilespmem:v4+s13+$0x0], $0xffff  }
0x4d3: {  	v11 =	vld.idx.msk [tilespmem:v6+s12+$0x0], $0xffff  }
0x4d4: {  	v2 =	vmul.f32 v5, v2;
	v5 =	vld.idx.msk [tilespmem:v6+s13+$0x0], $0xffff  }
0x4d5: {  	v10 =	vor.u32 v10, v1;
	v6 =	vld [tilespmem:$0x1FF70]  }
0x4d6: {  	v12 =	vld.idx.msk [tilespmem:v8+s12+$0x0], $0xffff  }
0x4d7: {  	v3 =	vmul.f32 v3, v7;
	v7 =	vld.idx.msk [tilespmem:v8+s13+$0x0], $0xffff;
	v2 =	vadd.f32 $0.0e+00, v2  }
0x4d8: {  	v14 =	vld [tilespmem:$0x1FC20];
	v8 =	vor.u32 v34, v1  }
0x4d9: {  	v15 =	vld [tilespmem:$0x1FC30];
	v4 =	vmul.f32 v4, v9;
	v2 =	vadd.f32 v3, v2  }
0x4da: {  	v36 =	vld.idx.msk [tilespmem:v10+s13+$0x0], $0xffff;
	v6 =	vor.u32 v6, v1  }
0x4db: {  	v3 =	vld.idx.msk [tilespmem:v10+s12+$0x0], $0xffff;
	v5 =	vmul.f32 v5, v11;
	v2 =	vadd.f32 v4, v2  }
0x4dc: {  	v10 =	vor.u32 v45, v1;
	v7 =	vmul.f32 v7, v12;
	v12 =	vld [tilespmem:$0x1FFB0]  }
0x4dd: {  	v58 =	vor.u32 v44, v1;
	v2 =	vadd.f32 v5, v2;
	v5 =	vld.idx.msk [tilespmem:v8+s12+$0x0], $0xffff  }
0x4de: {  	v8 =	vld.idx.msk [tilespmem:v8+s13+$0x0], $0xffff  }
0x4df: {  	v11 =	vor.u32 v46, v1;
	v4 =	vld.idx.msk [tilespmem:v6+s12+$0x0], $0xffff  }
0x4e0: {  	v6 =	vld.idx.msk [tilespmem:v6+s13+$0x0], $0xffff  }
0x4e1: {  	v47 =	vld.idx.msk [tilespmem:v10+s13+$0x0], $0xffff;
	v12 =	vor.u32 v12, v1  }
0x4e2: {  	v3 =	vmul.f32 v36, v3;
	v36 =	vld.idx.msk [tilespmem:v58+s13+$0x0], $0xffff;
	v2 =	vadd.f32 v7, v2  }
0x4e3: {  	v7 =	vld.idx.msk [tilespmem:v10+s12+$0x0], $0xffff;
	v10 =	vor.u32 v53, v1  }
0x4e4: {  	v2 =	vadd.f32 v3, v2;
	v3 =	vld.idx.msk [tilespmem:v11+s12+$0x0], $0xffff  }
0x4e5: {  	v4 =	vmul.f32 v6, v4;
	v6 =	vld.idx.msk [tilespmem:v11+s13+$0x0], $0xffff;
	v11 =	vor.u32 v54, v1  }
0x4e6: {  	v56 =	vld.idx.msk [tilespmem:v12+s13+$0x0], $0xffff  }
0x4e7: {  	v5 =	vmul.f32 v8, v5;
	v2 =	vadd.f32 v4, v2;
	v4 =	vld.idx.msk [tilespmem:v12+s12+$0x0], $0xffff;
	v12 =	vor.u32 v0, v1  }
0x4e8: {  	v46 =	vmov v38;
	v57 =	vld.idx.msk [tilespmem:v10+s13+$0x0], $0xffff  }
0x4e9: {  	v38 =	vor.u32 v38, v1;
	v7 =	vmul.f32 v47, v7;
	v2 =	vadd.f32 v5, v2;
	v5 =	vld.idx.msk [tilespmem:v10+s12+$0x0], $0xffff  }
0x4ea: {  	v3 =	vmul.f32 v6, v3;
	v6 =	vld.idx.msk [tilespmem:v11+s13+$0x0], $0xffff  }
0x4eb: {  	v60 =	vor.u32 v48, v1;
	v2 =	vadd.f32 v7, v2;
	v7 =	vld.idx.msk [tilespmem:v11+s12+$0x0], $0xffff  }
0x4ec: {  	v34 =	vld.idx.msk [tilespmem:v12+s13+$0x0], $0xffff  }
0x4ed: {  	v4 =	vmul.f32 v56, v4;
	v2 =	vadd.f32 v3, v2;
	v3 =	vld.idx.msk [tilespmem:v12+s12+$0x0], $0xffff;
	v12 =	vor.u32 v18, v1  }
0x4ee: {  	v56 =	vld.idx.msk [tilespmem:v38+s13+$0x0], $0xffff  }
0x4ef: {  	v5 =	vmul.f32 v57, v5;
	v57 =	vor.u32 v50, v1;
	v2 =	vadd.f32 v4, v2;
	v4 =	vld.idx.msk [tilespmem:v58+s12+$0x0], $0xffff  }
0x4f0: {  	v6 =	vmul.f32 v6, v7;
	v7 =	vld.idx.msk [tilespmem:v60+s13+$0x0], $0xffff  }
0x4f1: {  	v53 =	vor.u32 v40, v1;
	v2 =	vadd.f32 v5, v2;
	v5 =	vld.idx.msk [tilespmem:v60+s12+$0x0], $0xffff  }
0x4f2: {  	v54 =	vld.idx.msk [tilespmem:v12+s13+$0x0], $0xffff  }
0x4f3: {  	v3 =	vmul.f32 v34, v3;
	v2 =	vadd.f32 v6, v2;
	v6 =	vld.idx.msk [tilespmem:v12+s12+$0x0], $0xffff  }
0x4f4: {  	v12 =	vor.u32 v49, v1;
	v34 =	vld.idx.msk [tilespmem:v57+s13+$0x0], $0xffff  }
0x4f5: {  	v4 =	vmul.f32 v36, v4;
	v2 =	vadd.f32 v3, v2;
	v3 =	vld.idx.msk [tilespmem:v38+s12+$0x0], $0xffff  }
0x4f6: {  	v5 =	vmul.f32 v7, v5;
	v7 =	vld.idx.msk [tilespmem:v53+s13+$0x0], $0xffff  }
0x4f7: {  	v2 =	vadd.f32 v4, v2;
	v4 =	vld.idx.msk [tilespmem:v53+s12+$0x0], $0xffff  }
0x4f8: {  	v53 =	vld [tilespmem:$0x1FB60]  }
0x4f9: {  	v58 =	vor.u32 v51, v1;
	v60 =	vld.idx.msk [tilespmem:v12+s13+$0x0], $0xffff  }
0x4fa: {  	v6 =	vmul.f32 v54, v6;
	v54 =	vld [tilespmem:$0x1FB70]  }
0x4fb: {  	v2 =	vadd.f32 v5, v2;
	v5 =	vld.idx.msk [tilespmem:v12+s12+$0x0], $0xffff  }
0x4fc: {  	v36 =	vor.u32 v13, v1;
	v3 =	vmul.f32 v56, v3;
	v56 =	vld [tilespmem:$0x1FB80]  }
0x4fd: {  	v2 =	vadd.f32 v6, v2;
	v6 =	vld.idx.msk [tilespmem:v57+s12+$0x0], $0xffff;
	v12 =	vor.u32 v53, v1  }
0x4fe: {  	v4 =	vmul.f32 v7, v4;
	v7 =	vld.idx.msk [tilespmem:v58+s13+$0x0], $0xffff  }
0x4ff: {  	v2 =	vadd.f32 v3, v2;
	v3 =	vld.idx.msk [tilespmem:v58+s12+$0x0], $0xffff  }
0x500: {  	v58 =	vld [tilespmem:$0x1FB90]  }
0x501: {  	v38 =	vor.u32 v54, v1;
	v5 =	vmul.f32 v60, v5;
	v60 =	vld.idx.msk [tilespmem:v36+s13+$0x0], $0xffff  }
0x502: {  	v2 =	vadd.f32 v4, v2;
	v4 =	vld.idx.msk [tilespmem:v12+s12+$0x0], $0xffff  }
0x503: {  	v47 =	vmov v40;
	v40 =	vld.idx.msk [tilespmem:v12+s13+$0x0], $0xffff;
	v12 =	vor.u32 v55, v1  }
0x504: {  	v6 =	vmul.f32 v34, v6;
	v2 =	vadd.f32 v5, v2;
	v5 =	vld.idx.msk [tilespmem:v36+s12+$0x0], $0xffff  }
0x505: {  	v57 =	vmov v62;
	v36 =	vor.u32 v62, v1;
	v62 =	vld [tilespmem:$0x1FBB0]  }
0x506: {  	v34 =	vor.u32 v56, v1;
	v3 =	vmul.f32 v7, v3;
	v7 =	vld.idx.msk [tilespmem:v38+s13+$0x0], $0xffff;
	v2 =	vadd.f32 v6, v2  }
0x507: {  	v6 =	vld.idx.msk [tilespmem:v38+s12+$0x0], $0xffff  }
0x508: {  	v2 =	vadd.f32 v3, v2;
	v3 =	vld.idx.msk [tilespmem:v12+s12+$0x0], $0xffff  }
0x509: {  	v4 =	vmul.f32 v40, v4;
	v5 =	vmul.f32 v60, v5;
	v60 =	vld [tilespmem:$0x1FBA0]  }
0x50a: {  	v38 =	vld.idx.msk [tilespmem:v12+s13+$0x0], $0xffff;
	v12 =	vor.u32 v58, v1  }
0x50b: {  	v40 =	vld.idx.msk [tilespmem:v34+s13+$0x0], $0xffff;
	v2 =	vadd.f32 v4, v2  }
0x50c: {  	v4 =	vld.idx.msk [tilespmem:v34+s12+$0x0], $0xffff;
	v34 =	vor.u32 v59, v1  }
0x50d: {  	v6 =	vmul.f32 v7, v6;
	v7 =	vld.idx.msk [tilespmem:v36+s13+$0x0], $0xffff;
	v2 =	vadd.f32 v5, v2  }
0x50e: {  	v5 =	vld.idx.msk [tilespmem:v36+s12+$0x0], $0xffff;
	v36 =	vor.u32 v60, v1  }
0x50f: {  	v3 =	vmul.f32 v38, v3;
	v38 =	vld.idx.msk [tilespmem:v12+s13+$0x0], $0xffff;
	v2 =	vadd.f32 v6, v2  }
0x510: {  	v6 =	vld.idx.msk [tilespmem:v12+s12+$0x0], $0xffff;
	v12 =	vor.u32 v61, v1  }
0x511: {  	v4 =	vmul.f32 v40, v4;
	v40 =	vld.idx.msk [tilespmem:v34+s13+$0x0], $0xffff;
	v2 =	vadd.f32 v3, v2  }
0x512: {  	v3 =	vld.idx.msk [tilespmem:v34+s12+$0x0], $0xffff;
	v34 =	vor.u32 v62, v1  }
0x513: {  	v2 =	vadd.f32 v4, v2;
	v4 =	vld.idx.msk [tilespmem:v36+s12+$0x0], $0xffff  }
0x514: {  	v5 =	vmul.f32 v7, v5;
	v7 =	vld.idx.msk [tilespmem:v36+s13+$0x0], $0xffff  }
0x515: {  	v36 =	vor.u32 v63, v1;
	v6 =	vmul.f32 v38, v6;
	v38 =	vld.idx.msk [tilespmem:v12+s13+$0x0], $0xffff  }
0x516: {  	v2 =	vadd.f32 v5, v2;
	v5 =	vld.idx.msk [tilespmem:v12+s12+$0x0], $0xffff  }
0x517: {  	v12 =	vor.u32 v24, v1;
	v3 =	vmul.f32 v40, v3;
	v40 =	vld.idx.msk [tilespmem:v34+s13+$0x0], $0xffff  }
0x518: {  	v2 =	vadd.f32 v6, v2;
	v6 =	vld.idx.msk [tilespmem:v34+s12+$0x0], $0xffff;
	v34 =	vor.u32 v26, v1  }
0x519: {  	v17 =	vld [tilespmem:$0x1FD20]  }
0x51a: {  	v4 =	vmul.f32 v7, v4;
	v7 =	vld.idx.msk [tilespmem:v36+s13+$0x0], $0xffff;
	v2 =	vadd.f32 v3, v2  }
0x51b: {  	v3 =	vld.idx.msk [tilespmem:v36+s12+$0x0], $0xffff  }
0x51c: {  	v36 =	vor.u32 v30, v1;
	v5 =	vmul.f32 v38, v5;
	v38 =	vld.idx.msk [tilespmem:v12+s13+$0x0], $0xffff;
	v2 =	vadd.f32 v4, v2  }
0x51d: {  	v9 =	vld.idx.msk [tilespmem:v34+s13+$0x0], $0xffff  }
0x51e: {  	v2 =	vadd.f32 v5, v2;
	v5 =	vld.idx.msk [tilespmem:v34+s12+$0x0], $0xffff  }
0x51f: {  	v34 =	vld [tilespmem:$0x1FBE0]  }
0x520: {  	v4 =	vld.idx.msk [tilespmem:v12+s12+$0x0], $0xffff;
	v6 =	vmul.f32 v40, v6  }
0x521: {  	v12 =	vor.u32 v33, v1;
	v3 =	vmul.f32 v7, v3;
	v7 =	vld.idx.msk [tilespmem:v36+s13+$0x0], $0xffff  }
0x522: {  	v2 =	vadd.f32 v6, v2;
	v6 =	vld.idx.msk [tilespmem:v36+s12+$0x0], $0xffff  }
0x523: {  	v36 =	vld [tilespmem:$0x1FBF0]  }
0x524: {  	v27 =	vld [tilespmem:$0x1FD40];
	v40 =	vor.u32 v34, v1  }
0x525: {  	v19 =	vmov v13;
	v13 =	vld [tilespmem:$0x1FC10]  }
0x526: {  	v11 =	vor.u32 v35, v1;
	v8 =	vld.idx.msk [tilespmem:v12+s13+$0x0], $0xffff  }
0x527: {  	v4 =	vmul.f32 v38, v4;
	v38 =	vld [tilespmem:$0x1FC00];
	v2 =	vadd.f32 v3, v2  }
0x528: {  	v3 =	vld.idx.msk [tilespmem:v12+s12+$0x0], $0xffff;
	v12 =	vor.u32 v36, v1  }
0x529: {  	v5 =	vmul.f32 v9, v5;
	v2 =	vadd.f32 v4, v2;
	v4 =	vld.idx.msk [tilespmem:v40+s12+$0x0], $0xffff  }
0x52a: {  	v9 =	vld.idx.msk [tilespmem:v40+s13+$0x0], $0xffff;
	v40 =	vor.u32 v37, v1  }
0x52b: {  	v6 =	vmul.f32 v7, v6;
	v7 =	vld.idx.msk [tilespmem:v11+s13+$0x0], $0xffff;
	v2 =	vadd.f32 v5, v2  }
0x52c: {  	v5 =	vld.idx.msk [tilespmem:v11+s12+$0x0], $0xffff;
	v11 =	vor.u32 v38, v1  }
0x52d: {  	v3 =	vmul.f32 v8, v3;
	v2 =	vadd.f32 v6, v2;
	v6 =	vld.idx.msk [tilespmem:v12+s12+$0x0], $0xffff  }
0x52e: {  	v8 =	vld.idx.msk [tilespmem:v12+s13+$0x0], $0xffff;
	v12 =	vor.u32 v39, v1  }
0x52f: {  	v2 =	vadd.f32 v3, v2;
	v3 =	vld.idx.msk [tilespmem:v40+s12+$0x0], $0xffff  }
0x530: {  	v4 =	vmul.f32 v9, v4;
	v9 =	vld.idx.msk [tilespmem:v40+s13+$0x0], $0xffff;
	v40 =	vor.u32 v13, v1  }
0x531: {  	v5 =	vmul.f32 v7, v5;
	v7 =	vld.idx.msk [tilespmem:v11+s13+$0x0], $0xffff  }
0x532: {  	v2 =	vadd.f32 v4, v2;
	v4 =	vld.idx.msk [tilespmem:v11+s12+$0x0], $0xffff;
	v11 =	vor.u32 v22, v1  }
0x533: {  	v6 =	vmul.f32 v8, v6;
	v8 =	vld.idx.msk [tilespmem:v12+s13+$0x0], $0xffff  }
0x534: {  	v2 =	vadd.f32 v5, v2;
	v5 =	vld.idx.msk [tilespmem:v12+s12+$0x0], $0xffff;
	v12 =	vor.u32 v28, v1  }
0x535: {  	v3 =	vmul.f32 v9, v3;
	v9 =	vld.idx.msk [tilespmem:v40+s13+$0x0], $0xffff  }
0x536: {  	v2 =	vadd.f32 v6, v2;
	v6 =	vld.idx.msk [tilespmem:v40+s12+$0x0], $0xffff;
	v40 =	vor.u32 v29, v1  }
0x537: {  	v4 =	vmul.f32 v7, v4;
	v7 =	vld.idx.msk [tilespmem:v11+s13+$0x0], $0xffff  }
0x538: {  	v2 =	vadd.f32 v3, v2;
	v3 =	vld.idx.msk [tilespmem:v11+s12+$0x0], $0xffff;
	v11 =	vor.u32 v14, v1  }
0x539: {  	v5 =	vmul.f32 v8, v5;
	v8 =	vld.idx.msk [tilespmem:v12+s13+$0x0], $0xffff  }
0x53a: {  	v2 =	vadd.f32 v4, v2;
	v4 =	vld.idx.msk [tilespmem:v12+s12+$0x0], $0xffff;
	v12 =	vor.u32 v15, v1  }
0x53b: {  	v6 =	vmul.f32 v9, v6;
	v9 =	vld.idx.msk [tilespmem:v40+s13+$0x0], $0xffff  }
0x53c: {  	v2 =	vadd.f32 v5, v2;
	v5 =	vld.idx.msk [tilespmem:v40+s12+$0x0], $0xffff  }
0x53d: {  	v40 =	vor.u32 v16, v1;
	v3 =	vmul.f32 v7, v3;
	v7 =	vld.idx.msk [tilespmem:v11+s13+$0x0], $0xffff  }
0x53e: {  	v2 =	vadd.f32 v6, v2;
	v6 =	vld.idx.msk [tilespmem:v11+s12+$0x0], $0xffff  }
0x53f: {  	v4 =	vmul.f32 v8, v4;
	v8 =	vld.idx.msk [tilespmem:v12+s13+$0x0], $0xffff  }
0x540: {  	v2 =	vadd.f32 v3, v2;
	v3 =	vld.idx.msk [tilespmem:v12+s12+$0x0], $0xffff  }
0x541: {  	v11 =	vor.u32 v17, v1;
	v12 =	vld [tilespmem:$0x1FFF0]  }
0x542: {  	v5 =	vmul.f32 v9, v5;
	v9 =	vld.idx.msk [tilespmem:v40+s13+$0x0], $0xffff  }
0x543: {  	v2 =	vadd.f32 v4, v2;
	v4 =	vld.idx.msk [tilespmem:v40+s12+$0x0], $0xffff;
	v40 =	vor.u32 v25, v1;
	_ =	sdelay $0x1  }
0x544: {  	v21 =	vld [tilespmem:$0x1FC40];
	v6 =	vmul.f32 v7, v6;
	v2 =	vadd.f32 v5, v2  }
0x545: {  	v7 =	vld.idx.msk [tilespmem:v11+s13+$0x0], $0xffff;
	v12 =	vor.u32 v12, v1  }
0x546: {  	v5 =	vld.idx.msk [tilespmem:v11+s12+$0x0], $0xffff;
	v3 =	vmul.f32 v8, v3;
	v2 =	vadd.f32 v6, v2  }
0x547: {  	v11 =	vor.u32 v27, v1;
	v4 =	vmul.f32 v9, v4;
	v9 =	vld.idx.msk [tilespmem:v40+s13+$0x0], $0xffff  }
0x548: {  	v2 =	vadd.f32 v3, v2;
	v3 =	vld.idx.msk [tilespmem:v40+s12+$0x0], $0xffff  }
0x549: {  	v40 =	vld [tilespmem:$0x1FD60]  }
0x54a: {  	v6 =	vld.idx.msk [tilespmem:v12+s12+$0x0], $0xffff  }
0x54b: {  	v8 =	vld.idx.msk [tilespmem:v12+s13+$0x0], $0xffff;
	v12 =	vor.u32 v31, v1  }
0x54c: {  	v5 =	vmul.f32 v7, v5;
	v7 =	vld.idx.msk [tilespmem:v11+s13+$0x0], $0xffff  }
0x54d: {  	v2 =	vadd.f32 v4, v2;
	v4 =	vld.idx.msk [tilespmem:v11+s12+$0x0], $0xffff;
	v11 =	vor.u32 v52, v1  }
0x54e: {  	v10 =	vor.u32 v40, v1;
	_ =	sdelay $0x1  }
0x54f: {  	v2 =	vadd.f32 v5, v2;
	v5 =	vld.idx.msk [tilespmem:v12+s12+$0x0], $0xffff  }
0x550: {  	v6 =	vmul.f32 v8, v6;
	v8 =	vld.idx.msk [tilespmem:v12+s13+$0x0], $0xffff  }
0x551: {  	v12 =	vor.u32 v21, v1;
	v4 =	vmul.f32 v7, v4;
	v7 =	vld.idx.msk [tilespmem:v11+s13+$0x0], $0xffff  }
0x552: {  	v3 =	vmul.f32 v9, v3;
	v2 =	vadd.f32 v6, v2;
	v6 =	vld.idx.msk [tilespmem:v10+s12+$0x0], $0xffff  }
0x553: {  	v9 =	vld.idx.msk [tilespmem:v10+s13+$0x0], $0xffff  }
0x554: {  	v10 =	vor.u32 v23, v1;
	v2 =	vadd.f32 v3, v2;
	v3 =	vld.idx.msk [tilespmem:v11+s12+$0x0], $0xffff  }
0x555: {  	v11 =	vld [tilespmem:$0x1FDB0]  }
0x556: {  	v5 =	vmul.f32 v8, v5;
	v8 =	vld.idx.msk [tilespmem:v12+s13+$0x0], $0xffff  }
0x557: {  	v2 =	vadd.f32 v4, v2;
	v4 =	vld.idx.msk [tilespmem:v12+s12+$0x0], $0xffff  }
0x558: {  	v12 =	vld [tilespmem:$0x1FDC0]  }
0x559: {  	v2 =	vadd.f32 v5, v2;
	v5 =	vld.idx.msk [tilespmem:v10+s12+$0x0], $0xffff;
	v6 =	vmul.f32 v9, v6  }
0x55a: {  	v9 =	vld.idx.msk [tilespmem:v10+s13+$0x0], $0xffff  }
0x55b: {  	v10 =	vld [tilespmem:$0x1FFD0];
	v11 =	vor.u32 v11, v1;
	v3 =	vmul.f32 v7, v3;
	v2 =	vadd.f32 v6, v2;
	_ =	sdelay $0x1  }
0x55c: {  	v12 =	vor.u32 v12, v1;
	v2 =	vadd.f32 v3, v2;
	v3 =	vmul.f32 v8, v4;
	_ =	sdelay $0x1  }
0x55d: {  	v2 =	vadd.f32 v3, v2;
	v3 =	vld [tilespmem:$0x1FDD0]  }
0x55e: {  	v10 =	vor.u32 v10, v1;
	v6 =	vld.idx.msk [tilespmem:v11+s12+$0x0], $0xffff  }
0x55f: {  	v7 =	vld.idx.msk [tilespmem:v11+s13+$0x0], $0xffff  }
0x560: {  	v4 =	vld.idx.msk [tilespmem:v12+s12+$0x0], $0xffff  }
0x561: {  	v8 =	vld.idx.msk [tilespmem:v12+s13+$0x0], $0xffff  }
0x562: {  	v1 =	vor.u32 v3, v1;
	v3 =	vmul.f32 v9, v5  }
0x563: {  	v5 =	vld.idx.msk [tilespmem:v10+s12+$0x0], $0xffff  }
0x564: {  	v9 =	vld.idx.msk [tilespmem:v10+s13+$0x0], $0xffff;
	v2 =	vadd.f32 v3, v2;
	v3 =	vmul.f32 v7, v6;
	_ =	sdelay $0x1  }
0x565: {  	v4 =	vmul.f32 v8, v4;
	v3 =	vadd.f32 v3, v2  }
0x566: {  	s16 =	simm.s32 $0x10;
	v2 =	vld.idx.msk [tilespmem:v1+s12+$0x0], $0xffff  }
0x567: {  	v6 =	vmov s16;
	v4 =	vadd.f32 v4, v3;
	v3 =	vld.idx.msk [tilespmem:v1+s13+$0x0], $0xffff  }
0x568: {  	s18 =	simm.s32 $0x20;
	s2 =	simm.s32 $0x3;
	v45 =	vmov v18;
	v5 =	vmul.f32 v9, v5;
	v1 =	vshll.u32 v6, $0x7  }
.LBB2_12:
0x569: {  	_ =	sdelay $0x1  }
0x56a: {  	v1 =	vor.u32 v32, v1;
	v6 =	vlaneseq.u32  }
0x56b: {  	v6 =	vor.u32 v6, v1;
	v4 =	vadd.f32 v5, v4;
	v2 =	vmul.f32 v3, v2;
	_ =	sdelay $0x1  }
0x56c: {  	v2 =	vadd.f32 v2, v4  }
0x56d: {  	s0 =	sand.u32 $0xF0, s17  }
0x56e: {  	v3 =	vor.u32 v43, v1;
	[tilespmem:s0+$0x10500] =	vst v2  }
0x56f: {  	v2 =	vld.idx.msk [tilespmem:v6+s13+$0x0], $0xffff  }
0x570: {  	v5 =	vld.idx.msk [tilespmem:v6+s12+$0x0], $0xffff;
	v6 =	vor.u32 v41, v1;
	_ =	sdelay $0x1  }
0x571: {  	v10 =	vld [tilespmem:$0x1FF60]  }
0x572: {  	v7 =	vld.idx.msk [tilespmem:v3+s12+$0x0], $0xffff  }
0x573: {  	v4 =	vor.u32 v20, v1;
	v3 =	vld.idx.msk [tilespmem:v3+s13+$0x0], $0xffff  }
0x574: {  	v11 =	vld.idx.msk [tilespmem:v6+s12+$0x0], $0xffff  }
0x575: {  	v8 =	vor.u32 v42, v1;
	v2 =	vmul.f32 v2, v5;
	v5 =	vld.idx.msk [tilespmem:v6+s13+$0x0], $0xffff  }
0x576: {  	v6 =	vld [tilespmem:$0x1FF70];
	_ =	sdelay $0x1  }
0x577: {  	v10 =	vor.u32 v10, v1;
	v9 =	vld.idx.msk [tilespmem:v4+s12+$0x0], $0xffff  }
0x578: {  	v4 =	vld.idx.msk [tilespmem:v4+s13+$0x0], $0xffff  }
0x579: {  	v12 =	vld.idx.msk [tilespmem:v8+s12+$0x0], $0xffff  }
0x57a: {  	v3 =	vmul.f32 v3, v7;
	v7 =	vld.idx.msk [tilespmem:v8+s13+$0x0], $0xffff;
	v6 =	vor.u32 v6, v1  }
0x57b: {  	v8 =	vld [tilespmem:$0x1FF80];
	v2 =	vadd.f32 $0.0e+00, v2  }
0x57c: {  	v18 =	vld.idx.msk [tilespmem:v10+s12+$0x0], $0xffff  }
0x57d: {  	v2 =	vadd.f32 v3, v2;
	v3 =	vmul.f32 v4, v9;
	v4 =	vld.idx.msk [tilespmem:v10+s13+$0x0], $0xffff  }
0x57e: {  	v9 =	vld [tilespmem:$0x1FF90]  }
0x57f: {  	v10 =	vld.idx.msk [tilespmem:v6+s12+$0x0], $0xffff  }
0x580: {  	v8 =	vor.u32 v8, v1;
	v2 =	vadd.f32 v3, v2;
	v3 =	vmul.f32 v5, v11;
	v5 =	vld.idx.msk [tilespmem:v6+s13+$0x0], $0xffff  }
0x581: {  	v6 =	vld [tilespmem:$0x1FFA0];
	_ =	sdelay $0x1  }
0x582: {  	v9 =	vor.u32 v9, v1;
	_ =	sdelay $0x1  }
0x583: {  	v11 =	vld.idx.msk [tilespmem:v8+s12+$0x0], $0xffff  }
0x584: {  	v2 =	vadd.f32 v3, v2;
	v3 =	vmul.f32 v7, v12;
	v7 =	vld.idx.msk [tilespmem:v8+s13+$0x0], $0xffff;
	v6 =	vor.u32 v6, v1  }
0x585: {  	v8 =	vld [tilespmem:$0x1FFB0]  }
0x586: {  	v12 =	vld.idx.msk [tilespmem:v9+s12+$0x0], $0xffff  }
0x587: {  	v2 =	vadd.f32 v3, v2;
	v3 =	vmul.f32 v4, v18;
	v4 =	vld.idx.msk [tilespmem:v9+s13+$0x0], $0xffff  }
0x588: {  	v9 =	vld [tilespmem:$0x1FFC0]  }
0x589: {  	v18 =	vld.idx.msk [tilespmem:v6+s12+$0x0], $0xffff  }
0x58a: {  	v2 =	vadd.f32 v3, v2;
	v3 =	vmul.f32 v5, v10;
	v5 =	vld.idx.msk [tilespmem:v6+s13+$0x0], $0xffff  }
0x58b: {  	v6 =	vld [tilespmem:$0x1FFE0]  }
0x58c: {  	v8 =	vor.u32 v8, v1;
	_ =	sdelay $0x1  }
0x58d: {  	v9 =	vor.u32 v9, v1;
	_ =	sdelay $0x1  }
0x58e: {  	v6 =	vor.u32 v6, v1  }
0x58f: {  	v10 =	vld.idx.msk [tilespmem:v8+s12+$0x0], $0xffff  }
0x590: {  	v2 =	vadd.f32 v3, v2;
	v3 =	vmul.f32 v7, v11;
	v7 =	vld.idx.msk [tilespmem:v8+s13+$0x0], $0xffff;
	v8 =	vor.u32 v0, v1  }
0x591: {  	v11 =	vld.idx.msk [tilespmem:v9+s12+$0x0], $0xffff  }
0x592: {  	v2 =	vadd.f32 v3, v2;
	v3 =	vmul.f32 v4, v12;
	v4 =	vld.idx.msk [tilespmem:v9+s13+$0x0], $0xffff;
	v9 =	vor.u32 v44, v1  }
0x593: {  	v12 =	vld.idx.msk [tilespmem:v6+s12+$0x0], $0xffff  }
0x594: {  	v2 =	vadd.f32 v3, v2;
	v3 =	vmul.f32 v5, v18;
	v5 =	vld.idx.msk [tilespmem:v6+s13+$0x0], $0xffff;
	v6 =	vor.u32 v48, v1  }
0x595: {  	v18 =	vld.idx.msk [tilespmem:v8+s12+$0x0], $0xffff  }
0x596: {  	v2 =	vadd.f32 v3, v2;
	v3 =	vmul.f32 v7, v10;
	v7 =	vld.idx.msk [tilespmem:v8+s13+$0x0], $0xffff;
	v8 =	vor.u32 v45, v1  }
0x597: {  	v10 =	vld.idx.msk [tilespmem:v9+s12+$0x0], $0xffff  }
0x598: {  	v2 =	vadd.f32 v3, v2;
	v3 =	vmul.f32 v4, v11;
	v4 =	vld.idx.msk [tilespmem:v9+s13+$0x0], $0xffff;
	v9 =	vor.u32 v46, v1  }
0x599: {  	v11 =	vld.idx.msk [tilespmem:v6+s12+$0x0], $0xffff  }
0x59a: {  	v2 =	vadd.f32 v3, v2;
	v3 =	vmul.f32 v5, v12;
	v5 =	vld.idx.msk [tilespmem:v6+s13+$0x0], $0xffff;
	v6 =	vor.u32 v47, v1  }
0x59b: {  	v12 =	vld.idx.msk [tilespmem:v8+s12+$0x0], $0xffff  }
0x59c: {  	v2 =	vadd.f32 v3, v2;
	v3 =	vmul.f32 v7, v18;
	v7 =	vld.idx.msk [tilespmem:v8+s13+$0x0], $0xffff;
	v8 =	vor.u32 v49, v1  }
0x59d: {  	v18 =	vld.idx.msk [tilespmem:v9+s12+$0x0], $0xffff  }
0x59e: {  	v2 =	vadd.f32 v3, v2;
	v3 =	vmul.f32 v4, v10;
	v4 =	vld.idx.msk [tilespmem:v9+s13+$0x0], $0xffff;
	v9 =	vor.u32 v50, v1  }
0x59f: {  	v10 =	vld.idx.msk [tilespmem:v6+s12+$0x0], $0xffff  }
0x5a0: {  	v2 =	vadd.f32 v3, v2;
	v3 =	vmul.f32 v5, v11;
	v5 =	vld.idx.msk [tilespmem:v6+s13+$0x0], $0xffff;
	v6 =	vor.u32 v51, v1  }
0x5a1: {  	v11 =	vld.idx.msk [tilespmem:v8+s12+$0x0], $0xffff  }
0x5a2: {  	v2 =	vadd.f32 v3, v2;
	v3 =	vmul.f32 v7, v12;
	v7 =	vld.idx.msk [tilespmem:v8+s13+$0x0], $0xffff;
	v8 =	vor.u32 v53, v1  }
0x5a3: {  	v12 =	vld.idx.msk [tilespmem:v9+s12+$0x0], $0xffff  }
0x5a4: {  	v2 =	vadd.f32 v3, v2;
	v3 =	vmul.f32 v4, v18;
	v4 =	vld.idx.msk [tilespmem:v9+s13+$0x0], $0xffff;
	v9 =	vor.u32 v19, v1  }
0x5a5: {  	v18 =	vld.idx.msk [tilespmem:v6+s12+$0x0], $0xffff  }
0x5a6: {  	v2 =	vadd.f32 v3, v2;
	v3 =	vmul.f32 v5, v10;
	v5 =	vld.idx.msk [tilespmem:v6+s13+$0x0], $0xffff;
	v6 =	vor.u32 v54, v1  }
0x5a7: {  	v10 =	vld.idx.msk [tilespmem:v8+s12+$0x0], $0xffff  }
0x5a8: {  	v2 =	vadd.f32 v3, v2;
	v3 =	vmul.f32 v7, v11;
	v7 =	vld.idx.msk [tilespmem:v8+s13+$0x0], $0xffff;
	v8 =	vor.u32 v55, v1  }
0x5a9: {  	v11 =	vld.idx.msk [tilespmem:v9+s12+$0x0], $0xffff  }
0x5aa: {  	v2 =	vadd.f32 v3, v2;
	v3 =	vmul.f32 v4, v12;
	v4 =	vld.idx.msk [tilespmem:v9+s13+$0x0], $0xffff;
	v9 =	vor.u32 v56, v1  }
0x5ab: {  	v12 =	vld.idx.msk [tilespmem:v6+s12+$0x0], $0xffff  }
0x5ac: {  	v2 =	vadd.f32 v3, v2;
	v3 =	vmul.f32 v5, v18;
	v5 =	vld.idx.msk [tilespmem:v6+s13+$0x0], $0xffff;
	v6 =	vor.u32 v57, v1  }
0x5ad: {  	v18 =	vld.idx.msk [tilespmem:v8+s12+$0x0], $0xffff  }
0x5ae: {  	v2 =	vadd.f32 v3, v2;
	v3 =	vmul.f32 v7, v10;
	v7 =	vld.idx.msk [tilespmem:v8+s13+$0x0], $0xffff;
	v8 =	vor.u32 v58, v1  }
0x5af: {  	v10 =	vld.idx.msk [tilespmem:v9+s12+$0x0], $0xffff  }
0x5b0: {  	v2 =	vadd.f32 v3, v2;
	v3 =	vmul.f32 v4, v11;
	v4 =	vld.idx.msk [tilespmem:v9+s13+$0x0], $0xffff;
	v9 =	vor.u32 v59, v1  }
0x5b1: {  	v11 =	vld.idx.msk [tilespmem:v6+s12+$0x0], $0xffff  }
0x5b2: {  	v2 =	vadd.f32 v3, v2;
	v3 =	vmul.f32 v5, v12;
	v5 =	vld.idx.msk [tilespmem:v6+s13+$0x0], $0xffff;
	v6 =	vor.u32 v60, v1  }
0x5b3: {  	v12 =	vld.idx.msk [tilespmem:v8+s12+$0x0], $0xffff  }
0x5b4: {  	v2 =	vadd.f32 v3, v2;
	v3 =	vmul.f32 v7, v18;
	v7 =	vld.idx.msk [tilespmem:v8+s13+$0x0], $0xffff;
	v8 =	vor.u32 v61, v1  }
0x5b5: {  	v18 =	vld.idx.msk [tilespmem:v9+s12+$0x0], $0xffff  }
0x5b6: {  	v2 =	vadd.f32 v3, v2;
	v3 =	vmul.f32 v4, v10;
	v4 =	vld.idx.msk [tilespmem:v9+s13+$0x0], $0xffff;
	v9 =	vor.u32 v62, v1  }
0x5b7: {  	v10 =	vld.idx.msk [tilespmem:v6+s12+$0x0], $0xffff  }
0x5b8: {  	v2 =	vadd.f32 v3, v2;
	v3 =	vmul.f32 v5, v11;
	v5 =	vld.idx.msk [tilespmem:v6+s13+$0x0], $0xffff;
	v6 =	vor.u32 v63, v1  }
0x5b9: {  	v11 =	vld.idx.msk [tilespmem:v8+s12+$0x0], $0xffff  }
0x5ba: {  	v2 =	vadd.f32 v3, v2;
	v3 =	vmul.f32 v7, v12;
	v7 =	vld.idx.msk [tilespmem:v8+s13+$0x0], $0xffff;
	v8 =	vor.u32 v24, v1  }
0x5bb: {  	v12 =	vld.idx.msk [tilespmem:v9+s12+$0x0], $0xffff  }
0x5bc: {  	v2 =	vadd.f32 v3, v2;
	v3 =	vmul.f32 v4, v18;
	v4 =	vld.idx.msk [tilespmem:v9+s13+$0x0], $0xffff;
	v9 =	vor.u32 v26, v1  }
0x5bd: {  	v18 =	vld.idx.msk [tilespmem:v6+s12+$0x0], $0xffff  }
0x5be: {  	v2 =	vadd.f32 v3, v2;
	v3 =	vmul.f32 v5, v10;
	v5 =	vld.idx.msk [tilespmem:v6+s13+$0x0], $0xffff;
	v6 =	vor.u32 v30, v1  }
0x5bf: {  	v10 =	vld.idx.msk [tilespmem:v8+s12+$0x0], $0xffff  }
0x5c0: {  	v2 =	vadd.f32 v3, v2;
	v3 =	vmul.f32 v7, v11;
	v7 =	vld.idx.msk [tilespmem:v8+s13+$0x0], $0xffff;
	v8 =	vor.u32 v33, v1  }
0x5c1: {  	v11 =	vld.idx.msk [tilespmem:v9+s12+$0x0], $0xffff  }
0x5c2: {  	v2 =	vadd.f32 v3, v2;
	v3 =	vmul.f32 v4, v12;
	v4 =	vld.idx.msk [tilespmem:v9+s13+$0x0], $0xffff;
	v9 =	vor.u32 v34, v1  }
0x5c3: {  	v12 =	vld.idx.msk [tilespmem:v6+s12+$0x0], $0xffff  }
0x5c4: {  	v2 =	vadd.f32 v3, v2;
	v3 =	vmul.f32 v5, v18;
	v5 =	vld.idx.msk [tilespmem:v6+s13+$0x0], $0xffff;
	v6 =	vor.u32 v35, v1  }
0x5c5: {  	v18 =	vld.idx.msk [tilespmem:v8+s12+$0x0], $0xffff  }
0x5c6: {  	v2 =	vadd.f32 v3, v2;
	v3 =	vmul.f32 v7, v10;
	v7 =	vld.idx.msk [tilespmem:v8+s13+$0x0], $0xffff;
	v8 =	vor.u32 v36, v1  }
0x5c7: {  	v10 =	vld.idx.msk [tilespmem:v9+s12+$0x0], $0xffff  }
0x5c8: {  	v2 =	vadd.f32 v3, v2;
	v3 =	vmul.f32 v4, v11;
	v4 =	vld.idx.msk [tilespmem:v9+s13+$0x0], $0xffff;
	v9 =	vor.u32 v37, v1  }
0x5c9: {  	v11 =	vld.idx.msk [tilespmem:v6+s12+$0x0], $0xffff  }
0x5ca: {  	v2 =	vadd.f32 v3, v2;
	v3 =	vmul.f32 v5, v12;
	v5 =	vld.idx.msk [tilespmem:v6+s13+$0x0], $0xffff;
	v6 =	vor.u32 v38, v1  }
0x5cb: {  	v12 =	vld.idx.msk [tilespmem:v8+s12+$0x0], $0xffff  }
0x5cc: {  	v2 =	vadd.f32 v3, v2;
	v3 =	vmul.f32 v7, v18;
	v7 =	vld.idx.msk [tilespmem:v8+s13+$0x0], $0xffff;
	v8 =	vor.u32 v39, v1  }
0x5cd: {  	v18 =	vld.idx.msk [tilespmem:v9+s12+$0x0], $0xffff  }
0x5ce: {  	v2 =	vadd.f32 v3, v2;
	v3 =	vmul.f32 v4, v10;
	v4 =	vld.idx.msk [tilespmem:v9+s13+$0x0], $0xffff;
	v9 =	vor.u32 v13, v1  }
0x5cf: {  	v10 =	vld.idx.msk [tilespmem:v6+s12+$0x0], $0xffff  }
0x5d0: {  	v2 =	vadd.f32 v3, v2;
	v3 =	vmul.f32 v5, v11;
	v5 =	vld.idx.msk [tilespmem:v6+s13+$0x0], $0xffff;
	v6 =	vor.u32 v22, v1  }
0x5d1: {  	v11 =	vld.idx.msk [tilespmem:v8+s12+$0x0], $0xffff  }
0x5d2: {  	v2 =	vadd.f32 v3, v2;
	v3 =	vmul.f32 v7, v12;
	v7 =	vld.idx.msk [tilespmem:v8+s13+$0x0], $0xffff;
	v8 =	vor.u32 v28, v1  }
0x5d3: {  	v12 =	vld.idx.msk [tilespmem:v9+s12+$0x0], $0xffff  }
0x5d4: {  	v2 =	vadd.f32 v3, v2;
	v3 =	vmul.f32 v4, v18;
	v4 =	vld.idx.msk [tilespmem:v9+s13+$0x0], $0xffff  }
0x5d5: {  	v18 =	vld.idx.msk [tilespmem:v6+s12+$0x0], $0xffff  }
0x5d6: {  	v2 =	vadd.f32 v3, v2;
	v3 =	vmul.f32 v5, v10;
	v5 =	vld.idx.msk [tilespmem:v6+s13+$0x0], $0xffff  }
0x5d7: {  	v9 =	vor.u32 v29, v1;
	v10 =	vld.idx.msk [tilespmem:v8+s12+$0x0], $0xffff  }
0x5d8: {  	v2 =	vadd.f32 v3, v2;
	v3 =	vmul.f32 v7, v11;
	v7 =	vld.idx.msk [tilespmem:v8+s13+$0x0], $0xffff;
	v8 =	vor.u32 v15, v1;
	_ =	sdelay $0x1  }
0x5d9: {  	v2 =	vadd.f32 v3, v2;
	v3 =	vmul.f32 v4, v12;
	_ =	sdelay $0x1  }
0x5da: {  	v6 =	vor.u32 v14, v1;
	v11 =	vld.idx.msk [tilespmem:v9+s12+$0x0], $0xffff;
	v2 =	vadd.f32 v3, v2;
	v3 =	vmul.f32 v5, v18  }
0x5db: {  	v18 =	vld.idx.msk [tilespmem:v8+s12+$0x0], $0xffff  }
0x5dc: {  	v2 =	vadd.f32 v3, v2;
	v3 =	vmul.f32 v7, v10;
	v7 =	vld.idx.msk [tilespmem:v8+s13+$0x0], $0xffff  }
0x5dd: {  	v8 =	vld [tilespmem:$0x1FFF0]  }
0x5de: {  	v4 =	vld.idx.msk [tilespmem:v9+s13+$0x0], $0xffff;
	v9 =	vor.u32 v16, v1  }
0x5df: {  	v12 =	vld.idx.msk [tilespmem:v6+s12+$0x0], $0xffff  }
0x5e0: {  	v5 =	vld.idx.msk [tilespmem:v6+s13+$0x0], $0xffff;
	v6 =	vor.u32 v17, v1;
	_ =	sdelay $0x1  }
0x5e1: {  	v8 =	vor.u32 v8, v1  }
0x5e2: {  	v10 =	vld.idx.msk [tilespmem:v9+s12+$0x0], $0xffff  }
0x5e3: {  	v2 =	vadd.f32 v3, v2;
	v3 =	vmul.f32 v4, v11;
	v4 =	vld.idx.msk [tilespmem:v9+s13+$0x0], $0xffff;
	v9 =	vor.u32 v25, v1  }
0x5e4: {  	v11 =	vld.idx.msk [tilespmem:v6+s12+$0x0], $0xffff  }
0x5e5: {  	v2 =	vadd.f32 v3, v2;
	v3 =	vmul.f32 v5, v12;
	v5 =	vld.idx.msk [tilespmem:v6+s13+$0x0], $0xffff;
	v6 =	vor.u32 v27, v1  }
0x5e6: {  	v12 =	vld.idx.msk [tilespmem:v8+s12+$0x0], $0xffff  }
0x5e7: {  	v2 =	vadd.f32 v3, v2;
	v3 =	vmul.f32 v7, v18;
	v7 =	vld.idx.msk [tilespmem:v8+s13+$0x0], $0xffff;
	v8 =	vor.u32 v31, v1  }
0x5e8: {  	v18 =	vld.idx.msk [tilespmem:v9+s12+$0x0], $0xffff  }
0x5e9: {  	v2 =	vadd.f32 v3, v2;
	v3 =	vmul.f32 v4, v10;
	v4 =	vld.idx.msk [tilespmem:v9+s13+$0x0], $0xffff;
	v9 =	vor.u32 v40, v1  }
0x5ea: {  	v10 =	vld.idx.msk [tilespmem:v6+s12+$0x0], $0xffff  }
0x5eb: {  	v2 =	vadd.f32 v3, v2;
	v3 =	vmul.f32 v5, v11;
	v5 =	vld.idx.msk [tilespmem:v6+s13+$0x0], $0xffff;
	v6 =	vor.u32 v52, v1  }
0x5ec: {  	v11 =	vld.idx.msk [tilespmem:v8+s12+$0x0], $0xffff  }
0x5ed: {  	v2 =	vadd.f32 v3, v2;
	v3 =	vmul.f32 v7, v12;
	v7 =	vld.idx.msk [tilespmem:v8+s13+$0x0], $0xffff  }
0x5ee: {  	v8 =	vor.u32 v21, v1;
	v12 =	vld.idx.msk [tilespmem:v9+s12+$0x0], $0xffff  }
0x5ef: {  	v2 =	vadd.f32 v3, v2;
	v3 =	vmul.f32 v4, v18;
	v4 =	vld.idx.msk [tilespmem:v9+s13+$0x0], $0xffff  }
0x5f0: {  	v18 =	vld.idx.msk [tilespmem:v6+s12+$0x0], $0xffff  }
0x5f1: {  	v9 =	vor.u32 v23, v1;
	v2 =	vadd.f32 v3, v2;
	v3 =	vmul.f32 v5, v10;
	v5 =	vld.idx.msk [tilespmem:v6+s13+$0x0], $0xffff  }
0x5f2: {  	v6 =	vld [tilespmem:$0x1FDB0]  }
0x5f3: {  	v10 =	vld.idx.msk [tilespmem:v8+s12+$0x0], $0xffff  }
0x5f4: {  	v2 =	vadd.f32 v3, v2;
	v3 =	vmul.f32 v7, v11;
	v7 =	vld.idx.msk [tilespmem:v8+s13+$0x0], $0xffff  }
0x5f5: {  	v8 =	vld [tilespmem:$0x1FDC0]  }
0x5f6: {  	v11 =	vld.idx.msk [tilespmem:v9+s12+$0x0], $0xffff  }
0x5f7: {  	v2 =	vadd.f32 v3, v2;
	v3 =	vmul.f32 v4, v12;
	v4 =	vld.idx.msk [tilespmem:v9+s13+$0x0], $0xffff  }
0x5f8: {  	v9 =	vld [tilespmem:$0x1FFD0]  }
0x5f9: {  	v6 =	vor.u32 v6, v1;
	_ =	sdelay $0x1  }
0x5fa: {  	v8 =	vor.u32 v8, v1  }
0x5fb: {  	v2 =	vadd.f32 v3, v2;
	v3 =	vmul.f32 v5, v18;
	v18 =	vld [tilespmem:$0x1FDD0]  }
0x5fc: {  	v9 =	vor.u32 v9, v1  }
0x5fd: {  	v12 =	vld.idx.msk [tilespmem:v6+s12+$0x0], $0xffff  }
0x5fe: {  	v5 =	vld.idx.msk [tilespmem:v6+s13+$0x0], $0xffff  }
0x5ff: {  	v2 =	vadd.f32 v3, v2;
	v3 =	vmul.f32 v7, v10;
	v6 =	vld.idx.msk [tilespmem:v8+s12+$0x0], $0xffff  }
0x600: {  	v1 =	vor.u32 v18, v1;
	v7 =	vld.idx.msk [tilespmem:v8+s13+$0x0], $0xffff  }
0x601: {  	v4 =	vmul.f32 v4, v11;
	v3 =	vadd.f32 v3, v2;
	v8 =	vld.idx.msk [tilespmem:v9+s12+$0x0], $0xffff  }
0x602: {  	p0 =	sne.s32 s18, $0xF0;
	v9 =	vld.idx.msk [tilespmem:v9+s13+$0x0], $0xffff  }
.Ltmp5:
0x603: {  	v4 =	vadd.f32 v4, v3;
	v5 =	vmul.f32 v5, v12;
	(pc) =	sbr.rel @p0 .LBB2_12-.Ltmp5, $4  }
0x604: {  	_ = 	snop  }
0x605: {  	v2 =	vld.idx.msk [tilespmem:v1+s12+$0x0], $0xffff;
	v4 =	vadd.f32 v5, v4;
	v5 =	vmul.f32 v7, v6  }
0x606: {  	v3 =	vld.idx.msk [tilespmem:v1+s13+$0x0], $0xffff;
	v1 =	vmov s18  }
0x607: {  	s17 =	smov.u32 s16;
	s16 =	smov.u32 s18;
	s18 =	sadd.s32 $0x10, s18;
	v1 =	vshll.u32 v1, $0x7;
	v4 =	vadd.f32 v5, v4;
	v5 =	vmul.f32 v9, v8  }
0x608: {  	_ =	sdelay $0x1  }
0x609: {  	v1 =	vor.u32 v32, v1;
	v6 =	vlaneseq.u32  }
0x60a: {  	v6 =	vor.u32 v6, v1;
	v4 =	vadd.f32 v5, v4;
	v2 =	vmul.f32 v3, v2;
	_ =	sdelay $0x1  }
0x60b: {  	v32 =	vor.u32 v43, v1;
	v2 =	vadd.f32 v2, v4  }
0x60c: {  	s0 =	sand.u32 $0xF0, s17  }
0x60d: {  	v10 =	vld [tilespmem:$0x1FF60];
	v43 =	vor.u32 v20, v1;
	[tilespmem:s0+$0x10500] =	vst v2  }
0x60e: {  	v2 =	vld.idx.msk [tilespmem:v6+s13+$0x0], $0xffff  }
0x60f: {  	v12 =	vld.idx.msk [tilespmem:v6+s12+$0x0], $0xffff  }
0x610: {  	v6 =	vor.u32 v41, v1;
	v7 =	vld.idx.msk [tilespmem:v32+s12+$0x0], $0xffff  }
0x611: {  	v3 =	vld.idx.msk [tilespmem:v32+s13+$0x0], $0xffff  }
0x612: {  	v9 =	vld.idx.msk [tilespmem:v43+s12+$0x0], $0xffff  }
0x613: {  	v8 =	vor.u32 v42, v1;
	v4 =	vld.idx.msk [tilespmem:v43+s13+$0x0], $0xffff  }
0x614: {  	v43 =	vld [tilespmem:$0x1FF90]  }
0x615: {  	v11 =	vld.idx.msk [tilespmem:v6+s12+$0x0], $0xffff  }
0x616: {  	v10 =	vor.u32 v10, v1;
	v5 =	vld.idx.msk [tilespmem:v6+s13+$0x0], $0xffff  }
0x617: {  	v6 =	vld [tilespmem:$0x1FF70]  }
0x618: {  	v2 =	vmul.f32 v2, v12;
	v12 =	vld.idx.msk [tilespmem:v8+s12+$0x0], $0xffff  }
0x619: {  	v3 =	vmul.f32 v3, v7;
	v7 =	vld.idx.msk [tilespmem:v8+s13+$0x0], $0xffff  }
0x61a: {  	v8 =	vld [tilespmem:$0x1FF80]  }
0x61b: {  	v32 =	vld.idx.msk [tilespmem:v10+s12+$0x0], $0xffff  }
0x61c: {  	v4 =	vmul.f32 v4, v9;
	v9 =	vld.idx.msk [tilespmem:v10+s13+$0x0], $0xffff  }
0x61d: {  	v6 =	vor.u32 v6, v1  }
0x61e: {  	v42 =	vld [tilespmem:$0x1FFA0];
	v2 =	vadd.f32 $0.0e+00, v2  }
0x61f: {  	v20 =	vld [tilespmem:$0x1FFE0];
	v8 =	vor.u32 v8, v1  }
0x620: {  	v41 =	vld [tilespmem:$0x1FFB0];
	v2 =	vadd.f32 v3, v2  }
0x621: {  	v10 =	vor.u32 v43, v1;
	v3 =	vmul.f32 v9, v32;
	v32 =	vld [tilespmem:$0x1FFC0]  }
0x622: {  	v5 =	vmul.f32 v5, v11;
	v2 =	vadd.f32 v4, v2;
	v4 =	vld.idx.msk [tilespmem:v6+s12+$0x0], $0xffff  }
0x623: {  	v11 =	vor.u32 v42, v1;
	v6 =	vld.idx.msk [tilespmem:v6+s13+$0x0], $0xffff  }
0x624: {  	v7 =	vmul.f32 v7, v12;
	v2 =	vadd.f32 v5, v2;
	v5 =	vld.idx.msk [tilespmem:v8+s12+$0x0], $0xffff  }
0x625: {  	v12 =	vor.u32 v41, v1;
	v8 =	vld.idx.msk [tilespmem:v8+s13+$0x0], $0xffff  }
0x626: {  	v9 =	vld.idx.msk [tilespmem:v10+s13+$0x0], $0xffff;
	v2 =	vadd.f32 v7, v2  }
0x627: {  	v7 =	vld.idx.msk [tilespmem:v10+s12+$0x0], $0xffff;
	v10 =	vor.u32 v32, v1  }
0x628: {  	v2 =	vadd.f32 v3, v2;
	v3 =	vld.idx.msk [tilespmem:v11+s12+$0x0], $0xffff;
	v4 =	vmul.f32 v6, v4  }
0x629: {  	v6 =	vld.idx.msk [tilespmem:v11+s13+$0x0], $0xffff;
	v11 =	vor.u32 v20, v1  }
0x62a: {  	v2 =	vadd.f32 v4, v2;
	v4 =	vmul.f32 v8, v5;
	v5 =	vld.idx.msk [tilespmem:v12+s12+$0x0], $0xffff  }
0x62b: {  	v8 =	vld.idx.msk [tilespmem:v12+s13+$0x0], $0xffff;
	v12 =	vor.u32 v0, v1  }
0x62c: {  	v0 =	vmul.f32 v9, v7;
	v7 =	vld.idx.msk [tilespmem:v10+s12+$0x0], $0xffff  }
0x62d: {  	v9 =	vld.idx.msk [tilespmem:v10+s13+$0x0], $0xffff;
	v10 =	vor.u32 v44, v1  }
0x62e: {  	v2 =	vadd.f32 v4, v2;
	v4 =	vld.idx.msk [tilespmem:v11+s12+$0x0], $0xffff  }
0x62f: {  	v3 =	vmul.f32 v6, v3;
	v6 =	vld.idx.msk [tilespmem:v11+s13+$0x0], $0xffff;
	v11 =	vor.u32 v48, v1  }
0x630: {  	v2 =	vadd.f32 v0, v2;
	v44 =	vmul.f32 v8, v5;
	v5 =	vld.idx.msk [tilespmem:v12+s12+$0x0], $0xffff  }
0x631: {  	v8 =	vld.idx.msk [tilespmem:v12+s13+$0x0], $0xffff;
	v12 =	vor.u32 v45, v1  }
0x632: {  	v45 =	vmul.f32 v9, v7;
	v7 =	vld.idx.msk [tilespmem:v10+s12+$0x0], $0xffff;
	v2 =	vadd.f32 v3, v2  }
0x633: {  	v9 =	vld.idx.msk [tilespmem:v10+s13+$0x0], $0xffff;
	v10 =	vor.u32 v46, v1  }
0x634: {  	v2 =	vadd.f32 v44, v2;
	v44 =	vld.idx.msk [tilespmem:v11+s12+$0x0], $0xffff  }
0x635: {  	v48 =	vmul.f32 v6, v4;
	v6 =	vld.idx.msk [tilespmem:v11+s13+$0x0], $0xffff;
	v11 =	vor.u32 v47, v1  }
0x636: {  	v2 =	vadd.f32 v45, v2;
	v46 =	vld.idx.msk [tilespmem:v12+s12+$0x0], $0xffff  }
0x637: {  	v47 =	vor.u32 v49, v1;
	v45 =	vmul.f32 v8, v5;
	v8 =	vld.idx.msk [tilespmem:v12+s13+$0x0], $0xffff  }
0x638: {  	v2 =	vadd.f32 v48, v2;
	v48 =	vmul.f32 v9, v7;
	v7 =	vld.idx.msk [tilespmem:v10+s12+$0x0], $0xffff  }
0x639: {  	v9 =	vld.idx.msk [tilespmem:v10+s13+$0x0], $0xffff;
	v10 =	vor.u32 v50, v1  }
0x63a: {  	v50 =	vld.idx.msk [tilespmem:v11+s12+$0x0], $0xffff  }
0x63b: {  	v49 =	vmul.f32 v6, v44;
	v6 =	vld.idx.msk [tilespmem:v11+s13+$0x0], $0xffff;
	v11 =	vor.u32 v51, v1  }
0x63c: {  	v2 =	vadd.f32 v45, v2;
	v45 =	vld.idx.msk [tilespmem:v47+s12+$0x0], $0xffff  }
0x63d: {  	v44 =	vmul.f32 v8, v46;
	v8 =	vld.idx.msk [tilespmem:v47+s13+$0x0], $0xffff;
	v46 =	vor.u32 v53, v1  }
0x63e: {  	v2 =	vadd.f32 v48, v2;
	v47 =	vmul.f32 v9, v7;
	v7 =	vld.idx.msk [tilespmem:v10+s12+$0x0], $0xffff  }
0x63f: {  	v53 =	vor.u32 v55, v1;
	v9 =	vld.idx.msk [tilespmem:v10+s13+$0x0], $0xffff  }
0x640: {  	v10 =	vor.u32 v19, v1;
	v2 =	vadd.f32 v49, v2;
	v49 =	vld.idx.msk [tilespmem:v11+s12+$0x0], $0xffff  }
0x641: {  	v48 =	vmul.f32 v6, v50;
	v6 =	vld.idx.msk [tilespmem:v11+s13+$0x0], $0xffff  }
0x642: {  	v11 =	vor.u32 v54, v1;
	v2 =	vadd.f32 v44, v2;
	v51 =	vld.idx.msk [tilespmem:v46+s12+$0x0], $0xffff  }
0x643: {  	v50 =	vmul.f32 v8, v45;
	v8 =	vld.idx.msk [tilespmem:v46+s13+$0x0], $0xffff  }
0x644: {  	v45 =	vld.idx.msk [tilespmem:v53+s12+$0x0], $0xffff;
	v2 =	vadd.f32 v47, v2  }
0x645: {  	v46 =	vor.u32 v58, v1;
	v54 =	vmul.f32 v9, v7;
	v7 =	vld.idx.msk [tilespmem:v10+s12+$0x0], $0xffff  }
0x646: {  	v9 =	vld.idx.msk [tilespmem:v10+s13+$0x0], $0xffff;
	v10 =	vor.u32 v56, v1;
	v2 =	vadd.f32 v48, v2  }
0x647: {  	v56 =	vld.idx.msk [tilespmem:v11+s12+$0x0], $0xffff  }
0x648: {  	v55 =	vmul.f32 v6, v49;
	v6 =	vld.idx.msk [tilespmem:v11+s13+$0x0], $0xffff;
	v11 =	vor.u32 v57, v1;
	v2 =	vadd.f32 v50, v2  }
0x649: {  	v44 =	vmul.f32 v8, v51;
	v8 =	vld.idx.msk [tilespmem:v53+s13+$0x0], $0xffff  }
0x64a: {  	v51 =	vld.idx.msk [tilespmem:v46+s12+$0x0], $0xffff;
	v2 =	vadd.f32 v54, v2  }
0x64b: {  	v53 =	vor.u32 v61, v1;
	v47 =	vmul.f32 v9, v7;
	v7 =	vld.idx.msk [tilespmem:v10+s12+$0x0], $0xffff  }
0x64c: {  	v9 =	vld.idx.msk [tilespmem:v10+s13+$0x0], $0xffff;
	v10 =	vor.u32 v59, v1;
	v2 =	vadd.f32 v55, v2  }
0x64d: {  	v49 =	vld.idx.msk [tilespmem:v11+s12+$0x0], $0xffff  }
0x64e: {  	v59 =	vor.u32 v24, v1;
	v48 =	vmul.f32 v6, v56;
	v6 =	vld.idx.msk [tilespmem:v11+s13+$0x0], $0xffff;
	v2 =	vadd.f32 v44, v2  }
0x64f: {  	v11 =	vor.u32 v60, v1;
	v50 =	vmul.f32 v8, v45;
	v8 =	vld.idx.msk [tilespmem:v46+s13+$0x0], $0xffff  }
0x650: {  	v58 =	vld.idx.msk [tilespmem:v53+s12+$0x0], $0xffff;
	v2 =	vadd.f32 v47, v2  }
0x651: {  	v54 =	vmul.f32 v9, v7;
	v7 =	vld.idx.msk [tilespmem:v10+s12+$0x0], $0xffff  }
0x652: {  	v9 =	vld.idx.msk [tilespmem:v10+s13+$0x0], $0xffff;
	v10 =	vor.u32 v62, v1;
	v2 =	vadd.f32 v48, v2  }
0x653: {  	v24 =	vld.idx.msk [tilespmem:v59+s12+$0x0], $0xffff  }
0x654: {  	v46 =	vor.u32 v36, v1;
	v56 =	vld.idx.msk [tilespmem:v11+s12+$0x0], $0xffff;
	v2 =	vadd.f32 v50, v2  }
0x655: {  	v55 =	vmul.f32 v6, v49;
	v6 =	vld.idx.msk [tilespmem:v11+s13+$0x0], $0xffff;
	v11 =	vor.u32 v63, v1  }
0x656: {  	v57 =	vmul.f32 v8, v51;
	v8 =	vld.idx.msk [tilespmem:v53+s13+$0x0], $0xffff;
	v2 =	vadd.f32 v54, v2  }
0x657: {  	v60 =	vmul.f32 v9, v7;
	v7 =	vld.idx.msk [tilespmem:v10+s12+$0x0], $0xffff  }
0x658: {  	v9 =	vld.idx.msk [tilespmem:v10+s13+$0x0], $0xffff;
	v10 =	vor.u32 v26, v1;
	v2 =	vadd.f32 v55, v2  }
0x659: {  	v51 =	vld.idx.msk [tilespmem:v46+s12+$0x0], $0xffff  }
0x65a: {  	v26 =	vor.u32 v33, v1;
	v62 =	vld.idx.msk [tilespmem:v11+s12+$0x0], $0xffff;
	v2 =	vadd.f32 v57, v2  }
0x65b: {  	v61 =	vmul.f32 v6, v56;
	v6 =	vld.idx.msk [tilespmem:v11+s13+$0x0], $0xffff;
	v11 =	vor.u32 v30, v1  }
0x65c: {  	v63 =	vmul.f32 v8, v58;
	v8 =	vld.idx.msk [tilespmem:v59+s13+$0x0], $0xffff;
	v2 =	vadd.f32 v60, v2  }
0x65d: {  	v30 =	vmul.f32 v9, v7;
	v7 =	vld.idx.msk [tilespmem:v10+s12+$0x0], $0xffff  }
0x65e: {  	v9 =	vld.idx.msk [tilespmem:v10+s13+$0x0], $0xffff;
	v10 =	vor.u32 v34, v1;
	v2 =	vadd.f32 v61, v2  }
0x65f: {  	v45 =	vld.idx.msk [tilespmem:v26+s12+$0x0], $0xffff  }
0x660: {  	v53 =	vor.u32 v39, v1;
	v34 =	vld.idx.msk [tilespmem:v11+s12+$0x0], $0xffff;
	v2 =	vadd.f32 v63, v2  }
0x661: {  	v33 =	vmul.f32 v6, v62;
	v6 =	vld.idx.msk [tilespmem:v11+s13+$0x0], $0xffff;
	v11 =	vor.u32 v35, v1  }
0x662: {  	v44 =	vmul.f32 v8, v24;
	v8 =	vld.idx.msk [tilespmem:v26+s13+$0x0], $0xffff;
	v2 =	vadd.f32 v30, v2  }
0x663: {  	v47 =	vmul.f32 v9, v7;
	v7 =	vld.idx.msk [tilespmem:v10+s12+$0x0], $0xffff  }
0x664: {  	v9 =	vld.idx.msk [tilespmem:v10+s13+$0x0], $0xffff;
	v10 =	vor.u32 v37, v1;
	v2 =	vadd.f32 v33, v2  }
0x665: {  	v58 =	vld.idx.msk [tilespmem:v53+s12+$0x0], $0xffff  }
0x666: {  	v24 =	vor.u32 v15, v1;
	v49 =	vld.idx.msk [tilespmem:v11+s12+$0x0], $0xffff;
	v2 =	vadd.f32 v44, v2  }
0x667: {  	v48 =	vmul.f32 v6, v34;
	v6 =	vld.idx.msk [tilespmem:v11+s13+$0x0], $0xffff;
	v11 =	vor.u32 v38, v1  }
0x668: {  	v50 =	vmul.f32 v8, v45;
	v8 =	vld.idx.msk [tilespmem:v46+s13+$0x0], $0xffff;
	v2 =	vadd.f32 v47, v2  }
0x669: {  	v59 =	vor.u32 v28, v1;
	v54 =	vmul.f32 v9, v7;
	v7 =	vld.idx.msk [tilespmem:v10+s12+$0x0], $0xffff  }
0x66a: {  	v9 =	vld.idx.msk [tilespmem:v10+s13+$0x0], $0xffff;
	v2 =	vadd.f32 v48, v2  }
0x66b: {  	v30 =	vld.idx.msk [tilespmem:v24+s12+$0x0], $0xffff  }
0x66c: {  	v10 =	vor.u32 v13, v1;
	v56 =	vld.idx.msk [tilespmem:v11+s12+$0x0], $0xffff;
	v2 =	vadd.f32 v50, v2  }
0x66d: {  	v55 =	vmul.f32 v6, v49;
	v6 =	vld.idx.msk [tilespmem:v11+s13+$0x0], $0xffff  }
0x66e: {  	v11 =	vor.u32 v22, v1;
	v22 =	vld.idx.msk [tilespmem:v59+s12+$0x0], $0xffff;
	v2 =	vadd.f32 v54, v2  }
0x66f: {  	v33 =	vld [tilespmem:$0x1FFF0]  }
0x670: {  	v38 =	vor.u32 v31, v1;
	v57 =	vmul.f32 v8, v51;
	v8 =	vld.idx.msk [tilespmem:v53+s13+$0x0], $0xffff;
	v2 =	vadd.f32 v55, v2  }
0x671: {  	v60 =	vmul.f32 v9, v7;
	v7 =	vld.idx.msk [tilespmem:v10+s12+$0x0], $0xffff  }
0x672: {  	v9 =	vld.idx.msk [tilespmem:v10+s13+$0x0], $0xffff;
	v2 =	vadd.f32 v57, v2  }
0x673: {  	v10 =	vor.u32 v29, v1;
	v62 =	vld.idx.msk [tilespmem:v11+s12+$0x0], $0xffff  }
0x674: {  	v61 =	vmul.f32 v6, v56;
	v6 =	vld.idx.msk [tilespmem:v11+s13+$0x0], $0xffff;
	v2 =	vadd.f32 v60, v2  }
0x675: {  	v11 =	vor.u32 v14, v1;
	v47 =	vld.idx.msk [tilespmem:v38+s12+$0x0], $0xffff  }
0x676: {  	v56 =	vld [tilespmem:$0x1FFD0];
	v63 =	vmul.f32 v8, v58;
	v2 =	vadd.f32 v61, v2  }
0x677: {  	v34 =	vor.u32 v33, v1;
	v8 =	vld.idx.msk [tilespmem:v59+s13+$0x0], $0xffff  }
0x678: {  	v26 =	vmul.f32 v9, v7;
	v7 =	vld.idx.msk [tilespmem:v10+s12+$0x0], $0xffff;
	v2 =	vadd.f32 v63, v2  }
0x679: {  	v9 =	vld.idx.msk [tilespmem:v10+s13+$0x0], $0xffff;
	v10 =	vor.u32 v16, v1  }
0x67a: {  	v28 =	vmul.f32 v6, v62;
	v29 =	vld.idx.msk [tilespmem:v11+s12+$0x0], $0xffff;
	v2 =	vadd.f32 v26, v2  }
0x67b: {  	v6 =	vld.idx.msk [tilespmem:v11+s13+$0x0], $0xffff;
	v11 =	vor.u32 v17, v1  }
0x67c: {  	v37 =	vld.idx.msk [tilespmem:v34+s12+$0x0], $0xffff;
	v5 =	vmul.f32 v8, v22;
	v2 =	vadd.f32 v28, v2  }
0x67d: {  	v8 =	vld.idx.msk [tilespmem:v24+s13+$0x0], $0xffff  }
0x67e: {  	v35 =	vmul.f32 v9, v7;
	v7 =	vld.idx.msk [tilespmem:v10+s12+$0x0], $0xffff;
	v2 =	vadd.f32 v5, v2  }
0x67f: {  	v9 =	vld.idx.msk [tilespmem:v10+s13+$0x0], $0xffff;
	v10 =	vor.u32 v25, v1  }
0x680: {  	v4 =	vmul.f32 v6, v29;
	v36 =	vld.idx.msk [tilespmem:v11+s12+$0x0], $0xffff;
	v2 =	vadd.f32 v35, v2  }
0x681: {  	v6 =	vld.idx.msk [tilespmem:v11+s13+$0x0], $0xffff;
	v11 =	vor.u32 v27, v1  }
0x682: {  	v54 =	vld [tilespmem:$0x1FDC0];
	v3 =	vmul.f32 v8, v30;
	v2 =	vadd.f32 v4, v2  }
0x683: {  	v8 =	vld.idx.msk [tilespmem:v34+s13+$0x0], $0xffff  }
0x684: {  	v39 =	vmul.f32 v9, v7;
	v7 =	vld.idx.msk [tilespmem:v10+s12+$0x0], $0xffff;
	v2 =	vadd.f32 v3, v2  }
0x685: {  	v9 =	vld.idx.msk [tilespmem:v10+s13+$0x0], $0xffff;
	v10 =	vor.u32 v40, v1  }
0x686: {  	v44 =	vmul.f32 v6, v36;
	v45 =	vld.idx.msk [tilespmem:v11+s12+$0x0], $0xffff;
	v2 =	vadd.f32 v39, v2  }
0x687: {  	v6 =	vld.idx.msk [tilespmem:v11+s13+$0x0], $0xffff;
	v11 =	vor.u32 v52, v1  }
0x688: {  	v52 =	vld [tilespmem:$0x1FDB0];
	v46 =	vmul.f32 v8, v37;
	v2 =	vadd.f32 v44, v2  }
0x689: {  	v48 =	vor.u32 v21, v1;
	v8 =	vld.idx.msk [tilespmem:v38+s13+$0x0], $0xffff  }
0x68a: {  	v49 =	vmul.f32 v9, v7;
	v7 =	vld.idx.msk [tilespmem:v10+s12+$0x0], $0xffff;
	v2 =	vadd.f32 v46, v2  }
0x68b: {  	v50 =	vor.u32 v23, v1;
	v9 =	vld.idx.msk [tilespmem:v10+s13+$0x0], $0xffff  }
0x68c: {  	v51 =	vld.idx.msk [tilespmem:v11+s12+$0x0], $0xffff;
	v5 =	vmul.f32 v6, v45;
	v2 =	vadd.f32 v49, v2  }
0x68d: {  	v10 =	vor.u32 v52, v1;
	v6 =	vld.idx.msk [tilespmem:v11+s13+$0x0], $0xffff  }
0x68e: {  	v53 =	vld.idx.msk [tilespmem:v48+s12+$0x0], $0xffff;
	v4 =	vmul.f32 v8, v47;
	v2 =	vadd.f32 v5, v2  }
0x68f: {  	v11 =	vor.u32 v54, v1;
	v8 =	vld.idx.msk [tilespmem:v48+s13+$0x0], $0xffff  }
0x690: {  	v55 =	vld.idx.msk [tilespmem:v50+s12+$0x0], $0xffff;
	v7 =	vmul.f32 v9, v7;
	v2 =	vadd.f32 v4, v2  }
0x691: {  	v0 =	vld.idx.msk [tilespmem:v50+s13+$0x0], $0xffff;
	v9 =	vor.u32 v56, v1  }
0x692: {  	v3 =	vmul.f32 v6, v51;
	v6 =	vld.idx.msk [tilespmem:v10+s12+$0x0], $0xffff;
	v2 =	vadd.f32 v7, v2  }
0x693: {  	v1 =	vor.u32 v18, v1;
	v7 =	vld.idx.msk [tilespmem:v10+s13+$0x0], $0xffff  }
0x694: {  	v58 =	vld.idx.msk [tilespmem:v11+s12+$0x0], $0xffff;
	v57 =	vmul.f32 v8, v53;
	v2 =	vadd.f32 v3, v2  }
0x695: {  	v8 =	vld.idx.msk [tilespmem:v11+s13+$0x0], $0xffff  }
0x696: {  	v0 =	vmul.f32 v0, v55;
	v59 =	vld.idx.msk [tilespmem:v9+s12+$0x0], $0xffff;
	v2 =	vadd.f32 v57, v2  }
0x697: {  	v60 =	vld.idx.msk [tilespmem:v9+s13+$0x0], $0xffff  }
0x698: {  	v61 =	vmul.f32 v7, v6;
	v6 =	vld.idx.msk [tilespmem:v1+s12+$0x0], $0xffff;
	v0 =	vadd.f32 v0, v2  }
0x699: {  	v1 =	vld.idx.msk [tilespmem:v1+s13+$0x0], $0xffff  }
0x69a: {  	v62 =	vmul.f32 v8, v58;
	v0 =	vadd.f32 v61, v0;
	_ =	sdelay $0x1  }
0x69b: {  	v63 =	vmul.f32 v60, v59;
	v0 =	vadd.f32 v62, v0;
	_ =	sdelay $0x1  }
0x69c: {  	v1 =	vmul.f32 v1, v6;
	v0 =	vadd.f32 v63, v0;
	_ =	sdelay $0x1  }
0x69d: {  	s29 =	sld [smem:$0x7FC];
	v0 =	vadd.f32 v1, v0  }
0x69e: {  	s28 =	sand.u32 $0xF0, s16  }
0x69f: {  	s1 =	simm.s32 $0x10400;
	[tilespmem:s28+$0x10500] =	vst v0  }
0x6a0: {  	[hbm4b:s29+s24] =	stream.linear.scatter [tilespmem:s1], [sflag:$0x3], $0x200, $0x38;
	[tilespmem:$0x10600] =	vst v63  }
0x6a1: {  	_ =	swait.ge [sflag:s2], $0x200  }
0x6a2: {  	s30 =	sld [smem:$0x7F9]  }
0x6a3: {  	s31 =	sld [smem:$0x7FD];
	_ =	sdelay $0x1  }
0x6a4: {  	s1 =	sadd.s32 $0x1, s30  }
0x6a5: {  	v10 =	vld [tilespmem:$0x1FF30];
	p0 =	sne.s32 s1, s31  }
.Ltmp6:
0x6a6: {  	v40 =	vld [tilespmem:$0x1FF40];
	(pc) =	sbr.rel @p0 .LBB2_1-.Ltmp6, $4  }
0x6a7: {  	v33 =	vld [tilespmem:$0x1FF50]  }
0x6a8: {  	v51 =	vld [tilespmem:$0x1FF60]  }
0x6a9: {  	[sflag:s2] =	ssyncset.done $0x0;
	v47 =	vld [tilespmem:$0x1FF70]  }
0x6aa: {  	v19 =	vmovc v20;
	v11 =	vmov v32;
	v32 =	vlaneseq.u32;
	v8 =	vmov v42;
	v34 =	vld [tilespmem:$0x1FF80];
	[sflag:s2] =	ssyncadd.s32 $0xFFFFFE00  }
0x6ab: {  	_ =	sfence.sel $0x180000  }
0x6ac: {  	[bflag:$0x0] =	sbarrier.arrive $0xFFFF  }
0x6ad: {  	_ =	strace $0x90000047  }
0x6ae: {  	s0 =	stileid.u32;
	[bflag:$0x2] =	sbarrier.arrive $0xFFFF  }
0x6af: {  	p0 =	sne.s32 s0, $0x0;
	s0 =	rddreg [dreg:$0x2]  }
0x6b0: {  	s0 =	sadd.s32 @!p0 $0x100000, s0  }
0x6b1: {  	[sflag:s0] =	ssyncadd.tile.s32 @!p0 $0x1;
	_ =	shalt  }
.Lfunc_end2:
_tile_overlayer_lowered:
.L_overlay_start_2:
0x6b2: {  	(tag) =	ssettag $0x2  }
0x6b3: {  	s0 =	rddreg [dreg:$0x0];
	s2 =	stileid.u32  }
0x6b4: {  	s1 =	rddreg [dreg:$0x1];
	p0 =	sne.s32 s2, $0x0  }
0x6b5: {  	s3 =	rddreg [dreg:$0x2];
	[bflag:$0x3] =	sbarrier.arrive $0xFFFF;
	s2 =	simm.s32 @!p0 $0x1C03  }
0x6b6: {  	[timem:s3], [sflag:s2] =	dma.local @!p0 [hbm:s0], s1  }
0x6b7: {  	s0 =	simm.s32 @!p0 $0x3  }
0x6b8: {  	_ =	swait.ge @!p0 [sflag:s0], s1  }
0x6b9: {  	s1 =	ssub.s32 @!p0 $0x0, s1;
	[sflag:s0] =	ssyncset.done @!p0 $0x0  }
0x6ba: {  	[sflag:s0] =	ssyncadd.s32 @!p0 s1  }
0x6bb: {  	[bflag:$0x3] =	sbarrier.arrive $0xFFFF  }
0x6bc: {  	_ =	shalt  }

</sc_bundles>
